<compile_context>
chip_gen: v7x
topology: tpu7x:2x2x1
jax: 0.10.2.dev20260603
libtpu: 0.0.44.dev20260713+nightly
codegen_flags: <defaults>
</compile_context>

<pallas_src>
import functools

import jax
import jax.numpy as jnp
from jax import lax
from jax.experimental import pallas as pl
from jax.experimental.pallas import tpu as pltpu
from jax.experimental.pallas import tpu_sc as plsc

N_NODES = 10000
N_HEDGES = 10000
N_INC = 320000
NC, NS = 2, 16
CH = 128
NI_PAD = 327680
NCH = NI_PAD // NS // CH
NB = 5
NB2 = 5
R_ACC = 10240
RPT = R_ACC // NS
ZR = 128

_f32 = jnp.float32
_i32 = jnp.int32


def _sc_pass_body(split, D, *refs):
    (tab, gi, si, out,
     gidx_v, sidx_v, rows_v, zrow_v, acc_sh,
     sems) = refs
    gsem, ssem = sems
    nch = NCHW if split else NCH
    nb = NB2 if split else NB

    c = lax.axis_index("c")
    s = lax.axis_index("s")
    row0 = s * RPT

    z16 = jnp.zeros((16,), _f32)

    def zb(r, _):
        for cc in range(D // 16):
            zrow_v[r, pl.ds(cc * 16, 16)] = z16
        return 0

    lax.fori_loop(0, ZR, zb, 0)
    for t in range(RPT // ZR):
        pltpu.sync_copy(zrow_v, acc_sh.at[pl.ds(row0 + t * ZR, ZR)])

    if split:
        wid = s * NC + c
        pltpu.sync_copy(gi.at[wid], gidx_v)
        pltpu.sync_copy(si.at[wid], sidx_v)
    else:
        pltpu.sync_copy(gi.at[c, s], gidx_v)
        pltpu.sync_copy(si.at[s], sidx_v)

    plsc.subcore_barrier()

    for b in range(nb):
        pltpu.async_copy(tab.at[gidx_v.at[b]], rows_v.at[b], gsem)

    def super_step(it, _):
        j0 = it * nb
        for b in range(nb):
            j = j0 + b
            pltpu.make_async_copy(tab.at[gidx_v.at[j]], rows_v.at[b],
                                  gsem).wait()
            pltpu.async_copy(rows_v.at[b], acc_sh.at[sidx_v.at[j]], ssem,
                             add=True)
        for b in range(nb):
            j = j0 + b
            pltpu.make_async_copy(rows_v.at[b], acc_sh.at[sidx_v.at[j]],
                                  ssem).wait()
        for b in range(nb):
            jn = j0 + nb + b

            @pl.when(jn < nch)
            def _():
                pltpu.async_copy(tab.at[gidx_v.at[jn]], rows_v.at[b], gsem)
        return 0

    lax.fori_loop(0, nch // nb, super_step, 0)

    plsc.subcore_barrier()

    pltpu.sync_copy(acc_sh.at[pl.ds(row0, RPT)],
                    out.at[c, pl.ds(row0, RPT)])


@functools.lru_cache(maxsize=None)
def _sc_pass_fn(split, D):
    mesh = plsc.VectorSubcoreMesh(core_axis_name="c", subcore_axis_name="s",
                                  num_cores=NC, num_subcores=NS)
    nch = NCHW if split else NCH
    nb = NB2 if split else NB
    out_type = jax.ShapeDtypeStruct((NC, R_ACC, D), _f32)
    scratch = [
        pltpu.VMEM((nch, CH), _i32),
        pltpu.VMEM((nch, CH), _i32),
        pltpu.VMEM((nb, CH, D), _f32),
        pltpu.VMEM((ZR, D), _f32),
        pltpu.VMEM_SHARED((R_ACC, D), _f32),
        (pltpu.SemaphoreType.DMA, pltpu.SemaphoreType.DMA),
    ]
    return pl.kernel(functools.partial(_sc_pass_body, split, D),
                     out_type=out_type, mesh=mesh,
                     compiler_params=pltpu.CompilerParams(
                         use_tc_tiling_on_sc=False),
                     scratch_types=tuple(scratch))


def _sc_pass(table, gidx, sidx, split=False):
    return _sc_pass_fn(split, table.shape[1])(table, gidx, sidx)


NCHW = NI_PAD // (NC * NS) // CH


def _counts_body(*refs):
    si, cnt_out, sidx_v, zcnt_v, ones_v, cnt_sh, sems = refs
    gsem, ssem = sems
    c = lax.axis_index("c")
    s = lax.axis_index("s")
    wid = s * NC + c
    row0 = s * RPT

    z16 = jnp.zeros((16,), _f32)
    o16 = jnp.full((16,), 1.0, _f32)

    def zb(r, _):
        zcnt_v[r, pl.ds(0, 16)] = z16
        ones_v[r, pl.ds(0, 16)] = o16
        return 0

    lax.fori_loop(0, ZR, zb, 0)
    for t in range(RPT // ZR):
        pltpu.sync_copy(zcnt_v, cnt_sh.at[pl.ds(row0 + t * ZR, ZR)])
    pltpu.sync_copy(si.at[wid], sidx_v)
    plsc.subcore_barrier()

    def step(j, _):
        pltpu.sync_copy(ones_v, cnt_sh.at[sidx_v.at[j]], add=True)
        return 0

    lax.fori_loop(0, NCHW, step, 0)
    plsc.subcore_barrier()
    pltpu.sync_copy(cnt_sh.at[pl.ds(row0, RPT)],
                    cnt_out.at[c, pl.ds(row0, RPT)])


@functools.lru_cache(maxsize=None)
def _counts_fn():
    mesh = plsc.VectorSubcoreMesh(core_axis_name="c", subcore_axis_name="s",
                                  num_cores=NC, num_subcores=NS)
    scratch = [
        pltpu.VMEM((NCHW, CH), _i32),
        pltpu.VMEM((ZR, 16), _f32),
        pltpu.VMEM((CH, 16), _f32),
        pltpu.VMEM_SHARED((R_ACC, 16), _f32),
        (pltpu.SemaphoreType.DMA, pltpu.SemaphoreType.DMA),
    ]
    return pl.kernel(_counts_body,
                     out_type=jax.ShapeDtypeStruct((NC, R_ACC, 16), _f32),
                     mesh=mesh,
                     compiler_params=pltpu.CompilerParams(
                         use_tc_tiling_on_sc=False),
                     scratch_types=tuple(scratch))


def _mm_body(x_ref, w_ref, b_ref, o_ref):
    o_ref[...] = (jnp.dot(x_ref[...], w_ref[...],
                          preferred_element_type=_f32) + b_ref[...])


def _matmul(x, w, b, bm):
    M, K = x.shape
    N = w.shape[1]
    return pl.pallas_call(
        _mm_body,
        grid=(M // bm,),
        in_specs=[pl.BlockSpec((bm, K), lambda i: (i, 0)),
                  pl.BlockSpec((K, N), lambda i: (0, 0)),
                  pl.BlockSpec((1, N), lambda i: (0, 0))],
        out_specs=pl.BlockSpec((bm, N), lambda i: (i, 0)),
        out_shape=jax.ShapeDtypeStruct((M, N), _f32),
    )(x, w, b.reshape(1, -1))


def _merge_body(p_ref, c_ref, y_ref):
    cnt = (c_ref[0] + c_ref[1])[:, 0:1]
    y_ref[...] = p_ref[...] / jnp.maximum(cnt, 1.0)


def _merge_add_body(p_ref, q_ref, c_ref, y_ref):
    cnt = (c_ref[0] + c_ref[1])[:, 0:1]
    y_ref[...] = (p_ref[...] + q_ref[...]) / jnp.maximum(cnt, 1.0)


def _merge(p, cnt, krep, padd=None, bm=2048):
    M, D = p.shape
    nblk = R_ACC // bm
    mblk = M // bm
    body = _merge_body if padd is None else _merge_add_body
    ins = [p] if padd is None else [p, padd]
    return pl.pallas_call(
        body,
        grid=(krep * mblk,),
        in_specs=[pl.BlockSpec((bm, D), lambda i: (i % mblk, 0))] * len(ins)
                 + [pl.BlockSpec((2, bm, 16), lambda i: (0, i % nblk, 0))],
        out_specs=pl.BlockSpec((bm, D), lambda i: (i, 0)),
        out_shape=jax.ShapeDtypeStruct((krep * M, D), _f32),
    )(*ins, cnt)


def _hz_body(xa_ref, xb_ref, pa_ref, pb_ref, w2_ref, b2_ref, z_ref):
    ha = jnp.maximum(xa_ref[...] + pa_ref[...], 0.0)
    hb = jnp.maximum(xb_ref[...] + pb_ref[...], 0.0)
    w2 = w2_ref[...]
    z_ref[...] = (jnp.dot(ha, w2[:64], preferred_element_type=_f32)
                  + jnp.dot(hb, w2[64:], preferred_element_type=_f32)
                  + b2_ref[...])


def _hz(xa, xb, pa, pb, w2, b2, bm=2000):
    M, K = xa.shape
    N = w2.shape[1]
    return pl.pallas_call(
        _hz_body,
        grid=(M // bm,),
        in_specs=[pl.BlockSpec((bm, K), lambda i: (i, 0))] * 4
                 + [pl.BlockSpec((2 * K, N), lambda i: (0, 0)),
                    pl.BlockSpec((1, N), lambda i: (0, 0))],
        out_specs=pl.BlockSpec((bm, N), lambda i: (i, 0)),
        out_shape=jax.ShapeDtypeStruct((M, N), _f32),
    )(xa, xb, pa, pb, w2, b2.reshape(1, -1))


def _fin_body(z_ref, u0_ref, u1_ref, o_ref):
    o_ref[...] = z_ref[...] + u0_ref[...] + u1_ref[...]


def _fin(z, u0, u1, bm=2000):
    M, D = z.shape
    return pl.pallas_call(
        _fin_body,
        grid=(M // bm,),
        in_specs=[pl.BlockSpec((bm, D), lambda i: (i, 0))] * 3,
        out_specs=pl.BlockSpec((bm, D), lambda i: (i, 0)),
        out_shape=jax.ShapeDtypeStruct((M, D), _f32),
    )(z, u0, u1)


KREP = 4


def kernel(x0, x1, v_idx, e_idx, W1, b1, W2, b2):
    N, E = N_NODES, N_HEDGES
    ar = jnp.arange(NI_PAD - N_INC, dtype=jnp.int32)
    arf = jnp.arange(NI_PAD, dtype=jnp.int32)
    vfull = jnp.concatenate([v_idx, ar % N])
    efull = jnp.concatenate([e_idx, ar % E])
    spad = E + ar % (R_ACC - E)
    rep = arf % KREP
    gshp = (NC, NS, NCH, CH)
    sshp = (NS, NCH, CH)
    wshp = (NC * NS, NCHW, CH)
    vg = jnp.stack([vfull, vfull + N]).reshape(gshp)
    egr = efull + rep * (2 * R_ACC)
    eg = jnp.stack([egr, egr + R_ACC]).reshape(gshp)
    es_ = jnp.concatenate([e_idx, spad]).reshape(sshp)
    vs_ = jnp.concatenate([v_idx, spad]).reshape(sshp)
    vg_w = vfull.reshape(wshp)
    eg_w = (efull + rep * R_ACC).reshape(wshp)
    es_w = jnp.concatenate([e_idx, spad]).reshape(wshp)
    vs_w = jnp.concatenate([v_idx, spad]).reshape(wshp)

    s = _matmul(jnp.concatenate([x0, x1], 0), W1, b1, bm=2000)

    cnt = _counts_fn()(es_w)
    es1 = _sc_pass(s, vg, es_)
    y1 = _merge(es1.reshape(2 * R_ACC, 64), cnt, KREP)

    va1 = _sc_pass(y1, eg, vs_)
    w2p = jnp.pad(W2, ((0, 0), (0, 8)))
    b2p = jnp.pad(b2, (0, 8))
    z = _hz(s[:N], s[N:], va1[0, :N], va1[1, :N], w2p, b2p)

    es2 = _sc_pass(z, vg_w, es_w, split=True)
    y2 = _merge(es2[0], cnt, KREP, padd=es2[1])
    va2 = _sc_pass(y2, eg_w, vs_w, split=True)
    out = _fin(z, va2[0, :N], va2[1, :N])
    return out[:, :40]

# --- scband reference (transcript-rebuilt; emitter-appended) ---
"""Pipeline reference for scband-launi-sage-21131239096593 (READ-ONLY COPY).

The authoritative reference and input builder live on the scoring server;
editing this copy changes nothing except your own understanding.
"""

import jax, jax.numpy as jnp
import numpy as np

N_NODES = 10000
N_HEDGES = 10000
N_INC = 320000
IN_CH = 128
HID = 64
N_CLS = 40


def setup_inputs(seed: int = 0) -> dict:
    key = jax.random.key(seed)
    ks = jax.random.split(key, 8)
    x0 = jax.random.normal(ks[0], (N_NODES, IN_CH), dtype=jnp.float32)
    x1 = jax.random.normal(ks[1], (N_NODES, IN_CH), dtype=jnp.float32)
    v_idx = jax.random.randint(ks[2], (N_INC,), 0, N_NODES, dtype=jnp.int32)
    e_idx = jnp.sort(jax.random.randint(ks[3], (N_INC,), 0, N_HEDGES, dtype=jnp.int32))
    # UniSAGEConv theta weights (layer1 shared across x_list entries, layer2 after concat)
    W1 = jax.random.normal(ks[4], (IN_CH, HID), dtype=jnp.float32) / np.sqrt(IN_CH)
    b1 = jnp.zeros((HID,), dtype=jnp.float32)
    W2 = jax.random.normal(ks[5], (2 * HID, N_CLS), dtype=jnp.float32) / np.sqrt(2 * HID)
    b2 = jnp.zeros((N_CLS,), dtype=jnp.float32)
    return {"x0": x0, "x1": x1, "v_idx": v_idx, "e_idx": e_idx,
            "W1": W1, "b1": b1, "W2": W2, "b2": b2}


def _unisage_conv(X, W, b, v_idx, e_idx, is_last):
    # theta
    X = X @ W + b
    # v2e aggregation (mean): gather vertex feats per incidence, segment-mean by hyperedge
    msgs = jnp.take(X, v_idx, axis=0)
    sums = jax.ops.segment_sum(msgs, e_idx, num_segments=N_HEDGES)
    cnt = jax.ops.segment_sum(jnp.ones((v_idx.shape[0],), X.dtype), e_idx, num_segments=N_HEDGES)
    Y = sums / jnp.clip(cnt, 1.0)[:, None]
    # e2v aggregation (sum) + residual (UniSAGE: X = X + sum_{e ni v} h_e)
    agg = jnp.zeros_like(X).at[v_idx].add(jnp.take(Y, e_idx, axis=0))
    X = X + agg
    if not is_last:
        X = jax.nn.relu(X)
        # dropout is identity in eval mode
    return X


def reference(x0, x1, v_idx, e_idx, W1, b1, W2, b2):
    hidden_list = []
    for x in (x0, x1):
        hidden_list.append(_unisage_conv(x, W1, b1, v_idx, e_idx, is_last=False))
    xc = jnp.concatenate(hidden_list, axis=-1)
    out = _unisage_conv(xc, W2, b2, v_idx, e_idx, is_last=True)
    return out

if __name__ == "__main__":
    import jax
    _d = setup_inputs()
    print(jax.jit(kernel)(*tuple(_d.values())))

</pallas_src>

<mosaic_0001>
#map = affine_map<(d0, d1) -> (0, 0)>
#map1 = affine_map<(d0, d1) -> (0, 0, 0)>
module attributes {stable_mosaic.version = 14 : i64} {
  func.func @_sc_pass_body(%arg0: i32, %arg1: i32, %arg2: memref<10000x48xf32, #tpu.memory_space<hbm>>, %arg3: memref<32x80x128xi32, #tpu.memory_space<hbm>>, %arg4: memref<32x80x128xi32, #tpu.memory_space<hbm>>, %arg5: memref<2x10240x48xf32, #tpu.memory_space<hbm>>, %arg6: memref<80x128xi32, #tpu.memory_space<vmem>>, %arg7: memref<80x128xi32, #tpu.memory_space<vmem>>, %arg8: memref<5x128x48xf32, #tpu.memory_space<vmem>>, %arg9: memref<128x48xf32, #tpu.memory_space<vmem>>, %arg10: memref<10240x48xf32, #tpu.memory_space<vmem_shared>>, %arg11: memref<!tpu.dma_semaphore, #tpu.memory_space<semaphore_mem>>, %arg12: memref<!tpu.dma_semaphore, #tpu.memory_space<semaphore_mem>>) attributes {dimension_semantics = [#tpu.dimension_semantics<core_parallel>, #tpu.dimension_semantics<subcore_parallel>], iteration_bounds = array<i64: 2, 16>, scalar_prefetch = 0 : i64, scratch_operands = 7 : i64, tpu.core_type = #tpu.core_type<sc_vector_subcore>, window_params = [{transform_indices = #map}, {transform_indices = #map1}, {transform_indices = #map1}, {transform_indices = #map1}]} {
    %mul3A = arith.constant 640 : i32
    %mul3A_0 = arith.muli %arg1, %mul3A : i32
    %broadcast_in_dim3A = arith.constant 0.000000e+00 : f32
    %broadcast_in_dim3A_1 = vector.broadcast %broadcast_in_dim3A : f32 to vector<16xf32>
    %scan3A = arith.constant 0 : i32
    %scan3A_2 = arith.constant 0 : i32
    %scan3A_3 = arith.constant 128 : i32
    %scan3A_4 = arith.addi %scan3A_2, %scan3A_3 : i32
    %scan3A_5 = arith.constant 1 : i32
    %scan3A_6 = scf.for %scan3A_87 = %scan3A_2 to %scan3A_4 step %scan3A_5 iter_args(%scan3A_88 = %scan3A) -> (i32)  : i32 {
      %swap3A = arith.index_cast %scan3A_87 : i32 to index
      %swap3A_89 = arith.constant 0 : index
      %swap3A_90 = tpu.vector_load %arg9[%swap3A, %swap3A_89] {strides = array<i32>} : memref<128x48xf32, #tpu.memory_space<vmem>>, vector<1x16xf32>,
      %swap3A_91 = vector.shape_cast %swap3A_90 : vector<1x16xf32> to vector<16xf32>
      %swap3A_92 = vector.shape_cast %broadcast_in_dim3A_1 : vector<16xf32> to vector<1x16xf32>
      tpu.vector_store %arg9[%swap3A, %swap3A_89], %swap3A_92 {strides = array<i32>} : memref<128x48xf32, #tpu.memory_space<vmem>>, vector<1x16xf32>,
      %swap3A_93 = arith.index_cast %scan3A_87 : i32 to index
      %swap3A_94 = arith.constant 16 : index
      %swap3A_95 = tpu.vector_load %arg9[%swap3A_93, %swap3A_94] {strides = array<i32>} : memref<128x48xf32, #tpu.memory_space<vmem>>, vector<1x16xf32>,
      %swap3A_96 = vector.shape_cast %swap3A_95 : vector<1x16xf32> to vector<16xf32>
      %swap3A_97 = vector.shape_cast %broadcast_in_dim3A_1 : vector<16xf32> to vector<1x16xf32>
      tpu.vector_store %arg9[%swap3A_93, %swap3A_94], %swap3A_97 {strides = array<i32>} : memref<128x48xf32, #tpu.memory_space<vmem>>, vector<1x16xf32>,
      %swap3A_98 = arith.index_cast %scan3A_87 : i32 to index
      %swap3A_99 = arith.constant 32 : index
      %swap3A_100 = tpu.vector_load %arg9[%swap3A_98, %swap3A_99] {strides = array<i32>} : memref<128x48xf32, #tpu.memory_space<vmem>>, vector<1x16xf32>,
      %swap3A_101 = vector.shape_cast %swap3A_100 : vector<1x16xf32> to vector<16xf32>
      %swap3A_102 = vector.shape_cast %broadcast_in_dim3A_1 : vector<16xf32> to vector<1x16xf32>
      tpu.vector_store %arg9[%swap3A_98, %swap3A_99], %swap3A_102 {strides = array<i32>} : memref<128x48xf32, #tpu.memory_space<vmem>>, vector<1x16xf32>,
      %scan3A_103 = arith.constant 0 : i32
      scf.yield %scan3A_103 : i32
    }
    %scan3A_7 = arith.constant 128 : i32
    %add3A = arith.constant 0 : i32
    %add3A_8 = arith.addi %mul3A_0, %add3A : i32
    "tpu.region"() ({
      %run_scoped3A = tpu.sem_alloc : memref<!tpu.dma_semaphore, #tpu.memory_space<semaphore_mem>>
      %dma_start3A_87 = arith.constant 0 : i32
      %dma_start3A_88 = tpu.memref_slice %arg10[%add3A_8, %dma_start3A_87] : memref<10240x48xf32, #tpu.memory_space<vmem_shared>> -> memref<128x48xf32, #tpu.memory_space<vmem_shared>>
      %dma_start3A_89 = arith.constant 0 : i32
      %dma_start3A_90 = tpu.memref_slice %arg10[%add3A_8, %dma_start3A_89] : memref<10240x48xf32, #tpu.memory_space<vmem_shared>> -> memref<128x48xf32, #tpu.memory_space<vmem_shared>>
      tpu.enqueue_dma source(%arg9 : memref<128x48xf32, #tpu.memory_space<vmem>>) target(%dma_start3A_90 : memref<128x48xf32, #tpu.memory_space<vmem_shared>>) target_semaphore(%run_scoped3A : memref<!tpu.dma_semaphore, #tpu.memory_space<semaphore_mem>>)
      %dma_wait3A = arith.constant 0 : i32
      %dma_wait3A_91 = tpu.memref_slice %arg10[%add3A_8, %dma_wait3A] : memref<10240x48xf32, #tpu.memory_space<vmem_shared>> -> memref<128x48xf32, #tpu.memory_space<vmem_shared>>
      %dma_wait3A_92 = arith.constant 0 : i32
      %dma_wait3A_93 = tpu.memref_slice %arg10[%add3A_8, %dma_wait3A_92] : memref<10240x48xf32, #tpu.memory_space<vmem_shared>> -> memref<128x48xf32, #tpu.memory_space<vmem_shared>>
      tpu.wait_dma2 semaphore(%run_scoped3A : memref<!tpu.dma_semaphore, #tpu.memory_space<semaphore_mem>>) src(%arg9 : memref<128x48xf32, #tpu.memory_space<vmem>>) dst(%dma_wait3A_93 : memref<128x48xf32, #tpu.memory_space<vmem_shared>>)
      tpu.yield
    }) : () -> ()
    %add3A_9 = arith.constant 128 : i32
    %add3A_10 = arith.addi %mul3A_0, %add3A_9 : i32
    "tpu.region"() ({
      %run_scoped3A = tpu.sem_alloc : memref<!tpu.dma_semaphore, #tpu.memory_space<semaphore_mem>>
      %dma_start3A_87 = arith.constant 0 : i32
      %dma_start3A_88 = tpu.memref_slice %arg10[%add3A_10, %dma_start3A_87] : memref<10240x48xf32, #tpu.memory_space<vmem_shared>> -> memref<128x48xf32, #tpu.memory_space<vmem_shared>>
      %dma_start3A_89 = arith.constant 0 : i32
      %dma_start3A_90 = tpu.memref_slice %arg10[%add3A_10, %dma_start3A_89] : memref<10240x48xf32, #tpu.memory_space<vmem_shared>> -> memref<128x48xf32, #tpu.memory_space<vmem_shared>>
      tpu.enqueue_dma source(%arg9 : memref<128x48xf32, #tpu.memory_space<vmem>>) target(%dma_start3A_90 : memref<128x48xf32, #tpu.memory_space<vmem_shared>>) target_semaphore(%run_scoped3A : memref<!tpu.dma_semaphore, #tpu.memory_space<semaphore_mem>>)
      %dma_wait3A = arith.constant 0 : i32
      %dma_wait3A_91 = tpu.memref_slice %arg10[%add3A_10, %dma_wait3A] : memref<10240x48xf32, #tpu.memory_space<vmem_shared>> -> memref<128x48xf32, #tpu.memory_space<vmem_shared>>
      %dma_wait3A_92 = arith.constant 0 : i32
      %dma_wait3A_93 = tpu.memref_slice %arg10[%add3A_10, %dma_wait3A_92] : memref<10240x48xf32, #tpu.memory_space<vmem_shared>> -> memref<128x48xf32, #tpu.memory_space<vmem_shared>>
      tpu.wait_dma2 semaphore(%run_scoped3A : memref<!tpu.dma_semaphore, #tpu.memory_space<semaphore_mem>>) src(%arg9 : memref<128x48xf32, #tpu.memory_space<vmem>>) dst(%dma_wait3A_93 : memref<128x48xf32, #tpu.memory_space<vmem_shared>>)
      tpu.yield
    }) : () -> ()
    %add3A_11 = arith.constant 256 : i32
    %add3A_12 = arith.addi %mul3A_0, %add3A_11 : i32
    "tpu.region"() ({
      %run_scoped3A = tpu.sem_alloc : memref<!tpu.dma_semaphore, #tpu.memory_space<semaphore_mem>>
      %dma_start3A_87 = arith.constant 0 : i32
      %dma_start3A_88 = tpu.memref_slice %arg10[%add3A_12, %dma_start3A_87] : memref<10240x48xf32, #tpu.memory_space<vmem_shared>> -> memref<128x48xf32, #tpu.memory_space<vmem_shared>>
      %dma_start3A_89 = arith.constant 0 : i32
      %dma_start3A_90 = tpu.memref_slice %arg10[%add3A_12, %dma_start3A_89] : memref<10240x48xf32, #tpu.memory_space<vmem_shared>> -> memref<128x48xf32, #tpu.memory_space<vmem_shared>>
      tpu.enqueue_dma source(%arg9 : memref<128x48xf32, #tpu.memory_space<vmem>>) target(%dma_start3A_90 : memref<128x48xf32, #tpu.memory_space<vmem_shared>>) target_semaphore(%run_scoped3A : memref<!tpu.dma_semaphore, #tpu.memory_space<semaphore_mem>>)
      %dma_wait3A = arith.constant 0 : i32
      %dma_wait3A_91 = tpu.memref_slice %arg10[%add3A_12, %dma_wait3A] : memref<10240x48xf32, #tpu.memory_space<vmem_shared>> -> memref<128x48xf32, #tpu.memory_space<vmem_shared>>
      %dma_wait3A_92 = arith.constant 0 : i32
      %dma_wait3A_93 = tpu.memref_slice %arg10[%add3A_12, %dma_wait3A_92] : memref<10240x48xf32, #tpu.memory_space<vmem_shared>> -> memref<128x48xf32, #tpu.memory_space<vmem_shared>>
      tpu.wait_dma2 semaphore(%run_scoped3A : memref<!tpu.dma_semaphore, #tpu.memory_space<semaphore_mem>>) src(%arg9 : memref<128x48xf32, #tpu.memory_space<vmem>>) dst(%dma_wait3A_93 : memref<128x48xf32, #tpu.memory_space<vmem_shared>>)
      tpu.yield
    }) : () -> ()
    %add3A_13 = arith.constant 384 : i32
    %add3A_14 = arith.addi %mul3A_0, %add3A_13 : i32
    "tpu.region"() ({
      %run_scoped3A = tpu.sem_alloc : memref<!tpu.dma_semaphore, #tpu.memory_space<semaphore_mem>>
      %dma_start3A_87 = arith.constant 0 : i32
      %dma_start3A_88 = tpu.memref_slice %arg10[%add3A_14, %dma_start3A_87] : memref<10240x48xf32, #tpu.memory_space<vmem_shared>> -> memref<128x48xf32, #tpu.memory_space<vmem_shared>>
      %dma_start3A_89 = arith.constant 0 : i32
      %dma_start3A_90 = tpu.memref_slice %arg10[%add3A_14, %dma_start3A_89] : memref<10240x48xf32, #tpu.memory_space<vmem_shared>> -> memref<128x48xf32, #tpu.memory_space<vmem_shared>>
      tpu.enqueue_dma source(%arg9 : memref<128x48xf32, #tpu.memory_space<vmem>>) target(%dma_start3A_90 : memref<128x48xf32, #tpu.memory_space<vmem_shared>>) target_semaphore(%run_scoped3A : memref<!tpu.dma_semaphore, #tpu.memory_space<semaphore_mem>>)
      %dma_wait3A = arith.constant 0 : i32
      %dma_wait3A_91 = tpu.memref_slice %arg10[%add3A_14, %dma_wait3A] : memref<10240x48xf32, #tpu.memory_space<vmem_shared>> -> memref<128x48xf32, #tpu.memory_space<vmem_shared>>
      %dma_wait3A_92 = arith.constant 0 : i32
      %dma_wait3A_93 = tpu.memref_slice %arg10[%add3A_14, %dma_wait3A_92] : memref<10240x48xf32, #tpu.memory_space<vmem_shared>> -> memref<128x48xf32, #tpu.memory_space<vmem_shared>>
      tpu.wait_dma2 semaphore(%run_scoped3A : memref<!tpu.dma_semaphore, #tpu.memory_space<semaphore_mem>>) src(%arg9 : memref<128x48xf32, #tpu.memory_space<vmem>>) dst(%dma_wait3A_93 : memref<128x48xf32, #tpu.memory_space<vmem_shared>>)
      tpu.yield
    }) : () -> ()
    %add3A_15 = arith.constant 512 : i32
    %add3A_16 = arith.addi %mul3A_0, %add3A_15 : i32
    "tpu.region"() ({
      %run_scoped3A = tpu.sem_alloc : memref<!tpu.dma_semaphore, #tpu.memory_space<semaphore_mem>>
      %dma_start3A_87 = arith.constant 0 : i32
      %dma_start3A_88 = tpu.memref_slice %arg10[%add3A_16, %dma_start3A_87] : memref<10240x48xf32, #tpu.memory_space<vmem_shared>> -> memref<128x48xf32, #tpu.memory_space<vmem_shared>>
      %dma_start3A_89 = arith.constant 0 : i32
      %dma_start3A_90 = tpu.memref_slice %arg10[%add3A_16, %dma_start3A_89] : memref<10240x48xf32, #tpu.memory_space<vmem_shared>> -> memref<128x48xf32, #tpu.memory_space<vmem_shared>>
      tpu.enqueue_dma source(%arg9 : memref<128x48xf32, #tpu.memory_space<vmem>>) target(%dma_start3A_90 : memref<128x48xf32, #tpu.memory_space<vmem_shared>>) target_semaphore(%run_scoped3A : memref<!tpu.dma_semaphore, #tpu.memory_space<semaphore_mem>>)
      %dma_wait3A = arith.constant 0 : i32
      %dma_wait3A_91 = tpu.memref_slice %arg10[%add3A_16, %dma_wait3A] : memref<10240x48xf32, #tpu.memory_space<vmem_shared>> -> memref<128x48xf32, #tpu.memory_space<vmem_shared>>
      %dma_wait3A_92 = arith.constant 0 : i32
      %dma_wait3A_93 = tpu.memref_slice %arg10[%add3A_16, %dma_wait3A_92] : memref<10240x48xf32, #tpu.memory_space<vmem_shared>> -> memref<128x48xf32, #tpu.memory_space<vmem_shared>>
      tpu.wait_dma2 semaphore(%run_scoped3A : memref<!tpu.dma_semaphore, #tpu.memory_space<semaphore_mem>>) src(%arg9 : memref<128x48xf32, #tpu.memory_space<vmem>>) dst(%dma_wait3A_93 : memref<128x48xf32, #tpu.memory_space<vmem_shared>>)
      tpu.yield
    }) : () -> ()
    %mul3A_17 = arith.constant 2 : i32
    %mul3A_18 = arith.muli %arg1, %mul3A_17 : i32
    %add3A_19 = arith.addi %mul3A_18, %arg0 : i32
    "tpu.region"() ({
      %run_scoped3A = tpu.sem_alloc : memref<!tpu.dma_semaphore, #tpu.memory_space<semaphore_mem>>
      %dma_start3A_87 = arith.constant 0 : i32
      %dma_start3A_88 = arith.constant 0 : i32
      %dma_start3A_89 = tpu.memref_slice %arg3[%add3A_19, %dma_start3A_87, %dma_start3A_88] : memref<32x80x128xi32, #tpu.memory_space<hbm>> -> memref<1x80x128xi32, #tpu.memory_space<hbm>>
      %dma_start3A_90 = tpu.memref_squeeze %dma_start3A_89 : memref<1x80x128xi32, #tpu.memory_space<hbm>> -> memref<80x128xi32, #tpu.memory_space<hbm>>
      %dma_start3A_91 = arith.constant 0 : i32
      %dma_start3A_92 = arith.constant 0 : i32
      %dma_start3A_93 = tpu.memref_slice %arg3[%add3A_19, %dma_start3A_91, %dma_start3A_92] : memref<32x80x128xi32, #tpu.memory_space<hbm>> -> memref<1x80x128xi32, #tpu.memory_space<hbm>>
      %dma_start3A_94 = tpu.memref_squeeze %dma_start3A_93 : memref<1x80x128xi32, #tpu.memory_space<hbm>> -> memref<80x128xi32, #tpu.memory_space<hbm>>
      tpu.enqueue_dma source(%dma_start3A_94 : memref<80x128xi32, #tpu.memory_space<hbm>>) target(%arg6 : memref<80x128xi32, #tpu.memory_space<vmem>>) target_semaphore(%run_scoped3A : memref<!tpu.dma_semaphore, #tpu.memory_space<semaphore_mem>>)
      %dma_wait3A = arith.constant 0 : i32
      %dma_wait3A_95 = arith.constant 0 : i32
      %dma_wait3A_96 = tpu.memref_slice %arg3[%add3A_19, %dma_wait3A, %dma_wait3A_95] : memref<32x80x128xi32, #tpu.memory_space<hbm>> -> memref<1x80x128xi32, #tpu.memory_space<hbm>>
      %dma_wait3A_97 = tpu.memref_squeeze %dma_wait3A_96 : memref<1x80x128xi32, #tpu.memory_space<hbm>> -> memref<80x128xi32, #tpu.memory_space<hbm>>
      %dma_wait3A_98 = arith.constant 0 : i32
      %dma_wait3A_99 = arith.constant 0 : i32
      %dma_wait3A_100 = tpu.memref_slice %arg3[%add3A_19, %dma_wait3A_98, %dma_wait3A_99] : memref<32x80x128xi32, #tpu.memory_space<hbm>> -> memref<1x80x128xi32, #tpu.memory_space<hbm>>
      %dma_wait3A_101 = tpu.memref_squeeze %dma_wait3A_100 : memref<1x80x128xi32, #tpu.memory_space<hbm>> -> memref<80x128xi32, #tpu.memory_space<hbm>>
      tpu.wait_dma2 semaphore(%run_scoped3A : memref<!tpu.dma_semaphore, #tpu.memory_space<semaphore_mem>>) src(%dma_wait3A_101 : memref<80x128xi32, #tpu.memory_space<hbm>>) dst(%arg6 : memref<80x128xi32, #tpu.memory_space<vmem>>)
      tpu.yield
    }) : () -> ()
    "tpu.region"() ({
      %run_scoped3A = tpu.sem_alloc : memref<!tpu.dma_semaphore, #tpu.memory_space<semaphore_mem>>
      %dma_start3A_87 = arith.constant 0 : i32
      %dma_start3A_88 = arith.constant 0 : i32
      %dma_start3A_89 = tpu.memref_slice %arg4[%add3A_19, %dma_start3A_87, %dma_start3A_88] : memref<32x80x128xi32, #tpu.memory_space<hbm>> -> memref<1x80x128xi32, #tpu.memory_space<hbm>>
      %dma_start3A_90 = tpu.memref_squeeze %dma_start3A_89 : memref<1x80x128xi32, #tpu.memory_space<hbm>> -> memref<80x128xi32, #tpu.memory_space<hbm>>
      %dma_start3A_91 = arith.constant 0 : i32
      %dma_start3A_92 = arith.constant 0 : i32
      %dma_start3A_93 = tpu.memref_slice %arg4[%add3A_19, %dma_start3A_91, %dma_start3A_92] : memref<32x80x128xi32, #tpu.memory_space<hbm>> -> memref<1x80x128xi32, #tpu.memory_space<hbm>>
      %dma_start3A_94 = tpu.memref_squeeze %dma_start3A_93 : memref<1x80x128xi32, #tpu.memory_space<hbm>> -> memref<80x128xi32, #tpu.memory_space<hbm>>
      tpu.enqueue_dma source(%dma_start3A_94 : memref<80x128xi32, #tpu.memory_space<hbm>>) target(%arg7 : memref<80x128xi32, #tpu.memory_space<vmem>>) target_semaphore(%run_scoped3A : memref<!tpu.dma_semaphore, #tpu.memory_space<semaphore_mem>>)
      %dma_wait3A = arith.constant 0 : i32
      %dma_wait3A_95 = arith.constant 0 : i32
      %dma_wait3A_96 = tpu.memref_slice %arg4[%add3A_19, %dma_wait3A, %dma_wait3A_95] : memref<32x80x128xi32, #tpu.memory_space<hbm>> -> memref<1x80x128xi32, #tpu.memory_space<hbm>>
      %dma_wait3A_97 = tpu.memref_squeeze %dma_wait3A_96 : memref<1x80x128xi32, #tpu.memory_space<hbm>> -> memref<80x128xi32, #tpu.memory_space<hbm>>
      %dma_wait3A_98 = arith.constant 0 : i32
      %dma_wait3A_99 = arith.constant 0 : i32
      %dma_wait3A_100 = tpu.memref_slice %arg4[%add3A_19, %dma_wait3A_98, %dma_wait3A_99] : memref<32x80x128xi32, #tpu.memory_space<hbm>> -> memref<1x80x128xi32, #tpu.memory_space<hbm>>
      %dma_wait3A_101 = tpu.memref_squeeze %dma_wait3A_100 : memref<1x80x128xi32, #tpu.memory_space<hbm>> -> memref<80x128xi32, #tpu.memory_space<hbm>>
      tpu.wait_dma2 semaphore(%run_scoped3A : memref<!tpu.dma_semaphore, #tpu.memory_space<semaphore_mem>>) src(%dma_wait3A_101 : memref<80x128xi32, #tpu.memory_space<hbm>>) dst(%arg7 : memref<80x128xi32, #tpu.memory_space<vmem>>)
      tpu.yield
    }) : () -> ()
    %barrier3A = arith.constant 0 : index
    tpu.barrier barrier_id(%barrier3A)
    %dma_start3A = arith.constant 0 : i32
    %dma_start3A_20 = arith.constant 0 : i32
    %dma_start3A_21 = arith.constant 0 : i32
    %dma_start3A_22 = arith.constant 0 : i32
    %dma_start3A_23 = tpu.memref_slice %arg8[%dma_start3A_20, %dma_start3A_21, %dma_start3A_22] : memref<5x128x48xf32, #tpu.memory_space<vmem>> -> memref<1x128x48xf32, #tpu.memory_space<vmem>>
    %dma_start3A_24 = tpu.memref_squeeze %dma_start3A_23 : memref<1x128x48xf32, #tpu.memory_space<vmem>> -> memref<128x48xf32, #tpu.memory_space<vmem>>
    %dma_start3A_25 = arith.constant 0 : i32
    %dma_start3A_26 = tpu.memref_slice %arg6[%dma_start3A, %dma_start3A_25] : memref<80x128xi32, #tpu.memory_space<vmem>> -> memref<1x128xi32, #tpu.memory_space<vmem>>
    %dma_start3A_27 = tpu.memref_squeeze %dma_start3A_26 : memref<1x128xi32, #tpu.memory_space<vmem>> -> memref<128xi32, #tpu.memory_space<vmem>>
    %dma_start3A_28 = arith.constant 0 : i32
    %dma_start3A_29 = arith.constant 0 : i32
    %dma_start3A_30 = tpu.memref_slice %arg2[%dma_start3A_28, %dma_start3A_29] : memref<10000x48xf32, #tpu.memory_space<hbm>> -> memref<10000x48xf32, #tpu.memory_space<hbm>>
    tpu.enqueue_indirect_dma source(%dma_start3A_30 : memref<10000x48xf32, #tpu.memory_space<hbm>>) target(%dma_start3A_24 : memref<128x48xf32, #tpu.memory_space<vmem>>) offsets(%dma_start3A_27 : memref<128xi32, #tpu.memory_space<vmem>>) semaphore(%arg11 : memref<!tpu.dma_semaphore, #tpu.memory_space<semaphore_mem>>)
    %dma_start3A_31 = arith.constant 1 : i32
    %dma_start3A_32 = arith.constant 1 : i32
    %dma_start3A_33 = arith.constant 0 : i32
    %dma_start3A_34 = arith.constant 0 : i32
    %dma_start3A_35 = tpu.memref_slice %arg8[%dma_start3A_32, %dma_start3A_33, %dma_start3A_34] : memref<5x128x48xf32, #tpu.memory_space<vmem>> -> memref<1x128x48xf32, #tpu.memory_space<vmem>>
    %dma_start3A_36 = tpu.memref_squeeze %dma_start3A_35 : memref<1x128x48xf32, #tpu.memory_space<vmem>> -> memref<128x48xf32, #tpu.memory_space<vmem>>
    %dma_start3A_37 = arith.constant 0 : i32
    %dma_start3A_38 = tpu.memref_slice %arg6[%dma_start3A_31, %dma_start3A_37] : memref<80x128xi32, #tpu.memory_space<vmem>> -> memref<1x128xi32, #tpu.memory_space<vmem>>
    %dma_start3A_39 = tpu.memref_squeeze %dma_start3A_38 : memref<1x128xi32, #tpu.memory_space<vmem>> -> memref<128xi32, #tpu.memory_space<vmem>>
    %dma_start3A_40 = arith.constant 0 : i32
    %dma_start3A_41 = arith.constant 0 : i32
    %dma_start3A_42 = tpu.memref_slice %arg2[%dma_start3A_40, %dma_start3A_41] : memref<10000x48xf32, #tpu.memory_space<hbm>> -> memref<10000x48xf32, #tpu.memory_space<hbm>>
    tpu.enqueue_indirect_dma source(%dma_start3A_42 : memref<10000x48xf32, #tpu.memory_space<hbm>>) target(%dma_start3A_36 : memref<128x48xf32, #tpu.memory_space<vmem>>) offsets(%dma_start3A_39 : memref<128xi32, #tpu.memory_space<vmem>>) semaphore(%arg11 : memref<!tpu.dma_semaphore, #tpu.memory_space<semaphore_mem>>)
    %dma_start3A_43 = arith.constant 2 : i32
    %dma_start3A_44 = arith.constant 2 : i32
    %dma_start3A_45 = arith.constant 0 : i32
    %dma_start3A_46 = arith.constant 0 : i32
    %dma_start3A_47 = tpu.memref_slice %arg8[%dma_start3A_44, %dma_start3A_45, %dma_start3A_46] : memref<5x128x48xf32, #tpu.memory_space<vmem>> -> memref<1x128x48xf32, #tpu.memory_space<vmem>>
    %dma_start3A_48 = tpu.memref_squeeze %dma_start3A_47 : memref<1x128x48xf32, #tpu.memory_space<vmem>> -> memref<128x48xf32, #tpu.memory_space<vmem>>
    %dma_start3A_49 = arith.constant 0 : i32
    %dma_start3A_50 = tpu.memref_slice %arg6[%dma_start3A_43, %dma_start3A_49] : memref<80x128xi32, #tpu.memory_space<vmem>> -> memref<1x128xi32, #tpu.memory_space<vmem>>
    %dma_start3A_51 = tpu.memref_squeeze %dma_start3A_50 : memref<1x128xi32, #tpu.memory_space<vmem>> -> memref<128xi32, #tpu.memory_space<vmem>>
    %dma_start3A_52 = arith.constant 0 : i32
    %dma_start3A_53 = arith.constant 0 : i32
    %dma_start3A_54 = tpu.memref_slice %arg2[%dma_start3A_52, %dma_start3A_53] : memref<10000x48xf32, #tpu.memory_space<hbm>> -> memref<10000x48xf32, #tpu.memory_space<hbm>>
    tpu.enqueue_indirect_dma source(%dma_start3A_54 : memref<10000x48xf32, #tpu.memory_space<hbm>>) target(%dma_start3A_48 : memref<128x48xf32, #tpu.memory_space<vmem>>) offsets(%dma_start3A_51 : memref<128xi32, #tpu.memory_space<vmem>>) semaphore(%arg11 : memref<!tpu.dma_semaphore, #tpu.memory_space<semaphore_mem>>)
    %dma_start3A_55 = arith.constant 3 : i32
    %dma_start3A_56 = arith.constant 3 : i32
    %dma_start3A_57 = arith.constant 0 : i32
    %dma_start3A_58 = arith.constant 0 : i32
    %dma_start3A_59 = tpu.memref_slice %arg8[%dma_start3A_56, %dma_start3A_57, %dma_start3A_58] : memref<5x128x48xf32, #tpu.memory_space<vmem>> -> memref<1x128x48xf32, #tpu.memory_space<vmem>>
    %dma_start3A_60 = tpu.memref_squeeze %dma_start3A_59 : memref<1x128x48xf32, #tpu.memory_space<vmem>> -> memref<128x48xf32, #tpu.memory_space<vmem>>
    %dma_start3A_61 = arith.constant 0 : i32
    %dma_start3A_62 = tpu.memref_slice %arg6[%dma_start3A_55, %dma_start3A_61] : memref<80x128xi32, #tpu.memory_space<vmem>> -> memref<1x128xi32, #tpu.memory_space<vmem>>
    %dma_start3A_63 = tpu.memref_squeeze %dma_start3A_62 : memref<1x128xi32, #tpu.memory_space<vmem>> -> memref<128xi32, #tpu.memory_space<vmem>>
    %dma_start3A_64 = arith.constant 0 : i32
    %dma_start3A_65 = arith.constant 0 : i32
    %dma_start3A_66 = tpu.memref_slice %arg2[%dma_start3A_64, %dma_start3A_65] : memref<10000x48xf32, #tpu.memory_space<hbm>> -> memref<10000x48xf32, #tpu.memory_space<hbm>>
    tpu.enqueue_indirect_dma source(%dma_start3A_66 : memref<10000x48xf32, #tpu.memory_space<hbm>>) target(%dma_start3A_60 : memref<128x48xf32, #tpu.memory_space<vmem>>) offsets(%dma_start3A_63 : memref<128xi32, #tpu.memory_space<vmem>>) semaphore(%arg11 : memref<!tpu.dma_semaphore, #tpu.memory_space<semaphore_mem>>)
    %dma_start3A_67 = arith.constant 4 : i32
    %dma_start3A_68 = arith.constant 4 : i32
    %dma_start3A_69 = arith.constant 0 : i32
    %dma_start3A_70 = arith.constant 0 : i32
    %dma_start3A_71 = tpu.memref_slice %arg8[%dma_start3A_68, %dma_start3A_69, %dma_start3A_70] : memref<5x128x48xf32, #tpu.memory_space<vmem>> -> memref<1x128x48xf32, #tpu.memory_space<vmem>>
    %dma_start3A_72 = tpu.memref_squeeze %dma_start3A_71 : memref<1x128x48xf32, #tpu.memory_space<vmem>> -> memref<128x48xf32, #tpu.memory_space<vmem>>
    %dma_start3A_73 = arith.constant 0 : i32
    %dma_start3A_74 = tpu.memref_slice %arg6[%dma_start3A_67, %dma_start3A_73] : memref<80x128xi32, #tpu.memory_space<vmem>> -> memref<1x128xi32, #tpu.memory_space<vmem>>
    %dma_start3A_75 = tpu.memref_squeeze %dma_start3A_74 : memref<1x128xi32, #tpu.memory_space<vmem>> -> memref<128xi32, #tpu.memory_space<vmem>>
    %dma_start3A_76 = arith.constant 0 : i32
    %dma_start3A_77 = arith.constant 0 : i32
    %dma_start3A_78 = tpu.memref_slice %arg2[%dma_start3A_76, %dma_start3A_77] : memref<10000x48xf32, #tpu.memory_space<hbm>> -> memref<10000x48xf32, #tpu.memory_space<hbm>>
    tpu.enqueue_indirect_dma source(%dma_start3A_78 : memref<10000x48xf32, #tpu.memory_space<hbm>>) target(%dma_start3A_72 : memref<128x48xf32, #tpu.memory_space<vmem>>) offsets(%dma_start3A_75 : memref<128xi32, #tpu.memory_space<vmem>>) semaphore(%arg11 : memref<!tpu.dma_semaphore, #tpu.memory_space<semaphore_mem>>)
    %scan3A_79 = arith.constant 0 : i32
    %scan3A_80 = arith.constant 0 : i32
    %scan3A_81 = arith.constant 16 : i32
    %scan3A_82 = arith.addi %scan3A_80, %scan3A_81 : i32
    %scan3A_83 = arith.constant 1 : i32
    %scan3A_84 = scf.for %scan3A_87 = %scan3A_80 to %scan3A_82 step %scan3A_83 iter_args(%scan3A_88 = %scan3A_79) -> (i32)  : i32 {
      %mul3A_89 = arith.constant 5 : i32
      %mul3A_90 = arith.muli %scan3A_87, %mul3A_89 : i32
      %add3A_91 = arith.constant 0 : i32
      %add3A_92 = arith.addi %mul3A_90, %add3A_91 : i32
      %dma_wait3A = arith.constant 0 : i32
      %dma_wait3A_93 = arith.constant 0 : i32
      %dma_wait3A_94 = arith.constant 0 : i32
      %dma_wait3A_95 = tpu.memref_slice %arg8[%dma_wait3A, %dma_wait3A_93, %dma_wait3A_94] : memref<5x128x48xf32, #tpu.memory_space<vmem>> -> memref<1x128x48xf32, #tpu.memory_space<vmem>>
      %dma_wait3A_96 = tpu.memref_squeeze %dma_wait3A_95 : memref<1x128x48xf32, #tpu.memory_space<vmem>> -> memref<128x48xf32, #tpu.memory_space<vmem>>
      %dma_wait3A_97 = arith.constant 0 : i32
      %dma_wait3A_98 = tpu.memref_slice %arg6[%add3A_92, %dma_wait3A_97] : memref<80x128xi32, #tpu.memory_space<vmem>> -> memref<1x128xi32, #tpu.memory_space<vmem>>
      %dma_wait3A_99 = tpu.memref_squeeze %dma_wait3A_98 : memref<1x128xi32, #tpu.memory_space<vmem>> -> memref<128xi32, #tpu.memory_space<vmem>>
      %dma_wait3A_100 = arith.constant 0 : i32
      %dma_wait3A_101 = arith.constant 0 : i32
      %dma_wait3A_102 = tpu.memref_slice %arg2[%dma_wait3A_100, %dma_wait3A_101] : memref<10000x48xf32, #tpu.memory_space<hbm>> -> memref<10000x48xf32, #tpu.memory_space<hbm>>
      tpu.wait_indirect_dma semaphore(%arg11 : memref<!tpu.dma_semaphore, #tpu.memory_space<semaphore_mem>>) src(%dma_wait3A_102 : memref<10000x48xf32, #tpu.memory_space<hbm>>) dst(%dma_wait3A_96 : memref<128x48xf32, #tpu.memory_space<vmem>>)
      %dma_start3A_103 = arith.constant 0 : i32
      %dma_start3A_104 = arith.constant 0 : i32
      %dma_start3A_105 = arith.constant 0 : i32
      %dma_start3A_106 = tpu.memref_slice %arg8[%dma_start3A_103, %dma_start3A_104, %dma_start3A_105] : memref<5x128x48xf32, #tpu.memory_space<vmem>> -> memref<1x128x48xf32, #tpu.memory_space<vmem>>
      %dma_start3A_107 = tpu.memref_squeeze %dma_start3A_106 : memref<1x128x48xf32, #tpu.memory_space<vmem>> -> memref<128x48xf32, #tpu.memory_space<vmem>>
      %dma_start3A_108 = arith.constant 0 : i32
      %dma_start3A_109 = tpu.memref_slice %arg7[%add3A_92, %dma_start3A_108] : memref<80x128xi32, #tpu.memory_space<vmem>> -> memref<1x128xi32, #tpu.memory_space<vmem>>
      %dma_start3A_110 = tpu.memref_squeeze %dma_start3A_109 : memref<1x128xi32, #tpu.memory_space<vmem>> -> memref<128xi32, #tpu.memory_space<vmem>>
      %dma_start3A_111 = arith.constant 0 : i32
      %dma_start3A_112 = arith.constant 0 : i32
      %dma_start3A_113 = tpu.memref_slice %arg10[%dma_start3A_111, %dma_start3A_112] : memref<10240x48xf32, #tpu.memory_space<vmem_shared>> -> memref<10240x48xf32, #tpu.memory_space<vmem_shared>>
      tpu.enqueue_indirect_dma source(%dma_start3A_107 : memref<128x48xf32, #tpu.memory_space<vmem>>) target(%dma_start3A_113 : memref<10240x48xf32, #tpu.memory_space<vmem_shared>>) offsets(%dma_start3A_110 : memref<128xi32, #tpu.memory_space<vmem>>) semaphore(%arg12 : memref<!tpu.dma_semaphore, #tpu.memory_space<semaphore_mem>>) {add = true}
      %add3A_114 = arith.constant 1 : i32
      %add3A_115 = arith.addi %mul3A_90, %add3A_114 : i32
      %dma_wait3A_116 = arith.constant 1 : i32
      %dma_wait3A_117 = arith.constant 0 : i32
      %dma_wait3A_118 = arith.constant 0 : i32
      %dma_wait3A_119 = tpu.memref_slice %arg8[%dma_wait3A_116, %dma_wait3A_117, %dma_wait3A_118] : memref<5x128x48xf32, #tpu.memory_space<vmem>> -> memref<1x128x48xf32, #tpu.memory_space<vmem>>
      %dma_wait3A_120 = tpu.memref_squeeze %dma_wait3A_119 : memref<1x128x48xf32, #tpu.memory_space<vmem>> -> memref<128x48xf32, #tpu.memory_space<vmem>>
      %dma_wait3A_121 = arith.constant 0 : i32
      %dma_wait3A_122 = tpu.memref_slice %arg6[%add3A_115, %dma_wait3A_121] : memref<80x128xi32, #tpu.memory_space<vmem>> -> memref<1x128xi32, #tpu.memory_space<vmem>>
      %dma_wait3A_123 = tpu.memref_squeeze %dma_wait3A_122 : memref<1x128xi32, #tpu.memory_space<vmem>> -> memref<128xi32, #tpu.memory_space<vmem>>
      %dma_wait3A_124 = arith.constant 0 : i32
      %dma_wait3A_125 = arith.constant 0 : i32
      %dma_wait3A_126 = tpu.memref_slice %arg2[%dma_wait3A_124, %dma_wait3A_125] : memref<10000x48xf32, #tpu.memory_space<hbm>> -> memref<10000x48xf32, #tpu.memory_space<hbm>>
      tpu.wait_indirect_dma semaphore(%arg11 : memref<!tpu.dma_semaphore, #tpu.memory_space<semaphore_mem>>) src(%dma_wait3A_126 : memref<10000x48xf32, #tpu.memory_space<hbm>>) dst(%dma_wait3A_120 : memref<128x48xf32, #tpu.memory_space<vmem>>)
      %dma_start3A_127 = arith.constant 1 : i32
      %dma_start3A_128 = arith.constant 0 : i32
      %dma_start3A_129 = arith.constant 0 : i32
      %dma_start3A_130 = tpu.memref_slice %arg8[%dma_start3A_127, %dma_start3A_128, %dma_start3A_129] : memref<5x128x48xf32, #tpu.memory_space<vmem>> -> memref<1x128x48xf32, #tpu.memory_space<vmem>>
      %dma_start3A_131 = tpu.memref_squeeze %dma_start3A_130 : memref<1x128x48xf32, #tpu.memory_space<vmem>> -> memref<128x48xf32, #tpu.memory_space<vmem>>
      %dma_start3A_132 = arith.constant 0 : i32
      %dma_start3A_133 = tpu.memref_slice %arg7[%add3A_115, %dma_start3A_132] : memref<80x128xi32, #tpu.memory_space<vmem>> -> memref<1x128xi32, #tpu.memory_space<vmem>>
      %dma_start3A_134 = tpu.memref_squeeze %dma_start3A_133 : memref<1x128xi32, #tpu.memory_space<vmem>> -> memref<128xi32, #tpu.memory_space<vmem>>
      %dma_start3A_135 = arith.constant 0 : i32
      %dma_start3A_136 = arith.constant 0 : i32
      %dma_start3A_137 = tpu.memref_slice %arg10[%dma_start3A_135, %dma_start3A_136] : memref<10240x48xf32, #tpu.memory_space<vmem_shared>> -> memref<10240x48xf32, #tpu.memory_space<vmem_shared>>
      tpu.enqueue_indirect_dma source(%dma_start3A_131 : memref<128x48xf32, #tpu.memory_space<vmem>>) target(%dma_start3A_137 : memref<10240x48xf32, #tpu.memory_space<vmem_shared>>) offsets(%dma_start3A_134 : memref<128xi32, #tpu.memory_space<vmem>>) semaphore(%arg12 : memref<!tpu.dma_semaphore, #tpu.memory_space<semaphore_mem>>) {add = true}
      %add3A_138 = arith.constant 2 : i32
      %add3A_139 = arith.addi %mul3A_90, %add3A_138 : i32
      %dma_wait3A_140 = arith.constant 2 : i32
      %dma_wait3A_141 = arith.constant 0 : i32
      %dma_wait3A_142 = arith.constant 0 : i32
      %dma_wait3A_143 = tpu.memref_slice %arg8[%dma_wait3A_140, %dma_wait3A_141, %dma_wait3A_142] : memref<5x128x48xf32, #tpu.memory_space<vmem>> -> memref<1x128x48xf32, #tpu.memory_space<vmem>>
      %dma_wait3A_144 = tpu.memref_squeeze %dma_wait3A_143 : memref<1x128x48xf32, #tpu.memory_space<vmem>> -> memref<128x48xf32, #tpu.memory_space<vmem>>
      %dma_wait3A_145 = arith.constant 0 : i32
      %dma_wait3A_146 = tpu.memref_slice %arg6[%add3A_139, %dma_wait3A_145] : memref<80x128xi32, #tpu.memory_space<vmem>> -> memref<1x128xi32, #tpu.memory_space<vmem>>
      %dma_wait3A_147 = tpu.memref_squeeze %dma_wait3A_146 : memref<1x128xi32, #tpu.memory_space<vmem>> -> memref<128xi32, #tpu.memory_space<vmem>>
      %dma_wait3A_148 = arith.constant 0 : i32
      %dma_wait3A_149 = arith.constant 0 : i32
      %dma_wait3A_150 = tpu.memref_slice %arg2[%dma_wait3A_148, %dma_wait3A_149] : memref<10000x48xf32, #tpu.memory_space<hbm>> -> memref<10000x48xf32, #tpu.memory_space<hbm>>
      tpu.wait_indirect_dma semaphore(%arg11 : memref<!tpu.dma_semaphore, #tpu.memory_space<semaphore_mem>>) src(%dma_wait3A_150 : memref<10000x48xf32, #tpu.memory_space<hbm>>) dst(%dma_wait3A_144 : memref<128x48xf32, #tpu.memory_space<vmem>>)
      %dma_start3A_151 = arith.constant 2 : i32
      %dma_start3A_152 = arith.constant 0 : i32
      %dma_start3A_153 = arith.constant 0 : i32
      %dma_start3A_154 = tpu.memref_slice %arg8[%dma_start3A_151, %dma_start3A_152, %dma_start3A_153] : memref<5x128x48xf32, #tpu.memory_space<vmem>> -> memref<1x128x48xf32, #tpu.memory_space<vmem>>
      %dma_start3A_155 = tpu.memref_squeeze %dma_start3A_154 : memref<1x128x48xf32, #tpu.memory_space<vmem>> -> memref<128x48xf32, #tpu.memory_space<vmem>>
      %dma_start3A_156 = arith.constant 0 : i32
      %dma_start3A_157 = tpu.memref_slice %arg7[%add3A_139, %dma_start3A_156] : memref<80x128xi32, #tpu.memory_space<vmem>> -> memref<1x128xi32, #tpu.memory_space<vmem>>
      %dma_start3A_158 = tpu.memref_squeeze %dma_start3A_157 : memref<1x128xi32, #tpu.memory_space<vmem>> -> memref<128xi32, #tpu.memory_space<vmem>>
      %dma_start3A_159 = arith.constant 0 : i32
      %dma_start3A_160 = arith.constant 0 : i32
      %dma_start3A_161 = tpu.memref_slice %arg10[%dma_start3A_159, %dma_start3A_160] : memref<10240x48xf32, #tpu.memory_space<vmem_shared>> -> memref<10240x48xf32, #tpu.memory_space<vmem_shared>>
      tpu.enqueue_indirect_dma source(%dma_start3A_155 : memref<128x48xf32, #tpu.memory_space<vmem>>) target(%dma_start3A_161 : memref<10240x48xf32, #tpu.memory_space<vmem_shared>>) offsets(%dma_start3A_158 : memref<128xi32, #tpu.memory_space<vmem>>) semaphore(%arg12 : memref<!tpu.dma_semaphore, #tpu.memory_space<semaphore_mem>>) {add = true}
      %add3A_162 = arith.constant 3 : i32
      %add3A_163 = arith.addi %mul3A_90, %add3A_162 : i32
      %dma_wait3A_164 = arith.constant 3 : i32
      %dma_wait3A_165 = arith.constant 0 : i32
      %dma_wait3A_166 = arith.constant 0 : i32
      %dma_wait3A_167 = tpu.memref_slice %arg8[%dma_wait3A_164, %dma_wait3A_165, %dma_wait3A_166] : memref<5x128x48xf32, #tpu.memory_space<vmem>> -> memref<1x128x48xf32, #tpu.memory_space<vmem>>
      %dma_wait3A_168 = tpu.memref_squeeze %dma_wait3A_167 : memref<1x128x48xf32, #tpu.memory_space<vmem>> -> memref<128x48xf32, #tpu.memory_space<vmem>>
      %dma_wait3A_169 = arith.constant 0 : i32
      %dma_wait3A_170 = tpu.memref_slice %arg6[%add3A_163, %dma_wait3A_169] : memref<80x128xi32, #tpu.memory_space<vmem>> -> memref<1x128xi32, #tpu.memory_space<vmem>>
      %dma_wait3A_171 = tpu.memref_squeeze %dma_wait3A_170 : memref<1x128xi32, #tpu.memory_space<vmem>> -> memref<128xi32, #tpu.memory_space<vmem>>
      %dma_wait3A_172 = arith.constant 0 : i32
      %dma_wait3A_173 = arith.constant 0 : i32
      %dma_wait3A_174 = tpu.memref_slice %arg2[%dma_wait3A_172, %dma_wait3A_173] : memref<10000x48xf32, #tpu.memory_space<hbm>> -> memref<10000x48xf32, #tpu.memory_space<hbm>>
      tpu.wait_indirect_dma semaphore(%arg11 : memref<!tpu.dma_semaphore, #tpu.memory_space<semaphore_mem>>) src(%dma_wait3A_174 : memref<10000x48xf32, #tpu.memory_space<hbm>>) dst(%dma_wait3A_168 : memref<128x48xf32, #tpu.memory_space<vmem>>)
      %dma_start3A_175 = arith.constant 3 : i32
      %dma_start3A_176 = arith.constant 0 : i32
      %dma_start3A_177 = arith.constant 0 : i32
      %dma_start3A_178 = tpu.memref_slice %arg8[%dma_start3A_175, %dma_start3A_176, %dma_start3A_177] : memref<5x128x48xf32, #tpu.memory_space<vmem>> -> memref<1x128x48xf32, #tpu.memory_space<vmem>>
      %dma_start3A_179 = tpu.memref_squeeze %dma_start3A_178 : memref<1x128x48xf32, #tpu.memory_space<vmem>> -> memref<128x48xf32, #tpu.memory_space<vmem>>
      %dma_start3A_180 = arith.constant 0 : i32
      %dma_start3A_181 = tpu.memref_slice %arg7[%add3A_163, %dma_start3A_180] : memref<80x128xi32, #tpu.memory_space<vmem>> -> memref<1x128xi32, #tpu.memory_space<vmem>>
      %dma_start3A_182 = tpu.memref_squeeze %dma_start3A_181 : memref<1x128xi32, #tpu.memory_space<vmem>> -> memref<128xi32, #tpu.memory_space<vmem>>
      %dma_start3A_183 = arith.constant 0 : i32
      %dma_start3A_184 = arith.constant 0 : i32
      %dma_start3A_185 = tpu.memref_slice %arg10[%dma_start3A_183, %dma_start3A_184] : memref<10240x48xf32, #tpu.memory_space<vmem_shared>> -> memref<10240x48xf32, #tpu.memory_space<vmem_shared>>
      tpu.enqueue_indirect_dma source(%dma_start3A_179 : memref<128x48xf32, #tpu.memory_space<vmem>>) target(%dma_start3A_185 : memref<10240x48xf32, #tpu.memory_space<vmem_shared>>) offsets(%dma_start3A_182 : memref<128xi32, #tpu.memory_space<vmem>>) semaphore(%arg12 : memref<!tpu.dma_semaphore, #tpu.memory_space<semaphore_mem>>) {add = true}
      %add3A_186 = arith.constant 4 : i32
      %add3A_187 = arith.addi %mul3A_90, %add3A_186 : i32
      %dma_wait3A_188 = arith.constant 4 : i32
      %dma_wait3A_189 = arith.constant 0 : i32
      %dma_wait3A_190 = arith.constant 0 : i32
      %dma_wait3A_191 = tpu.memref_slice %arg8[%dma_wait3A_188, %dma_wait3A_189, %dma_wait3A_190] : memref<5x128x48xf32, #tpu.memory_space<vmem>> -> memref<1x128x48xf32, #tpu.memory_space<vmem>>
      %dma_wait3A_192 = tpu.memref_squeeze %dma_wait3A_191 : memref<1x128x48xf32, #tpu.memory_space<vmem>> -> memref<128x48xf32, #tpu.memory_space<vmem>>
      %dma_wait3A_193 = arith.constant 0 : i32
      %dma_wait3A_194 = tpu.memref_slice %arg6[%add3A_187, %dma_wait3A_193] : memref<80x128xi32, #tpu.memory_space<vmem>> -> memref<1x128xi32, #tpu.memory_space<vmem>>
      %dma_wait3A_195 = tpu.memref_squeeze %dma_wait3A_194 : memref<1x128xi32, #tpu.memory_space<vmem>> -> memref<128xi32, #tpu.memory_space<vmem>>
      %dma_wait3A_196 = arith.constant 0 : i32
      %dma_wait3A_197 = arith.constant 0 : i32
      %dma_wait3A_198 = tpu.memref_slice %arg2[%dma_wait3A_196, %dma_wait3A_197] : memref<10000x48xf32, #tpu.memory_space<hbm>> -> memref<10000x48xf32, #tpu.memory_space<hbm>>
      tpu.wait_indirect_dma semaphore(%arg11 : memref<!tpu.dma_semaphore, #tpu.memory_space<semaphore_mem>>) src(%dma_wait3A_198 : memref<10000x48xf32, #tpu.memory_space<hbm>>) dst(%dma_wait3A_192 : memref<128x48xf32, #tpu.memory_space<vmem>>)
      %dma_start3A_199 = arith.constant 4 : i32
      %dma_start3A_200 = arith.constant 0 : i32
      %dma_start3A_201 = arith.constant 0 : i32
      %dma_start3A_202 = tpu.memref_slice %arg8[%dma_start3A_199, %dma_start3A_200, %dma_start3A_201] : memref<5x128x48xf32, #tpu.memory_space<vmem>> -> memref<1x128x48xf32, #tpu.memory_space<vmem>>
      %dma_start3A_203 = tpu.memref_squeeze %dma_start3A_202 : memref<1x128x48xf32, #tpu.memory_space<vmem>> -> memref<128x48xf32, #tpu.memory_space<vmem>>
      %dma_start3A_204 = arith.constant 0 : i32
      %dma_start3A_205 = tpu.memref_slice %arg7[%add3A_187, %dma_start3A_204] : memref<80x128xi32, #tpu.memory_space<vmem>> -> memref<1x128xi32, #tpu.memory_space<vmem>>
      %dma_start3A_206 = tpu.memref_squeeze %dma_start3A_205 : memref<1x128xi32, #tpu.memory_space<vmem>> -> memref<128xi32, #tpu.memory_space<vmem>>
      %dma_start3A_207 = arith.constant 0 : i32
      %dma_start3A_208 = arith.constant 0 : i32
      %dma_start3A_209 = tpu.memref_slice %arg10[%dma_start3A_207, %dma_start3A_208] : memref<10240x48xf32, #tpu.memory_space<vmem_shared>> -> memref<10240x48xf32, #tpu.memory_space<vmem_shared>>
      tpu.enqueue_indirect_dma source(%dma_start3A_203 : memref<128x48xf32, #tpu.memory_space<vmem>>) target(%dma_start3A_209 : memref<10240x48xf32, #tpu.memory_space<vmem_shared>>) offsets(%dma_start3A_206 : memref<128xi32, #tpu.memory_space<vmem>>) semaphore(%arg12 : memref<!tpu.dma_semaphore, #tpu.memory_space<semaphore_mem>>) {add = true}
      %add3A_210 = arith.constant 0 : i32
      %add3A_211 = arith.addi %mul3A_90, %add3A_210 : i32
      %dma_wait3A_212 = arith.constant 0 : i32
      %dma_wait3A_213 = arith.constant 0 : i32
      %dma_wait3A_214 = arith.constant 0 : i32
      %dma_wait3A_215 = tpu.memref_slice %arg8[%dma_wait3A_212, %dma_wait3A_213, %dma_wait3A_214] : memref<5x128x48xf32, #tpu.memory_space<vmem>> -> memref<1x128x48xf32, #tpu.memory_space<vmem>>
      %dma_wait3A_216 = tpu.memref_squeeze %dma_wait3A_215 : memref<1x128x48xf32, #tpu.memory_space<vmem>> -> memref<128x48xf32, #tpu.memory_space<vmem>>
      %dma_wait3A_217 = arith.constant 0 : i32
      %dma_wait3A_218 = tpu.memref_slice %arg7[%add3A_211, %dma_wait3A_217] : memref<80x128xi32, #tpu.memory_space<vmem>> -> memref<1x128xi32, #tpu.memory_space<vmem>>
      %dma_wait3A_219 = tpu.memref_squeeze %dma_wait3A_218 : memref<1x128xi32, #tpu.memory_space<vmem>> -> memref<128xi32, #tpu.memory_space<vmem>>
      %dma_wait3A_220 = arith.constant 0 : i32
      %dma_wait3A_221 = arith.constant 0 : i32
      %dma_wait3A_222 = tpu.memref_slice %arg10[%dma_wait3A_220, %dma_wait3A_221] : memref<10240x48xf32, #tpu.memory_space<vmem_shared>> -> memref<10240x48xf32, #tpu.memory_space<vmem_shared>>
      tpu.wait_indirect_dma semaphore(%arg12 : memref<!tpu.dma_semaphore, #tpu.memory_space<semaphore_mem>>) src(%dma_wait3A_216 : memref<128x48xf32, #tpu.memory_space<vmem>>) dst(%dma_wait3A_222 : memref<10240x48xf32, #tpu.memory_space<vmem_shared>>)
      %add3A_223 = arith.constant 1 : i32
      %add3A_224 = arith.addi %mul3A_90, %add3A_223 : i32
      %dma_wait3A_225 = arith.constant 1 : i32
      %dma_wait3A_226 = arith.constant 0 : i32
      %dma_wait3A_227 = arith.constant 0 : i32
      %dma_wait3A_228 = tpu.memref_slice %arg8[%dma_wait3A_225, %dma_wait3A_226, %dma_wait3A_227] : memref<5x128x48xf32, #tpu.memory_space<vmem>> -> memref<1x128x48xf32, #tpu.memory_space<vmem>>
      %dma_wait3A_229 = tpu.memref_squeeze %dma_wait3A_228 : memref<1x128x48xf32, #tpu.memory_space<vmem>> -> memref<128x48xf32, #tpu.memory_space<vmem>>
      %dma_wait3A_230 = arith.constant 0 : i32
      %dma_wait3A_231 = tpu.memref_slice %arg7[%add3A_224, %dma_wait3A_230] : memref<80x128xi32, #tpu.memory_space<vmem>> -> memref<1x128xi32, #tpu.memory_space<vmem>>
      %dma_wait3A_232 = tpu.memref_squeeze %dma_wait3A_231 : memref<1x128xi32, #tpu.memory_space<vmem>> -> memref<128xi32, #tpu.memory_space<vmem>>
      %dma_wait3A_233 = arith.constant 0 : i32
      %dma_wait3A_234 = arith.constant 0 : i32
      %dma_wait3A_235 = tpu.memref_slice %arg10[%dma_wait3A_233, %dma_wait3A_234] : memref<10240x48xf32, #tpu.memory_space<vmem_shared>> -> memref<10240x48xf32, #tpu.memory_space<vmem_shared>>
      tpu.wait_indirect_dma semaphore(%arg12 : memref<!tpu.dma_semaphore, #tpu.memory_space<semaphore_mem>>) src(%dma_wait3A_229 : memref<128x48xf32, #tpu.memory_space<vmem>>) dst(%dma_wait3A_235 : memref<10240x48xf32, #tpu.memory_space<vmem_shared>>)
      %add3A_236 = arith.constant 2 : i32
      %add3A_237 = arith.addi %mul3A_90, %add3A_236 : i32
      %dma_wait3A_238 = arith.constant 2 : i32
      %dma_wait3A_239 = arith.constant 0 : i32
      %dma_wait3A_240 = arith.constant 0 : i32
      %dma_wait3A_241 = tpu.memref_slice %arg8[%dma_wait3A_238, %dma_wait3A_239, %dma_wait3A_240] : memref<5x128x48xf32, #tpu.memory_space<vmem>> -> memref<1x128x48xf32, #tpu.memory_space<vmem>>
      %dma_wait3A_242 = tpu.memref_squeeze %dma_wait3A_241 : memref<1x128x48xf32, #tpu.memory_space<vmem>> -> memref<128x48xf32, #tpu.memory_space<vmem>>
      %dma_wait3A_243 = arith.constant 0 : i32
      %dma_wait3A_244 = tpu.memref_slice %arg7[%add3A_237, %dma_wait3A_243] : memref<80x128xi32, #tpu.memory_space<vmem>> -> memref<1x128xi32, #tpu.memory_space<vmem>>
      %dma_wait3A_245 = tpu.memref_squeeze %dma_wait3A_244 : memref<1x128xi32, #tpu.memory_space<vmem>> -> memref<128xi32, #tpu.memory_space<vmem>>
      %dma_wait3A_246 = arith.constant 0 : i32
      %dma_wait3A_247 = arith.constant 0 : i32
      %dma_wait3A_248 = tpu.memref_slice %arg10[%dma_wait3A_246, %dma_wait3A_247] : memref<10240x48xf32, #tpu.memory_space<vmem_shared>> -> memref<10240x48xf32, #tpu.memory_space<vmem_shared>>
      tpu.wait_indirect_dma semaphore(%arg12 : memref<!tpu.dma_semaphore, #tpu.memory_space<semaphore_mem>>) src(%dma_wait3A_242 : memref<128x48xf32, #tpu.memory_space<vmem>>) dst(%dma_wait3A_248 : memref<10240x48xf32, #tpu.memory_space<vmem_shared>>)
      %add3A_249 = arith.constant 3 : i32
      %add3A_250 = arith.addi %mul3A_90, %add3A_249 : i32
      %dma_wait3A_251 = arith.constant 3 : i32
      %dma_wait3A_252 = arith.constant 0 : i32
      %dma_wait3A_253 = arith.constant 0 : i32
      %dma_wait3A_254 = tpu.memref_slice %arg8[%dma_wait3A_251, %dma_wait3A_252, %dma_wait3A_253] : memref<5x128x48xf32, #tpu.memory_space<vmem>> -> memref<1x128x48xf32, #tpu.memory_space<vmem>>
      %dma_wait3A_255 = tpu.memref_squeeze %dma_wait3A_254 : memref<1x128x48xf32, #tpu.memory_space<vmem>> -> memref<128x48xf32, #tpu.memory_space<vmem>>
      %dma_wait3A_256 = arith.constant 0 : i32
      %dma_wait3A_257 = tpu.memref_slice %arg7[%add3A_250, %dma_wait3A_256] : memref<80x128xi32, #tpu.memory_space<vmem>> -> memref<1x128xi32, #tpu.memory_space<vmem>>
      %dma_wait3A_258 = tpu.memref_squeeze %dma_wait3A_257 : memref<1x128xi32, #tpu.memory_space<vmem>> -> memref<128xi32, #tpu.memory_space<vmem>>
      %dma_wait3A_259 = arith.constant 0 : i32
      %dma_wait3A_260 = arith.constant 0 : i32
      %dma_wait3A_261 = tpu.memref_slice %arg10[%dma_wait3A_259, %dma_wait3A_260] : memref<10240x48xf32, #tpu.memory_space<vmem_shared>> -> memref<10240x48xf32, #tpu.memory_space<vmem_shared>>
      tpu.wait_indirect_dma semaphore(%arg12 : memref<!tpu.dma_semaphore, #tpu.memory_space<semaphore_mem>>) src(%dma_wait3A_255 : memref<128x48xf32, #tpu.memory_space<vmem>>) dst(%dma_wait3A_261 : memref<10240x48xf32, #tpu.memory_space<vmem_shared>>)
      %add3A_262 = arith.constant 4 : i32
      %add3A_263 = arith.addi %mul3A_90, %add3A_262 : i32
      %dma_wait3A_264 = arith.constant 4 : i32
      %dma_wait3A_265 = arith.constant 0 : i32
      %dma_wait3A_266 = arith.constant 0 : i32
      %dma_wait3A_267 = tpu.memref_slice %arg8[%dma_wait3A_264, %dma_wait3A_265, %dma_wait3A_266] : memref<5x128x48xf32, #tpu.memory_space<vmem>> -> memref<1x128x48xf32, #tpu.memory_space<vmem>>
      %dma_wait3A_268 = tpu.memref_squeeze %dma_wait3A_267 : memref<1x128x48xf32, #tpu.memory_space<vmem>> -> memref<128x48xf32, #tpu.memory_space<vmem>>
      %dma_wait3A_269 = arith.constant 0 : i32
      %dma_wait3A_270 = tpu.memref_slice %arg7[%add3A_263, %dma_wait3A_269] : memref<80x128xi32, #tpu.memory_space<vmem>> -> memref<1x128xi32, #tpu.memory_space<vmem>>
      %dma_wait3A_271 = tpu.memref_squeeze %dma_wait3A_270 : memref<1x128xi32, #tpu.memory_space<vmem>> -> memref<128xi32, #tpu.memory_space<vmem>>
      %dma_wait3A_272 = arith.constant 0 : i32
      %dma_wait3A_273 = arith.constant 0 : i32
      %dma_wait3A_274 = tpu.memref_slice %arg10[%dma_wait3A_272, %dma_wait3A_273] : memref<10240x48xf32, #tpu.memory_space<vmem_shared>> -> memref<10240x48xf32, #tpu.memory_space<vmem_shared>>
      tpu.wait_indirect_dma semaphore(%arg12 : memref<!tpu.dma_semaphore, #tpu.memory_space<semaphore_mem>>) src(%dma_wait3A_268 : memref<128x48xf32, #tpu.memory_space<vmem>>) dst(%dma_wait3A_274 : memref<10240x48xf32, #tpu.memory_space<vmem_shared>>)
      %add3A_275 = arith.constant 5 : i32
      %add3A_276 = arith.addi %mul3A_90, %add3A_275 : i32
      %add3A_277 = arith.constant 0 : i32
      %add3A_278 = arith.addi %add3A_276, %add3A_277 : i32
      %lt3A = arith.constant 80 : i32
      %lt3A_279 = arith.cmpi slt, %add3A_278, %lt3A : i32
      %convert_element_type3A = arith.extui %lt3A_279 : i1 to i32
      %cond3A = arith.constant 0 : i32
      %cond3A_280 = arith.cmpi ne, %convert_element_type3A, %cond3A : i32
      scf.if %cond3A_280 {
        %dma_start3A_318 = arith.constant 0 : i32
        %dma_start3A_319 = arith.constant 0 : i32
        %dma_start3A_320 = arith.constant 0 : i32
        %dma_start3A_321 = tpu.memref_slice %arg8[%dma_start3A_318, %dma_start3A_319, %dma_start3A_320] : memref<5x128x48xf32, #tpu.memory_space<vmem>> -> memref<1x128x48xf32, #tpu.memory_space<vmem>>
        %dma_start3A_322 = tpu.memref_squeeze %dma_start3A_321 : memref<1x128x48xf32, #tpu.memory_space<vmem>> -> memref<128x48xf32, #tpu.memory_space<vmem>>
        %dma_start3A_323 = arith.constant 0 : i32
        %dma_start3A_324 = tpu.memref_slice %arg6[%add3A_278, %dma_start3A_323] : memref<80x128xi32, #tpu.memory_space<vmem>> -> memref<1x128xi32, #tpu.memory_space<vmem>>
        %dma_start3A_325 = tpu.memref_squeeze %dma_start3A_324 : memref<1x128xi32, #tpu.memory_space<vmem>> -> memref<128xi32, #tpu.memory_space<vmem>>
        %dma_start3A_326 = arith.constant 0 : i32
        %dma_start3A_327 = arith.constant 0 : i32
        %dma_start3A_328 = tpu.memref_slice %arg2[%dma_start3A_326, %dma_start3A_327] : memref<10000x48xf32, #tpu.memory_space<hbm>> -> memref<10000x48xf32, #tpu.memory_space<hbm>>
        tpu.enqueue_indirect_dma source(%dma_start3A_328 : memref<10000x48xf32, #tpu.memory_space<hbm>>) target(%dma_start3A_322 : memref<128x48xf32, #tpu.memory_space<vmem>>) offsets(%dma_start3A_325 : memref<128xi32, #tpu.memory_space<vmem>>) semaphore(%arg11 : memref<!tpu.dma_semaphore, #tpu.memory_space<semaphore_mem>>)
      } else {
      }
      %add3A_281 = arith.constant 5 : i32
      %add3A_282 = arith.addi %mul3A_90, %add3A_281 : i32
      %add3A_283 = arith.constant 1 : i32
      %add3A_284 = arith.addi %add3A_282, %add3A_283 : i32
      %lt3A_285 = arith.constant 80 : i32
      %lt3A_286 = arith.cmpi slt, %add3A_284, %lt3A_285 : i32
      %convert_element_type3A_287 = arith.extui %lt3A_286 : i1 to i32
      %cond3A_288 = arith.constant 0 : i32
      %cond3A_289 = arith.cmpi ne, %convert_element_type3A_287, %cond3A_288 : i32
      scf.if %cond3A_289 {
        %dma_start3A_318 = arith.constant 1 : i32
        %dma_start3A_319 = arith.constant 0 : i32
        %dma_start3A_320 = arith.constant 0 : i32
        %dma_start3A_321 = tpu.memref_slice %arg8[%dma_start3A_318, %dma_start3A_319, %dma_start3A_320] : memref<5x128x48xf32, #tpu.memory_space<vmem>> -> memref<1x128x48xf32, #tpu.memory_space<vmem>>
        %dma_start3A_322 = tpu.memref_squeeze %dma_start3A_321 : memref<1x128x48xf32, #tpu.memory_space<vmem>> -> memref<128x48xf32, #tpu.memory_space<vmem>>
        %dma_start3A_323 = arith.constant 0 : i32
        %dma_start3A_324 = tpu.memref_slice %arg6[%add3A_284, %dma_start3A_323] : memref<80x128xi32, #tpu.memory_space<vmem>> -> memref<1x128xi32, #tpu.memory_space<vmem>>
        %dma_start3A_325 = tpu.memref_squeeze %dma_start3A_324 : memref<1x128xi32, #tpu.memory_space<vmem>> -> memref<128xi32, #tpu.memory_space<vmem>>
        %dma_start3A_326 = arith.constant 0 : i32
        %dma_start3A_327 = arith.constant 0 : i32
        %dma_start3A_328 = tpu.memref_slice %arg2[%dma_start3A_326, %dma_start3A_327] : memref<10000x48xf32, #tpu.memory_space<hbm>> -> memref<10000x48xf32, #tpu.memory_space<hbm>>
        tpu.enqueue_indirect_dma source(%dma_start3A_328 : memref<10000x48xf32, #tpu.memory_space<hbm>>) target(%dma_start3A_322 : memref<128x48xf32, #tpu.memory_space<vmem>>) offsets(%dma_start3A_325 : memref<128xi32, #tpu.memory_space<vmem>>) semaphore(%arg11 : memref<!tpu.dma_semaphore, #tpu.memory_space<semaphore_mem>>)
      } else {
      }
      %add3A_290 = arith.constant 5 : i32
      %add3A_291 = arith.addi %mul3A_90, %add3A_290 : i32
      %add3A_292 = arith.constant 2 : i32
      %add3A_293 = arith.addi %add3A_291, %add3A_292 : i32
      %lt3A_294 = arith.constant 80 : i32
      %lt3A_295 = arith.cmpi slt, %add3A_293, %lt3A_294 : i32
      %convert_element_type3A_296 = arith.extui %lt3A_295 : i1 to i32
      %cond3A_297 = arith.constant 0 : i32
      %cond3A_298 = arith.cmpi ne, %convert_element_type3A_296, %cond3A_297 : i32
      scf.if %cond3A_298 {
        %dma_start3A_318 = arith.constant 2 : i32
        %dma_start3A_319 = arith.constant 0 : i32
        %dma_start3A_320 = arith.constant 0 : i32
        %dma_start3A_321 = tpu.memref_slice %arg8[%dma_start3A_318, %dma_start3A_319, %dma_start3A_320] : memref<5x128x48xf32, #tpu.memory_space<vmem>> -> memref<1x128x48xf32, #tpu.memory_space<vmem>>
        %dma_start3A_322 = tpu.memref_squeeze %dma_start3A_321 : memref<1x128x48xf32, #tpu.memory_space<vmem>> -> memref<128x48xf32, #tpu.memory_space<vmem>>
        %dma_start3A_323 = arith.constant 0 : i32
        %dma_start3A_324 = tpu.memref_slice %arg6[%add3A_293, %dma_start3A_323] : memref<80x128xi32, #tpu.memory_space<vmem>> -> memref<1x128xi32, #tpu.memory_space<vmem>>
        %dma_start3A_325 = tpu.memref_squeeze %dma_start3A_324 : memref<1x128xi32, #tpu.memory_space<vmem>> -> memref<128xi32, #tpu.memory_space<vmem>>
        %dma_start3A_326 = arith.constant 0 : i32
        %dma_start3A_327 = arith.constant 0 : i32
        %dma_start3A_328 = tpu.memref_slice %arg2[%dma_start3A_326, %dma_start3A_327] : memref<10000x48xf32, #tpu.memory_space<hbm>> -> memref<10000x48xf32, #tpu.memory_space<hbm>>
        tpu.enqueue_indirect_dma source(%dma_start3A_328 : memref<10000x48xf32, #tpu.memory_space<hbm>>) target(%dma_start3A_322 : memref<128x48xf32, #tpu.memory_space<vmem>>) offsets(%dma_start3A_325 : memref<128xi32, #tpu.memory_space<vmem>>) semaphore(%arg11 : memref<!tpu.dma_semaphore, #tpu.memory_space<semaphore_mem>>)
      } else {
      }
      %add3A_299 = arith.constant 5 : i32
      %add3A_300 = arith.addi %mul3A_90, %add3A_299 : i32
      %add3A_301 = arith.constant 3 : i32
      %add3A_302 = arith.addi %add3A_300, %add3A_301 : i32
      %lt3A_303 = arith.constant 80 : i32
      %lt3A_304 = arith.cmpi slt, %add3A_302, %lt3A_303 : i32
      %convert_element_type3A_305 = arith.extui %lt3A_304 : i1 to i32
      %cond3A_306 = arith.constant 0 : i32
      %cond3A_307 = arith.cmpi ne, %convert_element_type3A_305, %cond3A_306 : i32
      scf.if %cond3A_307 {
        %dma_start3A_318 = arith.constant 3 : i32
        %dma_start3A_319 = arith.constant 0 : i32
        %dma_start3A_320 = arith.constant 0 : i32
        %dma_start3A_321 = tpu.memref_slice %arg8[%dma_start3A_318, %dma_start3A_319, %dma_start3A_320] : memref<5x128x48xf32, #tpu.memory_space<vmem>> -> memref<1x128x48xf32, #tpu.memory_space<vmem>>
        %dma_start3A_322 = tpu.memref_squeeze %dma_start3A_321 : memref<1x128x48xf32, #tpu.memory_space<vmem>> -> memref<128x48xf32, #tpu.memory_space<vmem>>
        %dma_start3A_323 = arith.constant 0 : i32
        %dma_start3A_324 = tpu.memref_slice %arg6[%add3A_302, %dma_start3A_323] : memref<80x128xi32, #tpu.memory_space<vmem>> -> memref<1x128xi32, #tpu.memory_space<vmem>>
        %dma_start3A_325 = tpu.memref_squeeze %dma_start3A_324 : memref<1x128xi32, #tpu.memory_space<vmem>> -> memref<128xi32, #tpu.memory_space<vmem>>
        %dma_start3A_326 = arith.constant 0 : i32
        %dma_start3A_327 = arith.constant 0 : i32
        %dma_start3A_328 = tpu.memref_slice %arg2[%dma_start3A_326, %dma_start3A_327] : memref<10000x48xf32, #tpu.memory_space<hbm>> -> memref<10000x48xf32, #tpu.memory_space<hbm>>
        tpu.enqueue_indirect_dma source(%dma_start3A_328 : memref<10000x48xf32, #tpu.memory_space<hbm>>) target(%dma_start3A_322 : memref<128x48xf32, #tpu.memory_space<vmem>>) offsets(%dma_start3A_325 : memref<128xi32, #tpu.memory_space<vmem>>) semaphore(%arg11 : memref<!tpu.dma_semaphore, #tpu.memory_space<semaphore_mem>>)
      } else {
      }
      %add3A_308 = arith.constant 5 : i32
      %add3A_309 = arith.addi %mul3A_90, %add3A_308 : i32
      %add3A_310 = arith.constant 4 : i32
      %add3A_311 = arith.addi %add3A_309, %add3A_310 : i32
      %lt3A_312 = arith.constant 80 : i32
      %lt3A_313 = arith.cmpi slt, %add3A_311, %lt3A_312 : i32
      %convert_element_type3A_314 = arith.extui %lt3A_313 : i1 to i32
      %cond3A_315 = arith.constant 0 : i32
      %cond3A_316 = arith.cmpi ne, %convert_element_type3A_314, %cond3A_315 : i32
      scf.if %cond3A_316 {
        %dma_start3A_318 = arith.constant 4 : i32
        %dma_start3A_319 = arith.constant 0 : i32
        %dma_start3A_320 = arith.constant 0 : i32
        %dma_start3A_321 = tpu.memref_slice %arg8[%dma_start3A_318, %dma_start3A_319, %dma_start3A_320] : memref<5x128x48xf32, #tpu.memory_space<vmem>> -> memref<1x128x48xf32, #tpu.memory_space<vmem>>
        %dma_start3A_322 = tpu.memref_squeeze %dma_start3A_321 : memref<1x128x48xf32, #tpu.memory_space<vmem>> -> memref<128x48xf32, #tpu.memory_space<vmem>>
        %dma_start3A_323 = arith.constant 0 : i32
        %dma_start3A_324 = tpu.memref_slice %arg6[%add3A_311, %dma_start3A_323] : memref<80x128xi32, #tpu.memory_space<vmem>> -> memref<1x128xi32, #tpu.memory_space<vmem>>
        %dma_start3A_325 = tpu.memref_squeeze %dma_start3A_324 : memref<1x128xi32, #tpu.memory_space<vmem>> -> memref<128xi32, #tpu.memory_space<vmem>>
        %dma_start3A_326 = arith.constant 0 : i32
        %dma_start3A_327 = arith.constant 0 : i32
        %dma_start3A_328 = tpu.memref_slice %arg2[%dma_start3A_326, %dma_start3A_327] : memref<10000x48xf32, #tpu.memory_space<hbm>> -> memref<10000x48xf32, #tpu.memory_space<hbm>>
        tpu.enqueue_indirect_dma source(%dma_start3A_328 : memref<10000x48xf32, #tpu.memory_space<hbm>>) target(%dma_start3A_322 : memref<128x48xf32, #tpu.memory_space<vmem>>) offsets(%dma_start3A_325 : memref<128xi32, #tpu.memory_space<vmem>>) semaphore(%arg11 : memref<!tpu.dma_semaphore, #tpu.memory_space<semaphore_mem>>)
      } else {
      }
      %scan3A_317 = arith.constant 0 : i32
      scf.yield %scan3A_317 : i32
    }
    %scan3A_85 = arith.constant 16 : i32
    %barrier3A_86 = arith.constant 0 : index
    tpu.barrier barrier_id(%barrier3A_86)
    "tpu.region"() ({
      %run_scoped3A = tpu.sem_alloc : memref<!tpu.dma_semaphore, #tpu.memory_space<semaphore_mem>>
      %dma_start3A_87 = arith.constant 0 : i32
      %dma_start3A_88 = tpu.memref_slice %arg5[%arg0, %mul3A_0, %dma_start3A_87] : memref<2x10240x48xf32, #tpu.memory_space<hbm>> -> memref<1x640x48xf32, #tpu.memory_space<hbm>>
      %dma_start3A_89 = tpu.memref_squeeze %dma_start3A_88 : memref<1x640x48xf32, #tpu.memory_space<hbm>> -> memref<640x48xf32, #tpu.memory_space<hbm>>
      %dma_start3A_90 = arith.constant 0 : i32
      %dma_start3A_91 = tpu.memref_slice %arg10[%mul3A_0, %dma_start3A_90] : memref<10240x48xf32, #tpu.memory_space<vmem_shared>> -> memref<640x48xf32, #tpu.memory_space<vmem_shared>>
      tpu.enqueue_dma source(%dma_start3A_91 : memref<640x48xf32, #tpu.memory_space<vmem_shared>>) target(%dma_start3A_89 : memref<640x48xf32, #tpu.memory_space<hbm>>) target_semaphore(%run_scoped3A : memref<!tpu.dma_semaphore, #tpu.memory_space<semaphore_mem>>)
      %dma_wait3A = arith.constant 0 : i32
      %dma_wait3A_92 = tpu.memref_slice %arg5[%arg0, %mul3A_0, %dma_wait3A] : memref<2x10240x48xf32, #tpu.memory_space<hbm>> -> memref<1x640x48xf32, #tpu.memory_space<hbm>>
      %dma_wait3A_93 = tpu.memref_squeeze %dma_wait3A_92 : memref<1x640x48xf32, #tpu.memory_space<hbm>> -> memref<640x48xf32, #tpu.memory_space<hbm>>
      %dma_wait3A_94 = arith.constant 0 : i32
      %dma_wait3A_95 = tpu.memref_slice %arg10[%mul3A_0, %dma_wait3A_94] : memref<10240x48xf32, #tpu.memory_space<vmem_shared>> -> memref<640x48xf32, #tpu.memory_space<vmem_shared>>
      tpu.wait_dma2 semaphore(%run_scoped3A : memref<!tpu.dma_semaphore, #tpu.memory_space<semaphore_mem>>) src(%dma_wait3A_95 : memref<640x48xf32, #tpu.memory_space<vmem_shared>>) dst(%dma_wait3A_93 : memref<640x48xf32, #tpu.memory_space<hbm>>)
      tpu.yield
    }) : () -> ()
    return
  }
}

#map = affine_map<(d0, d1) -> (0, 0)>
#map1 = affine_map<(d0, d1) -> (0, 0, 0, 0)>
#map2 = affine_map<(d0, d1) -> (0, 0, 0)>
module attributes {stable_mosaic.version = 14 : i64} {
  func.func @_sc_pass_body(%arg0: i32, %arg1: i32, %arg2: memref<20000x64xf32, #tpu.memory_space<hbm>>, %arg3: memref<2x16x160x128xi32, #tpu.memory_space<hbm>>, %arg4: memref<16x160x128xi32, #tpu.memory_space<hbm>>, %arg5: memref<2x10240x64xf32, #tpu.memory_space<hbm>>, %arg6: memref<160x128xi32, #tpu.memory_space<vmem>>, %arg7: memref<160x128xi32, #tpu.memory_space<vmem>>, %arg8: memref<5x128x64xf32, #tpu.memory_space<vmem>>, %arg9: memref<128x64xf32, #tpu.memory_space<vmem>>, %arg10: memref<10240x64xf32, #tpu.memory_space<vmem_shared>>, %arg11: memref<!tpu.dma_semaphore, #tpu.memory_space<semaphore_mem>>, %arg12: memref<!tpu.dma_semaphore, #tpu.memory_space<semaphore_mem>>) attributes {dimension_semantics = [#tpu.dimension_semantics<core_parallel>, #tpu.dimension_semantics<subcore_parallel>], iteration_bounds = array<i64: 2, 16>, scalar_prefetch = 0 : i64, scratch_operands = 7 : i64, tpu.core_type = #tpu.core_type<sc_vector_subcore>, window_params = [{transform_indices = #map}, {transform_indices = #map1}, {transform_indices = #map2}, {transform_indices = #map2}]} {
    %mul3A = arith.constant 640 : i32
    %mul3A_0 = arith.muli %arg1, %mul3A : i32
    %broadcast_in_dim3A = arith.constant 0.000000e+00 : f32
    %broadcast_in_dim3A_1 = vector.broadcast %broadcast_in_dim3A : f32 to vector<16xf32>
    %scan3A = arith.constant 0 : i32
    %scan3A_2 = arith.constant 0 : i32
    %scan3A_3 = arith.constant 128 : i32
    %scan3A_4 = arith.addi %scan3A_2, %scan3A_3 : i32
    %scan3A_5 = arith.constant 1 : i32
    %scan3A_6 = scf.for %scan3A_84 = %scan3A_2 to %scan3A_4 step %scan3A_5 iter_args(%scan3A_85 = %scan3A) -> (i32)  : i32 {
      %swap3A = arith.index_cast %scan3A_84 : i32 to index
      %swap3A_86 = arith.constant 0 : index
      %swap3A_87 = tpu.vector_load %arg9[%swap3A, %swap3A_86] {strides = array<i32>} : memref<128x64xf32, #tpu.memory_space<vmem>>, vector<1x16xf32>,
      %swap3A_88 = vector.shape_cast %swap3A_87 : vector<1x16xf32> to vector<16xf32>
      %swap3A_89 = vector.shape_cast %broadcast_in_dim3A_1 : vector<16xf32> to vector<1x16xf32>
      tpu.vector_store %arg9[%swap3A, %swap3A_86], %swap3A_89 {strides = array<i32>} : memref<128x64xf32, #tpu.memory_space<vmem>>, vector<1x16xf32>,
      %swap3A_90 = arith.index_cast %scan3A_84 : i32 to index
      %swap3A_91 = arith.constant 16 : index
      %swap3A_92 = tpu.vector_load %arg9[%swap3A_90, %swap3A_91] {strides = array<i32>} : memref<128x64xf32, #tpu.memory_space<vmem>>, vector<1x16xf32>,
      %swap3A_93 = vector.shape_cast %swap3A_92 : vector<1x16xf32> to vector<16xf32>
      %swap3A_94 = vector.shape_cast %broadcast_in_dim3A_1 : vector<16xf32> to vector<1x16xf32>
      tpu.vector_store %arg9[%swap3A_90, %swap3A_91], %swap3A_94 {strides = array<i32>} : memref<128x64xf32, #tpu.memory_space<vmem>>, vector<1x16xf32>,
      %swap3A_95 = arith.index_cast %scan3A_84 : i32 to index
      %swap3A_96 = arith.constant 32 : index
      %swap3A_97 = tpu.vector_load %arg9[%swap3A_95, %swap3A_96] {strides = array<i32>} : memref<128x64xf32, #tpu.memory_space<vmem>>, vector<1x16xf32>,
      %swap3A_98 = vector.shape_cast %swap3A_97 : vector<1x16xf32> to vector<16xf32>
      %swap3A_99 = vector.shape_cast %broadcast_in_dim3A_1 : vector<16xf32> to vector<1x16xf32>
      tpu.vector_store %arg9[%swap3A_95, %swap3A_96], %swap3A_99 {strides = array<i32>} : memref<128x64xf32, #tpu.memory_space<vmem>>, vector<1x16xf32>,
      %swap3A_100 = arith.index_cast %scan3A_84 : i32 to index
      %swap3A_101 = arith.constant 48 : index
      %swap3A_102 = tpu.vector_load %arg9[%swap3A_100, %swap3A_101] {strides = array<i32>} : memref<128x64xf32, #tpu.memory_space<vmem>>, vector<1x16xf32>,
      %swap3A_103 = vector.shape_cast %swap3A_102 : vector<1x16xf32> to vector<16xf32>
      %swap3A_104 = vector.shape_cast %broadcast_in_dim3A_1 : vector<16xf32> to vector<1x16xf32>
      tpu.vector_store %arg9[%swap3A_100, %swap3A_101], %swap3A_104 {strides = array<i32>} : memref<128x64xf32, #tpu.memory_space<vmem>>, vector<1x16xf32>,
      %scan3A_105 = arith.constant 0 : i32
      scf.yield %scan3A_105 : i32
    }
    %scan3A_7 = arith.constant 128 : i32
    %add3A = arith.constant 0 : i32
    %add3A_8 = arith.addi %mul3A_0, %add3A : i32
    "tpu.region"() ({
      %run_scoped3A = tpu.sem_alloc : memref<!tpu.dma_semaphore, #tpu.memory_space<semaphore_mem>>
      %dma_start3A_84 = arith.constant 0 : i32
      %dma_start3A_85 = tpu.memref_slice %arg10[%add3A_8, %dma_start3A_84] : memref<10240x64xf32, #tpu.memory_space<vmem_shared>> -> memref<128x64xf32, #tpu.memory_space<vmem_shared>>
      %dma_start3A_86 = arith.constant 0 : i32
      %dma_start3A_87 = tpu.memref_slice %arg10[%add3A_8, %dma_start3A_86] : memref<10240x64xf32, #tpu.memory_space<vmem_shared>> -> memref<128x64xf32, #tpu.memory_space<vmem_shared>>
      tpu.enqueue_dma source(%arg9 : memref<128x64xf32, #tpu.memory_space<vmem>>) target(%dma_start3A_87 : memref<128x64xf32, #tpu.memory_space<vmem_shared>>) target_semaphore(%run_scoped3A : memref<!tpu.dma_semaphore, #tpu.memory_space<semaphore_mem>>)
      %dma_wait3A = arith.constant 0 : i32
      %dma_wait3A_88 = tpu.memref_slice %arg10[%add3A_8, %dma_wait3A] : memref<10240x64xf32, #tpu.memory_space<vmem_shared>> -> memref<128x64xf32, #tpu.memory_space<vmem_shared>>
      %dma_wait3A_89 = arith.constant 0 : i32
      %dma_wait3A_90 = tpu.memref_slice %arg10[%add3A_8, %dma_wait3A_89] : memref<10240x64xf32, #tpu.memory_space<vmem_shared>> -> memref<128x64xf32, #tpu.memory_space<vmem_shared>>
      tpu.wait_dma2 semaphore(%run_scoped3A : memref<!tpu.dma_semaphore, #tpu.memory_space<semaphore_mem>>) src(%arg9 : memref<128x64xf32, #tpu.memory_space<vmem>>) dst(%dma_wait3A_90 : memref<128x64xf32, #tpu.memory_space<vmem_shared>>)
      tpu.yield
    }) : () -> ()
    %add3A_9 = arith.constant 128 : i32
    %add3A_10 = arith.addi %mul3A_0, %add3A_9 : i32
    "tpu.region"() ({
      %run_scoped3A = tpu.sem_alloc : memref<!tpu.dma_semaphore, #tpu.memory_space<semaphore_mem>>
      %dma_start3A_84 = arith.constant 0 : i32
      %dma_start3A_85 = tpu.memref_slice %arg10[%add3A_10, %dma_start3A_84] : memref<10240x64xf32, #tpu.memory_space<vmem_shared>> -> memref<128x64xf32, #tpu.memory_space<vmem_shared>>
      %dma_start3A_86 = arith.constant 0 : i32
      %dma_start3A_87 = tpu.memref_slice %arg10[%add3A_10, %dma_start3A_86] : memref<10240x64xf32, #tpu.memory_space<vmem_shared>> -> memref<128x64xf32, #tpu.memory_space<vmem_shared>>
      tpu.enqueue_dma source(%arg9 : memref<128x64xf32, #tpu.memory_space<vmem>>) target(%dma_start3A_87 : memref<128x64xf32, #tpu.memory_space<vmem_shared>>) target_semaphore(%run_scoped3A : memref<!tpu.dma_semaphore, #tpu.memory_space<semaphore_mem>>)
      %dma_wait3A = arith.constant 0 : i32
      %dma_wait3A_88 = tpu.memref_slice %arg10[%add3A_10, %dma_wait3A] : memref<10240x64xf32, #tpu.memory_space<vmem_shared>> -> memref<128x64xf32, #tpu.memory_space<vmem_shared>>
      %dma_wait3A_89 = arith.constant 0 : i32
      %dma_wait3A_90 = tpu.memref_slice %arg10[%add3A_10, %dma_wait3A_89] : memref<10240x64xf32, #tpu.memory_space<vmem_shared>> -> memref<128x64xf32, #tpu.memory_space<vmem_shared>>
      tpu.wait_dma2 semaphore(%run_scoped3A : memref<!tpu.dma_semaphore, #tpu.memory_space<semaphore_mem>>) src(%arg9 : memref<128x64xf32, #tpu.memory_space<vmem>>) dst(%dma_wait3A_90 : memref<128x64xf32, #tpu.memory_space<vmem_shared>>)
      tpu.yield
    }) : () -> ()
    %add3A_11 = arith.constant 256 : i32
    %add3A_12 = arith.addi %mul3A_0, %add3A_11 : i32
    "tpu.region"() ({
      %run_scoped3A = tpu.sem_alloc : memref<!tpu.dma_semaphore, #tpu.memory_space<semaphore_mem>>
      %dma_start3A_84 = arith.constant 0 : i32
      %dma_start3A_85 = tpu.memref_slice %arg10[%add3A_12, %dma_start3A_84] : memref<10240x64xf32, #tpu.memory_space<vmem_shared>> -> memref<128x64xf32, #tpu.memory_space<vmem_shared>>
      %dma_start3A_86 = arith.constant 0 : i32
      %dma_start3A_87 = tpu.memref_slice %arg10[%add3A_12, %dma_start3A_86] : memref<10240x64xf32, #tpu.memory_space<vmem_shared>> -> memref<128x64xf32, #tpu.memory_space<vmem_shared>>
      tpu.enqueue_dma source(%arg9 : memref<128x64xf32, #tpu.memory_space<vmem>>) target(%dma_start3A_87 : memref<128x64xf32, #tpu.memory_space<vmem_shared>>) target_semaphore(%run_scoped3A : memref<!tpu.dma_semaphore, #tpu.memory_space<semaphore_mem>>)
      %dma_wait3A = arith.constant 0 : i32
      %dma_wait3A_88 = tpu.memref_slice %arg10[%add3A_12, %dma_wait3A] : memref<10240x64xf32, #tpu.memory_space<vmem_shared>> -> memref<128x64xf32, #tpu.memory_space<vmem_shared>>
      %dma_wait3A_89 = arith.constant 0 : i32
      %dma_wait3A_90 = tpu.memref_slice %arg10[%add3A_12, %dma_wait3A_89] : memref<10240x64xf32, #tpu.memory_space<vmem_shared>> -> memref<128x64xf32, #tpu.memory_space<vmem_shared>>
      tpu.wait_dma2 semaphore(%run_scoped3A : memref<!tpu.dma_semaphore, #tpu.memory_space<semaphore_mem>>) src(%arg9 : memref<128x64xf32, #tpu.memory_space<vmem>>) dst(%dma_wait3A_90 : memref<128x64xf32, #tpu.memory_space<vmem_shared>>)
      tpu.yield
    }) : () -> ()
    %add3A_13 = arith.constant 384 : i32
    %add3A_14 = arith.addi %mul3A_0, %add3A_13 : i32
    "tpu.region"() ({
      %run_scoped3A = tpu.sem_alloc : memref<!tpu.dma_semaphore, #tpu.memory_space<semaphore_mem>>
      %dma_start3A_84 = arith.constant 0 : i32
      %dma_start3A_85 = tpu.memref_slice %arg10[%add3A_14, %dma_start3A_84] : memref<10240x64xf32, #tpu.memory_space<vmem_shared>> -> memref<128x64xf32, #tpu.memory_space<vmem_shared>>
      %dma_start3A_86 = arith.constant 0 : i32
      %dma_start3A_87 = tpu.memref_slice %arg10[%add3A_14, %dma_start3A_86] : memref<10240x64xf32, #tpu.memory_space<vmem_shared>> -> memref<128x64xf32, #tpu.memory_space<vmem_shared>>
      tpu.enqueue_dma source(%arg9 : memref<128x64xf32, #tpu.memory_space<vmem>>) target(%dma_start3A_87 : memref<128x64xf32, #tpu.memory_space<vmem_shared>>) target_semaphore(%run_scoped3A : memref<!tpu.dma_semaphore, #tpu.memory_space<semaphore_mem>>)
      %dma_wait3A = arith.constant 0 : i32
      %dma_wait3A_88 = tpu.memref_slice %arg10[%add3A_14, %dma_wait3A] : memref<10240x64xf32, #tpu.memory_space<vmem_shared>> -> memref<128x64xf32, #tpu.memory_space<vmem_shared>>
      %dma_wait3A_89 = arith.constant 0 : i32
      %dma_wait3A_90 = tpu.memref_slice %arg10[%add3A_14, %dma_wait3A_89] : memref<10240x64xf32, #tpu.memory_space<vmem_shared>> -> memref<128x64xf32, #tpu.memory_space<vmem_shared>>
      tpu.wait_dma2 semaphore(%run_scoped3A : memref<!tpu.dma_semaphore, #tpu.memory_space<semaphore_mem>>) src(%arg9 : memref<128x64xf32, #tpu.memory_space<vmem>>) dst(%dma_wait3A_90 : memref<128x64xf32, #tpu.memory_space<vmem_shared>>)
      tpu.yield
    }) : () -> ()
    %add3A_15 = arith.constant 512 : i32
    %add3A_16 = arith.addi %mul3A_0, %add3A_15 : i32
    "tpu.region"() ({
      %run_scoped3A = tpu.sem_alloc : memref<!tpu.dma_semaphore, #tpu.memory_space<semaphore_mem>>
      %dma_start3A_84 = arith.constant 0 : i32
      %dma_start3A_85 = tpu.memref_slice %arg10[%add3A_16, %dma_start3A_84] : memref<10240x64xf32, #tpu.memory_space<vmem_shared>> -> memref<128x64xf32, #tpu.memory_space<vmem_shared>>
      %dma_start3A_86 = arith.constant 0 : i32
      %dma_start3A_87 = tpu.memref_slice %arg10[%add3A_16, %dma_start3A_86] : memref<10240x64xf32, #tpu.memory_space<vmem_shared>> -> memref<128x64xf32, #tpu.memory_space<vmem_shared>>
      tpu.enqueue_dma source(%arg9 : memref<128x64xf32, #tpu.memory_space<vmem>>) target(%dma_start3A_87 : memref<128x64xf32, #tpu.memory_space<vmem_shared>>) target_semaphore(%run_scoped3A : memref<!tpu.dma_semaphore, #tpu.memory_space<semaphore_mem>>)
      %dma_wait3A = arith.constant 0 : i32
      %dma_wait3A_88 = tpu.memref_slice %arg10[%add3A_16, %dma_wait3A] : memref<10240x64xf32, #tpu.memory_space<vmem_shared>> -> memref<128x64xf32, #tpu.memory_space<vmem_shared>>
      %dma_wait3A_89 = arith.constant 0 : i32
      %dma_wait3A_90 = tpu.memref_slice %arg10[%add3A_16, %dma_wait3A_89] : memref<10240x64xf32, #tpu.memory_space<vmem_shared>> -> memref<128x64xf32, #tpu.memory_space<vmem_shared>>
      tpu.wait_dma2 semaphore(%run_scoped3A : memref<!tpu.dma_semaphore, #tpu.memory_space<semaphore_mem>>) src(%arg9 : memref<128x64xf32, #tpu.memory_space<vmem>>) dst(%dma_wait3A_90 : memref<128x64xf32, #tpu.memory_space<vmem_shared>>)
      tpu.yield
    }) : () -> ()
    "tpu.region"() ({
      %run_scoped3A = tpu.sem_alloc : memref<!tpu.dma_semaphore, #tpu.memory_space<semaphore_mem>>
      %dma_start3A_84 = arith.constant 0 : i32
      %dma_start3A_85 = arith.constant 0 : i32
      %dma_start3A_86 = tpu.memref_slice %arg3[%arg0, %arg1, %dma_start3A_84, %dma_start3A_85] : memref<2x16x160x128xi32, #tpu.memory_space<hbm>> -> memref<1x1x160x128xi32, #tpu.memory_space<hbm>>
      %dma_start3A_87 = tpu.memref_squeeze %dma_start3A_86 : memref<1x1x160x128xi32, #tpu.memory_space<hbm>> -> memref<160x128xi32, #tpu.memory_space<hbm>>
      %dma_start3A_88 = arith.constant 0 : i32
      %dma_start3A_89 = arith.constant 0 : i32
      %dma_start3A_90 = tpu.memref_slice %arg3[%arg0, %arg1, %dma_start3A_88, %dma_start3A_89] : memref<2x16x160x128xi32, #tpu.memory_space<hbm>> -> memref<1x1x160x128xi32, #tpu.memory_space<hbm>>
      %dma_start3A_91 = tpu.memref_squeeze %dma_start3A_90 : memref<1x1x160x128xi32, #tpu.memory_space<hbm>> -> memref<160x128xi32, #tpu.memory_space<hbm>>
      tpu.enqueue_dma source(%dma_start3A_91 : memref<160x128xi32, #tpu.memory_space<hbm>>) target(%arg6 : memref<160x128xi32, #tpu.memory_space<vmem>>) target_semaphore(%run_scoped3A : memref<!tpu.dma_semaphore, #tpu.memory_space<semaphore_mem>>)
      %dma_wait3A = arith.constant 0 : i32
      %dma_wait3A_92 = arith.constant 0 : i32
      %dma_wait3A_93 = tpu.memref_slice %arg3[%arg0, %arg1, %dma_wait3A, %dma_wait3A_92] : memref<2x16x160x128xi32, #tpu.memory_space<hbm>> -> memref<1x1x160x128xi32, #tpu.memory_space<hbm>>
      %dma_wait3A_94 = tpu.memref_squeeze %dma_wait3A_93 : memref<1x1x160x128xi32, #tpu.memory_space<hbm>> -> memref<160x128xi32, #tpu.memory_space<hbm>>
      %dma_wait3A_95 = arith.constant 0 : i32
      %dma_wait3A_96 = arith.constant 0 : i32
      %dma_wait3A_97 = tpu.memref_slice %arg3[%arg0, %arg1, %dma_wait3A_95, %dma_wait3A_96] : memref<2x16x160x128xi32, #tpu.memory_space<hbm>> -> memref<1x1x160x128xi32, #tpu.memory_space<hbm>>
      %dma_wait3A_98 = tpu.memref_squeeze %dma_wait3A_97 : memref<1x1x160x128xi32, #tpu.memory_space<hbm>> -> memref<160x128xi32, #tpu.memory_space<hbm>>
      tpu.wait_dma2 semaphore(%run_scoped3A : memref<!tpu.dma_semaphore, #tpu.memory_space<semaphore_mem>>) src(%dma_wait3A_98 : memref<160x128xi32, #tpu.memory_space<hbm>>) dst(%arg6 : memref<160x128xi32, #tpu.memory_space<vmem>>)
      tpu.yield
    }) : () -> ()
    "tpu.region"() ({
      %run_scoped3A = tpu.sem_alloc : memref<!tpu.dma_semaphore, #tpu.memory_space<semaphore_mem>>
      %dma_start3A_84 = arith.constant 0 : i32
      %dma_start3A_85 = arith.constant 0 : i32
      %dma_start3A_86 = tpu.memref_slice %arg4[%arg1, %dma_start3A_84, %dma_start3A_85] : memref<16x160x128xi32, #tpu.memory_space<hbm>> -> memref<1x160x128xi32, #tpu.memory_space<hbm>>
      %dma_start3A_87 = tpu.memref_squeeze %dma_start3A_86 : memref<1x160x128xi32, #tpu.memory_space<hbm>> -> memref<160x128xi32, #tpu.memory_space<hbm>>
      %dma_start3A_88 = arith.constant 0 : i32
      %dma_start3A_89 = arith.constant 0 : i32
      %dma_start3A_90 = tpu.memref_slice %arg4[%arg1, %dma_start3A_88, %dma_start3A_89] : memref<16x160x128xi32, #tpu.memory_space<hbm>> -> memref<1x160x128xi32, #tpu.memory_space<hbm>>
      %dma_start3A_91 = tpu.memref_squeeze %dma_start3A_90 : memref<1x160x128xi32, #tpu.memory_space<hbm>> -> memref<160x128xi32, #tpu.memory_space<hbm>>
      tpu.enqueue_dma source(%dma_start3A_91 : memref<160x128xi32, #tpu.memory_space<hbm>>) target(%arg7 : memref<160x128xi32, #tpu.memory_space<vmem>>) target_semaphore(%run_scoped3A : memref<!tpu.dma_semaphore, #tpu.memory_space<semaphore_mem>>)
      %dma_wait3A = arith.constant 0 : i32
      %dma_wait3A_92 = arith.constant 0 : i32
      %dma_wait3A_93 = tpu.memref_slice %arg4[%arg1, %dma_wait3A, %dma_wait3A_92] : memref<16x160x128xi32, #tpu.memory_space<hbm>> -> memref<1x160x128xi32, #tpu.memory_space<hbm>>
      %dma_wait3A_94 = tpu.memref_squeeze %dma_wait3A_93 : memref<1x160x128xi32, #tpu.memory_space<hbm>> -> memref<160x128xi32, #tpu.memory_space<hbm>>
      %dma_wait3A_95 = arith.constant 0 : i32
      %dma_wait3A_96 = arith.constant 0 : i32
      %dma_wait3A_97 = tpu.memref_slice %arg4[%arg1, %dma_wait3A_95, %dma_wait3A_96] : memref<16x160x128xi32, #tpu.memory_space<hbm>> -> memref<1x160x128xi32, #tpu.memory_space<hbm>>
      %dma_wait3A_98 = tpu.memref_squeeze %dma_wait3A_97 : memref<1x160x128xi32, #tpu.memory_space<hbm>> -> memref<160x128xi32, #tpu.memory_space<hbm>>
      tpu.wait_dma2 semaphore(%run_scoped3A : memref<!tpu.dma_semaphore, #tpu.memory_space<semaphore_mem>>) src(%dma_wait3A_98 : memref<160x128xi32, #tpu.memory_space<hbm>>) dst(%arg7 : memref<160x128xi32, #tpu.memory_space<vmem>>)
      tpu.yield
    }) : () -> ()
    %barrier3A = arith.constant 0 : index
    tpu.barrier barrier_id(%barrier3A)
    %dma_start3A = arith.constant 0 : i32
    %dma_start3A_17 = arith.constant 0 : i32
    %dma_start3A_18 = arith.constant 0 : i32
    %dma_start3A_19 = arith.constant 0 : i32
    %dma_start3A_20 = tpu.memref_slice %arg8[%dma_start3A_17, %dma_start3A_18, %dma_start3A_19] : memref<5x128x64xf32, #tpu.memory_space<vmem>> -> memref<1x128x64xf32, #tpu.memory_space<vmem>>
    %dma_start3A_21 = tpu.memref_squeeze %dma_start3A_20 : memref<1x128x64xf32, #tpu.memory_space<vmem>> -> memref<128x64xf32, #tpu.memory_space<vmem>>
    %dma_start3A_22 = arith.constant 0 : i32
    %dma_start3A_23 = tpu.memref_slice %arg6[%dma_start3A, %dma_start3A_22] : memref<160x128xi32, #tpu.memory_space<vmem>> -> memref<1x128xi32, #tpu.memory_space<vmem>>
    %dma_start3A_24 = tpu.memref_squeeze %dma_start3A_23 : memref<1x128xi32, #tpu.memory_space<vmem>> -> memref<128xi32, #tpu.memory_space<vmem>>
    %dma_start3A_25 = arith.constant 0 : i32
    %dma_start3A_26 = arith.constant 0 : i32
    %dma_start3A_27 = tpu.memref_slice %arg2[%dma_start3A_25, %dma_start3A_26] : memref<20000x64xf32, #tpu.memory_space<hbm>> -> memref<20000x64xf32, #tpu.memory_space<hbm>>
    tpu.enqueue_indirect_dma source(%dma_start3A_27 : memref<20000x64xf32, #tpu.memory_space<hbm>>) target(%dma_start3A_21 : memref<128x64xf32, #tpu.memory_space<vmem>>) offsets(%dma_start3A_24 : memref<128xi32, #tpu.memory_space<vmem>>) semaphore(%arg11 : memref<!tpu.dma_semaphore, #tpu.memory_space<semaphore_mem>>)
    %dma_start3A_28 = arith.constant 1 : i32
    %dma_start3A_29 = arith.constant 1 : i32
    %dma_start3A_30 = arith.constant 0 : i32
    %dma_start3A_31 = arith.constant 0 : i32
    %dma_start3A_32 = tpu.memref_slice %arg8[%dma_start3A_29, %dma_start3A_30, %dma_start3A_31] : memref<5x128x64xf32, #tpu.memory_space<vmem>> -> memref<1x128x64xf32, #tpu.memory_space<vmem>>
    %dma_start3A_33 = tpu.memref_squeeze %dma_start3A_32 : memref<1x128x64xf32, #tpu.memory_space<vmem>> -> memref<128x64xf32, #tpu.memory_space<vmem>>
    %dma_start3A_34 = arith.constant 0 : i32
    %dma_start3A_35 = tpu.memref_slice %arg6[%dma_start3A_28, %dma_start3A_34] : memref<160x128xi32, #tpu.memory_space<vmem>> -> memref<1x128xi32, #tpu.memory_space<vmem>>
    %dma_start3A_36 = tpu.memref_squeeze %dma_start3A_35 : memref<1x128xi32, #tpu.memory_space<vmem>> -> memref<128xi32, #tpu.memory_space<vmem>>
    %dma_start3A_37 = arith.constant 0 : i32
    %dma_start3A_38 = arith.constant 0 : i32
    %dma_start3A_39 = tpu.memref_slice %arg2[%dma_start3A_37, %dma_start3A_38] : memref<20000x64xf32, #tpu.memory_space<hbm>> -> memref<20000x64xf32, #tpu.memory_space<hbm>>
    tpu.enqueue_indirect_dma source(%dma_start3A_39 : memref<20000x64xf32, #tpu.memory_space<hbm>>) target(%dma_start3A_33 : memref<128x64xf32, #tpu.memory_space<vmem>>) offsets(%dma_start3A_36 : memref<128xi32, #tpu.memory_space<vmem>>) semaphore(%arg11 : memref<!tpu.dma_semaphore, #tpu.memory_space<semaphore_mem>>)
    %dma_start3A_40 = arith.constant 2 : i32
    %dma_start3A_41 = arith.constant 2 : i32
    %dma_start3A_42 = arith.constant 0 : i32
    %dma_start3A_43 = arith.constant 0 : i32
    %dma_start3A_44 = tpu.memref_slice %arg8[%dma_start3A_41, %dma_start3A_42, %dma_start3A_43] : memref<5x128x64xf32, #tpu.memory_space<vmem>> -> memref<1x128x64xf32, #tpu.memory_space<vmem>>
    %dma_start3A_45 = tpu.memref_squeeze %dma_start3A_44 : memref<1x128x64xf32, #tpu.memory_space<vmem>> -> memref<128x64xf32, #tpu.memory_space<vmem>>
    %dma_start3A_46 = arith.constant 0 : i32
    %dma_start3A_47 = tpu.memref_slice %arg6[%dma_start3A_40, %dma_start3A_46] : memref<160x128xi32, #tpu.memory_space<vmem>> -> memref<1x128xi32, #tpu.memory_space<vmem>>
    %dma_start3A_48 = tpu.memref_squeeze %dma_start3A_47 : memref<1x128xi32, #tpu.memory_space<vmem>> -> memref<128xi32, #tpu.memory_space<vmem>>
    %dma_start3A_49 = arith.constant 0 : i32
    %dma_start3A_50 = arith.constant 0 : i32
    %dma_start3A_51 = tpu.memref_slice %arg2[%dma_start3A_49, %dma_start3A_50] : memref<20000x64xf32, #tpu.memory_space<hbm>> -> memref<20000x64xf32, #tpu.memory_space<hbm>>
    tpu.enqueue_indirect_dma source(%dma_start3A_51 : memref<20000x64xf32, #tpu.memory_space<hbm>>) target(%dma_start3A_45 : memref<128x64xf32, #tpu.memory_space<vmem>>) offsets(%dma_start3A_48 : memref<128xi32, #tpu.memory_space<vmem>>) semaphore(%arg11 : memref<!tpu.dma_semaphore, #tpu.memory_space<semaphore_mem>>)
    %dma_start3A_52 = arith.constant 3 : i32
    %dma_start3A_53 = arith.constant 3 : i32
    %dma_start3A_54 = arith.constant 0 : i32
    %dma_start3A_55 = arith.constant 0 : i32
    %dma_start3A_56 = tpu.memref_slice %arg8[%dma_start3A_53, %dma_start3A_54, %dma_start3A_55] : memref<5x128x64xf32, #tpu.memory_space<vmem>> -> memref<1x128x64xf32, #tpu.memory_space<vmem>>
    %dma_start3A_57 = tpu.memref_squeeze %dma_start3A_56 : memref<1x128x64xf32, #tpu.memory_space<vmem>> -> memref<128x64xf32, #tpu.memory_space<vmem>>
    %dma_start3A_58 = arith.constant 0 : i32
    %dma_start3A_59 = tpu.memref_slice %arg6[%dma_start3A_52, %dma_start3A_58] : memref<160x128xi32, #tpu.memory_space<vmem>> -> memref<1x128xi32, #tpu.memory_space<vmem>>
    %dma_start3A_60 = tpu.memref_squeeze %dma_start3A_59 : memref<1x128xi32, #tpu.memory_space<vmem>> -> memref<128xi32, #tpu.memory_space<vmem>>
    %dma_start3A_61 = arith.constant 0 : i32
    %dma_start3A_62 = arith.constant 0 : i32
    %dma_start3A_63 = tpu.memref_slice %arg2[%dma_start3A_61, %dma_start3A_62] : memref<20000x64xf32, #tpu.memory_space<hbm>> -> memref<20000x64xf32, #tpu.memory_space<hbm>>
    tpu.enqueue_indirect_dma source(%dma_start3A_63 : memref<20000x64xf32, #tpu.memory_space<hbm>>) target(%dma_start3A_57 : memref<128x64xf32, #tpu.memory_space<vmem>>) offsets(%dma_start3A_60 : memref<128xi32, #tpu.memory_space<vmem>>) semaphore(%arg11 : memref<!tpu.dma_semaphore, #tpu.memory_space<semaphore_mem>>)
    %dma_start3A_64 = arith.constant 4 : i32
    %dma_start3A_65 = arith.constant 4 : i32
    %dma_start3A_66 = arith.constant 0 : i32
    %dma_start3A_67 = arith.constant 0 : i32
    %dma_start3A_68 = tpu.memref_slice %arg8[%dma_start3A_65, %dma_start3A_66, %dma_start3A_67] : memref<5x128x64xf32, #tpu.memory_space<vmem>> -> memref<1x128x64xf32, #tpu.memory_space<vmem>>
    %dma_start3A_69 = tpu.memref_squeeze %dma_start3A_68 : memref<1x128x64xf32, #tpu.memory_space<vmem>> -> memref<128x64xf32, #tpu.memory_space<vmem>>
    %dma_start3A_70 = arith.constant 0 : i32
    %dma_start3A_71 = tpu.memref_slice %arg6[%dma_start3A_64, %dma_start3A_70] : memref<160x128xi32, #tpu.memory_space<vmem>> -> memref<1x128xi32, #tpu.memory_space<vmem>>
    %dma_start3A_72 = tpu.memref_squeeze %dma_start3A_71 : memref<1x128xi32, #tpu.memory_space<vmem>> -> memref<128xi32, #tpu.memory_space<vmem>>
    %dma_start3A_73 = arith.constant 0 : i32
    %dma_start3A_74 = arith.constant 0 : i32
    %dma_start3A_75 = tpu.memref_slice %arg2[%dma_start3A_73, %dma_start3A_74] : memref<20000x64xf32, #tpu.memory_space<hbm>> -> memref<20000x64xf32, #tpu.memory_space<hbm>>
    tpu.enqueue_indirect_dma source(%dma_start3A_75 : memref<20000x64xf32, #tpu.memory_space<hbm>>) target(%dma_start3A_69 : memref<128x64xf32, #tpu.memory_space<vmem>>) offsets(%dma_start3A_72 : memref<128xi32, #tpu.memory_space<vmem>>) semaphore(%arg11 : memref<!tpu.dma_semaphore, #tpu.memory_space<semaphore_mem>>)
    %scan3A_76 = arith.constant 0 : i32
    %scan3A_77 = arith.constant 0 : i32
    %scan3A_78 = arith.constant 32 : i32
    %scan3A_79 = arith.addi %scan3A_77, %scan3A_78 : i32
    %scan3A_80 = arith.constant 1 : i32
    %scan3A_81 = scf.for %scan3A_84 = %scan3A_77 to %scan3A_79 step %scan3A_80 iter_args(%scan3A_85 = %scan3A_76) -> (i32)  : i32 {
      %mul3A_86 = arith.constant 5 : i32
      %mul3A_87 = arith.muli %scan3A_84, %mul3A_86 : i32
      %add3A_88 = arith.constant 0 : i32
      %add3A_89 = arith.addi %mul3A_87, %add3A_88 : i32
      %dma_wait3A = arith.constant 0 : i32
      %dma_wait3A_90 = arith.constant 0 : i32
      %dma_wait3A_91 = arith.constant 0 : i32
      %dma_wait3A_92 = tpu.memref_slice %arg8[%dma_wait3A, %dma_wait3A_90, %dma_wait3A_91] : memref<5x128x64xf32, #tpu.memory_space<vmem>> -> memref<1x128x64xf32, #tpu.memory_space<vmem>>
      %dma_wait3A_93 = tpu.memref_squeeze %dma_wait3A_92 : memref<1x128x64xf32, #tpu.memory_space<vmem>> -> memref<128x64xf32, #tpu.memory_space<vmem>>
      %dma_wait3A_94 = arith.constant 0 : i32
      %dma_wait3A_95 = tpu.memref_slice %arg6[%add3A_89, %dma_wait3A_94] : memref<160x128xi32, #tpu.memory_space<vmem>> -> memref<1x128xi32, #tpu.memory_space<vmem>>
      %dma_wait3A_96 = tpu.memref_squeeze %dma_wait3A_95 : memref<1x128xi32, #tpu.memory_space<vmem>> -> memref<128xi32, #tpu.memory_space<vmem>>
      %dma_wait3A_97 = arith.constant 0 : i32
      %dma_wait3A_98 = arith.constant 0 : i32
      %dma_wait3A_99 = tpu.memref_slice %arg2[%dma_wait3A_97, %dma_wait3A_98] : memref<20000x64xf32, #tpu.memory_space<hbm>> -> memref<20000x64xf32, #tpu.memory_space<hbm>>
      tpu.wait_indirect_dma semaphore(%arg11 : memref<!tpu.dma_semaphore, #tpu.memory_space<semaphore_mem>>) src(%dma_wait3A_99 : memref<20000x64xf32, #tpu.memory_space<hbm>>) dst(%dma_wait3A_93 : memref<128x64xf32, #tpu.memory_space<vmem>>)
      %dma_start3A_100 = arith.constant 0 : i32
      %dma_start3A_101 = arith.constant 0 : i32
      %dma_start3A_102 = arith.constant 0 : i32
      %dma_start3A_103 = tpu.memref_slice %arg8[%dma_start3A_100, %dma_start3A_101, %dma_start3A_102] : memref<5x128x64xf32, #tpu.memory_space<vmem>> -> memref<1x128x64xf32, #tpu.memory_space<vmem>>
      %dma_start3A_104 = tpu.memref_squeeze %dma_start3A_103 : memref<1x128x64xf32, #tpu.memory_space<vmem>> -> memref<128x64xf32, #tpu.memory_space<vmem>>
      %dma_start3A_105 = arith.constant 0 : i32
      %dma_start3A_106 = tpu.memref_slice %arg7[%add3A_89, %dma_start3A_105] : memref<160x128xi32, #tpu.memory_space<vmem>> -> memref<1x128xi32, #tpu.memory_space<vmem>>
      %dma_start3A_107 = tpu.memref_squeeze %dma_start3A_106 : memref<1x128xi32, #tpu.memory_space<vmem>> -> memref<128xi32, #tpu.memory_space<vmem>>
      %dma_start3A_108 = arith.constant 0 : i32
      %dma_start3A_109 = arith.constant 0 : i32
      %dma_start3A_110 = tpu.memref_slice %arg10[%dma_start3A_108, %dma_start3A_109] : memref<10240x64xf32, #tpu.memory_space<vmem_shared>> -> memref<10240x64xf32, #tpu.memory_space<vmem_shared>>
      tpu.enqueue_indirect_dma source(%dma_start3A_104 : memref<128x64xf32, #tpu.memory_space<vmem>>) target(%dma_start3A_110 : memref<10240x64xf32, #tpu.memory_space<vmem_shared>>) offsets(%dma_start3A_107 : memref<128xi32, #tpu.memory_space<vmem>>) semaphore(%arg12 : memref<!tpu.dma_semaphore, #tpu.memory_space<semaphore_mem>>) {add = true}
      %add3A_111 = arith.constant 1 : i32
      %add3A_112 = arith.addi %mul3A_87, %add3A_111 : i32
      %dma_wait3A_113 = arith.constant 1 : i32
      %dma_wait3A_114 = arith.constant 0 : i32
      %dma_wait3A_115 = arith.constant 0 : i32
      %dma_wait3A_116 = tpu.memref_slice %arg8[%dma_wait3A_113, %dma_wait3A_114, %dma_wait3A_115] : memref<5x128x64xf32, #tpu.memory_space<vmem>> -> memref<1x128x64xf32, #tpu.memory_space<vmem>>
      %dma_wait3A_117 = tpu.memref_squeeze %dma_wait3A_116 : memref<1x128x64xf32, #tpu.memory_space<vmem>> -> memref<128x64xf32, #tpu.memory_space<vmem>>
      %dma_wait3A_118 = arith.constant 0 : i32
      %dma_wait3A_119 = tpu.memref_slice %arg6[%add3A_112, %dma_wait3A_118] : memref<160x128xi32, #tpu.memory_space<vmem>> -> memref<1x128xi32, #tpu.memory_space<vmem>>
      %dma_wait3A_120 = tpu.memref_squeeze %dma_wait3A_119 : memref<1x128xi32, #tpu.memory_space<vmem>> -> memref<128xi32, #tpu.memory_space<vmem>>
      %dma_wait3A_121 = arith.constant 0 : i32
      %dma_wait3A_122 = arith.constant 0 : i32
      %dma_wait3A_123 = tpu.memref_slice %arg2[%dma_wait3A_121, %dma_wait3A_122] : memref<20000x64xf32, #tpu.memory_space<hbm>> -> memref<20000x64xf32, #tpu.memory_space<hbm>>
      tpu.wait_indirect_dma semaphore(%arg11 : memref<!tpu.dma_semaphore, #tpu.memory_space<semaphore_mem>>) src(%dma_wait3A_123 : memref<20000x64xf32, #tpu.memory_space<hbm>>) dst(%dma_wait3A_117 : memref<128x64xf32, #tpu.memory_space<vmem>>)
      %dma_start3A_124 = arith.constant 1 : i32
      %dma_start3A_125 = arith.constant 0 : i32
      %dma_start3A_126 = arith.constant 0 : i32
      %dma_start3A_127 = tpu.memref_slice %arg8[%dma_start3A_124, %dma_start3A_125, %dma_start3A_126] : memref<5x128x64xf32, #tpu.memory_space<vmem>> -> memref<1x128x64xf32, #tpu.memory_space<vmem>>
      %dma_start3A_128 = tpu.memref_squeeze %dma_start3A_127 : memref<1x128x64xf32, #tpu.memory_space<vmem>> -> memref<128x64xf32, #tpu.memory_space<vmem>>
      %dma_start3A_129 = arith.constant 0 : i32
      %dma_start3A_130 = tpu.memref_slice %arg7[%add3A_112, %dma_start3A_129] : memref<160x128xi32, #tpu.memory_space<vmem>> -> memref<1x128xi32, #tpu.memory_space<vmem>>
      %dma_start3A_131 = tpu.memref_squeeze %dma_start3A_130 : memref<1x128xi32, #tpu.memory_space<vmem>> -> memref<128xi32, #tpu.memory_space<vmem>>
      %dma_start3A_132 = arith.constant 0 : i32
      %dma_start3A_133 = arith.constant 0 : i32
      %dma_start3A_134 = tpu.memref_slice %arg10[%dma_start3A_132, %dma_start3A_133] : memref<10240x64xf32, #tpu.memory_space<vmem_shared>> -> memref<10240x64xf32, #tpu.memory_space<vmem_shared>>
      tpu.enqueue_indirect_dma source(%dma_start3A_128 : memref<128x64xf32, #tpu.memory_space<vmem>>) target(%dma_start3A_134 : memref<10240x64xf32, #tpu.memory_space<vmem_shared>>) offsets(%dma_start3A_131 : memref<128xi32, #tpu.memory_space<vmem>>) semaphore(%arg12 : memref<!tpu.dma_semaphore, #tpu.memory_space<semaphore_mem>>) {add = true}
      %add3A_135 = arith.constant 2 : i32
      %add3A_136 = arith.addi %mul3A_87, %add3A_135 : i32
      %dma_wait3A_137 = arith.constant 2 : i32
      %dma_wait3A_138 = arith.constant 0 : i32
      %dma_wait3A_139 = arith.constant 0 : i32
      %dma_wait3A_140 = tpu.memref_slice %arg8[%dma_wait3A_137, %dma_wait3A_138, %dma_wait3A_139] : memref<5x128x64xf32, #tpu.memory_space<vmem>> -> memref<1x128x64xf32, #tpu.memory_space<vmem>>
      %dma_wait3A_141 = tpu.memref_squeeze %dma_wait3A_140 : memref<1x128x64xf32, #tpu.memory_space<vmem>> -> memref<128x64xf32, #tpu.memory_space<vmem>>
      %dma_wait3A_142 = arith.constant 0 : i32
      %dma_wait3A_143 = tpu.memref_slice %arg6[%add3A_136, %dma_wait3A_142] : memref<160x128xi32, #tpu.memory_space<vmem>> -> memref<1x128xi32, #tpu.memory_space<vmem>>
      %dma_wait3A_144 = tpu.memref_squeeze %dma_wait3A_143 : memref<1x128xi32, #tpu.memory_space<vmem>> -> memref<128xi32, #tpu.memory_space<vmem>>
      %dma_wait3A_145 = arith.constant 0 : i32
      %dma_wait3A_146 = arith.constant 0 : i32
      %dma_wait3A_147 = tpu.memref_slice %arg2[%dma_wait3A_145, %dma_wait3A_146] : memref<20000x64xf32, #tpu.memory_space<hbm>> -> memref<20000x64xf32, #tpu.memory_space<hbm>>
      tpu.wait_indirect_dma semaphore(%arg11 : memref<!tpu.dma_semaphore, #tpu.memory_space<semaphore_mem>>) src(%dma_wait3A_147 : memref<20000x64xf32, #tpu.memory_space<hbm>>) dst(%dma_wait3A_141 : memref<128x64xf32, #tpu.memory_space<vmem>>)
      %dma_start3A_148 = arith.constant 2 : i32
      %dma_start3A_149 = arith.constant 0 : i32
      %dma_start3A_150 = arith.constant 0 : i32
      %dma_start3A_151 = tpu.memref_slice %arg8[%dma_start3A_148, %dma_start3A_149, %dma_start3A_150] : memref<5x128x64xf32, #tpu.memory_space<vmem>> -> memref<1x128x64xf32, #tpu.memory_space<vmem>>
      %dma_start3A_152 = tpu.memref_squeeze %dma_start3A_151 : memref<1x128x64xf32, #tpu.memory_space<vmem>> -> memref<128x64xf32, #tpu.memory_space<vmem>>
      %dma_start3A_153 = arith.constant 0 : i32
      %dma_start3A_154 = tpu.memref_slice %arg7[%add3A_136, %dma_start3A_153] : memref<160x128xi32, #tpu.memory_space<vmem>> -> memref<1x128xi32, #tpu.memory_space<vmem>>
      %dma_start3A_155 = tpu.memref_squeeze %dma_start3A_154 : memref<1x128xi32, #tpu.memory_space<vmem>> -> memref<128xi32, #tpu.memory_space<vmem>>
      %dma_start3A_156 = arith.constant 0 : i32
      %dma_start3A_157 = arith.constant 0 : i32
      %dma_start3A_158 = tpu.memref_slice %arg10[%dma_start3A_156, %dma_start3A_157] : memref<10240x64xf32, #tpu.memory_space<vmem_shared>> -> memref<10240x64xf32, #tpu.memory_space<vmem_shared>>
      tpu.enqueue_indirect_dma source(%dma_start3A_152 : memref<128x64xf32, #tpu.memory_space<vmem>>) target(%dma_start3A_158 : memref<10240x64xf32, #tpu.memory_space<vmem_shared>>) offsets(%dma_start3A_155 : memref<128xi32, #tpu.memory_space<vmem>>) semaphore(%arg12 : memref<!tpu.dma_semaphore, #tpu.memory_space<semaphore_mem>>) {add = true}
      %add3A_159 = arith.constant 3 : i32
      %add3A_160 = arith.addi %mul3A_87, %add3A_159 : i32
      %dma_wait3A_161 = arith.constant 3 : i32
      %dma_wait3A_162 = arith.constant 0 : i32
      %dma_wait3A_163 = arith.constant 0 : i32
      %dma_wait3A_164 = tpu.memref_slice %arg8[%dma_wait3A_161, %dma_wait3A_162, %dma_wait3A_163] : memref<5x128x64xf32, #tpu.memory_space<vmem>> -> memref<1x128x64xf32, #tpu.memory_space<vmem>>
      %dma_wait3A_165 = tpu.memref_squeeze %dma_wait3A_164 : memref<1x128x64xf32, #tpu.memory_space<vmem>> -> memref<128x64xf32, #tpu.memory_space<vmem>>
      %dma_wait3A_166 = arith.constant 0 : i32
      %dma_wait3A_167 = tpu.memref_slice %arg6[%add3A_160, %dma_wait3A_166] : memref<160x128xi32, #tpu.memory_space<vmem>> -> memref<1x128xi32, #tpu.memory_space<vmem>>
      %dma_wait3A_168 = tpu.memref_squeeze %dma_wait3A_167 : memref<1x128xi32, #tpu.memory_space<vmem>> -> memref<128xi32, #tpu.memory_space<vmem>>
      %dma_wait3A_169 = arith.constant 0 : i32
      %dma_wait3A_170 = arith.constant 0 : i32
      %dma_wait3A_171 = tpu.memref_slice %arg2[%dma_wait3A_169, %dma_wait3A_170] : memref<20000x64xf32, #tpu.memory_space<hbm>> -> memref<20000x64xf32, #tpu.memory_space<hbm>>
      tpu.wait_indirect_dma semaphore(%arg11 : memref<!tpu.dma_semaphore, #tpu.memory_space<semaphore_mem>>) src(%dma_wait3A_171 : memref<20000x64xf32, #tpu.memory_space<hbm>>) dst(%dma_wait3A_165 : memref<128x64xf32, #tpu.memory_space<vmem>>)
      %dma_start3A_172 = arith.constant 3 : i32
      %dma_start3A_173 = arith.constant 0 : i32
      %dma_start3A_174 = arith.constant 0 : i32
      %dma_start3A_175 = tpu.memref_slice %arg8[%dma_start3A_172, %dma_start3A_173, %dma_start3A_174] : memref<5x128x64xf32, #tpu.memory_space<vmem>> -> memref<1x128x64xf32, #tpu.memory_space<vmem>>
      %dma_start3A_176 = tpu.memref_squeeze %dma_start3A_175 : memref<1x128x64xf32, #tpu.memory_space<vmem>> -> memref<128x64xf32, #tpu.memory_space<vmem>>
      %dma_start3A_177 = arith.constant 0 : i32
      %dma_start3A_178 = tpu.memref_slice %arg7[%add3A_160, %dma_start3A_177] : memref<160x128xi32, #tpu.memory_space<vmem>> -> memref<1x128xi32, #tpu.memory_space<vmem>>
      %dma_start3A_179 = tpu.memref_squeeze %dma_start3A_178 : memref<1x128xi32, #tpu.memory_space<vmem>> -> memref<128xi32, #tpu.memory_space<vmem>>
      %dma_start3A_180 = arith.constant 0 : i32
      %dma_start3A_181 = arith.constant 0 : i32
      %dma_start3A_182 = tpu.memref_slice %arg10[%dma_start3A_180, %dma_start3A_181] : memref<10240x64xf32, #tpu.memory_space<vmem_shared>> -> memref<10240x64xf32, #tpu.memory_space<vmem_shared>>
      tpu.enqueue_indirect_dma source(%dma_start3A_176 : memref<128x64xf32, #tpu.memory_space<vmem>>) target(%dma_start3A_182 : memref<10240x64xf32, #tpu.memory_space<vmem_shared>>) offsets(%dma_start3A_179 : memref<128xi32, #tpu.memory_space<vmem>>) semaphore(%arg12 : memref<!tpu.dma_semaphore, #tpu.memory_space<semaphore_mem>>) {add = true}
      %add3A_183 = arith.constant 4 : i32
      %add3A_184 = arith.addi %mul3A_87, %add3A_183 : i32
      %dma_wait3A_185 = arith.constant 4 : i32
      %dma_wait3A_186 = arith.constant 0 : i32
      %dma_wait3A_187 = arith.constant 0 : i32
      %dma_wait3A_188 = tpu.memref_slice %arg8[%dma_wait3A_185, %dma_wait3A_186, %dma_wait3A_187] : memref<5x128x64xf32, #tpu.memory_space<vmem>> -> memref<1x128x64xf32, #tpu.memory_space<vmem>>
      %dma_wait3A_189 = tpu.memref_squeeze %dma_wait3A_188 : memref<1x128x64xf32, #tpu.memory_space<vmem>> -> memref<128x64xf32, #tpu.memory_space<vmem>>
      %dma_wait3A_190 = arith.constant 0 : i32
      %dma_wait3A_191 = tpu.memref_slice %arg6[%add3A_184, %dma_wait3A_190] : memref<160x128xi32, #tpu.memory_space<vmem>> -> memref<1x128xi32, #tpu.memory_space<vmem>>
      %dma_wait3A_192 = tpu.memref_squeeze %dma_wait3A_191 : memref<1x128xi32, #tpu.memory_space<vmem>> -> memref<128xi32, #tpu.memory_space<vmem>>
      %dma_wait3A_193 = arith.constant 0 : i32
      %dma_wait3A_194 = arith.constant 0 : i32
      %dma_wait3A_195 = tpu.memref_slice %arg2[%dma_wait3A_193, %dma_wait3A_194] : memref<20000x64xf32, #tpu.memory_space<hbm>> -> memref<20000x64xf32, #tpu.memory_space<hbm>>
      tpu.wait_indirect_dma semaphore(%arg11 : memref<!tpu.dma_semaphore, #tpu.memory_space<semaphore_mem>>) src(%dma_wait3A_195 : memref<20000x64xf32, #tpu.memory_space<hbm>>) dst(%dma_wait3A_189 : memref<128x64xf32, #tpu.memory_space<vmem>>)
      %dma_start3A_196 = arith.constant 4 : i32
      %dma_start3A_197 = arith.constant 0 : i32
      %dma_start3A_198 = arith.constant 0 : i32
      %dma_start3A_199 = tpu.memref_slice %arg8[%dma_start3A_196, %dma_start3A_197, %dma_start3A_198] : memref<5x128x64xf32, #tpu.memory_space<vmem>> -> memref<1x128x64xf32, #tpu.memory_space<vmem>>
      %dma_start3A_200 = tpu.memref_squeeze %dma_start3A_199 : memref<1x128x64xf32, #tpu.memory_space<vmem>> -> memref<128x64xf32, #tpu.memory_space<vmem>>
      %dma_start3A_201 = arith.constant 0 : i32
      %dma_start3A_202 = tpu.memref_slice %arg7[%add3A_184, %dma_start3A_201] : memref<160x128xi32, #tpu.memory_space<vmem>> -> memref<1x128xi32, #tpu.memory_space<vmem>>
      %dma_start3A_203 = tpu.memref_squeeze %dma_start3A_202 : memref<1x128xi32, #tpu.memory_space<vmem>> -> memref<128xi32, #tpu.memory_space<vmem>>
      %dma_start3A_204 = arith.constant 0 : i32
      %dma_start3A_205 = arith.constant 0 : i32
      %dma_start3A_206 = tpu.memref_slice %arg10[%dma_start3A_204, %dma_start3A_205] : memref<10240x64xf32, #tpu.memory_space<vmem_shared>> -> memref<10240x64xf32, #tpu.memory_space<vmem_shared>>
      tpu.enqueue_indirect_dma source(%dma_start3A_200 : memref<128x64xf32, #tpu.memory_space<vmem>>) target(%dma_start3A_206 : memref<10240x64xf32, #tpu.memory_space<vmem_shared>>) offsets(%dma_start3A_203 : memref<128xi32, #tpu.memory_space<vmem>>) semaphore(%arg12 : memref<!tpu.dma_semaphore, #tpu.memory_space<semaphore_mem>>) {add = true}
      %add3A_207 = arith.constant 0 : i32
      %add3A_208 = arith.addi %mul3A_87, %add3A_207 : i32
      %dma_wait3A_209 = arith.constant 0 : i32
      %dma_wait3A_210 = arith.constant 0 : i32
      %dma_wait3A_211 = arith.constant 0 : i32
      %dma_wait3A_212 = tpu.memref_slice %arg8[%dma_wait3A_209, %dma_wait3A_210, %dma_wait3A_211] : memref<5x128x64xf32, #tpu.memory_space<vmem>> -> memref<1x128x64xf32, #tpu.memory_space<vmem>>
      %dma_wait3A_213 = tpu.memref_squeeze %dma_wait3A_212 : memref<1x128x64xf32, #tpu.memory_space<vmem>> -> memref<128x64xf32, #tpu.memory_space<vmem>>
      %dma_wait3A_214 = arith.constant 0 : i32
      %dma_wait3A_215 = tpu.memref_slice %arg7[%add3A_208, %dma_wait3A_214] : memref<160x128xi32, #tpu.memory_space<vmem>> -> memref<1x128xi32, #tpu.memory_space<vmem>>
      %dma_wait3A_216 = tpu.memref_squeeze %dma_wait3A_215 : memref<1x128xi32, #tpu.memory_space<vmem>> -> memref<128xi32, #tpu.memory_space<vmem>>
      %dma_wait3A_217 = arith.constant 0 : i32
      %dma_wait3A_218 = arith.constant 0 : i32
      %dma_wait3A_219 = tpu.memref_slice %arg10[%dma_wait3A_217, %dma_wait3A_218] : memref<10240x64xf32, #tpu.memory_space<vmem_shared>> -> memref<10240x64xf32, #tpu.memory_space<vmem_shared>>
      tpu.wait_indirect_dma semaphore(%arg12 : memref<!tpu.dma_semaphore, #tpu.memory_space<semaphore_mem>>) src(%dma_wait3A_213 : memref<128x64xf32, #tpu.memory_space<vmem>>) dst(%dma_wait3A_219 : memref<10240x64xf32, #tpu.memory_space<vmem_shared>>)
      %add3A_220 = arith.constant 1 : i32
      %add3A_221 = arith.addi %mul3A_87, %add3A_220 : i32
      %dma_wait3A_222 = arith.constant 1 : i32
      %dma_wait3A_223 = arith.constant 0 : i32
      %dma_wait3A_224 = arith.constant 0 : i32
      %dma_wait3A_225 = tpu.memref_slice %arg8[%dma_wait3A_222, %dma_wait3A_223, %dma_wait3A_224] : memref<5x128x64xf32, #tpu.memory_space<vmem>> -> memref<1x128x64xf32, #tpu.memory_space<vmem>>
      %dma_wait3A_226 = tpu.memref_squeeze %dma_wait3A_225 : memref<1x128x64xf32, #tpu.memory_space<vmem>> -> memref<128x64xf32, #tpu.memory_space<vmem>>
      %dma_wait3A_227 = arith.constant 0 : i32
      %dma_wait3A_228 = tpu.memref_slice %arg7[%add3A_221, %dma_wait3A_227] : memref<160x128xi32, #tpu.memory_space<vmem>> -> memref<1x128xi32, #tpu.memory_space<vmem>>
      %dma_wait3A_229 = tpu.memref_squeeze %dma_wait3A_228 : memref<1x128xi32, #tpu.memory_space<vmem>> -> memref<128xi32, #tpu.memory_space<vmem>>
      %dma_wait3A_230 = arith.constant 0 : i32
      %dma_wait3A_231 = arith.constant 0 : i32
      %dma_wait3A_232 = tpu.memref_slice %arg10[%dma_wait3A_230, %dma_wait3A_231] : memref<10240x64xf32, #tpu.memory_space<vmem_shared>> -> memref<10240x64xf32, #tpu.memory_space<vmem_shared>>
      tpu.wait_indirect_dma semaphore(%arg12 : memref<!tpu.dma_semaphore, #tpu.memory_space<semaphore_mem>>) src(%dma_wait3A_226 : memref<128x64xf32, #tpu.memory_space<vmem>>) dst(%dma_wait3A_232 : memref<10240x64xf32, #tpu.memory_space<vmem_shared>>)
      %add3A_233 = arith.constant 2 : i32
      %add3A_234 = arith.addi %mul3A_87, %add3A_233 : i32
      %dma_wait3A_235 = arith.constant 2 : i32
      %dma_wait3A_236 = arith.constant 0 : i32
      %dma_wait3A_237 = arith.constant 0 : i32
      %dma_wait3A_238 = tpu.memref_slice %arg8[%dma_wait3A_235, %dma_wait3A_236, %dma_wait3A_237] : memref<5x128x64xf32, #tpu.memory_space<vmem>> -> memref<1x128x64xf32, #tpu.memory_space<vmem>>
      %dma_wait3A_239 = tpu.memref_squeeze %dma_wait3A_238 : memref<1x128x64xf32, #tpu.memory_space<vmem>> -> memref<128x64xf32, #tpu.memory_space<vmem>>
      %dma_wait3A_240 = arith.constant 0 : i32
      %dma_wait3A_241 = tpu.memref_slice %arg7[%add3A_234, %dma_wait3A_240] : memref<160x128xi32, #tpu.memory_space<vmem>> -> memref<1x128xi32, #tpu.memory_space<vmem>>
      %dma_wait3A_242 = tpu.memref_squeeze %dma_wait3A_241 : memref<1x128xi32, #tpu.memory_space<vmem>> -> memref<128xi32, #tpu.memory_space<vmem>>
      %dma_wait3A_243 = arith.constant 0 : i32
      %dma_wait3A_244 = arith.constant 0 : i32
      %dma_wait3A_245 = tpu.memref_slice %arg10[%dma_wait3A_243, %dma_wait3A_244] : memref<10240x64xf32, #tpu.memory_space<vmem_shared>> -> memref<10240x64xf32, #tpu.memory_space<vmem_shared>>
      tpu.wait_indirect_dma semaphore(%arg12 : memref<!tpu.dma_semaphore, #tpu.memory_space<semaphore_mem>>) src(%dma_wait3A_239 : memref<128x64xf32, #tpu.memory_space<vmem>>) dst(%dma_wait3A_245 : memref<10240x64xf32, #tpu.memory_space<vmem_shared>>)
      %add3A_246 = arith.constant 3 : i32
      %add3A_247 = arith.addi %mul3A_87, %add3A_246 : i32
      %dma_wait3A_248 = arith.constant 3 : i32
      %dma_wait3A_249 = arith.constant 0 : i32
      %dma_wait3A_250 = arith.constant 0 : i32
      %dma_wait3A_251 = tpu.memref_slice %arg8[%dma_wait3A_248, %dma_wait3A_249, %dma_wait3A_250] : memref<5x128x64xf32, #tpu.memory_space<vmem>> -> memref<1x128x64xf32, #tpu.memory_space<vmem>>
      %dma_wait3A_252 = tpu.memref_squeeze %dma_wait3A_251 : memref<1x128x64xf32, #tpu.memory_space<vmem>> -> memref<128x64xf32, #tpu.memory_space<vmem>>
      %dma_wait3A_253 = arith.constant 0 : i32
      %dma_wait3A_254 = tpu.memref_slice %arg7[%add3A_247, %dma_wait3A_253] : memref<160x128xi32, #tpu.memory_space<vmem>> -> memref<1x128xi32, #tpu.memory_space<vmem>>
      %dma_wait3A_255 = tpu.memref_squeeze %dma_wait3A_254 : memref<1x128xi32, #tpu.memory_space<vmem>> -> memref<128xi32, #tpu.memory_space<vmem>>
      %dma_wait3A_256 = arith.constant 0 : i32
      %dma_wait3A_257 = arith.constant 0 : i32
      %dma_wait3A_258 = tpu.memref_slice %arg10[%dma_wait3A_256, %dma_wait3A_257] : memref<10240x64xf32, #tpu.memory_space<vmem_shared>> -> memref<10240x64xf32, #tpu.memory_space<vmem_shared>>
      tpu.wait_indirect_dma semaphore(%arg12 : memref<!tpu.dma_semaphore, #tpu.memory_space<semaphore_mem>>) src(%dma_wait3A_252 : memref<128x64xf32, #tpu.memory_space<vmem>>) dst(%dma_wait3A_258 : memref<10240x64xf32, #tpu.memory_space<vmem_shared>>)
      %add3A_259 = arith.constant 4 : i32
      %add3A_260 = arith.addi %mul3A_87, %add3A_259 : i32
      %dma_wait3A_261 = arith.constant 4 : i32
      %dma_wait3A_262 = arith.constant 0 : i32
      %dma_wait3A_263 = arith.constant 0 : i32
      %dma_wait3A_264 = tpu.memref_slice %arg8[%dma_wait3A_261, %dma_wait3A_262, %dma_wait3A_263] : memref<5x128x64xf32, #tpu.memory_space<vmem>> -> memref<1x128x64xf32, #tpu.memory_space<vmem>>
      %dma_wait3A_265 = tpu.memref_squeeze %dma_wait3A_264 : memref<1x128x64xf32, #tpu.memory_space<vmem>> -> memref<128x64xf32, #tpu.memory_space<vmem>>
      %dma_wait3A_266 = arith.constant 0 : i32
      %dma_wait3A_267 = tpu.memref_slice %arg7[%add3A_260, %dma_wait3A_266] : memref<160x128xi32, #tpu.memory_space<vmem>> -> memref<1x128xi32, #tpu.memory_space<vmem>>
      %dma_wait3A_268 = tpu.memref_squeeze %dma_wait3A_267 : memref<1x128xi32, #tpu.memory_space<vmem>> -> memref<128xi32, #tpu.memory_space<vmem>>
      %dma_wait3A_269 = arith.constant 0 : i32
      %dma_wait3A_270 = arith.constant 0 : i32
      %dma_wait3A_271 = tpu.memref_slice %arg10[%dma_wait3A_269, %dma_wait3A_270] : memref<10240x64xf32, #tpu.memory_space<vmem_shared>> -> memref<10240x64xf32, #tpu.memory_space<vmem_shared>>
      tpu.wait_indirect_dma semaphore(%arg12 : memref<!tpu.dma_semaphore, #tpu.memory_space<semaphore_mem>>) src(%dma_wait3A_265 : memref<128x64xf32, #tpu.memory_space<vmem>>) dst(%dma_wait3A_271 : memref<10240x64xf32, #tpu.memory_space<vmem_shared>>)
      %add3A_272 = arith.constant 5 : i32
      %add3A_273 = arith.addi %mul3A_87, %add3A_272 : i32
      %add3A_274 = arith.constant 0 : i32
      %add3A_275 = arith.addi %add3A_273, %add3A_274 : i32
      %lt3A = arith.constant 160 : i32
      %lt3A_276 = arith.cmpi slt, %add3A_275, %lt3A : i32
      %convert_element_type3A = arith.extui %lt3A_276 : i1 to i32
      %cond3A = arith.constant 0 : i32
      %cond3A_277 = arith.cmpi ne, %convert_element_type3A, %cond3A : i32
      scf.if %cond3A_277 {
        %dma_start3A_315 = arith.constant 0 : i32
        %dma_start3A_316 = arith.constant 0 : i32
        %dma_start3A_317 = arith.constant 0 : i32
        %dma_start3A_318 = tpu.memref_slice %arg8[%dma_start3A_315, %dma_start3A_316, %dma_start3A_317] : memref<5x128x64xf32, #tpu.memory_space<vmem>> -> memref<1x128x64xf32, #tpu.memory_space<vmem>>
        %dma_start3A_319 = tpu.memref_squeeze %dma_start3A_318 : memref<1x128x64xf32, #tpu.memory_space<vmem>> -> memref<128x64xf32, #tpu.memory_space<vmem>>
        %dma_start3A_320 = arith.constant 0 : i32
        %dma_start3A_321 = tpu.memref_slice %arg6[%add3A_275, %dma_start3A_320] : memref<160x128xi32, #tpu.memory_space<vmem>> -> memref<1x128xi32, #tpu.memory_space<vmem>>
        %dma_start3A_322 = tpu.memref_squeeze %dma_start3A_321 : memref<1x128xi32, #tpu.memory_space<vmem>> -> memref<128xi32, #tpu.memory_space<vmem>>
        %dma_start3A_323 = arith.constant 0 : i32
        %dma_start3A_324 = arith.constant 0 : i32
        %dma_start3A_325 = tpu.memref_slice %arg2[%dma_start3A_323, %dma_start3A_324] : memref<20000x64xf32, #tpu.memory_space<hbm>> -> memref<20000x64xf32, #tpu.memory_space<hbm>>
        tpu.enqueue_indirect_dma source(%dma_start3A_325 : memref<20000x64xf32, #tpu.memory_space<hbm>>) target(%dma_start3A_319 : memref<128x64xf32, #tpu.memory_space<vmem>>) offsets(%dma_start3A_322 : memref<128xi32, #tpu.memory_space<vmem>>) semaphore(%arg11 : memref<!tpu.dma_semaphore, #tpu.memory_space<semaphore_mem>>)
      } else {
      }
      %add3A_278 = arith.constant 5 : i32
      %add3A_279 = arith.addi %mul3A_87, %add3A_278 : i32
      %add3A_280 = arith.constant 1 : i32
      %add3A_281 = arith.addi %add3A_279, %add3A_280 : i32
      %lt3A_282 = arith.constant 160 : i32
      %lt3A_283 = arith.cmpi slt, %add3A_281, %lt3A_282 : i32
      %convert_element_type3A_284 = arith.extui %lt3A_283 : i1 to i32
      %cond3A_285 = arith.constant 0 : i32
      %cond3A_286 = arith.cmpi ne, %convert_element_type3A_284, %cond3A_285 : i32
      scf.if %cond3A_286 {
        %dma_start3A_315 = arith.constant 1 : i32
        %dma_start3A_316 = arith.constant 0 : i32
        %dma_start3A_317 = arith.constant 0 : i32
        %dma_start3A_318 = tpu.memref_slice %arg8[%dma_start3A_315, %dma_start3A_316, %dma_start3A_317] : memref<5x128x64xf32, #tpu.memory_space<vmem>> -> memref<1x128x64xf32, #tpu.memory_space<vmem>>
        %dma_start3A_319 = tpu.memref_squeeze %dma_start3A_318 : memref<1x128x64xf32, #tpu.memory_space<vmem>> -> memref<128x64xf32, #tpu.memory_space<vmem>>
        %dma_start3A_320 = arith.constant 0 : i32
        %dma_start3A_321 = tpu.memref_slice %arg6[%add3A_281, %dma_start3A_320] : memref<160x128xi32, #tpu.memory_space<vmem>> -> memref<1x128xi32, #tpu.memory_space<vmem>>
        %dma_start3A_322 = tpu.memref_squeeze %dma_start3A_321 : memref<1x128xi32, #tpu.memory_space<vmem>> -> memref<128xi32, #tpu.memory_space<vmem>>
        %dma_start3A_323 = arith.constant 0 : i32
        %dma_start3A_324 = arith.constant 0 : i32
        %dma_start3A_325 = tpu.memref_slice %arg2[%dma_start3A_323, %dma_start3A_324] : memref<20000x64xf32, #tpu.memory_space<hbm>> -> memref<20000x64xf32, #tpu.memory_space<hbm>>
        tpu.enqueue_indirect_dma source(%dma_start3A_325 : memref<20000x64xf32, #tpu.memory_space<hbm>>) target(%dma_start3A_319 : memref<128x64xf32, #tpu.memory_space<vmem>>) offsets(%dma_start3A_322 : memref<128xi32, #tpu.memory_space<vmem>>) semaphore(%arg11 : memref<!tpu.dma_semaphore, #tpu.memory_space<semaphore_mem>>)
      } else {
      }
      %add3A_287 = arith.constant 5 : i32
      %add3A_288 = arith.addi %mul3A_87, %add3A_287 : i32
      %add3A_289 = arith.constant 2 : i32
      %add3A_290 = arith.addi %add3A_288, %add3A_289 : i32
      %lt3A_291 = arith.constant 160 : i32
      %lt3A_292 = arith.cmpi slt, %add3A_290, %lt3A_291 : i32
      %convert_element_type3A_293 = arith.extui %lt3A_292 : i1 to i32
      %cond3A_294 = arith.constant 0 : i32
      %cond3A_295 = arith.cmpi ne, %convert_element_type3A_293, %cond3A_294 : i32
      scf.if %cond3A_295 {
        %dma_start3A_315 = arith.constant 2 : i32
        %dma_start3A_316 = arith.constant 0 : i32
        %dma_start3A_317 = arith.constant 0 : i32
        %dma_start3A_318 = tpu.memref_slice %arg8[%dma_start3A_315, %dma_start3A_316, %dma_start3A_317] : memref<5x128x64xf32, #tpu.memory_space<vmem>> -> memref<1x128x64xf32, #tpu.memory_space<vmem>>
        %dma_start3A_319 = tpu.memref_squeeze %dma_start3A_318 : memref<1x128x64xf32, #tpu.memory_space<vmem>> -> memref<128x64xf32, #tpu.memory_space<vmem>>
        %dma_start3A_320 = arith.constant 0 : i32
        %dma_start3A_321 = tpu.memref_slice %arg6[%add3A_290, %dma_start3A_320] : memref<160x128xi32, #tpu.memory_space<vmem>> -> memref<1x128xi32, #tpu.memory_space<vmem>>
        %dma_start3A_322 = tpu.memref_squeeze %dma_start3A_321 : memref<1x128xi32, #tpu.memory_space<vmem>> -> memref<128xi32, #tpu.memory_space<vmem>>
        %dma_start3A_323 = arith.constant 0 : i32
        %dma_start3A_324 = arith.constant 0 : i32
        %dma_start3A_325 = tpu.memref_slice %arg2[%dma_start3A_323, %dma_start3A_324] : memref<20000x64xf32, #tpu.memory_space<hbm>> -> memref<20000x64xf32, #tpu.memory_space<hbm>>
        tpu.enqueue_indirect_dma source(%dma_start3A_325 : memref<20000x64xf32, #tpu.memory_space<hbm>>) target(%dma_start3A_319 : memref<128x64xf32, #tpu.memory_space<vmem>>) offsets(%dma_start3A_322 : memref<128xi32, #tpu.memory_space<vmem>>) semaphore(%arg11 : memref<!tpu.dma_semaphore, #tpu.memory_space<semaphore_mem>>)
      } else {
      }
      %add3A_296 = arith.constant 5 : i32
      %add3A_297 = arith.addi %mul3A_87, %add3A_296 : i32
      %add3A_298 = arith.constant 3 : i32
      %add3A_299 = arith.addi %add3A_297, %add3A_298 : i32
      %lt3A_300 = arith.constant 160 : i32
      %lt3A_301 = arith.cmpi slt, %add3A_299, %lt3A_300 : i32
      %convert_element_type3A_302 = arith.extui %lt3A_301 : i1 to i32
      %cond3A_303 = arith.constant 0 : i32
      %cond3A_304 = arith.cmpi ne, %convert_element_type3A_302, %cond3A_303 : i32
      scf.if %cond3A_304 {
        %dma_start3A_315 = arith.constant 3 : i32
        %dma_start3A_316 = arith.constant 0 : i32
        %dma_start3A_317 = arith.constant 0 : i32
        %dma_start3A_318 = tpu.memref_slice %arg8[%dma_start3A_315, %dma_start3A_316, %dma_start3A_317] : memref<5x128x64xf32, #tpu.memory_space<vmem>> -> memref<1x128x64xf32, #tpu.memory_space<vmem>>
        %dma_start3A_319 = tpu.memref_squeeze %dma_start3A_318 : memref<1x128x64xf32, #tpu.memory_space<vmem>> -> memref<128x64xf32, #tpu.memory_space<vmem>>
        %dma_start3A_320 = arith.constant 0 : i32
        %dma_start3A_321 = tpu.memref_slice %arg6[%add3A_299, %dma_start3A_320] : memref<160x128xi32, #tpu.memory_space<vmem>> -> memref<1x128xi32, #tpu.memory_space<vmem>>
        %dma_start3A_322 = tpu.memref_squeeze %dma_start3A_321 : memref<1x128xi32, #tpu.memory_space<vmem>> -> memref<128xi32, #tpu.memory_space<vmem>>
        %dma_start3A_323 = arith.constant 0 : i32
        %dma_start3A_324 = arith.constant 0 : i32
        %dma_start3A_325 = tpu.memref_slice %arg2[%dma_start3A_323, %dma_start3A_324] : memref<20000x64xf32, #tpu.memory_space<hbm>> -> memref<20000x64xf32, #tpu.memory_space<hbm>>
        tpu.enqueue_indirect_dma source(%dma_start3A_325 : memref<20000x64xf32, #tpu.memory_space<hbm>>) target(%dma_start3A_319 : memref<128x64xf32, #tpu.memory_space<vmem>>) offsets(%dma_start3A_322 : memref<128xi32, #tpu.memory_space<vmem>>) semaphore(%arg11 : memref<!tpu.dma_semaphore, #tpu.memory_space<semaphore_mem>>)
      } else {
      }
      %add3A_305 = arith.constant 5 : i32
      %add3A_306 = arith.addi %mul3A_87, %add3A_305 : i32
      %add3A_307 = arith.constant 4 : i32
      %add3A_308 = arith.addi %add3A_306, %add3A_307 : i32
      %lt3A_309 = arith.constant 160 : i32
      %lt3A_310 = arith.cmpi slt, %add3A_308, %lt3A_309 : i32
      %convert_element_type3A_311 = arith.extui %lt3A_310 : i1 to i32
      %cond3A_312 = arith.constant 0 : i32
      %cond3A_313 = arith.cmpi ne, %convert_element_type3A_311, %cond3A_312 : i32
      scf.if %cond3A_313 {
        %dma_start3A_315 = arith.constant 4 : i32
        %dma_start3A_316 = arith.constant 0 : i32
        %dma_start3A_317 = arith.constant 0 : i32
        %dma_start3A_318 = tpu.memref_slice %arg8[%dma_start3A_315, %dma_start3A_316, %dma_start3A_317] : memref<5x128x64xf32, #tpu.memory_space<vmem>> -> memref<1x128x64xf32, #tpu.memory_space<vmem>>
        %dma_start3A_319 = tpu.memref_squeeze %dma_start3A_318 : memref<1x128x64xf32, #tpu.memory_space<vmem>> -> memref<128x64xf32, #tpu.memory_space<vmem>>
        %dma_start3A_320 = arith.constant 0 : i32
        %dma_start3A_321 = tpu.memref_slice %arg6[%add3A_308, %dma_start3A_320] : memref<160x128xi32, #tpu.memory_space<vmem>> -> memref<1x128xi32, #tpu.memory_space<vmem>>
        %dma_start3A_322 = tpu.memref_squeeze %dma_start3A_321 : memref<1x128xi32, #tpu.memory_space<vmem>> -> memref<128xi32, #tpu.memory_space<vmem>>
        %dma_start3A_323 = arith.constant 0 : i32
        %dma_start3A_324 = arith.constant 0 : i32
        %dma_start3A_325 = tpu.memref_slice %arg2[%dma_start3A_323, %dma_start3A_324] : memref<20000x64xf32, #tpu.memory_space<hbm>> -> memref<20000x64xf32, #tpu.memory_space<hbm>>
        tpu.enqueue_indirect_dma source(%dma_start3A_325 : memref<20000x64xf32, #tpu.memory_space<hbm>>) target(%dma_start3A_319 : memref<128x64xf32, #tpu.memory_space<vmem>>) offsets(%dma_start3A_322 : memref<128xi32, #tpu.memory_space<vmem>>) semaphore(%arg11 : memref<!tpu.dma_semaphore, #tpu.memory_space<semaphore_mem>>)
      } else {
      }
      %scan3A_314 = arith.constant 0 : i32
      scf.yield %scan3A_314 : i32
    }
    %scan3A_82 = arith.constant 32 : i32
    %barrier3A_83 = arith.constant 0 : index
    tpu.barrier barrier_id(%barrier3A_83)
    "tpu.region"() ({
      %run_scoped3A = tpu.sem_alloc : memref<!tpu.dma_semaphore, #tpu.memory_space<semaphore_mem>>
      %dma_start3A_84 = arith.constant 0 : i32
      %dma_start3A_85 = tpu.memref_slice %arg5[%arg0, %mul3A_0, %dma_start3A_84] : memref<2x10240x64xf32, #tpu.memory_space<hbm>> -> memref<1x640x64xf32, #tpu.memory_space<hbm>>
      %dma_start3A_86 = tpu.memref_squeeze %dma_start3A_85 : memref<1x640x64xf32, #tpu.memory_space<hbm>> -> memref<640x64xf32, #tpu.memory_space<hbm>>
      %dma_start3A_87 = arith.constant 0 : i32
      %dma_start3A_88 = tpu.memref_slice %arg10[%mul3A_0, %dma_start3A_87] : memref<10240x64xf32, #tpu.memory_space<vmem_shared>> -> memref<640x64xf32, #tpu.memory_space<vmem_shared>>
      tpu.enqueue_dma source(%dma_start3A_88 : memref<640x64xf32, #tpu.memory_space<vmem_shared>>) target(%dma_start3A_86 : memref<640x64xf32, #tpu.memory_space<hbm>>) target_semaphore(%run_scoped3A : memref<!tpu.dma_semaphore, #tpu.memory_space<semaphore_mem>>)
      %dma_wait3A = arith.constant 0 : i32
      %dma_wait3A_89 = tpu.memref_slice %arg5[%arg0, %mul3A_0, %dma_wait3A] : memref<2x10240x64xf32, #tpu.memory_space<hbm>> -> memref<1x640x64xf32, #tpu.memory_space<hbm>>
      %dma_wait3A_90 = tpu.memref_squeeze %dma_wait3A_89 : memref<1x640x64xf32, #tpu.memory_space<hbm>> -> memref<640x64xf32, #tpu.memory_space<hbm>>
      %dma_wait3A_91 = arith.constant 0 : i32
      %dma_wait3A_92 = tpu.memref_slice %arg10[%mul3A_0, %dma_wait3A_91] : memref<10240x64xf32, #tpu.memory_space<vmem_shared>> -> memref<640x64xf32, #tpu.memory_space<vmem_shared>>
      tpu.wait_dma2 semaphore(%run_scoped3A : memref<!tpu.dma_semaphore, #tpu.memory_space<semaphore_mem>>) src(%dma_wait3A_92 : memref<640x64xf32, #tpu.memory_space<vmem_shared>>) dst(%dma_wait3A_90 : memref<640x64xf32, #tpu.memory_space<hbm>>)
      tpu.yield
    }) : () -> ()
    return
  }
}

#map = affine_map<(d0, d1) -> (0, 0, 0)>
module attributes {stable_mosaic.version = 14 : i64} {
  func.func @_counts_body(%arg0: i32, %arg1: i32, %arg2: memref<32x80x128xi32, #tpu.memory_space<hbm>>, %arg3: memref<2x10240x16xf32, #tpu.memory_space<hbm>>, %arg4: memref<80x128xi32, #tpu.memory_space<vmem>>, %arg5: memref<128x16xf32, #tpu.memory_space<vmem>>, %arg6: memref<128x16xf32, #tpu.memory_space<vmem>>, %arg7: memref<10240x16xf32, #tpu.memory_space<vmem_shared>>, %arg8: memref<!tpu.dma_semaphore, #tpu.memory_space<semaphore_mem>>, %arg9: memref<!tpu.dma_semaphore, #tpu.memory_space<semaphore_mem>>) attributes {dimension_semantics = [#tpu.dimension_semantics<core_parallel>, #tpu.dimension_semantics<subcore_parallel>], iteration_bounds = array<i64: 2, 16>, scalar_prefetch = 0 : i64, scratch_operands = 6 : i64, tpu.core_type = #tpu.core_type<sc_vector_subcore>, window_params = [{transform_indices = #map}, {transform_indices = #map}]} {
    %mul3A = arith.constant 2 : i32
    %mul3A_0 = arith.muli %arg1, %mul3A : i32
    %add3A = arith.addi %mul3A_0, %arg0 : i32
    %mul3A_1 = arith.constant 640 : i32
    %mul3A_2 = arith.muli %arg1, %mul3A_1 : i32
    %broadcast_in_dim3A = arith.constant 0.000000e+00 : f32
    %broadcast_in_dim3A_3 = vector.broadcast %broadcast_in_dim3A : f32 to vector<16xf32>
    %broadcast_in_dim3A_4 = arith.constant 1.000000e+00 : f32
    %broadcast_in_dim3A_5 = vector.broadcast %broadcast_in_dim3A_4 : f32 to vector<16xf32>
    %scan3A = arith.constant 0 : i32
    %scan3A_6 = arith.constant 0 : i32
    %scan3A_7 = arith.constant 128 : i32
    %scan3A_8 = arith.addi %scan3A_6, %scan3A_7 : i32
    %scan3A_9 = arith.constant 1 : i32
    %scan3A_10 = scf.for %scan3A_30 = %scan3A_6 to %scan3A_8 step %scan3A_9 iter_args(%scan3A_31 = %scan3A) -> (i32)  : i32 {
      %swap3A = arith.index_cast %scan3A_30 : i32 to index
      %swap3A_32 = arith.constant 0 : index
      %swap3A_33 = tpu.vector_load %arg5[%swap3A, %swap3A_32] {strides = array<i32>} : memref<128x16xf32, #tpu.memory_space<vmem>>, vector<1x16xf32>,
      %swap3A_34 = vector.shape_cast %swap3A_33 : vector<1x16xf32> to vector<16xf32>
      %swap3A_35 = vector.shape_cast %broadcast_in_dim3A_3 : vector<16xf32> to vector<1x16xf32>
      tpu.vector_store %arg5[%swap3A, %swap3A_32], %swap3A_35 {strides = array<i32>} : memref<128x16xf32, #tpu.memory_space<vmem>>, vector<1x16xf32>,
      %swap3A_36 = arith.index_cast %scan3A_30 : i32 to index
      %swap3A_37 = arith.constant 0 : index
      %swap3A_38 = tpu.vector_load %arg6[%swap3A_36, %swap3A_37] {strides = array<i32>} : memref<128x16xf32, #tpu.memory_space<vmem>>, vector<1x16xf32>,
      %swap3A_39 = vector.shape_cast %swap3A_38 : vector<1x16xf32> to vector<16xf32>
      %swap3A_40 = vector.shape_cast %broadcast_in_dim3A_5 : vector<16xf32> to vector<1x16xf32>
      tpu.vector_store %arg6[%swap3A_36, %swap3A_37], %swap3A_40 {strides = array<i32>} : memref<128x16xf32, #tpu.memory_space<vmem>>, vector<1x16xf32>,
      %scan3A_41 = arith.constant 0 : i32
      scf.yield %scan3A_41 : i32
    }
    %scan3A_11 = arith.constant 128 : i32
    %add3A_12 = arith.constant 0 : i32
    %add3A_13 = arith.addi %mul3A_2, %add3A_12 : i32
    "tpu.region"() ({
      %run_scoped3A = tpu.sem_alloc : memref<!tpu.dma_semaphore, #tpu.memory_space<semaphore_mem>>
      %dma_start3A = arith.constant 0 : i32
      %dma_start3A_30 = tpu.memref_slice %arg7[%add3A_13, %dma_start3A] : memref<10240x16xf32, #tpu.memory_space<vmem_shared>> -> memref<128x16xf32, #tpu.memory_space<vmem_shared>>
      %dma_start3A_31 = arith.constant 0 : i32
      %dma_start3A_32 = tpu.memref_slice %arg7[%add3A_13, %dma_start3A_31] : memref<10240x16xf32, #tpu.memory_space<vmem_shared>> -> memref<128x16xf32, #tpu.memory_space<vmem_shared>>
      tpu.enqueue_dma source(%arg5 : memref<128x16xf32, #tpu.memory_space<vmem>>) target(%dma_start3A_32 : memref<128x16xf32, #tpu.memory_space<vmem_shared>>) target_semaphore(%run_scoped3A : memref<!tpu.dma_semaphore, #tpu.memory_space<semaphore_mem>>)
      %dma_wait3A = arith.constant 0 : i32
      %dma_wait3A_33 = tpu.memref_slice %arg7[%add3A_13, %dma_wait3A] : memref<10240x16xf32, #tpu.memory_space<vmem_shared>> -> memref<128x16xf32, #tpu.memory_space<vmem_shared>>
      %dma_wait3A_34 = arith.constant 0 : i32
      %dma_wait3A_35 = tpu.memref_slice %arg7[%add3A_13, %dma_wait3A_34] : memref<10240x16xf32, #tpu.memory_space<vmem_shared>> -> memref<128x16xf32, #tpu.memory_space<vmem_shared>>
      tpu.wait_dma2 semaphore(%run_scoped3A : memref<!tpu.dma_semaphore, #tpu.memory_space<semaphore_mem>>) src(%arg5 : memref<128x16xf32, #tpu.memory_space<vmem>>) dst(%dma_wait3A_35 : memref<128x16xf32, #tpu.memory_space<vmem_shared>>)
      tpu.yield
    }) : () -> ()
    %add3A_14 = arith.constant 128 : i32
    %add3A_15 = arith.addi %mul3A_2, %add3A_14 : i32
    "tpu.region"() ({
      %run_scoped3A = tpu.sem_alloc : memref<!tpu.dma_semaphore, #tpu.memory_space<semaphore_mem>>
      %dma_start3A = arith.constant 0 : i32
      %dma_start3A_30 = tpu.memref_slice %arg7[%add3A_15, %dma_start3A] : memref<10240x16xf32, #tpu.memory_space<vmem_shared>> -> memref<128x16xf32, #tpu.memory_space<vmem_shared>>
      %dma_start3A_31 = arith.constant 0 : i32
      %dma_start3A_32 = tpu.memref_slice %arg7[%add3A_15, %dma_start3A_31] : memref<10240x16xf32, #tpu.memory_space<vmem_shared>> -> memref<128x16xf32, #tpu.memory_space<vmem_shared>>
      tpu.enqueue_dma source(%arg5 : memref<128x16xf32, #tpu.memory_space<vmem>>) target(%dma_start3A_32 : memref<128x16xf32, #tpu.memory_space<vmem_shared>>) target_semaphore(%run_scoped3A : memref<!tpu.dma_semaphore, #tpu.memory_space<semaphore_mem>>)
      %dma_wait3A = arith.constant 0 : i32
      %dma_wait3A_33 = tpu.memref_slice %arg7[%add3A_15, %dma_wait3A] : memref<10240x16xf32, #tpu.memory_space<vmem_shared>> -> memref<128x16xf32, #tpu.memory_space<vmem_shared>>
      %dma_wait3A_34 = arith.constant 0 : i32
      %dma_wait3A_35 = tpu.memref_slice %arg7[%add3A_15, %dma_wait3A_34] : memref<10240x16xf32, #tpu.memory_space<vmem_shared>> -> memref<128x16xf32, #tpu.memory_space<vmem_shared>>
      tpu.wait_dma2 semaphore(%run_scoped3A : memref<!tpu.dma_semaphore, #tpu.memory_space<semaphore_mem>>) src(%arg5 : memref<128x16xf32, #tpu.memory_space<vmem>>) dst(%dma_wait3A_35 : memref<128x16xf32, #tpu.memory_space<vmem_shared>>)
      tpu.yield
    }) : () -> ()
    %add3A_16 = arith.constant 256 : i32
    %add3A_17 = arith.addi %mul3A_2, %add3A_16 : i32
    "tpu.region"() ({
      %run_scoped3A = tpu.sem_alloc : memref<!tpu.dma_semaphore, #tpu.memory_space<semaphore_mem>>
      %dma_start3A = arith.constant 0 : i32
      %dma_start3A_30 = tpu.memref_slice %arg7[%add3A_17, %dma_start3A] : memref<10240x16xf32, #tpu.memory_space<vmem_shared>> -> memref<128x16xf32, #tpu.memory_space<vmem_shared>>
      %dma_start3A_31 = arith.constant 0 : i32
      %dma_start3A_32 = tpu.memref_slice %arg7[%add3A_17, %dma_start3A_31] : memref<10240x16xf32, #tpu.memory_space<vmem_shared>> -> memref<128x16xf32, #tpu.memory_space<vmem_shared>>
      tpu.enqueue_dma source(%arg5 : memref<128x16xf32, #tpu.memory_space<vmem>>) target(%dma_start3A_32 : memref<128x16xf32, #tpu.memory_space<vmem_shared>>) target_semaphore(%run_scoped3A : memref<!tpu.dma_semaphore, #tpu.memory_space<semaphore_mem>>)
      %dma_wait3A = arith.constant 0 : i32
      %dma_wait3A_33 = tpu.memref_slice %arg7[%add3A_17, %dma_wait3A] : memref<10240x16xf32, #tpu.memory_space<vmem_shared>> -> memref<128x16xf32, #tpu.memory_space<vmem_shared>>
      %dma_wait3A_34 = arith.constant 0 : i32
      %dma_wait3A_35 = tpu.memref_slice %arg7[%add3A_17, %dma_wait3A_34] : memref<10240x16xf32, #tpu.memory_space<vmem_shared>> -> memref<128x16xf32, #tpu.memory_space<vmem_shared>>
      tpu.wait_dma2 semaphore(%run_scoped3A : memref<!tpu.dma_semaphore, #tpu.memory_space<semaphore_mem>>) src(%arg5 : memref<128x16xf32, #tpu.memory_space<vmem>>) dst(%dma_wait3A_35 : memref<128x16xf32, #tpu.memory_space<vmem_shared>>)
      tpu.yield
    }) : () -> ()
    %add3A_18 = arith.constant 384 : i32
    %add3A_19 = arith.addi %mul3A_2, %add3A_18 : i32
    "tpu.region"() ({
      %run_scoped3A = tpu.sem_alloc : memref<!tpu.dma_semaphore, #tpu.memory_space<semaphore_mem>>
      %dma_start3A = arith.constant 0 : i32
      %dma_start3A_30 = tpu.memref_slice %arg7[%add3A_19, %dma_start3A] : memref<10240x16xf32, #tpu.memory_space<vmem_shared>> -> memref<128x16xf32, #tpu.memory_space<vmem_shared>>
      %dma_start3A_31 = arith.constant 0 : i32
      %dma_start3A_32 = tpu.memref_slice %arg7[%add3A_19, %dma_start3A_31] : memref<10240x16xf32, #tpu.memory_space<vmem_shared>> -> memref<128x16xf32, #tpu.memory_space<vmem_shared>>
      tpu.enqueue_dma source(%arg5 : memref<128x16xf32, #tpu.memory_space<vmem>>) target(%dma_start3A_32 : memref<128x16xf32, #tpu.memory_space<vmem_shared>>) target_semaphore(%run_scoped3A : memref<!tpu.dma_semaphore, #tpu.memory_space<semaphore_mem>>)
      %dma_wait3A = arith.constant 0 : i32
      %dma_wait3A_33 = tpu.memref_slice %arg7[%add3A_19, %dma_wait3A] : memref<10240x16xf32, #tpu.memory_space<vmem_shared>> -> memref<128x16xf32, #tpu.memory_space<vmem_shared>>
      %dma_wait3A_34 = arith.constant 0 : i32
      %dma_wait3A_35 = tpu.memref_slice %arg7[%add3A_19, %dma_wait3A_34] : memref<10240x16xf32, #tpu.memory_space<vmem_shared>> -> memref<128x16xf32, #tpu.memory_space<vmem_shared>>
      tpu.wait_dma2 semaphore(%run_scoped3A : memref<!tpu.dma_semaphore, #tpu.memory_space<semaphore_mem>>) src(%arg5 : memref<128x16xf32, #tpu.memory_space<vmem>>) dst(%dma_wait3A_35 : memref<128x16xf32, #tpu.memory_space<vmem_shared>>)
      tpu.yield
    }) : () -> ()
    %add3A_20 = arith.constant 512 : i32
    %add3A_21 = arith.addi %mul3A_2, %add3A_20 : i32
    "tpu.region"() ({
      %run_scoped3A = tpu.sem_alloc : memref<!tpu.dma_semaphore, #tpu.memory_space<semaphore_mem>>
      %dma_start3A = arith.constant 0 : i32
      %dma_start3A_30 = tpu.memref_slice %arg7[%add3A_21, %dma_start3A] : memref<10240x16xf32, #tpu.memory_space<vmem_shared>> -> memref<128x16xf32, #tpu.memory_space<vmem_shared>>
      %dma_start3A_31 = arith.constant 0 : i32
      %dma_start3A_32 = tpu.memref_slice %arg7[%add3A_21, %dma_start3A_31] : memref<10240x16xf32, #tpu.memory_space<vmem_shared>> -> memref<128x16xf32, #tpu.memory_space<vmem_shared>>
      tpu.enqueue_dma source(%arg5 : memref<128x16xf32, #tpu.memory_space<vmem>>) target(%dma_start3A_32 : memref<128x16xf32, #tpu.memory_space<vmem_shared>>) target_semaphore(%run_scoped3A : memref<!tpu.dma_semaphore, #tpu.memory_space<semaphore_mem>>)
      %dma_wait3A = arith.constant 0 : i32
      %dma_wait3A_33 = tpu.memref_slice %arg7[%add3A_21, %dma_wait3A] : memref<10240x16xf32, #tpu.memory_space<vmem_shared>> -> memref<128x16xf32, #tpu.memory_space<vmem_shared>>
      %dma_wait3A_34 = arith.constant 0 : i32
      %dma_wait3A_35 = tpu.memref_slice %arg7[%add3A_21, %dma_wait3A_34] : memref<10240x16xf32, #tpu.memory_space<vmem_shared>> -> memref<128x16xf32, #tpu.memory_space<vmem_shared>>
      tpu.wait_dma2 semaphore(%run_scoped3A : memref<!tpu.dma_semaphore, #tpu.memory_space<semaphore_mem>>) src(%arg5 : memref<128x16xf32, #tpu.memory_space<vmem>>) dst(%dma_wait3A_35 : memref<128x16xf32, #tpu.memory_space<vmem_shared>>)
      tpu.yield
    }) : () -> ()
    "tpu.region"() ({
      %run_scoped3A = tpu.sem_alloc : memref<!tpu.dma_semaphore, #tpu.memory_space<semaphore_mem>>
      %dma_start3A = arith.constant 0 : i32
      %dma_start3A_30 = arith.constant 0 : i32
      %dma_start3A_31 = tpu.memref_slice %arg2[%add3A, %dma_start3A, %dma_start3A_30] : memref<32x80x128xi32, #tpu.memory_space<hbm>> -> memref<1x80x128xi32, #tpu.memory_space<hbm>>
      %dma_start3A_32 = tpu.memref_squeeze %dma_start3A_31 : memref<1x80x128xi32, #tpu.memory_space<hbm>> -> memref<80x128xi32, #tpu.memory_space<hbm>>
      %dma_start3A_33 = arith.constant 0 : i32
      %dma_start3A_34 = arith.constant 0 : i32
      %dma_start3A_35 = tpu.memref_slice %arg2[%add3A, %dma_start3A_33, %dma_start3A_34] : memref<32x80x128xi32, #tpu.memory_space<hbm>> -> memref<1x80x128xi32, #tpu.memory_space<hbm>>
      %dma_start3A_36 = tpu.memref_squeeze %dma_start3A_35 : memref<1x80x128xi32, #tpu.memory_space<hbm>> -> memref<80x128xi32, #tpu.memory_space<hbm>>
      tpu.enqueue_dma source(%dma_start3A_36 : memref<80x128xi32, #tpu.memory_space<hbm>>) target(%arg4 : memref<80x128xi32, #tpu.memory_space<vmem>>) target_semaphore(%run_scoped3A : memref<!tpu.dma_semaphore, #tpu.memory_space<semaphore_mem>>)
      %dma_wait3A = arith.constant 0 : i32
      %dma_wait3A_37 = arith.constant 0 : i32
      %dma_wait3A_38 = tpu.memref_slice %arg2[%add3A, %dma_wait3A, %dma_wait3A_37] : memref<32x80x128xi32, #tpu.memory_space<hbm>> -> memref<1x80x128xi32, #tpu.memory_space<hbm>>
      %dma_wait3A_39 = tpu.memref_squeeze %dma_wait3A_38 : memref<1x80x128xi32, #tpu.memory_space<hbm>> -> memref<80x128xi32, #tpu.memory_space<hbm>>
      %dma_wait3A_40 = arith.constant 0 : i32
      %dma_wait3A_41 = arith.constant 0 : i32
      %dma_wait3A_42 = tpu.memref_slice %arg2[%add3A, %dma_wait3A_40, %dma_wait3A_41] : memref<32x80x128xi32, #tpu.memory_space<hbm>> -> memref<1x80x128xi32, #tpu.memory_space<hbm>>
      %dma_wait3A_43 = tpu.memref_squeeze %dma_wait3A_42 : memref<1x80x128xi32, #tpu.memory_space<hbm>> -> memref<80x128xi32, #tpu.memory_space<hbm>>
      tpu.wait_dma2 semaphore(%run_scoped3A : memref<!tpu.dma_semaphore, #tpu.memory_space<semaphore_mem>>) src(%dma_wait3A_43 : memref<80x128xi32, #tpu.memory_space<hbm>>) dst(%arg4 : memref<80x128xi32, #tpu.memory_space<vmem>>)
      tpu.yield
    }) : () -> ()
    %barrier3A = arith.constant 0 : index
    tpu.barrier barrier_id(%barrier3A)
    %scan3A_22 = arith.constant 0 : i32
    %scan3A_23 = arith.constant 0 : i32
    %scan3A_24 = arith.constant 80 : i32
    %scan3A_25 = arith.addi %scan3A_23, %scan3A_24 : i32
    %scan3A_26 = arith.constant 1 : i32
    %scan3A_27 = scf.for %scan3A_30 = %scan3A_23 to %scan3A_25 step %scan3A_26 iter_args(%scan3A_31 = %scan3A_22) -> (i32)  : i32 {
      "tpu.region"() ({
        %run_scoped3A = tpu.sem_alloc : memref<!tpu.dma_semaphore, #tpu.memory_space<semaphore_mem>>
        %dma_start3A = arith.constant 0 : i32
        %dma_start3A_33 = tpu.memref_slice %arg4[%scan3A_30, %dma_start3A] : memref<80x128xi32, #tpu.memory_space<vmem>> -> memref<1x128xi32, #tpu.memory_space<vmem>>
        %dma_start3A_34 = tpu.memref_squeeze %dma_start3A_33 : memref<1x128xi32, #tpu.memory_space<vmem>> -> memref<128xi32, #tpu.memory_space<vmem>>
        %dma_start3A_35 = arith.constant 0 : i32
        %dma_start3A_36 = arith.constant 0 : i32
        %dma_start3A_37 = tpu.memref_slice %arg7[%dma_start3A_35, %dma_start3A_36] : memref<10240x16xf32, #tpu.memory_space<vmem_shared>> -> memref<10240x16xf32, #tpu.memory_space<vmem_shared>>
        tpu.enqueue_indirect_dma source(%arg6 : memref<128x16xf32, #tpu.memory_space<vmem>>) target(%dma_start3A_37 : memref<10240x16xf32, #tpu.memory_space<vmem_shared>>) offsets(%dma_start3A_34 : memref<128xi32, #tpu.memory_space<vmem>>) semaphore(%run_scoped3A : memref<!tpu.dma_semaphore, #tpu.memory_space<semaphore_mem>>) {add = true}
        %dma_wait3A = arith.constant 0 : i32
        %dma_wait3A_38 = tpu.memref_slice %arg4[%scan3A_30, %dma_wait3A] : memref<80x128xi32, #tpu.memory_space<vmem>> -> memref<1x128xi32, #tpu.memory_space<vmem>>
        %dma_wait3A_39 = tpu.memref_squeeze %dma_wait3A_38 : memref<1x128xi32, #tpu.memory_space<vmem>> -> memref<128xi32, #tpu.memory_space<vmem>>
        %dma_wait3A_40 = arith.constant 0 : i32
        %dma_wait3A_41 = arith.constant 0 : i32
        %dma_wait3A_42 = tpu.memref_slice %arg7[%dma_wait3A_40, %dma_wait3A_41] : memref<10240x16xf32, #tpu.memory_space<vmem_shared>> -> memref<10240x16xf32, #tpu.memory_space<vmem_shared>>
        tpu.wait_indirect_dma semaphore(%run_scoped3A : memref<!tpu.dma_semaphore, #tpu.memory_space<semaphore_mem>>) src(%arg6 : memref<128x16xf32, #tpu.memory_space<vmem>>) dst(%dma_wait3A_42 : memref<10240x16xf32, #tpu.memory_space<vmem_shared>>)
        tpu.yield
      }) : () -> ()
      %scan3A_32 = arith.constant 0 : i32
      scf.yield %scan3A_32 : i32
    }
    %scan3A_28 = arith.constant 80 : i32
    %barrier3A_29 = arith.constant 0 : index
    tpu.barrier barrier_id(%barrier3A_29)
    "tpu.region"() ({
      %run_scoped3A = tpu.sem_alloc : memref<!tpu.dma_semaphore, #tpu.memory_space<semaphore_mem>>
      %dma_start3A = arith.constant 0 : i32
      %dma_start3A_30 = tpu.memref_slice %arg3[%arg0, %mul3A_2, %dma_start3A] : memref<2x10240x16xf32, #tpu.memory_space<hbm>> -> memref<1x640x16xf32, #tpu.memory_space<hbm>>
      %dma_start3A_31 = tpu.memref_squeeze %dma_start3A_30 : memref<1x640x16xf32, #tpu.memory_space<hbm>> -> memref<640x16xf32, #tpu.memory_space<hbm>>
      %dma_start3A_32 = arith.constant 0 : i32
      %dma_start3A_33 = tpu.memref_slice %arg7[%mul3A_2, %dma_start3A_32] : memref<10240x16xf32, #tpu.memory_space<vmem_shared>> -> memref<640x16xf32, #tpu.memory_space<vmem_shared>>
      tpu.enqueue_dma source(%dma_start3A_33 : memref<640x16xf32, #tpu.memory_space<vmem_shared>>) target(%dma_start3A_31 : memref<640x16xf32, #tpu.memory_space<hbm>>) target_semaphore(%run_scoped3A : memref<!tpu.dma_semaphore, #tpu.memory_space<semaphore_mem>>)
      %dma_wait3A = arith.constant 0 : i32
      %dma_wait3A_34 = tpu.memref_slice %arg3[%arg0, %mul3A_2, %dma_wait3A] : memref<2x10240x16xf32, #tpu.memory_space<hbm>> -> memref<1x640x16xf32, #tpu.memory_space<hbm>>
      %dma_wait3A_35 = tpu.memref_squeeze %dma_wait3A_34 : memref<1x640x16xf32, #tpu.memory_space<hbm>> -> memref<640x16xf32, #tpu.memory_space<hbm>>
      %dma_wait3A_36 = arith.constant 0 : i32
      %dma_wait3A_37 = tpu.memref_slice %arg7[%mul3A_2, %dma_wait3A_36] : memref<10240x16xf32, #tpu.memory_space<vmem_shared>> -> memref<640x16xf32, #tpu.memory_space<vmem_shared>>
      tpu.wait_dma2 semaphore(%run_scoped3A : memref<!tpu.dma_semaphore, #tpu.memory_space<semaphore_mem>>) src(%dma_wait3A_37 : memref<640x16xf32, #tpu.memory_space<vmem_shared>>) dst(%dma_wait3A_35 : memref<640x16xf32, #tpu.memory_space<hbm>>)
      tpu.yield
    }) : () -> ()
    return
  }
}

#map = affine_map<(d0, d1) -> (0, 0)>
#map1 = affine_map<(d0, d1) -> (0, 0, 0, 0)>
#map2 = affine_map<(d0, d1) -> (0, 0, 0)>
module attributes {stable_mosaic.version = 14 : i64} {
  func.func @_sc_pass_body(%arg0: i32, %arg1: i32, %arg2: memref<81920x64xf32, #tpu.memory_space<hbm>>, %arg3: memref<2x16x160x128xi32, #tpu.memory_space<hbm>>, %arg4: memref<16x160x128xi32, #tpu.memory_space<hbm>>, %arg5: memref<2x10240x64xf32, #tpu.memory_space<hbm>>, %arg6: memref<160x128xi32, #tpu.memory_space<vmem>>, %arg7: memref<160x128xi32, #tpu.memory_space<vmem>>, %arg8: memref<5x128x64xf32, #tpu.memory_space<vmem>>, %arg9: memref<128x64xf32, #tpu.memory_space<vmem>>, %arg10: memref<10240x64xf32, #tpu.memory_space<vmem_shared>>, %arg11: memref<!tpu.dma_semaphore, #tpu.memory_space<semaphore_mem>>, %arg12: memref<!tpu.dma_semaphore, #tpu.memory_space<semaphore_mem>>) attributes {dimension_semantics = [#tpu.dimension_semantics<core_parallel>, #tpu.dimension_semantics<subcore_parallel>], iteration_bounds = array<i64: 2, 16>, scalar_prefetch = 0 : i64, scratch_operands = 7 : i64, tpu.core_type = #tpu.core_type<sc_vector_subcore>, window_params = [{transform_indices = #map}, {transform_indices = #map1}, {transform_indices = #map2}, {transform_indices = #map2}]} {
    %mul3A = arith.constant 640 : i32
    %mul3A_0 = arith.muli %arg1, %mul3A : i32
    %broadcast_in_dim3A = arith.constant 0.000000e+00 : f32
    %broadcast_in_dim3A_1 = vector.broadcast %broadcast_in_dim3A : f32 to vector<16xf32>
    %scan3A = arith.constant 0 : i32
    %scan3A_2 = arith.constant 0 : i32
    %scan3A_3 = arith.constant 128 : i32
    %scan3A_4 = arith.addi %scan3A_2, %scan3A_3 : i32
    %scan3A_5 = arith.constant 1 : i32
    %scan3A_6 = scf.for %scan3A_84 = %scan3A_2 to %scan3A_4 step %scan3A_5 iter_args(%scan3A_85 = %scan3A) -> (i32)  : i32 {
      %swap3A = arith.index_cast %scan3A_84 : i32 to index
      %swap3A_86 = arith.constant 0 : index
      %swap3A_87 = tpu.vector_load %arg9[%swap3A, %swap3A_86] {strides = array<i32>} : memref<128x64xf32, #tpu.memory_space<vmem>>, vector<1x16xf32>,
      %swap3A_88 = vector.shape_cast %swap3A_87 : vector<1x16xf32> to vector<16xf32>
      %swap3A_89 = vector.shape_cast %broadcast_in_dim3A_1 : vector<16xf32> to vector<1x16xf32>
      tpu.vector_store %arg9[%swap3A, %swap3A_86], %swap3A_89 {strides = array<i32>} : memref<128x64xf32, #tpu.memory_space<vmem>>, vector<1x16xf32>,
      %swap3A_90 = arith.index_cast %scan3A_84 : i32 to index
      %swap3A_91 = arith.constant 16 : index
      %swap3A_92 = tpu.vector_load %arg9[%swap3A_90, %swap3A_91] {strides = array<i32>} : memref<128x64xf32, #tpu.memory_space<vmem>>, vector<1x16xf32>,
      %swap3A_93 = vector.shape_cast %swap3A_92 : vector<1x16xf32> to vector<16xf32>
      %swap3A_94 = vector.shape_cast %broadcast_in_dim3A_1 : vector<16xf32> to vector<1x16xf32>
      tpu.vector_store %arg9[%swap3A_90, %swap3A_91], %swap3A_94 {strides = array<i32>} : memref<128x64xf32, #tpu.memory_space<vmem>>, vector<1x16xf32>,
      %swap3A_95 = arith.index_cast %scan3A_84 : i32 to index
      %swap3A_96 = arith.constant 32 : index
      %swap3A_97 = tpu.vector_load %arg9[%swap3A_95, %swap3A_96] {strides = array<i32>} : memref<128x64xf32, #tpu.memory_space<vmem>>, vector<1x16xf32>,
      %swap3A_98 = vector.shape_cast %swap3A_97 : vector<1x16xf32> to vector<16xf32>
      %swap3A_99 = vector.shape_cast %broadcast_in_dim3A_1 : vector<16xf32> to vector<1x16xf32>
      tpu.vector_store %arg9[%swap3A_95, %swap3A_96], %swap3A_99 {strides = array<i32>} : memref<128x64xf32, #tpu.memory_space<vmem>>, vector<1x16xf32>,
      %swap3A_100 = arith.index_cast %scan3A_84 : i32 to index
      %swap3A_101 = arith.constant 48 : index
      %swap3A_102 = tpu.vector_load %arg9[%swap3A_100, %swap3A_101] {strides = array<i32>} : memref<128x64xf32, #tpu.memory_space<vmem>>, vector<1x16xf32>,
      %swap3A_103 = vector.shape_cast %swap3A_102 : vector<1x16xf32> to vector<16xf32>
      %swap3A_104 = vector.shape_cast %broadcast_in_dim3A_1 : vector<16xf32> to vector<1x16xf32>
      tpu.vector_store %arg9[%swap3A_100, %swap3A_101], %swap3A_104 {strides = array<i32>} : memref<128x64xf32, #tpu.memory_space<vmem>>, vector<1x16xf32>,
      %scan3A_105 = arith.constant 0 : i32
      scf.yield %scan3A_105 : i32
    }
    %scan3A_7 = arith.constant 128 : i32
    %add3A = arith.constant 0 : i32
    %add3A_8 = arith.addi %mul3A_0, %add3A : i32
    "tpu.region"() ({
      %run_scoped3A = tpu.sem_alloc : memref<!tpu.dma_semaphore, #tpu.memory_space<semaphore_mem>>
      %dma_start3A_84 = arith.constant 0 : i32
      %dma_start3A_85 = tpu.memref_slice %arg10[%add3A_8, %dma_start3A_84] : memref<10240x64xf32, #tpu.memory_space<vmem_shared>> -> memref<128x64xf32, #tpu.memory_space<vmem_shared>>
      %dma_start3A_86 = arith.constant 0 : i32
      %dma_start3A_87 = tpu.memref_slice %arg10[%add3A_8, %dma_start3A_86] : memref<10240x64xf32, #tpu.memory_space<vmem_shared>> -> memref<128x64xf32, #tpu.memory_space<vmem_shared>>
      tpu.enqueue_dma source(%arg9 : memref<128x64xf32, #tpu.memory_space<vmem>>) target(%dma_start3A_87 : memref<128x64xf32, #tpu.memory_space<vmem_shared>>) target_semaphore(%run_scoped3A : memref<!tpu.dma_semaphore, #tpu.memory_space<semaphore_mem>>)
      %dma_wait3A = arith.constant 0 : i32
      %dma_wait3A_88 = tpu.memref_slice %arg10[%add3A_8, %dma_wait3A] : memref<10240x64xf32, #tpu.memory_space<vmem_shared>> -> memref<128x64xf32, #tpu.memory_space<vmem_shared>>
      %dma_wait3A_89 = arith.constant 0 : i32
      %dma_wait3A_90 = tpu.memref_slice %arg10[%add3A_8, %dma_wait3A_89] : memref<10240x64xf32, #tpu.memory_space<vmem_shared>> -> memref<128x64xf32, #tpu.memory_space<vmem_shared>>
      tpu.wait_dma2 semaphore(%run_scoped3A : memref<!tpu.dma_semaphore, #tpu.memory_space<semaphore_mem>>) src(%arg9 : memref<128x64xf32, #tpu.memory_space<vmem>>) dst(%dma_wait3A_90 : memref<128x64xf32, #tpu.memory_space<vmem_shared>>)
      tpu.yield
    }) : () -> ()
    %add3A_9 = arith.constant 128 : i32
    %add3A_10 = arith.addi %mul3A_0, %add3A_9 : i32
    "tpu.region"() ({
      %run_scoped3A = tpu.sem_alloc : memref<!tpu.dma_semaphore, #tpu.memory_space<semaphore_mem>>
      %dma_start3A_84 = arith.constant 0 : i32
      %dma_start3A_85 = tpu.memref_slice %arg10[%add3A_10, %dma_start3A_84] : memref<10240x64xf32, #tpu.memory_space<vmem_shared>> -> memref<128x64xf32, #tpu.memory_space<vmem_shared>>
      %dma_start3A_86 = arith.constant 0 : i32
      %dma_start3A_87 = tpu.memref_slice %arg10[%add3A_10, %dma_start3A_86] : memref<10240x64xf32, #tpu.memory_space<vmem_shared>> -> memref<128x64xf32, #tpu.memory_space<vmem_shared>>
      tpu.enqueue_dma source(%arg9 : memref<128x64xf32, #tpu.memory_space<vmem>>) target(%dma_start3A_87 : memref<128x64xf32, #tpu.memory_space<vmem_shared>>) target_semaphore(%run_scoped3A : memref<!tpu.dma_semaphore, #tpu.memory_space<semaphore_mem>>)
      %dma_wait3A = arith.constant 0 : i32
      %dma_wait3A_88 = tpu.memref_slice %arg10[%add3A_10, %dma_wait3A] : memref<10240x64xf32, #tpu.memory_space<vmem_shared>> -> memref<128x64xf32, #tpu.memory_space<vmem_shared>>
      %dma_wait3A_89 = arith.constant 0 : i32
      %dma_wait3A_90 = tpu.memref_slice %arg10[%add3A_10, %dma_wait3A_89] : memref<10240x64xf32, #tpu.memory_space<vmem_shared>> -> memref<128x64xf32, #tpu.memory_space<vmem_shared>>
      tpu.wait_dma2 semaphore(%run_scoped3A : memref<!tpu.dma_semaphore, #tpu.memory_space<semaphore_mem>>) src(%arg9 : memref<128x64xf32, #tpu.memory_space<vmem>>) dst(%dma_wait3A_90 : memref<128x64xf32, #tpu.memory_space<vmem_shared>>)
      tpu.yield
    }) : () -> ()
    %add3A_11 = arith.constant 256 : i32
    %add3A_12 = arith.addi %mul3A_0, %add3A_11 : i32
    "tpu.region"() ({
      %run_scoped3A = tpu.sem_alloc : memref<!tpu.dma_semaphore, #tpu.memory_space<semaphore_mem>>
      %dma_start3A_84 = arith.constant 0 : i32
      %dma_start3A_85 = tpu.memref_slice %arg10[%add3A_12, %dma_start3A_84] : memref<10240x64xf32, #tpu.memory_space<vmem_shared>> -> memref<128x64xf32, #tpu.memory_space<vmem_shared>>
      %dma_start3A_86 = arith.constant 0 : i32
      %dma_start3A_87 = tpu.memref_slice %arg10[%add3A_12, %dma_start3A_86] : memref<10240x64xf32, #tpu.memory_space<vmem_shared>> -> memref<128x64xf32, #tpu.memory_space<vmem_shared>>
      tpu.enqueue_dma source(%arg9 : memref<128x64xf32, #tpu.memory_space<vmem>>) target(%dma_start3A_87 : memref<128x64xf32, #tpu.memory_space<vmem_shared>>) target_semaphore(%run_scoped3A : memref<!tpu.dma_semaphore, #tpu.memory_space<semaphore_mem>>)
      %dma_wait3A = arith.constant 0 : i32
      %dma_wait3A_88 = tpu.memref_slice %arg10[%add3A_12, %dma_wait3A] : memref<10240x64xf32, #tpu.memory_space<vmem_shared>> -> memref<128x64xf32, #tpu.memory_space<vmem_shared>>
      %dma_wait3A_89 = arith.constant 0 : i32
      %dma_wait3A_90 = tpu.memref_slice %arg10[%add3A_12, %dma_wait3A_89] : memref<10240x64xf32, #tpu.memory_space<vmem_shared>> -> memref<128x64xf32, #tpu.memory_space<vmem_shared>>
      tpu.wait_dma2 semaphore(%run_scoped3A : memref<!tpu.dma_semaphore, #tpu.memory_space<semaphore_mem>>) src(%arg9 : memref<128x64xf32, #tpu.memory_space<vmem>>) dst(%dma_wait3A_90 : memref<128x64xf32, #tpu.memory_space<vmem_shared>>)
      tpu.yield
    }) : () -> ()
    %add3A_13 = arith.constant 384 : i32
    %add3A_14 = arith.addi %mul3A_0, %add3A_13 : i32
    "tpu.region"() ({
      %run_scoped3A = tpu.sem_alloc : memref<!tpu.dma_semaphore, #tpu.memory_space<semaphore_mem>>
      %dma_start3A_84 = arith.constant 0 : i32
      %dma_start3A_85 = tpu.memref_slice %arg10[%add3A_14, %dma_start3A_84] : memref<10240x64xf32, #tpu.memory_space<vmem_shared>> -> memref<128x64xf32, #tpu.memory_space<vmem_shared>>
      %dma_start3A_86 = arith.constant 0 : i32
      %dma_start3A_87 = tpu.memref_slice %arg10[%add3A_14, %dma_start3A_86] : memref<10240x64xf32, #tpu.memory_space<vmem_shared>> -> memref<128x64xf32, #tpu.memory_space<vmem_shared>>
      tpu.enqueue_dma source(%arg9 : memref<128x64xf32, #tpu.memory_space<vmem>>) target(%dma_start3A_87 : memref<128x64xf32, #tpu.memory_space<vmem_shared>>) target_semaphore(%run_scoped3A : memref<!tpu.dma_semaphore, #tpu.memory_space<semaphore_mem>>)
      %dma_wait3A = arith.constant 0 : i32
      %dma_wait3A_88 = tpu.memref_slice %arg10[%add3A_14, %dma_wait3A] : memref<10240x64xf32, #tpu.memory_space<vmem_shared>> -> memref<128x64xf32, #tpu.memory_space<vmem_shared>>
      %dma_wait3A_89 = arith.constant 0 : i32
      %dma_wait3A_90 = tpu.memref_slice %arg10[%add3A_14, %dma_wait3A_89] : memref<10240x64xf32, #tpu.memory_space<vmem_shared>> -> memref<128x64xf32, #tpu.memory_space<vmem_shared>>
      tpu.wait_dma2 semaphore(%run_scoped3A : memref<!tpu.dma_semaphore, #tpu.memory_space<semaphore_mem>>) src(%arg9 : memref<128x64xf32, #tpu.memory_space<vmem>>) dst(%dma_wait3A_90 : memref<128x64xf32, #tpu.memory_space<vmem_shared>>)
      tpu.yield
    }) : () -> ()
    %add3A_15 = arith.constant 512 : i32
    %add3A_16 = arith.addi %mul3A_0, %add3A_15 : i32
    "tpu.region"() ({
      %run_scoped3A = tpu.sem_alloc : memref<!tpu.dma_semaphore, #tpu.memory_space<semaphore_mem>>
      %dma_start3A_84 = arith.constant 0 : i32
      %dma_start3A_85 = tpu.memref_slice %arg10[%add3A_16, %dma_start3A_84] : memref<10240x64xf32, #tpu.memory_space<vmem_shared>> -> memref<128x64xf32, #tpu.memory_space<vmem_shared>>
      %dma_start3A_86 = arith.constant 0 : i32
      %dma_start3A_87 = tpu.memref_slice %arg10[%add3A_16, %dma_start3A_86] : memref<10240x64xf32, #tpu.memory_space<vmem_shared>> -> memref<128x64xf32, #tpu.memory_space<vmem_shared>>
      tpu.enqueue_dma source(%arg9 : memref<128x64xf32, #tpu.memory_space<vmem>>) target(%dma_start3A_87 : memref<128x64xf32, #tpu.memory_space<vmem_shared>>) target_semaphore(%run_scoped3A : memref<!tpu.dma_semaphore, #tpu.memory_space<semaphore_mem>>)
      %dma_wait3A = arith.constant 0 : i32
      %dma_wait3A_88 = tpu.memref_slice %arg10[%add3A_16, %dma_wait3A] : memref<10240x64xf32, #tpu.memory_space<vmem_shared>> -> memref<128x64xf32, #tpu.memory_space<vmem_shared>>
      %dma_wait3A_89 = arith.constant 0 : i32
      %dma_wait3A_90 = tpu.memref_slice %arg10[%add3A_16, %dma_wait3A_89] : memref<10240x64xf32, #tpu.memory_space<vmem_shared>> -> memref<128x64xf32, #tpu.memory_space<vmem_shared>>
      tpu.wait_dma2 semaphore(%run_scoped3A : memref<!tpu.dma_semaphore, #tpu.memory_space<semaphore_mem>>) src(%arg9 : memref<128x64xf32, #tpu.memory_space<vmem>>) dst(%dma_wait3A_90 : memref<128x64xf32, #tpu.memory_space<vmem_shared>>)
      tpu.yield
    }) : () -> ()
    "tpu.region"() ({
      %run_scoped3A = tpu.sem_alloc : memref<!tpu.dma_semaphore, #tpu.memory_space<semaphore_mem>>
      %dma_start3A_84 = arith.constant 0 : i32
      %dma_start3A_85 = arith.constant 0 : i32
      %dma_start3A_86 = tpu.memref_slice %arg3[%arg0, %arg1, %dma_start3A_84, %dma_start3A_85] : memref<2x16x160x128xi32, #tpu.memory_space<hbm>> -> memref<1x1x160x128xi32, #tpu.memory_space<hbm>>
      %dma_start3A_87 = tpu.memref_squeeze %dma_start3A_86 : memref<1x1x160x128xi32, #tpu.memory_space<hbm>> -> memref<160x128xi32, #tpu.memory_space<hbm>>
      %dma_start3A_88 = arith.constant 0 : i32
      %dma_start3A_89 = arith.constant 0 : i32
      %dma_start3A_90 = tpu.memref_slice %arg3[%arg0, %arg1, %dma_start3A_88, %dma_start3A_89] : memref<2x16x160x128xi32, #tpu.memory_space<hbm>> -> memref<1x1x160x128xi32, #tpu.memory_space<hbm>>
      %dma_start3A_91 = tpu.memref_squeeze %dma_start3A_90 : memref<1x1x160x128xi32, #tpu.memory_space<hbm>> -> memref<160x128xi32, #tpu.memory_space<hbm>>
      tpu.enqueue_dma source(%dma_start3A_91 : memref<160x128xi32, #tpu.memory_space<hbm>>) target(%arg6 : memref<160x128xi32, #tpu.memory_space<vmem>>) target_semaphore(%run_scoped3A : memref<!tpu.dma_semaphore, #tpu.memory_space<semaphore_mem>>)
      %dma_wait3A = arith.constant 0 : i32
      %dma_wait3A_92 = arith.constant 0 : i32
      %dma_wait3A_93 = tpu.memref_slice %arg3[%arg0, %arg1, %dma_wait3A, %dma_wait3A_92] : memref<2x16x160x128xi32, #tpu.memory_space<hbm>> -> memref<1x1x160x128xi32, #tpu.memory_space<hbm>>
      %dma_wait3A_94 = tpu.memref_squeeze %dma_wait3A_93 : memref<1x1x160x128xi32, #tpu.memory_space<hbm>> -> memref<160x128xi32, #tpu.memory_space<hbm>>
      %dma_wait3A_95 = arith.constant 0 : i32
      %dma_wait3A_96 = arith.constant 0 : i32
      %dma_wait3A_97 = tpu.memref_slice %arg3[%arg0, %arg1, %dma_wait3A_95, %dma_wait3A_96] : memref<2x16x160x128xi32, #tpu.memory_space<hbm>> -> memref<1x1x160x128xi32, #tpu.memory_space<hbm>>
      %dma_wait3A_98 = tpu.memref_squeeze %dma_wait3A_97 : memref<1x1x160x128xi32, #tpu.memory_space<hbm>> -> memref<160x128xi32, #tpu.memory_space<hbm>>
      tpu.wait_dma2 semaphore(%run_scoped3A : memref<!tpu.dma_semaphore, #tpu.memory_space<semaphore_mem>>) src(%dma_wait3A_98 : memref<160x128xi32, #tpu.memory_space<hbm>>) dst(%arg6 : memref<160x128xi32, #tpu.memory_space<vmem>>)
      tpu.yield
    }) : () -> ()
    "tpu.region"() ({
      %run_scoped3A = tpu.sem_alloc : memref<!tpu.dma_semaphore, #tpu.memory_space<semaphore_mem>>
      %dma_start3A_84 = arith.constant 0 : i32
      %dma_start3A_85 = arith.constant 0 : i32
      %dma_start3A_86 = tpu.memref_slice %arg4[%arg1, %dma_start3A_84, %dma_start3A_85] : memref<16x160x128xi32, #tpu.memory_space<hbm>> -> memref<1x160x128xi32, #tpu.memory_space<hbm>>
      %dma_start3A_87 = tpu.memref_squeeze %dma_start3A_86 : memref<1x160x128xi32, #tpu.memory_space<hbm>> -> memref<160x128xi32, #tpu.memory_space<hbm>>
      %dma_start3A_88 = arith.constant 0 : i32
      %dma_start3A_89 = arith.constant 0 : i32
      %dma_start3A_90 = tpu.memref_slice %arg4[%arg1, %dma_start3A_88, %dma_start3A_89] : memref<16x160x128xi32, #tpu.memory_space<hbm>> -> memref<1x160x128xi32, #tpu.memory_space<hbm>>
      %dma_start3A_91 = tpu.memref_squeeze %dma_start3A_90 : memref<1x160x128xi32, #tpu.memory_space<hbm>> -> memref<160x128xi32, #tpu.memory_space<hbm>>
      tpu.enqueue_dma source(%dma_start3A_91 : memref<160x128xi32, #tpu.memory_space<hbm>>) target(%arg7 : memref<160x128xi32, #tpu.memory_space<vmem>>) target_semaphore(%run_scoped3A : memref<!tpu.dma_semaphore, #tpu.memory_space<semaphore_mem>>)
      %dma_wait3A = arith.constant 0 : i32
      %dma_wait3A_92 = arith.constant 0 : i32
      %dma_wait3A_93 = tpu.memref_slice %arg4[%arg1, %dma_wait3A, %dma_wait3A_92] : memref<16x160x128xi32, #tpu.memory_space<hbm>> -> memref<1x160x128xi32, #tpu.memory_space<hbm>>
      %dma_wait3A_94 = tpu.memref_squeeze %dma_wait3A_93 : memref<1x160x128xi32, #tpu.memory_space<hbm>> -> memref<160x128xi32, #tpu.memory_space<hbm>>
      %dma_wait3A_95 = arith.constant 0 : i32
      %dma_wait3A_96 = arith.constant 0 : i32
      %dma_wait3A_97 = tpu.memref_slice %arg4[%arg1, %dma_wait3A_95, %dma_wait3A_96] : memref<16x160x128xi32, #tpu.memory_space<hbm>> -> memref<1x160x128xi32, #tpu.memory_space<hbm>>
      %dma_wait3A_98 = tpu.memref_squeeze %dma_wait3A_97 : memref<1x160x128xi32, #tpu.memory_space<hbm>> -> memref<160x128xi32, #tpu.memory_space<hbm>>
      tpu.wait_dma2 semaphore(%run_scoped3A : memref<!tpu.dma_semaphore, #tpu.memory_space<semaphore_mem>>) src(%dma_wait3A_98 : memref<160x128xi32, #tpu.memory_space<hbm>>) dst(%arg7 : memref<160x128xi32, #tpu.memory_space<vmem>>)
      tpu.yield
    }) : () -> ()
    %barrier3A = arith.constant 0 : index
    tpu.barrier barrier_id(%barrier3A)
    %dma_start3A = arith.constant 0 : i32
    %dma_start3A_17 = arith.constant 0 : i32
    %dma_start3A_18 = arith.constant 0 : i32
    %dma_start3A_19 = arith.constant 0 : i32
    %dma_start3A_20 = tpu.memref_slice %arg8[%dma_start3A_17, %dma_start3A_18, %dma_start3A_19] : memref<5x128x64xf32, #tpu.memory_space<vmem>> -> memref<1x128x64xf32, #tpu.memory_space<vmem>>
    %dma_start3A_21 = tpu.memref_squeeze %dma_start3A_20 : memref<1x128x64xf32, #tpu.memory_space<vmem>> -> memref<128x64xf32, #tpu.memory_space<vmem>>
    %dma_start3A_22 = arith.constant 0 : i32
    %dma_start3A_23 = tpu.memref_slice %arg6[%dma_start3A, %dma_start3A_22] : memref<160x128xi32, #tpu.memory_space<vmem>> -> memref<1x128xi32, #tpu.memory_space<vmem>>
    %dma_start3A_24 = tpu.memref_squeeze %dma_start3A_23 : memref<1x128xi32, #tpu.memory_space<vmem>> -> memref<128xi32, #tpu.memory_space<vmem>>
    %dma_start3A_25 = arith.constant 0 : i32
    %dma_start3A_26 = arith.constant 0 : i32
    %dma_start3A_27 = tpu.memref_slice %arg2[%dma_start3A_25, %dma_start3A_26] : memref<81920x64xf32, #tpu.memory_space<hbm>> -> memref<81920x64xf32, #tpu.memory_space<hbm>>
    tpu.enqueue_indirect_dma source(%dma_start3A_27 : memref<81920x64xf32, #tpu.memory_space<hbm>>) target(%dma_start3A_21 : memref<128x64xf32, #tpu.memory_space<vmem>>) offsets(%dma_start3A_24 : memref<128xi32, #tpu.memory_space<vmem>>) semaphore(%arg11 : memref<!tpu.dma_semaphore, #tpu.memory_space<semaphore_mem>>)
    %dma_start3A_28 = arith.constant 1 : i32
    %dma_start3A_29 = arith.constant 1 : i32
    %dma_start3A_30 = arith.constant 0 : i32
    %dma_start3A_31 = arith.constant 0 : i32
    %dma_start3A_32 = tpu.memref_slice %arg8[%dma_start3A_29, %dma_start3A_30, %dma_start3A_31] : memref<5x128x64xf32, #tpu.memory_space<vmem>> -> memref<1x128x64xf32, #tpu.memory_space<vmem>>
    %dma_start3A_33 = tpu.memref_squeeze %dma_start3A_32 : memref<1x128x64xf32, #tpu.memory_space<vmem>> -> memref<128x64xf32, #tpu.memory_space<vmem>>
    %dma_start3A_34 = arith.constant 0 : i32
    %dma_start3A_35 = tpu.memref_slice %arg6[%dma_start3A_28, %dma_start3A_34] : memref<160x128xi32, #tpu.memory_space<vmem>> -> memref<1x128xi32, #tpu.memory_space<vmem>>
    %dma_start3A_36 = tpu.memref_squeeze %dma_start3A_35 : memref<1x128xi32, #tpu.memory_space<vmem>> -> memref<128xi32, #tpu.memory_space<vmem>>
    %dma_start3A_37 = arith.constant 0 : i32
    %dma_start3A_38 = arith.constant 0 : i32
    %dma_start3A_39 = tpu.memref_slice %arg2[%dma_start3A_37, %dma_start3A_38] : memref<81920x64xf32, #tpu.memory_space<hbm>> -> memref<81920x64xf32, #tpu.memory_space<hbm>>
    tpu.enqueue_indirect_dma source(%dma_start3A_39 : memref<81920x64xf32, #tpu.memory_space<hbm>>) target(%dma_start3A_33 : memref<128x64xf32, #tpu.memory_space<vmem>>) offsets(%dma_start3A_36 : memref<128xi32, #tpu.memory_space<vmem>>) semaphore(%arg11 : memref<!tpu.dma_semaphore, #tpu.memory_space<semaphore_mem>>)
    %dma_start3A_40 = arith.constant 2 : i32
    %dma_start3A_41 = arith.constant 2 : i32
    %dma_start3A_42 = arith.constant 0 : i32
    %dma_start3A_43 = arith.constant 0 : i32
    %dma_start3A_44 = tpu.memref_slice %arg8[%dma_start3A_41, %dma_start3A_42, %dma_start3A_43] : memref<5x128x64xf32, #tpu.memory_space<vmem>> -> memref<1x128x64xf32, #tpu.memory_space<vmem>>
    %dma_start3A_45 = tpu.memref_squeeze %dma_start3A_44 : memref<1x128x64xf32, #tpu.memory_space<vmem>> -> memref<128x64xf32, #tpu.memory_space<vmem>>
    %dma_start3A_46 = arith.constant 0 : i32
    %dma_start3A_47 = tpu.memref_slice %arg6[%dma_start3A_40, %dma_start3A_46] : memref<160x128xi32, #tpu.memory_space<vmem>> -> memref<1x128xi32, #tpu.memory_space<vmem>>
    %dma_start3A_48 = tpu.memref_squeeze %dma_start3A_47 : memref<1x128xi32, #tpu.memory_space<vmem>> -> memref<128xi32, #tpu.memory_space<vmem>>
    %dma_start3A_49 = arith.constant 0 : i32
    %dma_start3A_50 = arith.constant 0 : i32
    %dma_start3A_51 = tpu.memref_slice %arg2[%dma_start3A_49, %dma_start3A_50] : memref<81920x64xf32, #tpu.memory_space<hbm>> -> memref<81920x64xf32, #tpu.memory_space<hbm>>
    tpu.enqueue_indirect_dma source(%dma_start3A_51 : memref<81920x64xf32, #tpu.memory_space<hbm>>) target(%dma_start3A_45 : memref<128x64xf32, #tpu.memory_space<vmem>>) offsets(%dma_start3A_48 : memref<128xi32, #tpu.memory_space<vmem>>) semaphore(%arg11 : memref<!tpu.dma_semaphore, #tpu.memory_space<semaphore_mem>>)
    %dma_start3A_52 = arith.constant 3 : i32
    %dma_start3A_53 = arith.constant 3 : i32
    %dma_start3A_54 = arith.constant 0 : i32
    %dma_start3A_55 = arith.constant 0 : i32
    %dma_start3A_56 = tpu.memref_slice %arg8[%dma_start3A_53, %dma_start3A_54, %dma_start3A_55] : memref<5x128x64xf32, #tpu.memory_space<vmem>> -> memref<1x128x64xf32, #tpu.memory_space<vmem>>
    %dma_start3A_57 = tpu.memref_squeeze %dma_start3A_56 : memref<1x128x64xf32, #tpu.memory_space<vmem>> -> memref<128x64xf32, #tpu.memory_space<vmem>>
    %dma_start3A_58 = arith.constant 0 : i32
    %dma_start3A_59 = tpu.memref_slice %arg6[%dma_start3A_52, %dma_start3A_58] : memref<160x128xi32, #tpu.memory_space<vmem>> -> memref<1x128xi32, #tpu.memory_space<vmem>>
    %dma_start3A_60 = tpu.memref_squeeze %dma_start3A_59 : memref<1x128xi32, #tpu.memory_space<vmem>> -> memref<128xi32, #tpu.memory_space<vmem>>
    %dma_start3A_61 = arith.constant 0 : i32
    %dma_start3A_62 = arith.constant 0 : i32
    %dma_start3A_63 = tpu.memref_slice %arg2[%dma_start3A_61, %dma_start3A_62] : memref<81920x64xf32, #tpu.memory_space<hbm>> -> memref<81920x64xf32, #tpu.memory_space<hbm>>
    tpu.enqueue_indirect_dma source(%dma_start3A_63 : memref<81920x64xf32, #tpu.memory_space<hbm>>) target(%dma_start3A_57 : memref<128x64xf32, #tpu.memory_space<vmem>>) offsets(%dma_start3A_60 : memref<128xi32, #tpu.memory_space<vmem>>) semaphore(%arg11 : memref<!tpu.dma_semaphore, #tpu.memory_space<semaphore_mem>>)
    %dma_start3A_64 = arith.constant 4 : i32
    %dma_start3A_65 = arith.constant 4 : i32
    %dma_start3A_66 = arith.constant 0 : i32
    %dma_start3A_67 = arith.constant 0 : i32
    %dma_start3A_68 = tpu.memref_slice %arg8[%dma_start3A_65, %dma_start3A_66, %dma_start3A_67] : memref<5x128x64xf32, #tpu.memory_space<vmem>> -> memref<1x128x64xf32, #tpu.memory_space<vmem>>
    %dma_start3A_69 = tpu.memref_squeeze %dma_start3A_68 : memref<1x128x64xf32, #tpu.memory_space<vmem>> -> memref<128x64xf32, #tpu.memory_space<vmem>>
    %dma_start3A_70 = arith.constant 0 : i32
    %dma_start3A_71 = tpu.memref_slice %arg6[%dma_start3A_64, %dma_start3A_70] : memref<160x128xi32, #tpu.memory_space<vmem>> -> memref<1x128xi32, #tpu.memory_space<vmem>>
    %dma_start3A_72 = tpu.memref_squeeze %dma_start3A_71 : memref<1x128xi32, #tpu.memory_space<vmem>> -> memref<128xi32, #tpu.memory_space<vmem>>
    %dma_start3A_73 = arith.constant 0 : i32
    %dma_start3A_74 = arith.constant 0 : i32
    %dma_start3A_75 = tpu.memref_slice %arg2[%dma_start3A_73, %dma_start3A_74] : memref<81920x64xf32, #tpu.memory_space<hbm>> -> memref<81920x64xf32, #tpu.memory_space<hbm>>
    tpu.enqueue_indirect_dma source(%dma_start3A_75 : memref<81920x64xf32, #tpu.memory_space<hbm>>) target(%dma_start3A_69 : memref<128x64xf32, #tpu.memory_space<vmem>>) offsets(%dma_start3A_72 : memref<128xi32, #tpu.memory_space<vmem>>) semaphore(%arg11 : memref<!tpu.dma_semaphore, #tpu.memory_space<semaphore_mem>>)
    %scan3A_76 = arith.constant 0 : i32
    %scan3A_77 = arith.constant 0 : i32
    %scan3A_78 = arith.constant 32 : i32
    %scan3A_79 = arith.addi %scan3A_77, %scan3A_78 : i32
    %scan3A_80 = arith.constant 1 : i32
    %scan3A_81 = scf.for %scan3A_84 = %scan3A_77 to %scan3A_79 step %scan3A_80 iter_args(%scan3A_85 = %scan3A_76) -> (i32)  : i32 {
      %mul3A_86 = arith.constant 5 : i32
      %mul3A_87 = arith.muli %scan3A_84, %mul3A_86 : i32
      %add3A_88 = arith.constant 0 : i32
      %add3A_89 = arith.addi %mul3A_87, %add3A_88 : i32
      %dma_wait3A = arith.constant 0 : i32
      %dma_wait3A_90 = arith.constant 0 : i32
      %dma_wait3A_91 = arith.constant 0 : i32
      %dma_wait3A_92 = tpu.memref_slice %arg8[%dma_wait3A, %dma_wait3A_90, %dma_wait3A_91] : memref<5x128x64xf32, #tpu.memory_space<vmem>> -> memref<1x128x64xf32, #tpu.memory_space<vmem>>
      %dma_wait3A_93 = tpu.memref_squeeze %dma_wait3A_92 : memref<1x128x64xf32, #tpu.memory_space<vmem>> -> memref<128x64xf32, #tpu.memory_space<vmem>>
      %dma_wait3A_94 = arith.constant 0 : i32
      %dma_wait3A_95 = tpu.memref_slice %arg6[%add3A_89, %dma_wait3A_94] : memref<160x128xi32, #tpu.memory_space<vmem>> -> memref<1x128xi32, #tpu.memory_space<vmem>>
      %dma_wait3A_96 = tpu.memref_squeeze %dma_wait3A_95 : memref<1x128xi32, #tpu.memory_space<vmem>> -> memref<128xi32, #tpu.memory_space<vmem>>
      %dma_wait3A_97 = arith.constant 0 : i32
      %dma_wait3A_98 = arith.constant 0 : i32
      %dma_wait3A_99 = tpu.memref_slice %arg2[%dma_wait3A_97, %dma_wait3A_98] : memref<81920x64xf32, #tpu.memory_space<hbm>> -> memref<81920x64xf32, #tpu.memory_space<hbm>>
      tpu.wait_indirect_dma semaphore(%arg11 : memref<!tpu.dma_semaphore, #tpu.memory_space<semaphore_mem>>) src(%dma_wait3A_99 : memref<81920x64xf32, #tpu.memory_space<hbm>>) dst(%dma_wait3A_93 : memref<128x64xf32, #tpu.memory_space<vmem>>)
      %dma_start3A_100 = arith.constant 0 : i32
      %dma_start3A_101 = arith.constant 0 : i32
      %dma_start3A_102 = arith.constant 0 : i32
      %dma_start3A_103 = tpu.memref_slice %arg8[%dma_start3A_100, %dma_start3A_101, %dma_start3A_102] : memref<5x128x64xf32, #tpu.memory_space<vmem>> -> memref<1x128x64xf32, #tpu.memory_space<vmem>>
      %dma_start3A_104 = tpu.memref_squeeze %dma_start3A_103 : memref<1x128x64xf32, #tpu.memory_space<vmem>> -> memref<128x64xf32, #tpu.memory_space<vmem>>
      %dma_start3A_105 = arith.constant 0 : i32
      %dma_start3A_106 = tpu.memref_slice %arg7[%add3A_89, %dma_start3A_105] : memref<160x128xi32, #tpu.memory_space<vmem>> -> memref<1x128xi32, #tpu.memory_space<vmem>>
      %dma_start3A_107 = tpu.memref_squeeze %dma_start3A_106 : memref<1x128xi32, #tpu.memory_space<vmem>> -> memref<128xi32, #tpu.memory_space<vmem>>
      %dma_start3A_108 = arith.constant 0 : i32
      %dma_start3A_109 = arith.constant 0 : i32
      %dma_start3A_110 = tpu.memref_slice %arg10[%dma_start3A_108, %dma_start3A_109] : memref<10240x64xf32, #tpu.memory_space<vmem_shared>> -> memref<10240x64xf32, #tpu.memory_space<vmem_shared>>
      tpu.enqueue_indirect_dma source(%dma_start3A_104 : memref<128x64xf32, #tpu.memory_space<vmem>>) target(%dma_start3A_110 : memref<10240x64xf32, #tpu.memory_space<vmem_shared>>) offsets(%dma_start3A_107 : memref<128xi32, #tpu.memory_space<vmem>>) semaphore(%arg12 : memref<!tpu.dma_semaphore, #tpu.memory_space<semaphore_mem>>) {add = true}
      %add3A_111 = arith.constant 1 : i32
      %add3A_112 = arith.addi %mul3A_87, %add3A_111 : i32
      %dma_wait3A_113 = arith.constant 1 : i32
      %dma_wait3A_114 = arith.constant 0 : i32
      %dma_wait3A_115 = arith.constant 0 : i32
      %dma_wait3A_116 = tpu.memref_slice %arg8[%dma_wait3A_113, %dma_wait3A_114, %dma_wait3A_115] : memref<5x128x64xf32, #tpu.memory_space<vmem>> -> memref<1x128x64xf32, #tpu.memory_space<vmem>>
      %dma_wait3A_117 = tpu.memref_squeeze %dma_wait3A_116 : memref<1x128x64xf32, #tpu.memory_space<vmem>> -> memref<128x64xf32, #tpu.memory_space<vmem>>
      %dma_wait3A_118 = arith.constant 0 : i32
      %dma_wait3A_119 = tpu.memref_slice %arg6[%add3A_112, %dma_wait3A_118] : memref<160x128xi32, #tpu.memory_space<vmem>> -> memref<1x128xi32, #tpu.memory_space<vmem>>
      %dma_wait3A_120 = tpu.memref_squeeze %dma_wait3A_119 : memref<1x128xi32, #tpu.memory_space<vmem>> -> memref<128xi32, #tpu.memory_space<vmem>>
      %dma_wait3A_121 = arith.constant 0 : i32
      %dma_wait3A_122 = arith.constant 0 : i32
      %dma_wait3A_123 = tpu.memref_slice %arg2[%dma_wait3A_121, %dma_wait3A_122] : memref<81920x64xf32, #tpu.memory_space<hbm>> -> memref<81920x64xf32, #tpu.memory_space<hbm>>
      tpu.wait_indirect_dma semaphore(%arg11 : memref<!tpu.dma_semaphore, #tpu.memory_space<semaphore_mem>>) src(%dma_wait3A_123 : memref<81920x64xf32, #tpu.memory_space<hbm>>) dst(%dma_wait3A_117 : memref<128x64xf32, #tpu.memory_space<vmem>>)
      %dma_start3A_124 = arith.constant 1 : i32
      %dma_start3A_125 = arith.constant 0 : i32
      %dma_start3A_126 = arith.constant 0 : i32
      %dma_start3A_127 = tpu.memref_slice %arg8[%dma_start3A_124, %dma_start3A_125, %dma_start3A_126] : memref<5x128x64xf32, #tpu.memory_space<vmem>> -> memref<1x128x64xf32, #tpu.memory_space<vmem>>
      %dma_start3A_128 = tpu.memref_squeeze %dma_start3A_127 : memref<1x128x64xf32, #tpu.memory_space<vmem>> -> memref<128x64xf32, #tpu.memory_space<vmem>>
      %dma_start3A_129 = arith.constant 0 : i32
      %dma_start3A_130 = tpu.memref_slice %arg7[%add3A_112, %dma_start3A_129] : memref<160x128xi32, #tpu.memory_space<vmem>> -> memref<1x128xi32, #tpu.memory_space<vmem>>
      %dma_start3A_131 = tpu.memref_squeeze %dma_start3A_130 : memref<1x128xi32, #tpu.memory_space<vmem>> -> memref<128xi32, #tpu.memory_space<vmem>>
      %dma_start3A_132 = arith.constant 0 : i32
      %dma_start3A_133 = arith.constant 0 : i32
      %dma_start3A_134 = tpu.memref_slice %arg10[%dma_start3A_132, %dma_start3A_133] : memref<10240x64xf32, #tpu.memory_space<vmem_shared>> -> memref<10240x64xf32, #tpu.memory_space<vmem_shared>>
      tpu.enqueue_indirect_dma source(%dma_start3A_128 : memref<128x64xf32, #tpu.memory_space<vmem>>) target(%dma_start3A_134 : memref<10240x64xf32, #tpu.memory_space<vmem_shared>>) offsets(%dma_start3A_131 : memref<128xi32, #tpu.memory_space<vmem>>) semaphore(%arg12 : memref<!tpu.dma_semaphore, #tpu.memory_space<semaphore_mem>>) {add = true}
      %add3A_135 = arith.constant 2 : i32
      %add3A_136 = arith.addi %mul3A_87, %add3A_135 : i32
      %dma_wait3A_137 = arith.constant 2 : i32
      %dma_wait3A_138 = arith.constant 0 : i32
      %dma_wait3A_139 = arith.constant 0 : i32
      %dma_wait3A_140 = tpu.memref_slice %arg8[%dma_wait3A_137, %dma_wait3A_138, %dma_wait3A_139] : memref<5x128x64xf32, #tpu.memory_space<vmem>> -> memref<1x128x64xf32, #tpu.memory_space<vmem>>
      %dma_wait3A_141 = tpu.memref_squeeze %dma_wait3A_140 : memref<1x128x64xf32, #tpu.memory_space<vmem>> -> memref<128x64xf32, #tpu.memory_space<vmem>>
      %dma_wait3A_142 = arith.constant 0 : i32
      %dma_wait3A_143 = tpu.memref_slice %arg6[%add3A_136, %dma_wait3A_142] : memref<160x128xi32, #tpu.memory_space<vmem>> -> memref<1x128xi32, #tpu.memory_space<vmem>>
      %dma_wait3A_144 = tpu.memref_squeeze %dma_wait3A_143 : memref<1x128xi32, #tpu.memory_space<vmem>> -> memref<128xi32, #tpu.memory_space<vmem>>
      %dma_wait3A_145 = arith.constant 0 : i32
      %dma_wait3A_146 = arith.constant 0 : i32
      %dma_wait3A_147 = tpu.memref_slice %arg2[%dma_wait3A_145, %dma_wait3A_146] : memref<81920x64xf32, #tpu.memory_space<hbm>> -> memref<81920x64xf32, #tpu.memory_space<hbm>>
      tpu.wait_indirect_dma semaphore(%arg11 : memref<!tpu.dma_semaphore, #tpu.memory_space<semaphore_mem>>) src(%dma_wait3A_147 : memref<81920x64xf32, #tpu.memory_space<hbm>>) dst(%dma_wait3A_141 : memref<128x64xf32, #tpu.memory_space<vmem>>)
      %dma_start3A_148 = arith.constant 2 : i32
      %dma_start3A_149 = arith.constant 0 : i32
      %dma_start3A_150 = arith.constant 0 : i32
      %dma_start3A_151 = tpu.memref_slice %arg8[%dma_start3A_148, %dma_start3A_149, %dma_start3A_150] : memref<5x128x64xf32, #tpu.memory_space<vmem>> -> memref<1x128x64xf32, #tpu.memory_space<vmem>>
      %dma_start3A_152 = tpu.memref_squeeze %dma_start3A_151 : memref<1x128x64xf32, #tpu.memory_space<vmem>> -> memref<128x64xf32, #tpu.memory_space<vmem>>
      %dma_start3A_153 = arith.constant 0 : i32
      %dma_start3A_154 = tpu.memref_slice %arg7[%add3A_136, %dma_start3A_153] : memref<160x128xi32, #tpu.memory_space<vmem>> -> memref<1x128xi32, #tpu.memory_space<vmem>>
      %dma_start3A_155 = tpu.memref_squeeze %dma_start3A_154 : memref<1x128xi32, #tpu.memory_space<vmem>> -> memref<128xi32, #tpu.memory_space<vmem>>
      %dma_start3A_156 = arith.constant 0 : i32
      %dma_start3A_157 = arith.constant 0 : i32
      %dma_start3A_158 = tpu.memref_slice %arg10[%dma_start3A_156, %dma_start3A_157] : memref<10240x64xf32, #tpu.memory_space<vmem_shared>> -> memref<10240x64xf32, #tpu.memory_space<vmem_shared>>
      tpu.enqueue_indirect_dma source(%dma_start3A_152 : memref<128x64xf32, #tpu.memory_space<vmem>>) target(%dma_start3A_158 : memref<10240x64xf32, #tpu.memory_space<vmem_shared>>) offsets(%dma_start3A_155 : memref<128xi32, #tpu.memory_space<vmem>>) semaphore(%arg12 : memref<!tpu.dma_semaphore, #tpu.memory_space<semaphore_mem>>) {add = true}
      %add3A_159 = arith.constant 3 : i32
      %add3A_160 = arith.addi %mul3A_87, %add3A_159 : i32
      %dma_wait3A_161 = arith.constant 3 : i32
      %dma_wait3A_162 = arith.constant 0 : i32
      %dma_wait3A_163 = arith.constant 0 : i32
      %dma_wait3A_164 = tpu.memref_slice %arg8[%dma_wait3A_161, %dma_wait3A_162, %dma_wait3A_163] : memref<5x128x64xf32, #tpu.memory_space<vmem>> -> memref<1x128x64xf32, #tpu.memory_space<vmem>>
      %dma_wait3A_165 = tpu.memref_squeeze %dma_wait3A_164 : memref<1x128x64xf32, #tpu.memory_space<vmem>> -> memref<128x64xf32, #tpu.memory_space<vmem>>
      %dma_wait3A_166 = arith.constant 0 : i32
      %dma_wait3A_167 = tpu.memref_slice %arg6[%add3A_160, %dma_wait3A_166] : memref<160x128xi32, #tpu.memory_space<vmem>> -> memref<1x128xi32, #tpu.memory_space<vmem>>
      %dma_wait3A_168 = tpu.memref_squeeze %dma_wait3A_167 : memref<1x128xi32, #tpu.memory_space<vmem>> -> memref<128xi32, #tpu.memory_space<vmem>>
      %dma_wait3A_169 = arith.constant 0 : i32
      %dma_wait3A_170 = arith.constant 0 : i32
      %dma_wait3A_171 = tpu.memref_slice %arg2[%dma_wait3A_169, %dma_wait3A_170] : memref<81920x64xf32, #tpu.memory_space<hbm>> -> memref<81920x64xf32, #tpu.memory_space<hbm>>
      tpu.wait_indirect_dma semaphore(%arg11 : memref<!tpu.dma_semaphore, #tpu.memory_space<semaphore_mem>>) src(%dma_wait3A_171 : memref<81920x64xf32, #tpu.memory_space<hbm>>) dst(%dma_wait3A_165 : memref<128x64xf32, #tpu.memory_space<vmem>>)
      %dma_start3A_172 = arith.constant 3 : i32
      %dma_start3A_173 = arith.constant 0 : i32
      %dma_start3A_174 = arith.constant 0 : i32
      %dma_start3A_175 = tpu.memref_slice %arg8[%dma_start3A_172, %dma_start3A_173, %dma_start3A_174] : memref<5x128x64xf32, #tpu.memory_space<vmem>> -> memref<1x128x64xf32, #tpu.memory_space<vmem>>
      %dma_start3A_176 = tpu.memref_squeeze %dma_start3A_175 : memref<1x128x64xf32, #tpu.memory_space<vmem>> -> memref<128x64xf32, #tpu.memory_space<vmem>>
      %dma_start3A_177 = arith.constant 0 : i32
      %dma_start3A_178 = tpu.memref_slice %arg7[%add3A_160, %dma_start3A_177] : memref<160x128xi32, #tpu.memory_space<vmem>> -> memref<1x128xi32, #tpu.memory_space<vmem>>
      %dma_start3A_179 = tpu.memref_squeeze %dma_start3A_178 : memref<1x128xi32, #tpu.memory_space<vmem>> -> memref<128xi32, #tpu.memory_space<vmem>>
      %dma_start3A_180 = arith.constant 0 : i32
      %dma_start3A_181 = arith.constant 0 : i32
      %dma_start3A_182 = tpu.memref_slice %arg10[%dma_start3A_180, %dma_start3A_181] : memref<10240x64xf32, #tpu.memory_space<vmem_shared>> -> memref<10240x64xf32, #tpu.memory_space<vmem_shared>>
      tpu.enqueue_indirect_dma source(%dma_start3A_176 : memref<128x64xf32, #tpu.memory_space<vmem>>) target(%dma_start3A_182 : memref<10240x64xf32, #tpu.memory_space<vmem_shared>>) offsets(%dma_start3A_179 : memref<128xi32, #tpu.memory_space<vmem>>) semaphore(%arg12 : memref<!tpu.dma_semaphore, #tpu.memory_space<semaphore_mem>>) {add = true}
      %add3A_183 = arith.constant 4 : i32
      %add3A_184 = arith.addi %mul3A_87, %add3A_183 : i32
      %dma_wait3A_185 = arith.constant 4 : i32
      %dma_wait3A_186 = arith.constant 0 : i32
      %dma_wait3A_187 = arith.constant 0 : i32
      %dma_wait3A_188 = tpu.memref_slice %arg8[%dma_wait3A_185, %dma_wait3A_186, %dma_wait3A_187] : memref<5x128x64xf32, #tpu.memory_space<vmem>> -> memref<1x128x64xf32, #tpu.memory_space<vmem>>
      %dma_wait3A_189 = tpu.memref_squeeze %dma_wait3A_188 : memref<1x128x64xf32, #tpu.memory_space<vmem>> -> memref<128x64xf32, #tpu.memory_space<vmem>>
      %dma_wait3A_190 = arith.constant 0 : i32
      %dma_wait3A_191 = tpu.memref_slice %arg6[%add3A_184, %dma_wait3A_190] : memref<160x128xi32, #tpu.memory_space<vmem>> -> memref<1x128xi32, #tpu.memory_space<vmem>>
      %dma_wait3A_192 = tpu.memref_squeeze %dma_wait3A_191 : memref<1x128xi32, #tpu.memory_space<vmem>> -> memref<128xi32, #tpu.memory_space<vmem>>
      %dma_wait3A_193 = arith.constant 0 : i32
      %dma_wait3A_194 = arith.constant 0 : i32
      %dma_wait3A_195 = tpu.memref_slice %arg2[%dma_wait3A_193, %dma_wait3A_194] : memref<81920x64xf32, #tpu.memory_space<hbm>> -> memref<81920x64xf32, #tpu.memory_space<hbm>>
      tpu.wait_indirect_dma semaphore(%arg11 : memref<!tpu.dma_semaphore, #tpu.memory_space<semaphore_mem>>) src(%dma_wait3A_195 : memref<81920x64xf32, #tpu.memory_space<hbm>>) dst(%dma_wait3A_189 : memref<128x64xf32, #tpu.memory_space<vmem>>)
      %dma_start3A_196 = arith.constant 4 : i32
      %dma_start3A_197 = arith.constant 0 : i32
      %dma_start3A_198 = arith.constant 0 : i32
      %dma_start3A_199 = tpu.memref_slice %arg8[%dma_start3A_196, %dma_start3A_197, %dma_start3A_198] : memref<5x128x64xf32, #tpu.memory_space<vmem>> -> memref<1x128x64xf32, #tpu.memory_space<vmem>>
      %dma_start3A_200 = tpu.memref_squeeze %dma_start3A_199 : memref<1x128x64xf32, #tpu.memory_space<vmem>> -> memref<128x64xf32, #tpu.memory_space<vmem>>
      %dma_start3A_201 = arith.constant 0 : i32
      %dma_start3A_202 = tpu.memref_slice %arg7[%add3A_184, %dma_start3A_201] : memref<160x128xi32, #tpu.memory_space<vmem>> -> memref<1x128xi32, #tpu.memory_space<vmem>>
      %dma_start3A_203 = tpu.memref_squeeze %dma_start3A_202 : memref<1x128xi32, #tpu.memory_space<vmem>> -> memref<128xi32, #tpu.memory_space<vmem>>
      %dma_start3A_204 = arith.constant 0 : i32
      %dma_start3A_205 = arith.constant 0 : i32
      %dma_start3A_206 = tpu.memref_slice %arg10[%dma_start3A_204, %dma_start3A_205] : memref<10240x64xf32, #tpu.memory_space<vmem_shared>> -> memref<10240x64xf32, #tpu.memory_space<vmem_shared>>
      tpu.enqueue_indirect_dma source(%dma_start3A_200 : memref<128x64xf32, #tpu.memory_space<vmem>>) target(%dma_start3A_206 : memref<10240x64xf32, #tpu.memory_space<vmem_shared>>) offsets(%dma_start3A_203 : memref<128xi32, #tpu.memory_space<vmem>>) semaphore(%arg12 : memref<!tpu.dma_semaphore, #tpu.memory_space<semaphore_mem>>) {add = true}
      %add3A_207 = arith.constant 0 : i32
      %add3A_208 = arith.addi %mul3A_87, %add3A_207 : i32
      %dma_wait3A_209 = arith.constant 0 : i32
      %dma_wait3A_210 = arith.constant 0 : i32
      %dma_wait3A_211 = arith.constant 0 : i32
      %dma_wait3A_212 = tpu.memref_slice %arg8[%dma_wait3A_209, %dma_wait3A_210, %dma_wait3A_211] : memref<5x128x64xf32, #tpu.memory_space<vmem>> -> memref<1x128x64xf32, #tpu.memory_space<vmem>>
      %dma_wait3A_213 = tpu.memref_squeeze %dma_wait3A_212 : memref<1x128x64xf32, #tpu.memory_space<vmem>> -> memref<128x64xf32, #tpu.memory_space<vmem>>
      %dma_wait3A_214 = arith.constant 0 : i32
      %dma_wait3A_215 = tpu.memref_slice %arg7[%add3A_208, %dma_wait3A_214] : memref<160x128xi32, #tpu.memory_space<vmem>> -> memref<1x128xi32, #tpu.memory_space<vmem>>
      %dma_wait3A_216 = tpu.memref_squeeze %dma_wait3A_215 : memref<1x128xi32, #tpu.memory_space<vmem>> -> memref<128xi32, #tpu.memory_space<vmem>>
      %dma_wait3A_217 = arith.constant 0 : i32
      %dma_wait3A_218 = arith.constant 0 : i32
      %dma_wait3A_219 = tpu.memref_slice %arg10[%dma_wait3A_217, %dma_wait3A_218] : memref<10240x64xf32, #tpu.memory_space<vmem_shared>> -> memref<10240x64xf32, #tpu.memory_space<vmem_shared>>
      tpu.wait_indirect_dma semaphore(%arg12 : memref<!tpu.dma_semaphore, #tpu.memory_space<semaphore_mem>>) src(%dma_wait3A_213 : memref<128x64xf32, #tpu.memory_space<vmem>>) dst(%dma_wait3A_219 : memref<10240x64xf32, #tpu.memory_space<vmem_shared>>)
      %add3A_220 = arith.constant 1 : i32
      %add3A_221 = arith.addi %mul3A_87, %add3A_220 : i32
      %dma_wait3A_222 = arith.constant 1 : i32
      %dma_wait3A_223 = arith.constant 0 : i32
      %dma_wait3A_224 = arith.constant 0 : i32
      %dma_wait3A_225 = tpu.memref_slice %arg8[%dma_wait3A_222, %dma_wait3A_223, %dma_wait3A_224] : memref<5x128x64xf32, #tpu.memory_space<vmem>> -> memref<1x128x64xf32, #tpu.memory_space<vmem>>
      %dma_wait3A_226 = tpu.memref_squeeze %dma_wait3A_225 : memref<1x128x64xf32, #tpu.memory_space<vmem>> -> memref<128x64xf32, #tpu.memory_space<vmem>>
      %dma_wait3A_227 = arith.constant 0 : i32
      %dma_wait3A_228 = tpu.memref_slice %arg7[%add3A_221, %dma_wait3A_227] : memref<160x128xi32, #tpu.memory_space<vmem>> -> memref<1x128xi32, #tpu.memory_space<vmem>>
      %dma_wait3A_229 = tpu.memref_squeeze %dma_wait3A_228 : memref<1x128xi32, #tpu.memory_space<vmem>> -> memref<128xi32, #tpu.memory_space<vmem>>
      %dma_wait3A_230 = arith.constant 0 : i32
      %dma_wait3A_231 = arith.constant 0 : i32
      %dma_wait3A_232 = tpu.memref_slice %arg10[%dma_wait3A_230, %dma_wait3A_231] : memref<10240x64xf32, #tpu.memory_space<vmem_shared>> -> memref<10240x64xf32, #tpu.memory_space<vmem_shared>>
      tpu.wait_indirect_dma semaphore(%arg12 : memref<!tpu.dma_semaphore, #tpu.memory_space<semaphore_mem>>) src(%dma_wait3A_226 : memref<128x64xf32, #tpu.memory_space<vmem>>) dst(%dma_wait3A_232 : memref<10240x64xf32, #tpu.memory_space<vmem_shared>>)
      %add3A_233 = arith.constant 2 : i32
      %add3A_234 = arith.addi %mul3A_87, %add3A_233 : i32
      %dma_wait3A_235 = arith.constant 2 : i32
      %dma_wait3A_236 = arith.constant 0 : i32
      %dma_wait3A_237 = arith.constant 0 : i32
      %dma_wait3A_238 = tpu.memref_slice %arg8[%dma_wait3A_235, %dma_wait3A_236, %dma_wait3A_237] : memref<5x128x64xf32, #tpu.memory_space<vmem>> -> memref<1x128x64xf32, #tpu.memory_space<vmem>>
      %dma_wait3A_239 = tpu.memref_squeeze %dma_wait3A_238 : memref<1x128x64xf32, #tpu.memory_space<vmem>> -> memref<128x64xf32, #tpu.memory_space<vmem>>
      %dma_wait3A_240 = arith.constant 0 : i32
      %dma_wait3A_241 = tpu.memref_slice %arg7[%add3A_234, %dma_wait3A_240] : memref<160x128xi32, #tpu.memory_space<vmem>> -> memref<1x128xi32, #tpu.memory_space<vmem>>
      %dma_wait3A_242 = tpu.memref_squeeze %dma_wait3A_241 : memref<1x128xi32, #tpu.memory_space<vmem>> -> memref<128xi32, #tpu.memory_space<vmem>>
      %dma_wait3A_243 = arith.constant 0 : i32
      %dma_wait3A_244 = arith.constant 0 : i32
      %dma_wait3A_245 = tpu.memref_slice %arg10[%dma_wait3A_243, %dma_wait3A_244] : memref<10240x64xf32, #tpu.memory_space<vmem_shared>> -> memref<10240x64xf32, #tpu.memory_space<vmem_shared>>
      tpu.wait_indirect_dma semaphore(%arg12 : memref<!tpu.dma_semaphore, #tpu.memory_space<semaphore_mem>>) src(%dma_wait3A_239 : memref<128x64xf32, #tpu.memory_space<vmem>>) dst(%dma_wait3A_245 : memref<10240x64xf32, #tpu.memory_space<vmem_shared>>)
      %add3A_246 = arith.constant 3 : i32
      %add3A_247 = arith.addi %mul3A_87, %add3A_246 : i32
      %dma_wait3A_248 = arith.constant 3 : i32
      %dma_wait3A_249 = arith.constant 0 : i32
      %dma_wait3A_250 = arith.constant 0 : i32
      %dma_wait3A_251 = tpu.memref_slice %arg8[%dma_wait3A_248, %dma_wait3A_249, %dma_wait3A_250] : memref<5x128x64xf32, #tpu.memory_space<vmem>> -> memref<1x128x64xf32, #tpu.memory_space<vmem>>
      %dma_wait3A_252 = tpu.memref_squeeze %dma_wait3A_251 : memref<1x128x64xf32, #tpu.memory_space<vmem>> -> memref<128x64xf32, #tpu.memory_space<vmem>>
      %dma_wait3A_253 = arith.constant 0 : i32
      %dma_wait3A_254 = tpu.memref_slice %arg7[%add3A_247, %dma_wait3A_253] : memref<160x128xi32, #tpu.memory_space<vmem>> -> memref<1x128xi32, #tpu.memory_space<vmem>>
      %dma_wait3A_255 = tpu.memref_squeeze %dma_wait3A_254 : memref<1x128xi32, #tpu.memory_space<vmem>> -> memref<128xi32, #tpu.memory_space<vmem>>
      %dma_wait3A_256 = arith.constant 0 : i32
      %dma_wait3A_257 = arith.constant 0 : i32
      %dma_wait3A_258 = tpu.memref_slice %arg10[%dma_wait3A_256, %dma_wait3A_257] : memref<10240x64xf32, #tpu.memory_space<vmem_shared>> -> memref<10240x64xf32, #tpu.memory_space<vmem_shared>>
      tpu.wait_indirect_dma semaphore(%arg12 : memref<!tpu.dma_semaphore, #tpu.memory_space<semaphore_mem>>) src(%dma_wait3A_252 : memref<128x64xf32, #tpu.memory_space<vmem>>) dst(%dma_wait3A_258 : memref<10240x64xf32, #tpu.memory_space<vmem_shared>>)
      %add3A_259 = arith.constant 4 : i32
      %add3A_260 = arith.addi %mul3A_87, %add3A_259 : i32
      %dma_wait3A_261 = arith.constant 4 : i32
      %dma_wait3A_262 = arith.constant 0 : i32
      %dma_wait3A_263 = arith.constant 0 : i32
      %dma_wait3A_264 = tpu.memref_slice %arg8[%dma_wait3A_261, %dma_wait3A_262, %dma_wait3A_263] : memref<5x128x64xf32, #tpu.memory_space<vmem>> -> memref<1x128x64xf32, #tpu.memory_space<vmem>>
      %dma_wait3A_265 = tpu.memref_squeeze %dma_wait3A_264 : memref<1x128x64xf32, #tpu.memory_space<vmem>> -> memref<128x64xf32, #tpu.memory_space<vmem>>
      %dma_wait3A_266 = arith.constant 0 : i32
      %dma_wait3A_267 = tpu.memref_slice %arg7[%add3A_260, %dma_wait3A_266] : memref<160x128xi32, #tpu.memory_space<vmem>> -> memref<1x128xi32, #tpu.memory_space<vmem>>
      %dma_wait3A_268 = tpu.memref_squeeze %dma_wait3A_267 : memref<1x128xi32, #tpu.memory_space<vmem>> -> memref<128xi32, #tpu.memory_space<vmem>>
      %dma_wait3A_269 = arith.constant 0 : i32
      %dma_wait3A_270 = arith.constant 0 : i32
      %dma_wait3A_271 = tpu.memref_slice %arg10[%dma_wait3A_269, %dma_wait3A_270] : memref<10240x64xf32, #tpu.memory_space<vmem_shared>> -> memref<10240x64xf32, #tpu.memory_space<vmem_shared>>
      tpu.wait_indirect_dma semaphore(%arg12 : memref<!tpu.dma_semaphore, #tpu.memory_space<semaphore_mem>>) src(%dma_wait3A_265 : memref<128x64xf32, #tpu.memory_space<vmem>>) dst(%dma_wait3A_271 : memref<10240x64xf32, #tpu.memory_space<vmem_shared>>)
      %add3A_272 = arith.constant 5 : i32
      %add3A_273 = arith.addi %mul3A_87, %add3A_272 : i32
      %add3A_274 = arith.constant 0 : i32
      %add3A_275 = arith.addi %add3A_273, %add3A_274 : i32
      %lt3A = arith.constant 160 : i32
      %lt3A_276 = arith.cmpi slt, %add3A_275, %lt3A : i32
      %convert_element_type3A = arith.extui %lt3A_276 : i1 to i32
      %cond3A = arith.constant 0 : i32
      %cond3A_277 = arith.cmpi ne, %convert_element_type3A, %cond3A : i32
      scf.if %cond3A_277 {
        %dma_start3A_315 = arith.constant 0 : i32
        %dma_start3A_316 = arith.constant 0 : i32
        %dma_start3A_317 = arith.constant 0 : i32
        %dma_start3A_318 = tpu.memref_slice %arg8[%dma_start3A_315, %dma_start3A_316, %dma_start3A_317] : memref<5x128x64xf32, #tpu.memory_space<vmem>> -> memref<1x128x64xf32, #tpu.memory_space<vmem>>
        %dma_start3A_319 = tpu.memref_squeeze %dma_start3A_318 : memref<1x128x64xf32, #tpu.memory_space<vmem>> -> memref<128x64xf32, #tpu.memory_space<vmem>>
        %dma_start3A_320 = arith.constant 0 : i32
        %dma_start3A_321 = tpu.memref_slice %arg6[%add3A_275, %dma_start3A_320] : memref<160x128xi32, #tpu.memory_space<vmem>> -> memref<1x128xi32, #tpu.memory_space<vmem>>
        %dma_start3A_322 = tpu.memref_squeeze %dma_start3A_321 : memref<1x128xi32, #tpu.memory_space<vmem>> -> memref<128xi32, #tpu.memory_space<vmem>>
        %dma_start3A_323 = arith.constant 0 : i32
        %dma_start3A_324 = arith.constant 0 : i32
        %dma_start3A_325 = tpu.memref_slice %arg2[%dma_start3A_323, %dma_start3A_324] : memref<81920x64xf32, #tpu.memory_space<hbm>> -> memref<81920x64xf32, #tpu.memory_space<hbm>>
        tpu.enqueue_indirect_dma source(%dma_start3A_325 : memref<81920x64xf32, #tpu.memory_space<hbm>>) target(%dma_start3A_319 : memref<128x64xf32, #tpu.memory_space<vmem>>) offsets(%dma_start3A_322 : memref<128xi32, #tpu.memory_space<vmem>>) semaphore(%arg11 : memref<!tpu.dma_semaphore, #tpu.memory_space<semaphore_mem>>)
      } else {
      }
      %add3A_278 = arith.constant 5 : i32
      %add3A_279 = arith.addi %mul3A_87, %add3A_278 : i32
      %add3A_280 = arith.constant 1 : i32
      %add3A_281 = arith.addi %add3A_279, %add3A_280 : i32
      %lt3A_282 = arith.constant 160 : i32
      %lt3A_283 = arith.cmpi slt, %add3A_281, %lt3A_282 : i32
      %convert_element_type3A_284 = arith.extui %lt3A_283 : i1 to i32
      %cond3A_285 = arith.constant 0 : i32
      %cond3A_286 = arith.cmpi ne, %convert_element_type3A_284, %cond3A_285 : i32
      scf.if %cond3A_286 {
        %dma_start3A_315 = arith.constant 1 : i32
        %dma_start3A_316 = arith.constant 0 : i32
        %dma_start3A_317 = arith.constant 0 : i32
        %dma_start3A_318 = tpu.memref_slice %arg8[%dma_start3A_315, %dma_start3A_316, %dma_start3A_317] : memref<5x128x64xf32, #tpu.memory_space<vmem>> -> memref<1x128x64xf32, #tpu.memory_space<vmem>>
        %dma_start3A_319 = tpu.memref_squeeze %dma_start3A_318 : memref<1x128x64xf32, #tpu.memory_space<vmem>> -> memref<128x64xf32, #tpu.memory_space<vmem>>
        %dma_start3A_320 = arith.constant 0 : i32
        %dma_start3A_321 = tpu.memref_slice %arg6[%add3A_281, %dma_start3A_320] : memref<160x128xi32, #tpu.memory_space<vmem>> -> memref<1x128xi32, #tpu.memory_space<vmem>>
        %dma_start3A_322 = tpu.memref_squeeze %dma_start3A_321 : memref<1x128xi32, #tpu.memory_space<vmem>> -> memref<128xi32, #tpu.memory_space<vmem>>
        %dma_start3A_323 = arith.constant 0 : i32
        %dma_start3A_324 = arith.constant 0 : i32
        %dma_start3A_325 = tpu.memref_slice %arg2[%dma_start3A_323, %dma_start3A_324] : memref<81920x64xf32, #tpu.memory_space<hbm>> -> memref<81920x64xf32, #tpu.memory_space<hbm>>
        tpu.enqueue_indirect_dma source(%dma_start3A_325 : memref<81920x64xf32, #tpu.memory_space<hbm>>) target(%dma_start3A_319 : memref<128x64xf32, #tpu.memory_space<vmem>>) offsets(%dma_start3A_322 : memref<128xi32, #tpu.memory_space<vmem>>) semaphore(%arg11 : memref<!tpu.dma_semaphore, #tpu.memory_space<semaphore_mem>>)
      } else {
      }
      %add3A_287 = arith.constant 5 : i32
      %add3A_288 = arith.addi %mul3A_87, %add3A_287 : i32
      %add3A_289 = arith.constant 2 : i32
      %add3A_290 = arith.addi %add3A_288, %add3A_289 : i32
      %lt3A_291 = arith.constant 160 : i32
      %lt3A_292 = arith.cmpi slt, %add3A_290, %lt3A_291 : i32
      %convert_element_type3A_293 = arith.extui %lt3A_292 : i1 to i32
      %cond3A_294 = arith.constant 0 : i32
      %cond3A_295 = arith.cmpi ne, %convert_element_type3A_293, %cond3A_294 : i32
      scf.if %cond3A_295 {
        %dma_start3A_315 = arith.constant 2 : i32
        %dma_start3A_316 = arith.constant 0 : i32
        %dma_start3A_317 = arith.constant 0 : i32
        %dma_start3A_318 = tpu.memref_slice %arg8[%dma_start3A_315, %dma_start3A_316, %dma_start3A_317] : memref<5x128x64xf32, #tpu.memory_space<vmem>> -> memref<1x128x64xf32, #tpu.memory_space<vmem>>
        %dma_start3A_319 = tpu.memref_squeeze %dma_start3A_318 : memref<1x128x64xf32, #tpu.memory_space<vmem>> -> memref<128x64xf32, #tpu.memory_space<vmem>>
        %dma_start3A_320 = arith.constant 0 : i32
        %dma_start3A_321 = tpu.memref_slice %arg6[%add3A_290, %dma_start3A_320] : memref<160x128xi32, #tpu.memory_space<vmem>> -> memref<1x128xi32, #tpu.memory_space<vmem>>
        %dma_start3A_322 = tpu.memref_squeeze %dma_start3A_321 : memref<1x128xi32, #tpu.memory_space<vmem>> -> memref<128xi32, #tpu.memory_space<vmem>>
        %dma_start3A_323 = arith.constant 0 : i32
        %dma_start3A_324 = arith.constant 0 : i32
        %dma_start3A_325 = tpu.memref_slice %arg2[%dma_start3A_323, %dma_start3A_324] : memref<81920x64xf32, #tpu.memory_space<hbm>> -> memref<81920x64xf32, #tpu.memory_space<hbm>>
        tpu.enqueue_indirect_dma source(%dma_start3A_325 : memref<81920x64xf32, #tpu.memory_space<hbm>>) target(%dma_start3A_319 : memref<128x64xf32, #tpu.memory_space<vmem>>) offsets(%dma_start3A_322 : memref<128xi32, #tpu.memory_space<vmem>>) semaphore(%arg11 : memref<!tpu.dma_semaphore, #tpu.memory_space<semaphore_mem>>)
      } else {
      }
      %add3A_296 = arith.constant 5 : i32
      %add3A_297 = arith.addi %mul3A_87, %add3A_296 : i32
      %add3A_298 = arith.constant 3 : i32
      %add3A_299 = arith.addi %add3A_297, %add3A_298 : i32
      %lt3A_300 = arith.constant 160 : i32
      %lt3A_301 = arith.cmpi slt, %add3A_299, %lt3A_300 : i32
      %convert_element_type3A_302 = arith.extui %lt3A_301 : i1 to i32
      %cond3A_303 = arith.constant 0 : i32
      %cond3A_304 = arith.cmpi ne, %convert_element_type3A_302, %cond3A_303 : i32
      scf.if %cond3A_304 {
        %dma_start3A_315 = arith.constant 3 : i32
        %dma_start3A_316 = arith.constant 0 : i32
        %dma_start3A_317 = arith.constant 0 : i32
        %dma_start3A_318 = tpu.memref_slice %arg8[%dma_start3A_315, %dma_start3A_316, %dma_start3A_317] : memref<5x128x64xf32, #tpu.memory_space<vmem>> -> memref<1x128x64xf32, #tpu.memory_space<vmem>>
        %dma_start3A_319 = tpu.memref_squeeze %dma_start3A_318 : memref<1x128x64xf32, #tpu.memory_space<vmem>> -> memref<128x64xf32, #tpu.memory_space<vmem>>
        %dma_start3A_320 = arith.constant 0 : i32
        %dma_start3A_321 = tpu.memref_slice %arg6[%add3A_299, %dma_start3A_320] : memref<160x128xi32, #tpu.memory_space<vmem>> -> memref<1x128xi32, #tpu.memory_space<vmem>>
        %dma_start3A_322 = tpu.memref_squeeze %dma_start3A_321 : memref<1x128xi32, #tpu.memory_space<vmem>> -> memref<128xi32, #tpu.memory_space<vmem>>
        %dma_start3A_323 = arith.constant 0 : i32
        %dma_start3A_324 = arith.constant 0 : i32
        %dma_start3A_325 = tpu.memref_slice %arg2[%dma_start3A_323, %dma_start3A_324] : memref<81920x64xf32, #tpu.memory_space<hbm>> -> memref<81920x64xf32, #tpu.memory_space<hbm>>
        tpu.enqueue_indirect_dma source(%dma_start3A_325 : memref<81920x64xf32, #tpu.memory_space<hbm>>) target(%dma_start3A_319 : memref<128x64xf32, #tpu.memory_space<vmem>>) offsets(%dma_start3A_322 : memref<128xi32, #tpu.memory_space<vmem>>) semaphore(%arg11 : memref<!tpu.dma_semaphore, #tpu.memory_space<semaphore_mem>>)
      } else {
      }
      %add3A_305 = arith.constant 5 : i32
      %add3A_306 = arith.addi %mul3A_87, %add3A_305 : i32
      %add3A_307 = arith.constant 4 : i32
      %add3A_308 = arith.addi %add3A_306, %add3A_307 : i32
      %lt3A_309 = arith.constant 160 : i32
      %lt3A_310 = arith.cmpi slt, %add3A_308, %lt3A_309 : i32
      %convert_element_type3A_311 = arith.extui %lt3A_310 : i1 to i32
      %cond3A_312 = arith.constant 0 : i32
      %cond3A_313 = arith.cmpi ne, %convert_element_type3A_311, %cond3A_312 : i32
      scf.if %cond3A_313 {
        %dma_start3A_315 = arith.constant 4 : i32
        %dma_start3A_316 = arith.constant 0 : i32
        %dma_start3A_317 = arith.constant 0 : i32
        %dma_start3A_318 = tpu.memref_slice %arg8[%dma_start3A_315, %dma_start3A_316, %dma_start3A_317] : memref<5x128x64xf32, #tpu.memory_space<vmem>> -> memref<1x128x64xf32, #tpu.memory_space<vmem>>
        %dma_start3A_319 = tpu.memref_squeeze %dma_start3A_318 : memref<1x128x64xf32, #tpu.memory_space<vmem>> -> memref<128x64xf32, #tpu.memory_space<vmem>>
        %dma_start3A_320 = arith.constant 0 : i32
        %dma_start3A_321 = tpu.memref_slice %arg6[%add3A_308, %dma_start3A_320] : memref<160x128xi32, #tpu.memory_space<vmem>> -> memref<1x128xi32, #tpu.memory_space<vmem>>
        %dma_start3A_322 = tpu.memref_squeeze %dma_start3A_321 : memref<1x128xi32, #tpu.memory_space<vmem>> -> memref<128xi32, #tpu.memory_space<vmem>>
        %dma_start3A_323 = arith.constant 0 : i32
        %dma_start3A_324 = arith.constant 0 : i32
        %dma_start3A_325 = tpu.memref_slice %arg2[%dma_start3A_323, %dma_start3A_324] : memref<81920x64xf32, #tpu.memory_space<hbm>> -> memref<81920x64xf32, #tpu.memory_space<hbm>>
        tpu.enqueue_indirect_dma source(%dma_start3A_325 : memref<81920x64xf32, #tpu.memory_space<hbm>>) target(%dma_start3A_319 : memref<128x64xf32, #tpu.memory_space<vmem>>) offsets(%dma_start3A_322 : memref<128xi32, #tpu.memory_space<vmem>>) semaphore(%arg11 : memref<!tpu.dma_semaphore, #tpu.memory_space<semaphore_mem>>)
      } else {
      }
      %scan3A_314 = arith.constant 0 : i32
      scf.yield %scan3A_314 : i32
    }
    %scan3A_82 = arith.constant 32 : i32
    %barrier3A_83 = arith.constant 0 : index
    tpu.barrier barrier_id(%barrier3A_83)
    "tpu.region"() ({
      %run_scoped3A = tpu.sem_alloc : memref<!tpu.dma_semaphore, #tpu.memory_space<semaphore_mem>>
      %dma_start3A_84 = arith.constant 0 : i32
      %dma_start3A_85 = tpu.memref_slice %arg5[%arg0, %mul3A_0, %dma_start3A_84] : memref<2x10240x64xf32, #tpu.memory_space<hbm>> -> memref<1x640x64xf32, #tpu.memory_space<hbm>>
      %dma_start3A_86 = tpu.memref_squeeze %dma_start3A_85 : memref<1x640x64xf32, #tpu.memory_space<hbm>> -> memref<640x64xf32, #tpu.memory_space<hbm>>
      %dma_start3A_87 = arith.constant 0 : i32
      %dma_start3A_88 = tpu.memref_slice %arg10[%mul3A_0, %dma_start3A_87] : memref<10240x64xf32, #tpu.memory_space<vmem_shared>> -> memref<640x64xf32, #tpu.memory_space<vmem_shared>>
      tpu.enqueue_dma source(%dma_start3A_88 : memref<640x64xf32, #tpu.memory_space<vmem_shared>>) target(%dma_start3A_86 : memref<640x64xf32, #tpu.memory_space<hbm>>) target_semaphore(%run_scoped3A : memref<!tpu.dma_semaphore, #tpu.memory_space<semaphore_mem>>)
      %dma_wait3A = arith.constant 0 : i32
      %dma_wait3A_89 = tpu.memref_slice %arg5[%arg0, %mul3A_0, %dma_wait3A] : memref<2x10240x64xf32, #tpu.memory_space<hbm>> -> memref<1x640x64xf32, #tpu.memory_space<hbm>>
      %dma_wait3A_90 = tpu.memref_squeeze %dma_wait3A_89 : memref<1x640x64xf32, #tpu.memory_space<hbm>> -> memref<640x64xf32, #tpu.memory_space<hbm>>
      %dma_wait3A_91 = arith.constant 0 : i32
      %dma_wait3A_92 = tpu.memref_slice %arg10[%mul3A_0, %dma_wait3A_91] : memref<10240x64xf32, #tpu.memory_space<vmem_shared>> -> memref<640x64xf32, #tpu.memory_space<vmem_shared>>
      tpu.wait_dma2 semaphore(%run_scoped3A : memref<!tpu.dma_semaphore, #tpu.memory_space<semaphore_mem>>) src(%dma_wait3A_92 : memref<640x64xf32, #tpu.memory_space<vmem_shared>>) dst(%dma_wait3A_90 : memref<640x64xf32, #tpu.memory_space<hbm>>)
      tpu.yield
    }) : () -> ()
    return
  }
}

#map = affine_map<(d0, d1) -> (0, 0)>
#map1 = affine_map<(d0, d1) -> (0, 0, 0)>
module attributes {stable_mosaic.version = 14 : i64} {
  func.func @_sc_pass_body(%arg0: i32, %arg1: i32, %arg2: memref<40960x48xf32, #tpu.memory_space<hbm>>, %arg3: memref<32x80x128xi32, #tpu.memory_space<hbm>>, %arg4: memref<32x80x128xi32, #tpu.memory_space<hbm>>, %arg5: memref<2x10240x48xf32, #tpu.memory_space<hbm>>, %arg6: memref<80x128xi32, #tpu.memory_space<vmem>>, %arg7: memref<80x128xi32, #tpu.memory_space<vmem>>, %arg8: memref<5x128x48xf32, #tpu.memory_space<vmem>>, %arg9: memref<128x48xf32, #tpu.memory_space<vmem>>, %arg10: memref<10240x48xf32, #tpu.memory_space<vmem_shared>>, %arg11: memref<!tpu.dma_semaphore, #tpu.memory_space<semaphore_mem>>, %arg12: memref<!tpu.dma_semaphore, #tpu.memory_space<semaphore_mem>>) attributes {dimension_semantics = [#tpu.dimension_semantics<core_parallel>, #tpu.dimension_semantics<subcore_parallel>], iteration_bounds = array<i64: 2, 16>, scalar_prefetch = 0 : i64, scratch_operands = 7 : i64, tpu.core_type = #tpu.core_type<sc_vector_subcore>, window_params = [{transform_indices = #map}, {transform_indices = #map1}, {transform_indices = #map1}, {transform_indices = #map1}]} {
    %mul3A = arith.constant 640 : i32
    %mul3A_0 = arith.muli %arg1, %mul3A : i32
    %broadcast_in_dim3A = arith.constant 0.000000e+00 : f32
    %broadcast_in_dim3A_1 = vector.broadcast %broadcast_in_dim3A : f32 to vector<16xf32>
    %scan3A = arith.constant 0 : i32
    %scan3A_2 = arith.constant 0 : i32
    %scan3A_3 = arith.constant 128 : i32
    %scan3A_4 = arith.addi %scan3A_2, %scan3A_3 : i32
    %scan3A_5 = arith.constant 1 : i32
    %scan3A_6 = scf.for %scan3A_87 = %scan3A_2 to %scan3A_4 step %scan3A_5 iter_args(%scan3A_88 = %scan3A) -> (i32)  : i32 {
      %swap3A = arith.index_cast %scan3A_87 : i32 to index
      %swap3A_89 = arith.constant 0 : index
      %swap3A_90 = tpu.vector_load %arg9[%swap3A, %swap3A_89] {strides = array<i32>} : memref<128x48xf32, #tpu.memory_space<vmem>>, vector<1x16xf32>,
      %swap3A_91 = vector.shape_cast %swap3A_90 : vector<1x16xf32> to vector<16xf32>
      %swap3A_92 = vector.shape_cast %broadcast_in_dim3A_1 : vector<16xf32> to vector<1x16xf32>
      tpu.vector_store %arg9[%swap3A, %swap3A_89], %swap3A_92 {strides = array<i32>} : memref<128x48xf32, #tpu.memory_space<vmem>>, vector<1x16xf32>,
      %swap3A_93 = arith.index_cast %scan3A_87 : i32 to index
      %swap3A_94 = arith.constant 16 : index
      %swap3A_95 = tpu.vector_load %arg9[%swap3A_93, %swap3A_94] {strides = array<i32>} : memref<128x48xf32, #tpu.memory_space<vmem>>, vector<1x16xf32>,
      %swap3A_96 = vector.shape_cast %swap3A_95 : vector<1x16xf32> to vector<16xf32>
      %swap3A_97 = vector.shape_cast %broadcast_in_dim3A_1 : vector<16xf32> to vector<1x16xf32>
      tpu.vector_store %arg9[%swap3A_93, %swap3A_94], %swap3A_97 {strides = array<i32>} : memref<128x48xf32, #tpu.memory_space<vmem>>, vector<1x16xf32>,
      %swap3A_98 = arith.index_cast %scan3A_87 : i32 to index
      %swap3A_99 = arith.constant 32 : index
      %swap3A_100 = tpu.vector_load %arg9[%swap3A_98, %swap3A_99] {strides = array<i32>} : memref<128x48xf32, #tpu.memory_space<vmem>>, vector<1x16xf32>,
      %swap3A_101 = vector.shape_cast %swap3A_100 : vector<1x16xf32> to vector<16xf32>
      %swap3A_102 = vector.shape_cast %broadcast_in_dim3A_1 : vector<16xf32> to vector<1x16xf32>
      tpu.vector_store %arg9[%swap3A_98, %swap3A_99], %swap3A_102 {strides = array<i32>} : memref<128x48xf32, #tpu.memory_space<vmem>>, vector<1x16xf32>,
      %scan3A_103 = arith.constant 0 : i32
      scf.yield %scan3A_103 : i32
    }
    %scan3A_7 = arith.constant 128 : i32
    %add3A = arith.constant 0 : i32
    %add3A_8 = arith.addi %mul3A_0, %add3A : i32
    "tpu.region"() ({
      %run_scoped3A = tpu.sem_alloc : memref<!tpu.dma_semaphore, #tpu.memory_space<semaphore_mem>>
      %dma_start3A_87 = arith.constant 0 : i32
      %dma_start3A_88 = tpu.memref_slice %arg10[%add3A_8, %dma_start3A_87] : memref<10240x48xf32, #tpu.memory_space<vmem_shared>> -> memref<128x48xf32, #tpu.memory_space<vmem_shared>>
      %dma_start3A_89 = arith.constant 0 : i32
      %dma_start3A_90 = tpu.memref_slice %arg10[%add3A_8, %dma_start3A_89] : memref<10240x48xf32, #tpu.memory_space<vmem_shared>> -> memref<128x48xf32, #tpu.memory_space<vmem_shared>>
      tpu.enqueue_dma source(%arg9 : memref<128x48xf32, #tpu.memory_space<vmem>>) target(%dma_start3A_90 : memref<128x48xf32, #tpu.memory_space<vmem_shared>>) target_semaphore(%run_scoped3A : memref<!tpu.dma_semaphore, #tpu.memory_space<semaphore_mem>>)
      %dma_wait3A = arith.constant 0 : i32
      %dma_wait3A_91 = tpu.memref_slice %arg10[%add3A_8, %dma_wait3A] : memref<10240x48xf32, #tpu.memory_space<vmem_shared>> -> memref<128x48xf32, #tpu.memory_space<vmem_shared>>
      %dma_wait3A_92 = arith.constant 0 : i32
      %dma_wait3A_93 = tpu.memref_slice %arg10[%add3A_8, %dma_wait3A_92] : memref<10240x48xf32, #tpu.memory_space<vmem_shared>> -> memref<128x48xf32, #tpu.memory_space<vmem_shared>>
      tpu.wait_dma2 semaphore(%run_scoped3A : memref<!tpu.dma_semaphore, #tpu.memory_space<semaphore_mem>>) src(%arg9 : memref<128x48xf32, #tpu.memory_space<vmem>>) dst(%dma_wait3A_93 : memref<128x48xf32, #tpu.memory_space<vmem_shared>>)
      tpu.yield
    }) : () -> ()
    %add3A_9 = arith.constant 128 : i32
    %add3A_10 = arith.addi %mul3A_0, %add3A_9 : i32
    "tpu.region"() ({
      %run_scoped3A = tpu.sem_alloc : memref<!tpu.dma_semaphore, #tpu.memory_space<semaphore_mem>>
      %dma_start3A_87 = arith.constant 0 : i32
      %dma_start3A_88 = tpu.memref_slice %arg10[%add3A_10, %dma_start3A_87] : memref<10240x48xf32, #tpu.memory_space<vmem_shared>> -> memref<128x48xf32, #tpu.memory_space<vmem_shared>>
      %dma_start3A_89 = arith.constant 0 : i32
      %dma_start3A_90 = tpu.memref_slice %arg10[%add3A_10, %dma_start3A_89] : memref<10240x48xf32, #tpu.memory_space<vmem_shared>> -> memref<128x48xf32, #tpu.memory_space<vmem_shared>>
      tpu.enqueue_dma source(%arg9 : memref<128x48xf32, #tpu.memory_space<vmem>>) target(%dma_start3A_90 : memref<128x48xf32, #tpu.memory_space<vmem_shared>>) target_semaphore(%run_scoped3A : memref<!tpu.dma_semaphore, #tpu.memory_space<semaphore_mem>>)
      %dma_wait3A = arith.constant 0 : i32
      %dma_wait3A_91 = tpu.memref_slice %arg10[%add3A_10, %dma_wait3A] : memref<10240x48xf32, #tpu.memory_space<vmem_shared>> -> memref<128x48xf32, #tpu.memory_space<vmem_shared>>
      %dma_wait3A_92 = arith.constant 0 : i32
      %dma_wait3A_93 = tpu.memref_slice %arg10[%add3A_10, %dma_wait3A_92] : memref<10240x48xf32, #tpu.memory_space<vmem_shared>> -> memref<128x48xf32, #tpu.memory_space<vmem_shared>>
      tpu.wait_dma2 semaphore(%run_scoped3A : memref<!tpu.dma_semaphore, #tpu.memory_space<semaphore_mem>>) src(%arg9 : memref<128x48xf32, #tpu.memory_space<vmem>>) dst(%dma_wait3A_93 : memref<128x48xf32, #tpu.memory_space<vmem_shared>>)
      tpu.yield
    }) : () -> ()
    %add3A_11 = arith.constant 256 : i32
    %add3A_12 = arith.addi %mul3A_0, %add3A_11 : i32
    "tpu.region"() ({
      %run_scoped3A = tpu.sem_alloc : memref<!tpu.dma_semaphore, #tpu.memory_space<semaphore_mem>>
      %dma_start3A_87 = arith.constant 0 : i32
      %dma_start3A_88 = tpu.memref_slice %arg10[%add3A_12, %dma_start3A_87] : memref<10240x48xf32, #tpu.memory_space<vmem_shared>> -> memref<128x48xf32, #tpu.memory_space<vmem_shared>>
      %dma_start3A_89 = arith.constant 0 : i32
      %dma_start3A_90 = tpu.memref_slice %arg10[%add3A_12, %dma_start3A_89] : memref<10240x48xf32, #tpu.memory_space<vmem_shared>> -> memref<128x48xf32, #tpu.memory_space<vmem_shared>>
      tpu.enqueue_dma source(%arg9 : memref<128x48xf32, #tpu.memory_space<vmem>>) target(%dma_start3A_90 : memref<128x48xf32, #tpu.memory_space<vmem_shared>>) target_semaphore(%run_scoped3A : memref<!tpu.dma_semaphore, #tpu.memory_space<semaphore_mem>>)
      %dma_wait3A = arith.constant 0 : i32
      %dma_wait3A_91 = tpu.memref_slice %arg10[%add3A_12, %dma_wait3A] : memref<10240x48xf32, #tpu.memory_space<vmem_shared>> -> memref<128x48xf32, #tpu.memory_space<vmem_shared>>
      %dma_wait3A_92 = arith.constant 0 : i32
      %dma_wait3A_93 = tpu.memref_slice %arg10[%add3A_12, %dma_wait3A_92] : memref<10240x48xf32, #tpu.memory_space<vmem_shared>> -> memref<128x48xf32, #tpu.memory_space<vmem_shared>>
      tpu.wait_dma2 semaphore(%run_scoped3A : memref<!tpu.dma_semaphore, #tpu.memory_space<semaphore_mem>>) src(%arg9 : memref<128x48xf32, #tpu.memory_space<vmem>>) dst(%dma_wait3A_93 : memref<128x48xf32, #tpu.memory_space<vmem_shared>>)
      tpu.yield
    }) : () -> ()
    %add3A_13 = arith.constant 384 : i32
    %add3A_14 = arith.addi %mul3A_0, %add3A_13 : i32
    "tpu.region"() ({
      %run_scoped3A = tpu.sem_alloc : memref<!tpu.dma_semaphore, #tpu.memory_space<semaphore_mem>>
      %dma_start3A_87 = arith.constant 0 : i32
      %dma_start3A_88 = tpu.memref_slice %arg10[%add3A_14, %dma_start3A_87] : memref<10240x48xf32, #tpu.memory_space<vmem_shared>> -> memref<128x48xf32, #tpu.memory_space<vmem_shared>>
      %dma_start3A_89 = arith.constant 0 : i32
      %dma_start3A_90 = tpu.memref_slice %arg10[%add3A_14, %dma_start3A_89] : memref<10240x48xf32, #tpu.memory_space<vmem_shared>> -> memref<128x48xf32, #tpu.memory_space<vmem_shared>>
      tpu.enqueue_dma source(%arg9 : memref<128x48xf32, #tpu.memory_space<vmem>>) target(%dma_start3A_90 : memref<128x48xf32, #tpu.memory_space<vmem_shared>>) target_semaphore(%run_scoped3A : memref<!tpu.dma_semaphore, #tpu.memory_space<semaphore_mem>>)
      %dma_wait3A = arith.constant 0 : i32
      %dma_wait3A_91 = tpu.memref_slice %arg10[%add3A_14, %dma_wait3A] : memref<10240x48xf32, #tpu.memory_space<vmem_shared>> -> memref<128x48xf32, #tpu.memory_space<vmem_shared>>
      %dma_wait3A_92 = arith.constant 0 : i32
      %dma_wait3A_93 = tpu.memref_slice %arg10[%add3A_14, %dma_wait3A_92] : memref<10240x48xf32, #tpu.memory_space<vmem_shared>> -> memref<128x48xf32, #tpu.memory_space<vmem_shared>>
      tpu.wait_dma2 semaphore(%run_scoped3A : memref<!tpu.dma_semaphore, #tpu.memory_space<semaphore_mem>>) src(%arg9 : memref<128x48xf32, #tpu.memory_space<vmem>>) dst(%dma_wait3A_93 : memref<128x48xf32, #tpu.memory_space<vmem_shared>>)
      tpu.yield
    }) : () -> ()
    %add3A_15 = arith.constant 512 : i32
    %add3A_16 = arith.addi %mul3A_0, %add3A_15 : i32
    "tpu.region"() ({
      %run_scoped3A = tpu.sem_alloc : memref<!tpu.dma_semaphore, #tpu.memory_space<semaphore_mem>>
      %dma_start3A_87 = arith.constant 0 : i32
      %dma_start3A_88 = tpu.memref_slice %arg10[%add3A_16, %dma_start3A_87] : memref<10240x48xf32, #tpu.memory_space<vmem_shared>> -> memref<128x48xf32, #tpu.memory_space<vmem_shared>>
      %dma_start3A_89 = arith.constant 0 : i32
      %dma_start3A_90 = tpu.memref_slice %arg10[%add3A_16, %dma_start3A_89] : memref<10240x48xf32, #tpu.memory_space<vmem_shared>> -> memref<128x48xf32, #tpu.memory_space<vmem_shared>>
      tpu.enqueue_dma source(%arg9 : memref<128x48xf32, #tpu.memory_space<vmem>>) target(%dma_start3A_90 : memref<128x48xf32, #tpu.memory_space<vmem_shared>>) target_semaphore(%run_scoped3A : memref<!tpu.dma_semaphore, #tpu.memory_space<semaphore_mem>>)
      %dma_wait3A = arith.constant 0 : i32
      %dma_wait3A_91 = tpu.memref_slice %arg10[%add3A_16, %dma_wait3A] : memref<10240x48xf32, #tpu.memory_space<vmem_shared>> -> memref<128x48xf32, #tpu.memory_space<vmem_shared>>
      %dma_wait3A_92 = arith.constant 0 : i32
      %dma_wait3A_93 = tpu.memref_slice %arg10[%add3A_16, %dma_wait3A_92] : memref<10240x48xf32, #tpu.memory_space<vmem_shared>> -> memref<128x48xf32, #tpu.memory_space<vmem_shared>>
      tpu.wait_dma2 semaphore(%run_scoped3A : memref<!tpu.dma_semaphore, #tpu.memory_space<semaphore_mem>>) src(%arg9 : memref<128x48xf32, #tpu.memory_space<vmem>>) dst(%dma_wait3A_93 : memref<128x48xf32, #tpu.memory_space<vmem_shared>>)
      tpu.yield
    }) : () -> ()
    %mul3A_17 = arith.constant 2 : i32
    %mul3A_18 = arith.muli %arg1, %mul3A_17 : i32
    %add3A_19 = arith.addi %mul3A_18, %arg0 : i32
    "tpu.region"() ({
      %run_scoped3A = tpu.sem_alloc : memref<!tpu.dma_semaphore, #tpu.memory_space<semaphore_mem>>
      %dma_start3A_87 = arith.constant 0 : i32
      %dma_start3A_88 = arith.constant 0 : i32
      %dma_start3A_89 = tpu.memref_slice %arg3[%add3A_19, %dma_start3A_87, %dma_start3A_88] : memref<32x80x128xi32, #tpu.memory_space<hbm>> -> memref<1x80x128xi32, #tpu.memory_space<hbm>>
      %dma_start3A_90 = tpu.memref_squeeze %dma_start3A_89 : memref<1x80x128xi32, #tpu.memory_space<hbm>> -> memref<80x128xi32, #tpu.memory_space<hbm>>
      %dma_start3A_91 = arith.constant 0 : i32
      %dma_start3A_92 = arith.constant 0 : i32
      %dma_start3A_93 = tpu.memref_slice %arg3[%add3A_19, %dma_start3A_91, %dma_start3A_92] : memref<32x80x128xi32, #tpu.memory_space<hbm>> -> memref<1x80x128xi32, #tpu.memory_space<hbm>>
      %dma_start3A_94 = tpu.memref_squeeze %dma_start3A_93 : memref<1x80x128xi32, #tpu.memory_space<hbm>> -> memref<80x128xi32, #tpu.memory_space<hbm>>
      tpu.enqueue_dma source(%dma_start3A_94 : memref<80x128xi32, #tpu.memory_space<hbm>>) target(%arg6 : memref<80x128xi32, #tpu.memory_space<vmem>>) target_semaphore(%run_scoped3A : memref<!tpu.dma_semaphore, #tpu.memory_space<semaphore_mem>>)
      %dma_wait3A = arith.constant 0 : i32
      %dma_wait3A_95 = arith.constant 0 : i32
      %dma_wait3A_96 = tpu.memref_slice %arg3[%add3A_19, %dma_wait3A, %dma_wait3A_95] : memref<32x80x128xi32, #tpu.memory_space<hbm>> -> memref<1x80x128xi32, #tpu.memory_space<hbm>>
      %dma_wait3A_97 = tpu.memref_squeeze %dma_wait3A_96 : memref<1x80x128xi32, #tpu.memory_space<hbm>> -> memref<80x128xi32, #tpu.memory_space<hbm>>
      %dma_wait3A_98 = arith.constant 0 : i32
      %dma_wait3A_99 = arith.constant 0 : i32
      %dma_wait3A_100 = tpu.memref_slice %arg3[%add3A_19, %dma_wait3A_98, %dma_wait3A_99] : memref<32x80x128xi32, #tpu.memory_space<hbm>> -> memref<1x80x128xi32, #tpu.memory_space<hbm>>
      %dma_wait3A_101 = tpu.memref_squeeze %dma_wait3A_100 : memref<1x80x128xi32, #tpu.memory_space<hbm>> -> memref<80x128xi32, #tpu.memory_space<hbm>>
      tpu.wait_dma2 semaphore(%run_scoped3A : memref<!tpu.dma_semaphore, #tpu.memory_space<semaphore_mem>>) src(%dma_wait3A_101 : memref<80x128xi32, #tpu.memory_space<hbm>>) dst(%arg6 : memref<80x128xi32, #tpu.memory_space<vmem>>)
      tpu.yield
    }) : () -> ()
    "tpu.region"() ({
      %run_scoped3A = tpu.sem_alloc : memref<!tpu.dma_semaphore, #tpu.memory_space<semaphore_mem>>
      %dma_start3A_87 = arith.constant 0 : i32
      %dma_start3A_88 = arith.constant 0 : i32
      %dma_start3A_89 = tpu.memref_slice %arg4[%add3A_19, %dma_start3A_87, %dma_start3A_88] : memref<32x80x128xi32, #tpu.memory_space<hbm>> -> memref<1x80x128xi32, #tpu.memory_space<hbm>>
      %dma_start3A_90 = tpu.memref_squeeze %dma_start3A_89 : memref<1x80x128xi32, #tpu.memory_space<hbm>> -> memref<80x128xi32, #tpu.memory_space<hbm>>
      %dma_start3A_91 = arith.constant 0 : i32
      %dma_start3A_92 = arith.constant 0 : i32
      %dma_start3A_93 = tpu.memref_slice %arg4[%add3A_19, %dma_start3A_91, %dma_start3A_92] : memref<32x80x128xi32, #tpu.memory_space<hbm>> -> memref<1x80x128xi32, #tpu.memory_space<hbm>>
      %dma_start3A_94 = tpu.memref_squeeze %dma_start3A_93 : memref<1x80x128xi32, #tpu.memory_space<hbm>> -> memref<80x128xi32, #tpu.memory_space<hbm>>
      tpu.enqueue_dma source(%dma_start3A_94 : memref<80x128xi32, #tpu.memory_space<hbm>>) target(%arg7 : memref<80x128xi32, #tpu.memory_space<vmem>>) target_semaphore(%run_scoped3A : memref<!tpu.dma_semaphore, #tpu.memory_space<semaphore_mem>>)
      %dma_wait3A = arith.constant 0 : i32
      %dma_wait3A_95 = arith.constant 0 : i32
      %dma_wait3A_96 = tpu.memref_slice %arg4[%add3A_19, %dma_wait3A, %dma_wait3A_95] : memref<32x80x128xi32, #tpu.memory_space<hbm>> -> memref<1x80x128xi32, #tpu.memory_space<hbm>>
      %dma_wait3A_97 = tpu.memref_squeeze %dma_wait3A_96 : memref<1x80x128xi32, #tpu.memory_space<hbm>> -> memref<80x128xi32, #tpu.memory_space<hbm>>
      %dma_wait3A_98 = arith.constant 0 : i32
      %dma_wait3A_99 = arith.constant 0 : i32
      %dma_wait3A_100 = tpu.memref_slice %arg4[%add3A_19, %dma_wait3A_98, %dma_wait3A_99] : memref<32x80x128xi32, #tpu.memory_space<hbm>> -> memref<1x80x128xi32, #tpu.memory_space<hbm>>
      %dma_wait3A_101 = tpu.memref_squeeze %dma_wait3A_100 : memref<1x80x128xi32, #tpu.memory_space<hbm>> -> memref<80x128xi32, #tpu.memory_space<hbm>>
      tpu.wait_dma2 semaphore(%run_scoped3A : memref<!tpu.dma_semaphore, #tpu.memory_space<semaphore_mem>>) src(%dma_wait3A_101 : memref<80x128xi32, #tpu.memory_space<hbm>>) dst(%arg7 : memref<80x128xi32, #tpu.memory_space<vmem>>)
      tpu.yield
    }) : () -> ()
    %barrier3A = arith.constant 0 : index
    tpu.barrier barrier_id(%barrier3A)
    %dma_start3A = arith.constant 0 : i32
    %dma_start3A_20 = arith.constant 0 : i32
    %dma_start3A_21 = arith.constant 0 : i32
    %dma_start3A_22 = arith.constant 0 : i32
    %dma_start3A_23 = tpu.memref_slice %arg8[%dma_start3A_20, %dma_start3A_21, %dma_start3A_22] : memref<5x128x48xf32, #tpu.memory_space<vmem>> -> memref<1x128x48xf32, #tpu.memory_space<vmem>>
    %dma_start3A_24 = tpu.memref_squeeze %dma_start3A_23 : memref<1x128x48xf32, #tpu.memory_space<vmem>> -> memref<128x48xf32, #tpu.memory_space<vmem>>
    %dma_start3A_25 = arith.constant 0 : i32
    %dma_start3A_26 = tpu.memref_slice %arg6[%dma_start3A, %dma_start3A_25] : memref<80x128xi32, #tpu.memory_space<vmem>> -> memref<1x128xi32, #tpu.memory_space<vmem>>
    %dma_start3A_27 = tpu.memref_squeeze %dma_start3A_26 : memref<1x128xi32, #tpu.memory_space<vmem>> -> memref<128xi32, #tpu.memory_space<vmem>>
    %dma_start3A_28 = arith.constant 0 : i32
    %dma_start3A_29 = arith.constant 0 : i32
    %dma_start3A_30 = tpu.memref_slice %arg2[%dma_start3A_28, %dma_start3A_29] : memref<40960x48xf32, #tpu.memory_space<hbm>> -> memref<40960x48xf32, #tpu.memory_space<hbm>>
    tpu.enqueue_indirect_dma source(%dma_start3A_30 : memref<40960x48xf32, #tpu.memory_space<hbm>>) target(%dma_start3A_24 : memref<128x48xf32, #tpu.memory_space<vmem>>) offsets(%dma_start3A_27 : memref<128xi32, #tpu.memory_space<vmem>>) semaphore(%arg11 : memref<!tpu.dma_semaphore, #tpu.memory_space<semaphore_mem>>)
    %dma_start3A_31 = arith.constant 1 : i32
    %dma_start3A_32 = arith.constant 1 : i32
    %dma_start3A_33 = arith.constant 0 : i32
    %dma_start3A_34 = arith.constant 0 : i32
    %dma_start3A_35 = tpu.memref_slice %arg8[%dma_start3A_32, %dma_start3A_33, %dma_start3A_34] : memref<5x128x48xf32, #tpu.memory_space<vmem>> -> memref<1x128x48xf32, #tpu.memory_space<vmem>>
    %dma_start3A_36 = tpu.memref_squeeze %dma_start3A_35 : memref<1x128x48xf32, #tpu.memory_space<vmem>> -> memref<128x48xf32, #tpu.memory_space<vmem>>
    %dma_start3A_37 = arith.constant 0 : i32
    %dma_start3A_38 = tpu.memref_slice %arg6[%dma_start3A_31, %dma_start3A_37] : memref<80x128xi32, #tpu.memory_space<vmem>> -> memref<1x128xi32, #tpu.memory_space<vmem>>
    %dma_start3A_39 = tpu.memref_squeeze %dma_start3A_38 : memref<1x128xi32, #tpu.memory_space<vmem>> -> memref<128xi32, #tpu.memory_space<vmem>>
    %dma_start3A_40 = arith.constant 0 : i32
    %dma_start3A_41 = arith.constant 0 : i32
    %dma_start3A_42 = tpu.memref_slice %arg2[%dma_start3A_40, %dma_start3A_41] : memref<40960x48xf32, #tpu.memory_space<hbm>> -> memref<40960x48xf32, #tpu.memory_space<hbm>>
    tpu.enqueue_indirect_dma source(%dma_start3A_42 : memref<40960x48xf32, #tpu.memory_space<hbm>>) target(%dma_start3A_36 : memref<128x48xf32, #tpu.memory_space<vmem>>) offsets(%dma_start3A_39 : memref<128xi32, #tpu.memory_space<vmem>>) semaphore(%arg11 : memref<!tpu.dma_semaphore, #tpu.memory_space<semaphore_mem>>)
    %dma_start3A_43 = arith.constant 2 : i32
    %dma_start3A_44 = arith.constant 2 : i32
    %dma_start3A_45 = arith.constant 0 : i32
    %dma_start3A_46 = arith.constant 0 : i32
    %dma_start3A_47 = tpu.memref_slice %arg8[%dma_start3A_44, %dma_start3A_45, %dma_start3A_46] : memref<5x128x48xf32, #tpu.memory_space<vmem>> -> memref<1x128x48xf32, #tpu.memory_space<vmem>>
    %dma_start3A_48 = tpu.memref_squeeze %dma_start3A_47 : memref<1x128x48xf32, #tpu.memory_space<vmem>> -> memref<128x48xf32, #tpu.memory_space<vmem>>
    %dma_start3A_49 = arith.constant 0 : i32
    %dma_start3A_50 = tpu.memref_slice %arg6[%dma_start3A_43, %dma_start3A_49] : memref<80x128xi32, #tpu.memory_space<vmem>> -> memref<1x128xi32, #tpu.memory_space<vmem>>
    %dma_start3A_51 = tpu.memref_squeeze %dma_start3A_50 : memref<1x128xi32, #tpu.memory_space<vmem>> -> memref<128xi32, #tpu.memory_space<vmem>>
    %dma_start3A_52 = arith.constant 0 : i32
    %dma_start3A_53 = arith.constant 0 : i32
    %dma_start3A_54 = tpu.memref_slice %arg2[%dma_start3A_52, %dma_start3A_53] : memref<40960x48xf32, #tpu.memory_space<hbm>> -> memref<40960x48xf32, #tpu.memory_space<hbm>>
    tpu.enqueue_indirect_dma source(%dma_start3A_54 : memref<40960x48xf32, #tpu.memory_space<hbm>>) target(%dma_start3A_48 : memref<128x48xf32, #tpu.memory_space<vmem>>) offsets(%dma_start3A_51 : memref<128xi32, #tpu.memory_space<vmem>>) semaphore(%arg11 : memref<!tpu.dma_semaphore, #tpu.memory_space<semaphore_mem>>)
    %dma_start3A_55 = arith.constant 3 : i32
    %dma_start3A_56 = arith.constant 3 : i32
    %dma_start3A_57 = arith.constant 0 : i32
    %dma_start3A_58 = arith.constant 0 : i32
    %dma_start3A_59 = tpu.memref_slice %arg8[%dma_start3A_56, %dma_start3A_57, %dma_start3A_58] : memref<5x128x48xf32, #tpu.memory_space<vmem>> -> memref<1x128x48xf32, #tpu.memory_space<vmem>>
    %dma_start3A_60 = tpu.memref_squeeze %dma_start3A_59 : memref<1x128x48xf32, #tpu.memory_space<vmem>> -> memref<128x48xf32, #tpu.memory_space<vmem>>
    %dma_start3A_61 = arith.constant 0 : i32
    %dma_start3A_62 = tpu.memref_slice %arg6[%dma_start3A_55, %dma_start3A_61] : memref<80x128xi32, #tpu.memory_space<vmem>> -> memref<1x128xi32, #tpu.memory_space<vmem>>
    %dma_start3A_63 = tpu.memref_squeeze %dma_start3A_62 : memref<1x128xi32, #tpu.memory_space<vmem>> -> memref<128xi32, #tpu.memory_space<vmem>>
    %dma_start3A_64 = arith.constant 0 : i32
    %dma_start3A_65 = arith.constant 0 : i32
    %dma_start3A_66 = tpu.memref_slice %arg2[%dma_start3A_64, %dma_start3A_65] : memref<40960x48xf32, #tpu.memory_space<hbm>> -> memref<40960x48xf32, #tpu.memory_space<hbm>>
    tpu.enqueue_indirect_dma source(%dma_start3A_66 : memref<40960x48xf32, #tpu.memory_space<hbm>>) target(%dma_start3A_60 : memref<128x48xf32, #tpu.memory_space<vmem>>) offsets(%dma_start3A_63 : memref<128xi32, #tpu.memory_space<vmem>>) semaphore(%arg11 : memref<!tpu.dma_semaphore, #tpu.memory_space<semaphore_mem>>)
    %dma_start3A_67 = arith.constant 4 : i32
    %dma_start3A_68 = arith.constant 4 : i32
    %dma_start3A_69 = arith.constant 0 : i32
    %dma_start3A_70 = arith.constant 0 : i32
    %dma_start3A_71 = tpu.memref_slice %arg8[%dma_start3A_68, %dma_start3A_69, %dma_start3A_70] : memref<5x128x48xf32, #tpu.memory_space<vmem>> -> memref<1x128x48xf32, #tpu.memory_space<vmem>>
    %dma_start3A_72 = tpu.memref_squeeze %dma_start3A_71 : memref<1x128x48xf32, #tpu.memory_space<vmem>> -> memref<128x48xf32, #tpu.memory_space<vmem>>
    %dma_start3A_73 = arith.constant 0 : i32
    %dma_start3A_74 = tpu.memref_slice %arg6[%dma_start3A_67, %dma_start3A_73] : memref<80x128xi32, #tpu.memory_space<vmem>> -> memref<1x128xi32, #tpu.memory_space<vmem>>
    %dma_start3A_75 = tpu.memref_squeeze %dma_start3A_74 : memref<1x128xi32, #tpu.memory_space<vmem>> -> memref<128xi32, #tpu.memory_space<vmem>>
    %dma_start3A_76 = arith.constant 0 : i32
    %dma_start3A_77 = arith.constant 0 : i32
    %dma_start3A_78 = tpu.memref_slice %arg2[%dma_start3A_76, %dma_start3A_77] : memref<40960x48xf32, #tpu.memory_space<hbm>> -> memref<40960x48xf32, #tpu.memory_space<hbm>>
    tpu.enqueue_indirect_dma source(%dma_start3A_78 : memref<40960x48xf32, #tpu.memory_space<hbm>>) target(%dma_start3A_72 : memref<128x48xf32, #tpu.memory_space<vmem>>) offsets(%dma_start3A_75 : memref<128xi32, #tpu.memory_space<vmem>>) semaphore(%arg11 : memref<!tpu.dma_semaphore, #tpu.memory_space<semaphore_mem>>)
    %scan3A_79 = arith.constant 0 : i32
    %scan3A_80 = arith.constant 0 : i32
    %scan3A_81 = arith.constant 16 : i32
    %scan3A_82 = arith.addi %scan3A_80, %scan3A_81 : i32
    %scan3A_83 = arith.constant 1 : i32
    %scan3A_84 = scf.for %scan3A_87 = %scan3A_80 to %scan3A_82 step %scan3A_83 iter_args(%scan3A_88 = %scan3A_79) -> (i32)  : i32 {
      %mul3A_89 = arith.constant 5 : i32
      %mul3A_90 = arith.muli %scan3A_87, %mul3A_89 : i32
      %add3A_91 = arith.constant 0 : i32
      %add3A_92 = arith.addi %mul3A_90, %add3A_91 : i32
      %dma_wait3A = arith.constant 0 : i32
      %dma_wait3A_93 = arith.constant 0 : i32
      %dma_wait3A_94 = arith.constant 0 : i32
      %dma_wait3A_95 = tpu.memref_slice %arg8[%dma_wait3A, %dma_wait3A_93, %dma_wait3A_94] : memref<5x128x48xf32, #tpu.memory_space<vmem>> -> memref<1x128x48xf32, #tpu.memory_space<vmem>>
      %dma_wait3A_96 = tpu.memref_squeeze %dma_wait3A_95 : memref<1x128x48xf32, #tpu.memory_space<vmem>> -> memref<128x48xf32, #tpu.memory_space<vmem>>
      %dma_wait3A_97 = arith.constant 0 : i32
      %dma_wait3A_98 = tpu.memref_slice %arg6[%add3A_92, %dma_wait3A_97] : memref<80x128xi32, #tpu.memory_space<vmem>> -> memref<1x128xi32, #tpu.memory_space<vmem>>
      %dma_wait3A_99 = tpu.memref_squeeze %dma_wait3A_98 : memref<1x128xi32, #tpu.memory_space<vmem>> -> memref<128xi32, #tpu.memory_space<vmem>>
      %dma_wait3A_100 = arith.constant 0 : i32
      %dma_wait3A_101 = arith.constant 0 : i32
      %dma_wait3A_102 = tpu.memref_slice %arg2[%dma_wait3A_100, %dma_wait3A_101] : memref<40960x48xf32, #tpu.memory_space<hbm>> -> memref<40960x48xf32, #tpu.memory_space<hbm>>
      tpu.wait_indirect_dma semaphore(%arg11 : memref<!tpu.dma_semaphore, #tpu.memory_space<semaphore_mem>>) src(%dma_wait3A_102 : memref<40960x48xf32, #tpu.memory_space<hbm>>) dst(%dma_wait3A_96 : memref<128x48xf32, #tpu.memory_space<vmem>>)
      %dma_start3A_103 = arith.constant 0 : i32
      %dma_start3A_104 = arith.constant 0 : i32
      %dma_start3A_105 = arith.constant 0 : i32
      %dma_start3A_106 = tpu.memref_slice %arg8[%dma_start3A_103, %dma_start3A_104, %dma_start3A_105] : memref<5x128x48xf32, #tpu.memory_space<vmem>> -> memref<1x128x48xf32, #tpu.memory_space<vmem>>
      %dma_start3A_107 = tpu.memref_squeeze %dma_start3A_106 : memref<1x128x48xf32, #tpu.memory_space<vmem>> -> memref<128x48xf32, #tpu.memory_space<vmem>>
      %dma_start3A_108 = arith.constant 0 : i32
      %dma_start3A_109 = tpu.memref_slice %arg7[%add3A_92, %dma_start3A_108] : memref<80x128xi32, #tpu.memory_space<vmem>> -> memref<1x128xi32, #tpu.memory_space<vmem>>
      %dma_start3A_110 = tpu.memref_squeeze %dma_start3A_109 : memref<1x128xi32, #tpu.memory_space<vmem>> -> memref<128xi32, #tpu.memory_space<vmem>>
      %dma_start3A_111 = arith.constant 0 : i32
      %dma_start3A_112 = arith.constant 0 : i32
      %dma_start3A_113 = tpu.memref_slice %arg10[%dma_start3A_111, %dma_start3A_112] : memref<10240x48xf32, #tpu.memory_space<vmem_shared>> -> memref<10240x48xf32, #tpu.memory_space<vmem_shared>>
      tpu.enqueue_indirect_dma source(%dma_start3A_107 : memref<128x48xf32, #tpu.memory_space<vmem>>) target(%dma_start3A_113 : memref<10240x48xf32, #tpu.memory_space<vmem_shared>>) offsets(%dma_start3A_110 : memref<128xi32, #tpu.memory_space<vmem>>) semaphore(%arg12 : memref<!tpu.dma_semaphore, #tpu.memory_space<semaphore_mem>>) {add = true}
      %add3A_114 = arith.constant 1 : i32
      %add3A_115 = arith.addi %mul3A_90, %add3A_114 : i32
      %dma_wait3A_116 = arith.constant 1 : i32
      %dma_wait3A_117 = arith.constant 0 : i32
      %dma_wait3A_118 = arith.constant 0 : i32
      %dma_wait3A_119 = tpu.memref_slice %arg8[%dma_wait3A_116, %dma_wait3A_117, %dma_wait3A_118] : memref<5x128x48xf32, #tpu.memory_space<vmem>> -> memref<1x128x48xf32, #tpu.memory_space<vmem>>
      %dma_wait3A_120 = tpu.memref_squeeze %dma_wait3A_119 : memref<1x128x48xf32, #tpu.memory_space<vmem>> -> memref<128x48xf32, #tpu.memory_space<vmem>>
      %dma_wait3A_121 = arith.constant 0 : i32
      %dma_wait3A_122 = tpu.memref_slice %arg6[%add3A_115, %dma_wait3A_121] : memref<80x128xi32, #tpu.memory_space<vmem>> -> memref<1x128xi32, #tpu.memory_space<vmem>>
      %dma_wait3A_123 = tpu.memref_squeeze %dma_wait3A_122 : memref<1x128xi32, #tpu.memory_space<vmem>> -> memref<128xi32, #tpu.memory_space<vmem>>
      %dma_wait3A_124 = arith.constant 0 : i32
      %dma_wait3A_125 = arith.constant 0 : i32
      %dma_wait3A_126 = tpu.memref_slice %arg2[%dma_wait3A_124, %dma_wait3A_125] : memref<40960x48xf32, #tpu.memory_space<hbm>> -> memref<40960x48xf32, #tpu.memory_space<hbm>>
      tpu.wait_indirect_dma semaphore(%arg11 : memref<!tpu.dma_semaphore, #tpu.memory_space<semaphore_mem>>) src(%dma_wait3A_126 : memref<40960x48xf32, #tpu.memory_space<hbm>>) dst(%dma_wait3A_120 : memref<128x48xf32, #tpu.memory_space<vmem>>)
      %dma_start3A_127 = arith.constant 1 : i32
      %dma_start3A_128 = arith.constant 0 : i32
      %dma_start3A_129 = arith.constant 0 : i32
      %dma_start3A_130 = tpu.memref_slice %arg8[%dma_start3A_127, %dma_start3A_128, %dma_start3A_129] : memref<5x128x48xf32, #tpu.memory_space<vmem>> -> memref<1x128x48xf32, #tpu.memory_space<vmem>>
      %dma_start3A_131 = tpu.memref_squeeze %dma_start3A_130 : memref<1x128x48xf32, #tpu.memory_space<vmem>> -> memref<128x48xf32, #tpu.memory_space<vmem>>
      %dma_start3A_132 = arith.constant 0 : i32
      %dma_start3A_133 = tpu.memref_slice %arg7[%add3A_115, %dma_start3A_132] : memref<80x128xi32, #tpu.memory_space<vmem>> -> memref<1x128xi32, #tpu.memory_space<vmem>>
      %dma_start3A_134 = tpu.memref_squeeze %dma_start3A_133 : memref<1x128xi32, #tpu.memory_space<vmem>> -> memref<128xi32, #tpu.memory_space<vmem>>
      %dma_start3A_135 = arith.constant 0 : i32
      %dma_start3A_136 = arith.constant 0 : i32
      %dma_start3A_137 = tpu.memref_slice %arg10[%dma_start3A_135, %dma_start3A_136] : memref<10240x48xf32, #tpu.memory_space<vmem_shared>> -> memref<10240x48xf32, #tpu.memory_space<vmem_shared>>
      tpu.enqueue_indirect_dma source(%dma_start3A_131 : memref<128x48xf32, #tpu.memory_space<vmem>>) target(%dma_start3A_137 : memref<10240x48xf32, #tpu.memory_space<vmem_shared>>) offsets(%dma_start3A_134 : memref<128xi32, #tpu.memory_space<vmem>>) semaphore(%arg12 : memref<!tpu.dma_semaphore, #tpu.memory_space<semaphore_mem>>) {add = true}
      %add3A_138 = arith.constant 2 : i32
      %add3A_139 = arith.addi %mul3A_90, %add3A_138 : i32
      %dma_wait3A_140 = arith.constant 2 : i32
      %dma_wait3A_141 = arith.constant 0 : i32
      %dma_wait3A_142 = arith.constant 0 : i32
      %dma_wait3A_143 = tpu.memref_slice %arg8[%dma_wait3A_140, %dma_wait3A_141, %dma_wait3A_142] : memref<5x128x48xf32, #tpu.memory_space<vmem>> -> memref<1x128x48xf32, #tpu.memory_space<vmem>>
      %dma_wait3A_144 = tpu.memref_squeeze %dma_wait3A_143 : memref<1x128x48xf32, #tpu.memory_space<vmem>> -> memref<128x48xf32, #tpu.memory_space<vmem>>
      %dma_wait3A_145 = arith.constant 0 : i32
      %dma_wait3A_146 = tpu.memref_slice %arg6[%add3A_139, %dma_wait3A_145] : memref<80x128xi32, #tpu.memory_space<vmem>> -> memref<1x128xi32, #tpu.memory_space<vmem>>
      %dma_wait3A_147 = tpu.memref_squeeze %dma_wait3A_146 : memref<1x128xi32, #tpu.memory_space<vmem>> -> memref<128xi32, #tpu.memory_space<vmem>>
      %dma_wait3A_148 = arith.constant 0 : i32
      %dma_wait3A_149 = arith.constant 0 : i32
      %dma_wait3A_150 = tpu.memref_slice %arg2[%dma_wait3A_148, %dma_wait3A_149] : memref<40960x48xf32, #tpu.memory_space<hbm>> -> memref<40960x48xf32, #tpu.memory_space<hbm>>
      tpu.wait_indirect_dma semaphore(%arg11 : memref<!tpu.dma_semaphore, #tpu.memory_space<semaphore_mem>>) src(%dma_wait3A_150 : memref<40960x48xf32, #tpu.memory_space<hbm>>) dst(%dma_wait3A_144 : memref<128x48xf32, #tpu.memory_space<vmem>>)
      %dma_start3A_151 = arith.constant 2 : i32
      %dma_start3A_152 = arith.constant 0 : i32
      %dma_start3A_153 = arith.constant 0 : i32
      %dma_start3A_154 = tpu.memref_slice %arg8[%dma_start3A_151, %dma_start3A_152, %dma_start3A_153] : memref<5x128x48xf32, #tpu.memory_space<vmem>> -> memref<1x128x48xf32, #tpu.memory_space<vmem>>
      %dma_start3A_155 = tpu.memref_squeeze %dma_start3A_154 : memref<1x128x48xf32, #tpu.memory_space<vmem>> -> memref<128x48xf32, #tpu.memory_space<vmem>>
      %dma_start3A_156 = arith.constant 0 : i32
      %dma_start3A_157 = tpu.memref_slice %arg7[%add3A_139, %dma_start3A_156] : memref<80x128xi32, #tpu.memory_space<vmem>> -> memref<1x128xi32, #tpu.memory_space<vmem>>
      %dma_start3A_158 = tpu.memref_squeeze %dma_start3A_157 : memref<1x128xi32, #tpu.memory_space<vmem>> -> memref<128xi32, #tpu.memory_space<vmem>>
      %dma_start3A_159 = arith.constant 0 : i32
      %dma_start3A_160 = arith.constant 0 : i32
      %dma_start3A_161 = tpu.memref_slice %arg10[%dma_start3A_159, %dma_start3A_160] : memref<10240x48xf32, #tpu.memory_space<vmem_shared>> -> memref<10240x48xf32, #tpu.memory_space<vmem_shared>>
      tpu.enqueue_indirect_dma source(%dma_start3A_155 : memref<128x48xf32, #tpu.memory_space<vmem>>) target(%dma_start3A_161 : memref<10240x48xf32, #tpu.memory_space<vmem_shared>>) offsets(%dma_start3A_158 : memref<128xi32, #tpu.memory_space<vmem>>) semaphore(%arg12 : memref<!tpu.dma_semaphore, #tpu.memory_space<semaphore_mem>>) {add = true}
      %add3A_162 = arith.constant 3 : i32
      %add3A_163 = arith.addi %mul3A_90, %add3A_162 : i32
      %dma_wait3A_164 = arith.constant 3 : i32
      %dma_wait3A_165 = arith.constant 0 : i32
      %dma_wait3A_166 = arith.constant 0 : i32
      %dma_wait3A_167 = tpu.memref_slice %arg8[%dma_wait3A_164, %dma_wait3A_165, %dma_wait3A_166] : memref<5x128x48xf32, #tpu.memory_space<vmem>> -> memref<1x128x48xf32, #tpu.memory_space<vmem>>
      %dma_wait3A_168 = tpu.memref_squeeze %dma_wait3A_167 : memref<1x128x48xf32, #tpu.memory_space<vmem>> -> memref<128x48xf32, #tpu.memory_space<vmem>>
      %dma_wait3A_169 = arith.constant 0 : i32
      %dma_wait3A_170 = tpu.memref_slice %arg6[%add3A_163, %dma_wait3A_169] : memref<80x128xi32, #tpu.memory_space<vmem>> -> memref<1x128xi32, #tpu.memory_space<vmem>>
      %dma_wait3A_171 = tpu.memref_squeeze %dma_wait3A_170 : memref<1x128xi32, #tpu.memory_space<vmem>> -> memref<128xi32, #tpu.memory_space<vmem>>
      %dma_wait3A_172 = arith.constant 0 : i32
      %dma_wait3A_173 = arith.constant 0 : i32
      %dma_wait3A_174 = tpu.memref_slice %arg2[%dma_wait3A_172, %dma_wait3A_173] : memref<40960x48xf32, #tpu.memory_space<hbm>> -> memref<40960x48xf32, #tpu.memory_space<hbm>>
      tpu.wait_indirect_dma semaphore(%arg11 : memref<!tpu.dma_semaphore, #tpu.memory_space<semaphore_mem>>) src(%dma_wait3A_174 : memref<40960x48xf32, #tpu.memory_space<hbm>>) dst(%dma_wait3A_168 : memref<128x48xf32, #tpu.memory_space<vmem>>)
      %dma_start3A_175 = arith.constant 3 : i32
      %dma_start3A_176 = arith.constant 0 : i32
      %dma_start3A_177 = arith.constant 0 : i32
      %dma_start3A_178 = tpu.memref_slice %arg8[%dma_start3A_175, %dma_start3A_176, %dma_start3A_177] : memref<5x128x48xf32, #tpu.memory_space<vmem>> -> memref<1x128x48xf32, #tpu.memory_space<vmem>>
      %dma_start3A_179 = tpu.memref_squeeze %dma_start3A_178 : memref<1x128x48xf32, #tpu.memory_space<vmem>> -> memref<128x48xf32, #tpu.memory_space<vmem>>
      %dma_start3A_180 = arith.constant 0 : i32
      %dma_start3A_181 = tpu.memref_slice %arg7[%add3A_163, %dma_start3A_180] : memref<80x128xi32, #tpu.memory_space<vmem>> -> memref<1x128xi32, #tpu.memory_space<vmem>>
      %dma_start3A_182 = tpu.memref_squeeze %dma_start3A_181 : memref<1x128xi32, #tpu.memory_space<vmem>> -> memref<128xi32, #tpu.memory_space<vmem>>
      %dma_start3A_183 = arith.constant 0 : i32
      %dma_start3A_184 = arith.constant 0 : i32
      %dma_start3A_185 = tpu.memref_slice %arg10[%dma_start3A_183, %dma_start3A_184] : memref<10240x48xf32, #tpu.memory_space<vmem_shared>> -> memref<10240x48xf32, #tpu.memory_space<vmem_shared>>
      tpu.enqueue_indirect_dma source(%dma_start3A_179 : memref<128x48xf32, #tpu.memory_space<vmem>>) target(%dma_start3A_185 : memref<10240x48xf32, #tpu.memory_space<vmem_shared>>) offsets(%dma_start3A_182 : memref<128xi32, #tpu.memory_space<vmem>>) semaphore(%arg12 : memref<!tpu.dma_semaphore, #tpu.memory_space<semaphore_mem>>) {add = true}
      %add3A_186 = arith.constant 4 : i32
      %add3A_187 = arith.addi %mul3A_90, %add3A_186 : i32
      %dma_wait3A_188 = arith.constant 4 : i32
      %dma_wait3A_189 = arith.constant 0 : i32
      %dma_wait3A_190 = arith.constant 0 : i32
      %dma_wait3A_191 = tpu.memref_slice %arg8[%dma_wait3A_188, %dma_wait3A_189, %dma_wait3A_190] : memref<5x128x48xf32, #tpu.memory_space<vmem>> -> memref<1x128x48xf32, #tpu.memory_space<vmem>>
      %dma_wait3A_192 = tpu.memref_squeeze %dma_wait3A_191 : memref<1x128x48xf32, #tpu.memory_space<vmem>> -> memref<128x48xf32, #tpu.memory_space<vmem>>
      %dma_wait3A_193 = arith.constant 0 : i32
      %dma_wait3A_194 = tpu.memref_slice %arg6[%add3A_187, %dma_wait3A_193] : memref<80x128xi32, #tpu.memory_space<vmem>> -> memref<1x128xi32, #tpu.memory_space<vmem>>
      %dma_wait3A_195 = tpu.memref_squeeze %dma_wait3A_194 : memref<1x128xi32, #tpu.memory_space<vmem>> -> memref<128xi32, #tpu.memory_space<vmem>>
      %dma_wait3A_196 = arith.constant 0 : i32
      %dma_wait3A_197 = arith.constant 0 : i32
      %dma_wait3A_198 = tpu.memref_slice %arg2[%dma_wait3A_196, %dma_wait3A_197] : memref<40960x48xf32, #tpu.memory_space<hbm>> -> memref<40960x48xf32, #tpu.memory_space<hbm>>
      tpu.wait_indirect_dma semaphore(%arg11 : memref<!tpu.dma_semaphore, #tpu.memory_space<semaphore_mem>>) src(%dma_wait3A_198 : memref<40960x48xf32, #tpu.memory_space<hbm>>) dst(%dma_wait3A_192 : memref<128x48xf32, #tpu.memory_space<vmem>>)
      %dma_start3A_199 = arith.constant 4 : i32
      %dma_start3A_200 = arith.constant 0 : i32
      %dma_start3A_201 = arith.constant 0 : i32
      %dma_start3A_202 = tpu.memref_slice %arg8[%dma_start3A_199, %dma_start3A_200, %dma_start3A_201] : memref<5x128x48xf32, #tpu.memory_space<vmem>> -> memref<1x128x48xf32, #tpu.memory_space<vmem>>
      %dma_start3A_203 = tpu.memref_squeeze %dma_start3A_202 : memref<1x128x48xf32, #tpu.memory_space<vmem>> -> memref<128x48xf32, #tpu.memory_space<vmem>>
      %dma_start3A_204 = arith.constant 0 : i32
      %dma_start3A_205 = tpu.memref_slice %arg7[%add3A_187, %dma_start3A_204] : memref<80x128xi32, #tpu.memory_space<vmem>> -> memref<1x128xi32, #tpu.memory_space<vmem>>
      %dma_start3A_206 = tpu.memref_squeeze %dma_start3A_205 : memref<1x128xi32, #tpu.memory_space<vmem>> -> memref<128xi32, #tpu.memory_space<vmem>>
      %dma_start3A_207 = arith.constant 0 : i32
      %dma_start3A_208 = arith.constant 0 : i32
      %dma_start3A_209 = tpu.memref_slice %arg10[%dma_start3A_207, %dma_start3A_208] : memref<10240x48xf32, #tpu.memory_space<vmem_shared>> -> memref<10240x48xf32, #tpu.memory_space<vmem_shared>>
      tpu.enqueue_indirect_dma source(%dma_start3A_203 : memref<128x48xf32, #tpu.memory_space<vmem>>) target(%dma_start3A_209 : memref<10240x48xf32, #tpu.memory_space<vmem_shared>>) offsets(%dma_start3A_206 : memref<128xi32, #tpu.memory_space<vmem>>) semaphore(%arg12 : memref<!tpu.dma_semaphore, #tpu.memory_space<semaphore_mem>>) {add = true}
      %add3A_210 = arith.constant 0 : i32
      %add3A_211 = arith.addi %mul3A_90, %add3A_210 : i32
      %dma_wait3A_212 = arith.constant 0 : i32
      %dma_wait3A_213 = arith.constant 0 : i32
      %dma_wait3A_214 = arith.constant 0 : i32
      %dma_wait3A_215 = tpu.memref_slice %arg8[%dma_wait3A_212, %dma_wait3A_213, %dma_wait3A_214] : memref<5x128x48xf32, #tpu.memory_space<vmem>> -> memref<1x128x48xf32, #tpu.memory_space<vmem>>
      %dma_wait3A_216 = tpu.memref_squeeze %dma_wait3A_215 : memref<1x128x48xf32, #tpu.memory_space<vmem>> -> memref<128x48xf32, #tpu.memory_space<vmem>>
      %dma_wait3A_217 = arith.constant 0 : i32
      %dma_wait3A_218 = tpu.memref_slice %arg7[%add3A_211, %dma_wait3A_217] : memref<80x128xi32, #tpu.memory_space<vmem>> -> memref<1x128xi32, #tpu.memory_space<vmem>>
      %dma_wait3A_219 = tpu.memref_squeeze %dma_wait3A_218 : memref<1x128xi32, #tpu.memory_space<vmem>> -> memref<128xi32, #tpu.memory_space<vmem>>
      %dma_wait3A_220 = arith.constant 0 : i32
      %dma_wait3A_221 = arith.constant 0 : i32
      %dma_wait3A_222 = tpu.memref_slice %arg10[%dma_wait3A_220, %dma_wait3A_221] : memref<10240x48xf32, #tpu.memory_space<vmem_shared>> -> memref<10240x48xf32, #tpu.memory_space<vmem_shared>>
      tpu.wait_indirect_dma semaphore(%arg12 : memref<!tpu.dma_semaphore, #tpu.memory_space<semaphore_mem>>) src(%dma_wait3A_216 : memref<128x48xf32, #tpu.memory_space<vmem>>) dst(%dma_wait3A_222 : memref<10240x48xf32, #tpu.memory_space<vmem_shared>>)
      %add3A_223 = arith.constant 1 : i32
      %add3A_224 = arith.addi %mul3A_90, %add3A_223 : i32
      %dma_wait3A_225 = arith.constant 1 : i32
      %dma_wait3A_226 = arith.constant 0 : i32
      %dma_wait3A_227 = arith.constant 0 : i32
      %dma_wait3A_228 = tpu.memref_slice %arg8[%dma_wait3A_225, %dma_wait3A_226, %dma_wait3A_227] : memref<5x128x48xf32, #tpu.memory_space<vmem>> -> memref<1x128x48xf32, #tpu.memory_space<vmem>>
      %dma_wait3A_229 = tpu.memref_squeeze %dma_wait3A_228 : memref<1x128x48xf32, #tpu.memory_space<vmem>> -> memref<128x48xf32, #tpu.memory_space<vmem>>
      %dma_wait3A_230 = arith.constant 0 : i32
      %dma_wait3A_231 = tpu.memref_slice %arg7[%add3A_224, %dma_wait3A_230] : memref<80x128xi32, #tpu.memory_space<vmem>> -> memref<1x128xi32, #tpu.memory_space<vmem>>
      %dma_wait3A_232 = tpu.memref_squeeze %dma_wait3A_231 : memref<1x128xi32, #tpu.memory_space<vmem>> -> memref<128xi32, #tpu.memory_space<vmem>>
      %dma_wait3A_233 = arith.constant 0 : i32
      %dma_wait3A_234 = arith.constant 0 : i32
      %dma_wait3A_235 = tpu.memref_slice %arg10[%dma_wait3A_233, %dma_wait3A_234] : memref<10240x48xf32, #tpu.memory_space<vmem_shared>> -> memref<10240x48xf32, #tpu.memory_space<vmem_shared>>
      tpu.wait_indirect_dma semaphore(%arg12 : memref<!tpu.dma_semaphore, #tpu.memory_space<semaphore_mem>>) src(%dma_wait3A_229 : memref<128x48xf32, #tpu.memory_space<vmem>>) dst(%dma_wait3A_235 : memref<10240x48xf32, #tpu.memory_space<vmem_shared>>)
      %add3A_236 = arith.constant 2 : i32
      %add3A_237 = arith.addi %mul3A_90, %add3A_236 : i32
      %dma_wait3A_238 = arith.constant 2 : i32
      %dma_wait3A_239 = arith.constant 0 : i32
      %dma_wait3A_240 = arith.constant 0 : i32
      %dma_wait3A_241 = tpu.memref_slice %arg8[%dma_wait3A_238, %dma_wait3A_239, %dma_wait3A_240] : memref<5x128x48xf32, #tpu.memory_space<vmem>> -> memref<1x128x48xf32, #tpu.memory_space<vmem>>
      %dma_wait3A_242 = tpu.memref_squeeze %dma_wait3A_241 : memref<1x128x48xf32, #tpu.memory_space<vmem>> -> memref<128x48xf32, #tpu.memory_space<vmem>>
      %dma_wait3A_243 = arith.constant 0 : i32
      %dma_wait3A_244 = tpu.memref_slice %arg7[%add3A_237, %dma_wait3A_243] : memref<80x128xi32, #tpu.memory_space<vmem>> -> memref<1x128xi32, #tpu.memory_space<vmem>>
      %dma_wait3A_245 = tpu.memref_squeeze %dma_wait3A_244 : memref<1x128xi32, #tpu.memory_space<vmem>> -> memref<128xi32, #tpu.memory_space<vmem>>
      %dma_wait3A_246 = arith.constant 0 : i32
      %dma_wait3A_247 = arith.constant 0 : i32
      %dma_wait3A_248 = tpu.memref_slice %arg10[%dma_wait3A_246, %dma_wait3A_247] : memref<10240x48xf32, #tpu.memory_space<vmem_shared>> -> memref<10240x48xf32, #tpu.memory_space<vmem_shared>>
      tpu.wait_indirect_dma semaphore(%arg12 : memref<!tpu.dma_semaphore, #tpu.memory_space<semaphore_mem>>) src(%dma_wait3A_242 : memref<128x48xf32, #tpu.memory_space<vmem>>) dst(%dma_wait3A_248 : memref<10240x48xf32, #tpu.memory_space<vmem_shared>>)
      %add3A_249 = arith.constant 3 : i32
      %add3A_250 = arith.addi %mul3A_90, %add3A_249 : i32
      %dma_wait3A_251 = arith.constant 3 : i32
      %dma_wait3A_252 = arith.constant 0 : i32
      %dma_wait3A_253 = arith.constant 0 : i32
      %dma_wait3A_254 = tpu.memref_slice %arg8[%dma_wait3A_251, %dma_wait3A_252, %dma_wait3A_253] : memref<5x128x48xf32, #tpu.memory_space<vmem>> -> memref<1x128x48xf32, #tpu.memory_space<vmem>>
      %dma_wait3A_255 = tpu.memref_squeeze %dma_wait3A_254 : memref<1x128x48xf32, #tpu.memory_space<vmem>> -> memref<128x48xf32, #tpu.memory_space<vmem>>
      %dma_wait3A_256 = arith.constant 0 : i32
      %dma_wait3A_257 = tpu.memref_slice %arg7[%add3A_250, %dma_wait3A_256] : memref<80x128xi32, #tpu.memory_space<vmem>> -> memref<1x128xi32, #tpu.memory_space<vmem>>
      %dma_wait3A_258 = tpu.memref_squeeze %dma_wait3A_257 : memref<1x128xi32, #tpu.memory_space<vmem>> -> memref<128xi32, #tpu.memory_space<vmem>>
      %dma_wait3A_259 = arith.constant 0 : i32
      %dma_wait3A_260 = arith.constant 0 : i32
      %dma_wait3A_261 = tpu.memref_slice %arg10[%dma_wait3A_259, %dma_wait3A_260] : memref<10240x48xf32, #tpu.memory_space<vmem_shared>> -> memref<10240x48xf32, #tpu.memory_space<vmem_shared>>
      tpu.wait_indirect_dma semaphore(%arg12 : memref<!tpu.dma_semaphore, #tpu.memory_space<semaphore_mem>>) src(%dma_wait3A_255 : memref<128x48xf32, #tpu.memory_space<vmem>>) dst(%dma_wait3A_261 : memref<10240x48xf32, #tpu.memory_space<vmem_shared>>)
      %add3A_262 = arith.constant 4 : i32
      %add3A_263 = arith.addi %mul3A_90, %add3A_262 : i32
      %dma_wait3A_264 = arith.constant 4 : i32
      %dma_wait3A_265 = arith.constant 0 : i32
      %dma_wait3A_266 = arith.constant 0 : i32
      %dma_wait3A_267 = tpu.memref_slice %arg8[%dma_wait3A_264, %dma_wait3A_265, %dma_wait3A_266] : memref<5x128x48xf32, #tpu.memory_space<vmem>> -> memref<1x128x48xf32, #tpu.memory_space<vmem>>
      %dma_wait3A_268 = tpu.memref_squeeze %dma_wait3A_267 : memref<1x128x48xf32, #tpu.memory_space<vmem>> -> memref<128x48xf32, #tpu.memory_space<vmem>>
      %dma_wait3A_269 = arith.constant 0 : i32
      %dma_wait3A_270 = tpu.memref_slice %arg7[%add3A_263, %dma_wait3A_269] : memref<80x128xi32, #tpu.memory_space<vmem>> -> memref<1x128xi32, #tpu.memory_space<vmem>>
      %dma_wait3A_271 = tpu.memref_squeeze %dma_wait3A_270 : memref<1x128xi32, #tpu.memory_space<vmem>> -> memref<128xi32, #tpu.memory_space<vmem>>
      %dma_wait3A_272 = arith.constant 0 : i32
      %dma_wait3A_273 = arith.constant 0 : i32
      %dma_wait3A_274 = tpu.memref_slice %arg10[%dma_wait3A_272, %dma_wait3A_273] : memref<10240x48xf32, #tpu.memory_space<vmem_shared>> -> memref<10240x48xf32, #tpu.memory_space<vmem_shared>>
      tpu.wait_indirect_dma semaphore(%arg12 : memref<!tpu.dma_semaphore, #tpu.memory_space<semaphore_mem>>) src(%dma_wait3A_268 : memref<128x48xf32, #tpu.memory_space<vmem>>) dst(%dma_wait3A_274 : memref<10240x48xf32, #tpu.memory_space<vmem_shared>>)
      %add3A_275 = arith.constant 5 : i32
      %add3A_276 = arith.addi %mul3A_90, %add3A_275 : i32
      %add3A_277 = arith.constant 0 : i32
      %add3A_278 = arith.addi %add3A_276, %add3A_277 : i32
      %lt3A = arith.constant 80 : i32
      %lt3A_279 = arith.cmpi slt, %add3A_278, %lt3A : i32
      %convert_element_type3A = arith.extui %lt3A_279 : i1 to i32
      %cond3A = arith.constant 0 : i32
      %cond3A_280 = arith.cmpi ne, %convert_element_type3A, %cond3A : i32
      scf.if %cond3A_280 {
        %dma_start3A_318 = arith.constant 0 : i32
        %dma_start3A_319 = arith.constant 0 : i32
        %dma_start3A_320 = arith.constant 0 : i32
        %dma_start3A_321 = tpu.memref_slice %arg8[%dma_start3A_318, %dma_start3A_319, %dma_start3A_320] : memref<5x128x48xf32, #tpu.memory_space<vmem>> -> memref<1x128x48xf32, #tpu.memory_space<vmem>>
        %dma_start3A_322 = tpu.memref_squeeze %dma_start3A_321 : memref<1x128x48xf32, #tpu.memory_space<vmem>> -> memref<128x48xf32, #tpu.memory_space<vmem>>
        %dma_start3A_323 = arith.constant 0 : i32
        %dma_start3A_324 = tpu.memref_slice %arg6[%add3A_278, %dma_start3A_323] : memref<80x128xi32, #tpu.memory_space<vmem>> -> memref<1x128xi32, #tpu.memory_space<vmem>>
        %dma_start3A_325 = tpu.memref_squeeze %dma_start3A_324 : memref<1x128xi32, #tpu.memory_space<vmem>> -> memref<128xi32, #tpu.memory_space<vmem>>
        %dma_start3A_326 = arith.constant 0 : i32
        %dma_start3A_327 = arith.constant 0 : i32
        %dma_start3A_328 = tpu.memref_slice %arg2[%dma_start3A_326, %dma_start3A_327] : memref<40960x48xf32, #tpu.memory_space<hbm>> -> memref<40960x48xf32, #tpu.memory_space<hbm>>
        tpu.enqueue_indirect_dma source(%dma_start3A_328 : memref<40960x48xf32, #tpu.memory_space<hbm>>) target(%dma_start3A_322 : memref<128x48xf32, #tpu.memory_space<vmem>>) offsets(%dma_start3A_325 : memref<128xi32, #tpu.memory_space<vmem>>) semaphore(%arg11 : memref<!tpu.dma_semaphore, #tpu.memory_space<semaphore_mem>>)
      } else {
      }
      %add3A_281 = arith.constant 5 : i32
      %add3A_282 = arith.addi %mul3A_90, %add3A_281 : i32
      %add3A_283 = arith.constant 1 : i32
      %add3A_284 = arith.addi %add3A_282, %add3A_283 : i32
      %lt3A_285 = arith.constant 80 : i32
      %lt3A_286 = arith.cmpi slt, %add3A_284, %lt3A_285 : i32
      %convert_element_type3A_287 = arith.extui %lt3A_286 : i1 to i32
      %cond3A_288 = arith.constant 0 : i32
      %cond3A_289 = arith.cmpi ne, %convert_element_type3A_287, %cond3A_288 : i32
      scf.if %cond3A_289 {
        %dma_start3A_318 = arith.constant 1 : i32
        %dma_start3A_319 = arith.constant 0 : i32
        %dma_start3A_320 = arith.constant 0 : i32
        %dma_start3A_321 = tpu.memref_slice %arg8[%dma_start3A_318, %dma_start3A_319, %dma_start3A_320] : memref<5x128x48xf32, #tpu.memory_space<vmem>> -> memref<1x128x48xf32, #tpu.memory_space<vmem>>
        %dma_start3A_322 = tpu.memref_squeeze %dma_start3A_321 : memref<1x128x48xf32, #tpu.memory_space<vmem>> -> memref<128x48xf32, #tpu.memory_space<vmem>>
        %dma_start3A_323 = arith.constant 0 : i32
        %dma_start3A_324 = tpu.memref_slice %arg6[%add3A_284, %dma_start3A_323] : memref<80x128xi32, #tpu.memory_space<vmem>> -> memref<1x128xi32, #tpu.memory_space<vmem>>
        %dma_start3A_325 = tpu.memref_squeeze %dma_start3A_324 : memref<1x128xi32, #tpu.memory_space<vmem>> -> memref<128xi32, #tpu.memory_space<vmem>>
        %dma_start3A_326 = arith.constant 0 : i32
        %dma_start3A_327 = arith.constant 0 : i32
        %dma_start3A_328 = tpu.memref_slice %arg2[%dma_start3A_326, %dma_start3A_327] : memref<40960x48xf32, #tpu.memory_space<hbm>> -> memref<40960x48xf32, #tpu.memory_space<hbm>>
        tpu.enqueue_indirect_dma source(%dma_start3A_328 : memref<40960x48xf32, #tpu.memory_space<hbm>>) target(%dma_start3A_322 : memref<128x48xf32, #tpu.memory_space<vmem>>) offsets(%dma_start3A_325 : memref<128xi32, #tpu.memory_space<vmem>>) semaphore(%arg11 : memref<!tpu.dma_semaphore, #tpu.memory_space<semaphore_mem>>)
      } else {
      }
      %add3A_290 = arith.constant 5 : i32
      %add3A_291 = arith.addi %mul3A_90, %add3A_290 : i32
      %add3A_292 = arith.constant 2 : i32
      %add3A_293 = arith.addi %add3A_291, %add3A_292 : i32
      %lt3A_294 = arith.constant 80 : i32
      %lt3A_295 = arith.cmpi slt, %add3A_293, %lt3A_294 : i32
      %convert_element_type3A_296 = arith.extui %lt3A_295 : i1 to i32
      %cond3A_297 = arith.constant 0 : i32
      %cond3A_298 = arith.cmpi ne, %convert_element_type3A_296, %cond3A_297 : i32
      scf.if %cond3A_298 {
        %dma_start3A_318 = arith.constant 2 : i32
        %dma_start3A_319 = arith.constant 0 : i32
        %dma_start3A_320 = arith.constant 0 : i32
        %dma_start3A_321 = tpu.memref_slice %arg8[%dma_start3A_318, %dma_start3A_319, %dma_start3A_320] : memref<5x128x48xf32, #tpu.memory_space<vmem>> -> memref<1x128x48xf32, #tpu.memory_space<vmem>>
        %dma_start3A_322 = tpu.memref_squeeze %dma_start3A_321 : memref<1x128x48xf32, #tpu.memory_space<vmem>> -> memref<128x48xf32, #tpu.memory_space<vmem>>
        %dma_start3A_323 = arith.constant 0 : i32
        %dma_start3A_324 = tpu.memref_slice %arg6[%add3A_293, %dma_start3A_323] : memref<80x128xi32, #tpu.memory_space<vmem>> -> memref<1x128xi32, #tpu.memory_space<vmem>>
        %dma_start3A_325 = tpu.memref_squeeze %dma_start3A_324 : memref<1x128xi32, #tpu.memory_space<vmem>> -> memref<128xi32, #tpu.memory_space<vmem>>
        %dma_start3A_326 = arith.constant 0 : i32
        %dma_start3A_327 = arith.constant 0 : i32
        %dma_start3A_328 = tpu.memref_slice %arg2[%dma_start3A_326, %dma_start3A_327] : memref<40960x48xf32, #tpu.memory_space<hbm>> -> memref<40960x48xf32, #tpu.memory_space<hbm>>
        tpu.enqueue_indirect_dma source(%dma_start3A_328 : memref<40960x48xf32, #tpu.memory_space<hbm>>) target(%dma_start3A_322 : memref<128x48xf32, #tpu.memory_space<vmem>>) offsets(%dma_start3A_325 : memref<128xi32, #tpu.memory_space<vmem>>) semaphore(%arg11 : memref<!tpu.dma_semaphore, #tpu.memory_space<semaphore_mem>>)
      } else {
      }
      %add3A_299 = arith.constant 5 : i32
      %add3A_300 = arith.addi %mul3A_90, %add3A_299 : i32
      %add3A_301 = arith.constant 3 : i32
      %add3A_302 = arith.addi %add3A_300, %add3A_301 : i32
      %lt3A_303 = arith.constant 80 : i32
      %lt3A_304 = arith.cmpi slt, %add3A_302, %lt3A_303 : i32
      %convert_element_type3A_305 = arith.extui %lt3A_304 : i1 to i32
      %cond3A_306 = arith.constant 0 : i32
      %cond3A_307 = arith.cmpi ne, %convert_element_type3A_305, %cond3A_306 : i32
      scf.if %cond3A_307 {
        %dma_start3A_318 = arith.constant 3 : i32
        %dma_start3A_319 = arith.constant 0 : i32
        %dma_start3A_320 = arith.constant 0 : i32
        %dma_start3A_321 = tpu.memref_slice %arg8[%dma_start3A_318, %dma_start3A_319, %dma_start3A_320] : memref<5x128x48xf32, #tpu.memory_space<vmem>> -> memref<1x128x48xf32, #tpu.memory_space<vmem>>
        %dma_start3A_322 = tpu.memref_squeeze %dma_start3A_321 : memref<1x128x48xf32, #tpu.memory_space<vmem>> -> memref<128x48xf32, #tpu.memory_space<vmem>>
        %dma_start3A_323 = arith.constant 0 : i32
        %dma_start3A_324 = tpu.memref_slice %arg6[%add3A_302, %dma_start3A_323] : memref<80x128xi32, #tpu.memory_space<vmem>> -> memref<1x128xi32, #tpu.memory_space<vmem>>
        %dma_start3A_325 = tpu.memref_squeeze %dma_start3A_324 : memref<1x128xi32, #tpu.memory_space<vmem>> -> memref<128xi32, #tpu.memory_space<vmem>>
        %dma_start3A_326 = arith.constant 0 : i32
        %dma_start3A_327 = arith.constant 0 : i32
        %dma_start3A_328 = tpu.memref_slice %arg2[%dma_start3A_326, %dma_start3A_327] : memref<40960x48xf32, #tpu.memory_space<hbm>> -> memref<40960x48xf32, #tpu.memory_space<hbm>>
        tpu.enqueue_indirect_dma source(%dma_start3A_328 : memref<40960x48xf32, #tpu.memory_space<hbm>>) target(%dma_start3A_322 : memref<128x48xf32, #tpu.memory_space<vmem>>) offsets(%dma_start3A_325 : memref<128xi32, #tpu.memory_space<vmem>>) semaphore(%arg11 : memref<!tpu.dma_semaphore, #tpu.memory_space<semaphore_mem>>)
      } else {
      }
      %add3A_308 = arith.constant 5 : i32
      %add3A_309 = arith.addi %mul3A_90, %add3A_308 : i32
      %add3A_310 = arith.constant 4 : i32
      %add3A_311 = arith.addi %add3A_309, %add3A_310 : i32
      %lt3A_312 = arith.constant 80 : i32
      %lt3A_313 = arith.cmpi slt, %add3A_311, %lt3A_312 : i32
      %convert_element_type3A_314 = arith.extui %lt3A_313 : i1 to i32
      %cond3A_315 = arith.constant 0 : i32
      %cond3A_316 = arith.cmpi ne, %convert_element_type3A_314, %cond3A_315 : i32
      scf.if %cond3A_316 {
        %dma_start3A_318 = arith.constant 4 : i32
        %dma_start3A_319 = arith.constant 0 : i32
        %dma_start3A_320 = arith.constant 0 : i32
        %dma_start3A_321 = tpu.memref_slice %arg8[%dma_start3A_318, %dma_start3A_319, %dma_start3A_320] : memref<5x128x48xf32, #tpu.memory_space<vmem>> -> memref<1x128x48xf32, #tpu.memory_space<vmem>>
        %dma_start3A_322 = tpu.memref_squeeze %dma_start3A_321 : memref<1x128x48xf32, #tpu.memory_space<vmem>> -> memref<128x48xf32, #tpu.memory_space<vmem>>
        %dma_start3A_323 = arith.constant 0 : i32
        %dma_start3A_324 = tpu.memref_slice %arg6[%add3A_311, %dma_start3A_323] : memref<80x128xi32, #tpu.memory_space<vmem>> -> memref<1x128xi32, #tpu.memory_space<vmem>>
        %dma_start3A_325 = tpu.memref_squeeze %dma_start3A_324 : memref<1x128xi32, #tpu.memory_space<vmem>> -> memref<128xi32, #tpu.memory_space<vmem>>
        %dma_start3A_326 = arith.constant 0 : i32
        %dma_start3A_327 = arith.constant 0 : i32
        %dma_start3A_328 = tpu.memref_slice %arg2[%dma_start3A_326, %dma_start3A_327] : memref<40960x48xf32, #tpu.memory_space<hbm>> -> memref<40960x48xf32, #tpu.memory_space<hbm>>
        tpu.enqueue_indirect_dma source(%dma_start3A_328 : memref<40960x48xf32, #tpu.memory_space<hbm>>) target(%dma_start3A_322 : memref<128x48xf32, #tpu.memory_space<vmem>>) offsets(%dma_start3A_325 : memref<128xi32, #tpu.memory_space<vmem>>) semaphore(%arg11 : memref<!tpu.dma_semaphore, #tpu.memory_space<semaphore_mem>>)
      } else {
      }
      %scan3A_317 = arith.constant 0 : i32
      scf.yield %scan3A_317 : i32
    }
    %scan3A_85 = arith.constant 16 : i32
    %barrier3A_86 = arith.constant 0 : index
    tpu.barrier barrier_id(%barrier3A_86)
    "tpu.region"() ({
      %run_scoped3A = tpu.sem_alloc : memref<!tpu.dma_semaphore, #tpu.memory_space<semaphore_mem>>
      %dma_start3A_87 = arith.constant 0 : i32
      %dma_start3A_88 = tpu.memref_slice %arg5[%arg0, %mul3A_0, %dma_start3A_87] : memref<2x10240x48xf32, #tpu.memory_space<hbm>> -> memref<1x640x48xf32, #tpu.memory_space<hbm>>
      %dma_start3A_89 = tpu.memref_squeeze %dma_start3A_88 : memref<1x640x48xf32, #tpu.memory_space<hbm>> -> memref<640x48xf32, #tpu.memory_space<hbm>>
      %dma_start3A_90 = arith.constant 0 : i32
      %dma_start3A_91 = tpu.memref_slice %arg10[%mul3A_0, %dma_start3A_90] : memref<10240x48xf32, #tpu.memory_space<vmem_shared>> -> memref<640x48xf32, #tpu.memory_space<vmem_shared>>
      tpu.enqueue_dma source(%dma_start3A_91 : memref<640x48xf32, #tpu.memory_space<vmem_shared>>) target(%dma_start3A_89 : memref<640x48xf32, #tpu.memory_space<hbm>>) target_semaphore(%run_scoped3A : memref<!tpu.dma_semaphore, #tpu.memory_space<semaphore_mem>>)
      %dma_wait3A = arith.constant 0 : i32
      %dma_wait3A_92 = tpu.memref_slice %arg5[%arg0, %mul3A_0, %dma_wait3A] : memref<2x10240x48xf32, #tpu.memory_space<hbm>> -> memref<1x640x48xf32, #tpu.memory_space<hbm>>
      %dma_wait3A_93 = tpu.memref_squeeze %dma_wait3A_92 : memref<1x640x48xf32, #tpu.memory_space<hbm>> -> memref<640x48xf32, #tpu.memory_space<hbm>>
      %dma_wait3A_94 = arith.constant 0 : i32
      %dma_wait3A_95 = tpu.memref_slice %arg10[%mul3A_0, %dma_wait3A_94] : memref<10240x48xf32, #tpu.memory_space<vmem_shared>> -> memref<640x48xf32, #tpu.memory_space<vmem_shared>>
      tpu.wait_dma2 semaphore(%run_scoped3A : memref<!tpu.dma_semaphore, #tpu.memory_space<semaphore_mem>>) src(%dma_wait3A_95 : memref<640x48xf32, #tpu.memory_space<vmem_shared>>) dst(%dma_wait3A_93 : memref<640x48xf32, #tpu.memory_space<hbm>>)
      tpu.yield
    }) : () -> ()
    return
  }
}

module attributes {stable_mosaic.version = 14 : i64} {
  func.func @_mm_body(%arg0: i32, %arg1: memref<2000x128xf32, #tpu.memory_space<vmem>>, %arg2: memref<128x64xf32, #tpu.memory_space<vmem>>, %arg3: memref<1x64xf32, #tpu.memory_space<vmem>>, %arg4: memref<2000x64xf32, #tpu.memory_space<vmem>>) attributes {dimension_semantics = [#tpu.dimension_semantics<arbitrary>], iteration_bounds = array<i64: 10>, scalar_prefetch = 0 : i64, scratch_operands = 0 : i64, tpu.core_type = #tpu.core_type<tc>, window_params = [{transform_indices = @transform_0, window_bounds = array<i64: 2000, 128>}, {pipeline_mode = #tpu.pipeline_mode<synchronous>, transform_indices = @transform_1, window_bounds = array<i64: 128, 64>}, {pipeline_mode = #tpu.pipeline_mode<synchronous>, transform_indices = @transform_2, window_bounds = array<i64: 1, 64>}, {transform_indices = @transform_3, window_bounds = array<i64: 2000, 64>}]} {
    %get3A = arith.constant 0 : index
    %get3A_0 = arith.constant 0 : index
    %get3A_1 = vector.load %arg1[%get3A, %get3A_0] : memref<2000x128xf32, #tpu.memory_space<vmem>>, vector<2000x128xf32>
    %get3A_2 = arith.constant 0 : index
    %get3A_3 = arith.constant 0 : index
    %get3A_4 = vector.load %arg2[%get3A_2, %get3A_3] : memref<128x64xf32, #tpu.memory_space<vmem>>, vector<128x64xf32>
    %dot_general3A = arith.constant dense<0.000000e+00> : vector<2000x64xf32>
    %dot_general3A_5 = tpu.matmul %get3A_1, %get3A_4, %dot_general3A {dimension_numbers = #tpu.dot_dimension_numbers<[1], [0], [0], [1], [0, 0, 1, 1], [], []>, transpose_lhs_hint = false} : vector<2000x128xf32>, vector<128x64xf32>, vector<2000x64xf32> -> vector<2000x64xf32>
    %get3A_6 = arith.constant 0 : index
    %get3A_7 = arith.constant 0 : index
    %get3A_8 = vector.load %arg3[%get3A_6, %get3A_7] : memref<1x64xf32, #tpu.memory_space<vmem>>, vector<1x64xf32>
    %add3A = vector.broadcast %get3A_8 : vector<1x64xf32> to vector<2000x64xf32>
    %add3A_9 = arith.addf %dot_general3A_5, %add3A : vector<2000x64xf32>
    %swap3A = arith.constant 0 : index
    %swap3A_10 = arith.constant 0 : index
    %swap3A_11 = vector.load %arg4[%swap3A, %swap3A_10] : memref<2000x64xf32, #tpu.memory_space<vmem>>, vector<2000x64xf32>
    tpu.vector_store %arg4[%swap3A, %swap3A_10], %add3A_9 {strides = array<i32>} : memref<2000x64xf32, #tpu.memory_space<vmem>>, vector<2000x64xf32>,
    return
  }
  func.func @transform_0(%arg0: i32) -> (i32, i32) {
    %c0_i32 = arith.constant 0 : i32
    %c0_i32_0 = arith.constant 0 : i32
    return %arg0, %c0_i32 : i32, i32
  }
  func.func @transform_1(%arg0: i32) -> (i32, i32) {
    %c0_i32 = arith.constant 0 : i32
    %c0_i32_0 = arith.constant 0 : i32
    %c0_i32_1 = arith.constant 0 : i32
    return %c0_i32, %c0_i32_0 : i32, i32
  }
  func.func @transform_2(%arg0: i32) -> (i32, i32) {
    %c0_i32 = arith.constant 0 : i32
    %c0_i32_0 = arith.constant 0 : i32
    %c0_i32_1 = arith.constant 0 : i32
    return %c0_i32, %c0_i32_0 : i32, i32
  }
  func.func @transform_3(%arg0: i32) -> (i32, i32) {
    %c0_i32 = arith.constant 0 : i32
    %c0_i32_0 = arith.constant 0 : i32
    return %arg0, %c0_i32 : i32, i32
  }
}

module attributes {stable_mosaic.version = 14 : i64} {
  func.func @_merge_body(%arg0: i32, %arg1: memref<2048x64xf32, #tpu.memory_space<vmem>>, %arg2: memref<2x2048x16xf32, #tpu.memory_space<vmem>>, %arg3: memref<2048x64xf32, #tpu.memory_space<vmem>>) attributes {dimension_semantics = [#tpu.dimension_semantics<arbitrary>], iteration_bounds = array<i64: 40>, scalar_prefetch = 0 : i64, scratch_operands = 0 : i64, tpu.core_type = #tpu.core_type<tc>, window_params = [{transform_indices = @transform_0, window_bounds = array<i64: 2048, 64>}, {transform_indices = @transform_1, window_bounds = array<i64: 2, 2048, 16>}, {transform_indices = @transform_2, window_bounds = array<i64: 2048, 64>}]} {
    %get3A = arith.constant 0 : index
    %get3A_0 = arith.constant 0 : index
    %get3A_1 = arith.constant 0 : index
    %get3A_2 = vector.load %arg2[%get3A, %get3A_0, %get3A_1] : memref<2x2048x16xf32, #tpu.memory_space<vmem>>, vector<1x2048x16xf32>
    %get3A_3 = vector.shape_cast %get3A_2 : vector<1x2048x16xf32> to vector<2048x16xf32>
    %get3A_4 = arith.constant 1 : index
    %get3A_5 = arith.constant 0 : index
    %get3A_6 = arith.constant 0 : index
    %get3A_7 = vector.load %arg2[%get3A_4, %get3A_5, %get3A_6] : memref<2x2048x16xf32, #tpu.memory_space<vmem>>, vector<1x2048x16xf32>
    %get3A_8 = vector.shape_cast %get3A_7 : vector<1x2048x16xf32> to vector<2048x16xf32>
    %add3A = arith.addf %get3A_3, %get3A_8 : vector<2048x16xf32>
    %slice3A = vector.extract_strided_slice %add3A {offsets = [0, 0], sizes = [2048, 1], strides = [1, 1]} : vector<2048x16xf32> to vector<2048x1xf32>
    %get3A_9 = arith.constant 0 : index
    %get3A_10 = arith.constant 0 : index
    %get3A_11 = vector.load %arg1[%get3A_9, %get3A_10] : memref<2048x64xf32, #tpu.memory_space<vmem>>, vector<2048x64xf32>
    %max3A = arith.constant 1.000000e+00 : f32
    %max3A_12 = vector.broadcast %max3A : f32 to vector<2048x1xf32>
    %max3A_13 = arith.maximumf %slice3A, %max3A_12 : vector<2048x1xf32>
    %div3A = vector.broadcast %max3A_13 : vector<2048x1xf32> to vector<2048x64xf32>
    %div3A_14 = arith.divf %get3A_11, %div3A : vector<2048x64xf32>
    %swap3A = arith.constant 0 : index
    %swap3A_15 = arith.constant 0 : index
    %swap3A_16 = vector.load %arg3[%swap3A, %swap3A_15] : memref<2048x64xf32, #tpu.memory_space<vmem>>, vector<2048x64xf32>
    tpu.vector_store %arg3[%swap3A, %swap3A_15], %div3A_14 {strides = array<i32>} : memref<2048x64xf32, #tpu.memory_space<vmem>>, vector<2048x64xf32>,
    return
  }
  func.func @transform_0(%arg0: i32) -> (i32, i32) {
    %jit3A = arith.constant 10 : i32
    %eq3A = arith.constant 0 : i32
    %eq3A_0 = arith.cmpi eq, %jit3A, %eq3A : i32
    %jit3A_1 = arith.constant 1 : i32
    %select_n3A = arith.select %eq3A_0, %jit3A_1, %jit3A : i32
    %rem3A = arith.remsi %arg0, %select_n3A : i32
    %ne3A = arith.constant 0 : i32
    %ne3A_2 = arith.cmpi ne, %rem3A, %ne3A : i32
    %lt3A = arith.constant 0 : i32
    %lt3A_3 = arith.cmpi slt, %rem3A, %lt3A : i32
    %lt3A_4 = arith.constant 0 : i32
    %lt3A_5 = arith.cmpi slt, %select_n3A, %lt3A_4 : i32
    %ne3A_6 = arith.xori %lt3A_3, %lt3A_5 : i1
    %and3A = arith.andi %ne3A_6, %ne3A_2 : i1
    %add3A = arith.addi %rem3A, %select_n3A : i32
    %select_n3A_7 = arith.select %and3A, %add3A, %rem3A : i32
    %c0_i32 = arith.constant 0 : i32
    %c0_i32_8 = arith.constant 0 : i32
    return %select_n3A_7, %c0_i32 : i32, i32
  }
  func.func @transform_1(%arg0: i32) -> (i32, i32, i32) {
    %jit3A = arith.constant 5 : i32
    %eq3A = arith.constant 0 : i32
    %eq3A_0 = arith.cmpi eq, %jit3A, %eq3A : i32
    %jit3A_1 = arith.constant 1 : i32
    %select_n3A = arith.select %eq3A_0, %jit3A_1, %jit3A : i32
    %rem3A = arith.remsi %arg0, %select_n3A : i32
    %ne3A = arith.constant 0 : i32
    %ne3A_2 = arith.cmpi ne, %rem3A, %ne3A : i32
    %lt3A = arith.constant 0 : i32
    %lt3A_3 = arith.cmpi slt, %rem3A, %lt3A : i32
    %lt3A_4 = arith.constant 0 : i32
    %lt3A_5 = arith.cmpi slt, %select_n3A, %lt3A_4 : i32
    %ne3A_6 = arith.xori %lt3A_3, %lt3A_5 : i1
    %and3A = arith.andi %ne3A_6, %ne3A_2 : i1
    %add3A = arith.addi %rem3A, %select_n3A : i32
    %select_n3A_7 = arith.select %and3A, %add3A, %rem3A : i32
    %c0_i32 = arith.constant 0 : i32
    %c0_i32_8 = arith.constant 0 : i32
    %c0_i32_9 = arith.constant 0 : i32
    return %c0_i32, %select_n3A_7, %c0_i32_8 : i32, i32, i32
  }
  func.func @transform_2(%arg0: i32) -> (i32, i32) {
    %c0_i32 = arith.constant 0 : i32
    %c0_i32_0 = arith.constant 0 : i32
    return %arg0, %c0_i32 : i32, i32
  }
}

module attributes {stable_mosaic.version = 14 : i64} {
  func.func @_hz_body(%arg0: i32, %arg1: memref<2000x64xf32, #tpu.memory_space<vmem>>, %arg2: memref<2000x64xf32, #tpu.memory_space<vmem>>, %arg3: memref<2000x64xf32, #tpu.memory_space<vmem>>, %arg4: memref<2000x64xf32, #tpu.memory_space<vmem>>, %arg5: memref<128x48xf32, #tpu.memory_space<vmem>>, %arg6: memref<1x48xf32, #tpu.memory_space<vmem>>, %arg7: memref<2000x48xf32, #tpu.memory_space<vmem>>) attributes {dimension_semantics = [#tpu.dimension_semantics<arbitrary>], iteration_bounds = array<i64: 5>, scalar_prefetch = 0 : i64, scratch_operands = 0 : i64, tpu.core_type = #tpu.core_type<tc>, window_params = [{transform_indices = @transform_0, window_bounds = array<i64: 2000, 64>}, {transform_indices = @transform_1, window_bounds = array<i64: 2000, 64>}, {transform_indices = @transform_2, window_bounds = array<i64: 2000, 64>}, {transform_indices = @transform_3, window_bounds = array<i64: 2000, 64>}, {pipeline_mode = #tpu.pipeline_mode<synchronous>, transform_indices = @transform_4, window_bounds = array<i64: 128, 48>}, {pipeline_mode = #tpu.pipeline_mode<synchronous>, transform_indices = @transform_5, window_bounds = array<i64: 1, 48>}, {transform_indices = @transform_6, window_bounds = array<i64: 2000, 48>}]} {
    %get3A = arith.constant 0 : index
    %get3A_0 = arith.constant 0 : index
    %get3A_1 = vector.load %arg1[%get3A, %get3A_0] : memref<2000x64xf32, #tpu.memory_space<vmem>>, vector<2000x64xf32>
    %get3A_2 = arith.constant 0 : index
    %get3A_3 = arith.constant 0 : index
    %get3A_4 = vector.load %arg3[%get3A_2, %get3A_3] : memref<2000x64xf32, #tpu.memory_space<vmem>>, vector<2000x64xf32>
    %add3A = arith.addf %get3A_1, %get3A_4 : vector<2000x64xf32>
    %max3A = arith.constant 0.000000e+00 : f32
    %max3A_5 = vector.broadcast %max3A : f32 to vector<2000x64xf32>
    %max3A_6 = arith.maximumf %add3A, %max3A_5 : vector<2000x64xf32>
    %get3A_7 = arith.constant 0 : index
    %get3A_8 = arith.constant 0 : index
    %get3A_9 = vector.load %arg2[%get3A_7, %get3A_8] : memref<2000x64xf32, #tpu.memory_space<vmem>>, vector<2000x64xf32>
    %get3A_10 = arith.constant 0 : index
    %get3A_11 = arith.constant 0 : index
    %get3A_12 = vector.load %arg4[%get3A_10, %get3A_11] : memref<2000x64xf32, #tpu.memory_space<vmem>>, vector<2000x64xf32>
    %add3A_13 = arith.addf %get3A_9, %get3A_12 : vector<2000x64xf32>
    %max3A_14 = arith.constant 0.000000e+00 : f32
    %max3A_15 = vector.broadcast %max3A_14 : f32 to vector<2000x64xf32>
    %max3A_16 = arith.maximumf %add3A_13, %max3A_15 : vector<2000x64xf32>
    %get3A_17 = arith.constant 0 : index
    %get3A_18 = arith.constant 0 : index
    %get3A_19 = vector.load %arg5[%get3A_17, %get3A_18] : memref<128x48xf32, #tpu.memory_space<vmem>>, vector<128x48xf32>
    %slice3A = vector.extract_strided_slice %get3A_19 {offsets = [0, 0], sizes = [64, 48], strides = [1, 1]} : vector<128x48xf32> to vector<64x48xf32>
    %dot_general3A = arith.constant dense<0.000000e+00> : vector<2000x48xf32>
    %dot_general3A_20 = tpu.matmul %max3A_6, %slice3A, %dot_general3A {dimension_numbers = #tpu.dot_dimension_numbers<[1], [0], [0], [1], [0, 0, 1, 1], [], []>, transpose_lhs_hint = false} : vector<2000x64xf32>, vector<64x48xf32>, vector<2000x48xf32> -> vector<2000x48xf32>
    %slice3A_21 = vector.extract_strided_slice %get3A_19 {offsets = [64, 0], sizes = [64, 48], strides = [1, 1]} : vector<128x48xf32> to vector<64x48xf32>
    %dot_general3A_22 = arith.constant dense<0.000000e+00> : vector<2000x48xf32>
    %dot_general3A_23 = tpu.matmul %max3A_16, %slice3A_21, %dot_general3A_22 {dimension_numbers = #tpu.dot_dimension_numbers<[1], [0], [0], [1], [0, 0, 1, 1], [], []>, transpose_lhs_hint = false} : vector<2000x64xf32>, vector<64x48xf32>, vector<2000x48xf32> -> vector<2000x48xf32>
    %add3A_24 = arith.addf %dot_general3A_20, %dot_general3A_23 : vector<2000x48xf32>
    %get3A_25 = arith.constant 0 : index
    %get3A_26 = arith.constant 0 : index
    %get3A_27 = vector.load %arg6[%get3A_25, %get3A_26] : memref<1x48xf32, #tpu.memory_space<vmem>>, vector<1x48xf32>
    %add3A_28 = vector.broadcast %get3A_27 : vector<1x48xf32> to vector<2000x48xf32>
    %add3A_29 = arith.addf %add3A_24, %add3A_28 : vector<2000x48xf32>
    %swap3A = arith.constant 0 : index
    %swap3A_30 = arith.constant 0 : index
    %swap3A_31 = vector.load %arg7[%swap3A, %swap3A_30] : memref<2000x48xf32, #tpu.memory_space<vmem>>, vector<2000x48xf32>
    tpu.vector_store %arg7[%swap3A, %swap3A_30], %add3A_29 {strides = array<i32>} : memref<2000x48xf32, #tpu.memory_space<vmem>>, vector<2000x48xf32>,
    return
  }
  func.func @transform_0(%arg0: i32) -> (i32, i32) {
    %c0_i32 = arith.constant 0 : i32
    %c0_i32_0 = arith.constant 0 : i32
    return %arg0, %c0_i32 : i32, i32
  }
  func.func @transform_1(%arg0: i32) -> (i32, i32) {
    %c0_i32 = arith.constant 0 : i32
    %c0_i32_0 = arith.constant 0 : i32
    return %arg0, %c0_i32 : i32, i32
  }
  func.func @transform_2(%arg0: i32) -> (i32, i32) {
    %c0_i32 = arith.constant 0 : i32
    %c0_i32_0 = arith.constant 0 : i32
    return %arg0, %c0_i32 : i32, i32
  }
  func.func @transform_3(%arg0: i32) -> (i32, i32) {
    %c0_i32 = arith.constant 0 : i32
    %c0_i32_0 = arith.constant 0 : i32
    return %arg0, %c0_i32 : i32, i32
  }
  func.func @transform_4(%arg0: i32) -> (i32, i32) {
    %c0_i32 = arith.constant 0 : i32
    %c0_i32_0 = arith.constant 0 : i32
    %c0_i32_1 = arith.constant 0 : i32
    return %c0_i32, %c0_i32_0 : i32, i32
  }
  func.func @transform_5(%arg0: i32) -> (i32, i32) {
    %c0_i32 = arith.constant 0 : i32
    %c0_i32_0 = arith.constant 0 : i32
    %c0_i32_1 = arith.constant 0 : i32
    return %c0_i32, %c0_i32_0 : i32, i32
  }
  func.func @transform_6(%arg0: i32) -> (i32, i32) {
    %c0_i32 = arith.constant 0 : i32
    %c0_i32_0 = arith.constant 0 : i32
    return %arg0, %c0_i32 : i32, i32
  }
}

module attributes {stable_mosaic.version = 14 : i64} {
  func.func @_merge_add_body(%arg0: i32, %arg1: memref<2048x48xf32, #tpu.memory_space<vmem>>, %arg2: memref<2048x48xf32, #tpu.memory_space<vmem>>, %arg3: memref<2x2048x16xf32, #tpu.memory_space<vmem>>, %arg4: memref<2048x48xf32, #tpu.memory_space<vmem>>) attributes {dimension_semantics = [#tpu.dimension_semantics<arbitrary>], iteration_bounds = array<i64: 20>, scalar_prefetch = 0 : i64, scratch_operands = 0 : i64, tpu.core_type = #tpu.core_type<tc>, window_params = [{transform_indices = @transform_0, window_bounds = array<i64: 2048, 48>}, {transform_indices = @transform_1, window_bounds = array<i64: 2048, 48>}, {transform_indices = @transform_2, window_bounds = array<i64: 2, 2048, 16>}, {transform_indices = @transform_3, window_bounds = array<i64: 2048, 48>}]} {
    %get3A = arith.constant 0 : index
    %get3A_0 = arith.constant 0 : index
    %get3A_1 = arith.constant 0 : index
    %get3A_2 = vector.load %arg3[%get3A, %get3A_0, %get3A_1] : memref<2x2048x16xf32, #tpu.memory_space<vmem>>, vector<1x2048x16xf32>
    %get3A_3 = vector.shape_cast %get3A_2 : vector<1x2048x16xf32> to vector<2048x16xf32>
    %get3A_4 = arith.constant 1 : index
    %get3A_5 = arith.constant 0 : index
    %get3A_6 = arith.constant 0 : index
    %get3A_7 = vector.load %arg3[%get3A_4, %get3A_5, %get3A_6] : memref<2x2048x16xf32, #tpu.memory_space<vmem>>, vector<1x2048x16xf32>
    %get3A_8 = vector.shape_cast %get3A_7 : vector<1x2048x16xf32> to vector<2048x16xf32>
    %add3A = arith.addf %get3A_3, %get3A_8 : vector<2048x16xf32>
    %slice3A = vector.extract_strided_slice %add3A {offsets = [0, 0], sizes = [2048, 1], strides = [1, 1]} : vector<2048x16xf32> to vector<2048x1xf32>
    %get3A_9 = arith.constant 0 : index
    %get3A_10 = arith.constant 0 : index
    %get3A_11 = vector.load %arg1[%get3A_9, %get3A_10] : memref<2048x48xf32, #tpu.memory_space<vmem>>, vector<2048x48xf32>
    %get3A_12 = arith.constant 0 : index
    %get3A_13 = arith.constant 0 : index
    %get3A_14 = vector.load %arg2[%get3A_12, %get3A_13] : memref<2048x48xf32, #tpu.memory_space<vmem>>, vector<2048x48xf32>
    %add3A_15 = arith.addf %get3A_11, %get3A_14 : vector<2048x48xf32>
    %max3A = arith.constant 1.000000e+00 : f32
    %max3A_16 = vector.broadcast %max3A : f32 to vector<2048x1xf32>
    %max3A_17 = arith.maximumf %slice3A, %max3A_16 : vector<2048x1xf32>
    %div3A = vector.broadcast %max3A_17 : vector<2048x1xf32> to vector<2048x48xf32>
    %div3A_18 = arith.divf %add3A_15, %div3A : vector<2048x48xf32>
    %swap3A = arith.constant 0 : index
    %swap3A_19 = arith.constant 0 : index
    %swap3A_20 = vector.load %arg4[%swap3A, %swap3A_19] : memref<2048x48xf32, #tpu.memory_space<vmem>>, vector<2048x48xf32>
    tpu.vector_store %arg4[%swap3A, %swap3A_19], %div3A_18 {strides = array<i32>} : memref<2048x48xf32, #tpu.memory_space<vmem>>, vector<2048x48xf32>,
    return
  }
  func.func @transform_0(%arg0: i32) -> (i32, i32) {
    %jit3A = arith.constant 5 : i32
    %eq3A = arith.constant 0 : i32
    %eq3A_0 = arith.cmpi eq, %jit3A, %eq3A : i32
    %jit3A_1 = arith.constant 1 : i32
    %select_n3A = arith.select %eq3A_0, %jit3A_1, %jit3A : i32
    %rem3A = arith.remsi %arg0, %select_n3A : i32
    %ne3A = arith.constant 0 : i32
    %ne3A_2 = arith.cmpi ne, %rem3A, %ne3A : i32
    %lt3A = arith.constant 0 : i32
    %lt3A_3 = arith.cmpi slt, %rem3A, %lt3A : i32
    %lt3A_4 = arith.constant 0 : i32
    %lt3A_5 = arith.cmpi slt, %select_n3A, %lt3A_4 : i32
    %ne3A_6 = arith.xori %lt3A_3, %lt3A_5 : i1
    %and3A = arith.andi %ne3A_6, %ne3A_2 : i1
    %add3A = arith.addi %rem3A, %select_n3A : i32
    %select_n3A_7 = arith.select %and3A, %add3A, %rem3A : i32
    %c0_i32 = arith.constant 0 : i32
    %c0_i32_8 = arith.constant 0 : i32
    return %select_n3A_7, %c0_i32 : i32, i32
  }
  func.func @transform_1(%arg0: i32) -> (i32, i32) {
    %jit3A = arith.constant 5 : i32
    %eq3A = arith.constant 0 : i32
    %eq3A_0 = arith.cmpi eq, %jit3A, %eq3A : i32
    %jit3A_1 = arith.constant 1 : i32
    %select_n3A = arith.select %eq3A_0, %jit3A_1, %jit3A : i32
    %rem3A = arith.remsi %arg0, %select_n3A : i32
    %ne3A = arith.constant 0 : i32
    %ne3A_2 = arith.cmpi ne, %rem3A, %ne3A : i32
    %lt3A = arith.constant 0 : i32
    %lt3A_3 = arith.cmpi slt, %rem3A, %lt3A : i32
    %lt3A_4 = arith.constant 0 : i32
    %lt3A_5 = arith.cmpi slt, %select_n3A, %lt3A_4 : i32
    %ne3A_6 = arith.xori %lt3A_3, %lt3A_5 : i1
    %and3A = arith.andi %ne3A_6, %ne3A_2 : i1
    %add3A = arith.addi %rem3A, %select_n3A : i32
    %select_n3A_7 = arith.select %and3A, %add3A, %rem3A : i32
    %c0_i32 = arith.constant 0 : i32
    %c0_i32_8 = arith.constant 0 : i32
    return %select_n3A_7, %c0_i32 : i32, i32
  }
  func.func @transform_2(%arg0: i32) -> (i32, i32, i32) {
    %jit3A = arith.constant 5 : i32
    %eq3A = arith.constant 0 : i32
    %eq3A_0 = arith.cmpi eq, %jit3A, %eq3A : i32
    %jit3A_1 = arith.constant 1 : i32
    %select_n3A = arith.select %eq3A_0, %jit3A_1, %jit3A : i32
    %rem3A = arith.remsi %arg0, %select_n3A : i32
    %ne3A = arith.constant 0 : i32
    %ne3A_2 = arith.cmpi ne, %rem3A, %ne3A : i32
    %lt3A = arith.constant 0 : i32
    %lt3A_3 = arith.cmpi slt, %rem3A, %lt3A : i32
    %lt3A_4 = arith.constant 0 : i32
    %lt3A_5 = arith.cmpi slt, %select_n3A, %lt3A_4 : i32
    %ne3A_6 = arith.xori %lt3A_3, %lt3A_5 : i1
    %and3A = arith.andi %ne3A_6, %ne3A_2 : i1
    %add3A = arith.addi %rem3A, %select_n3A : i32
    %select_n3A_7 = arith.select %and3A, %add3A, %rem3A : i32
    %c0_i32 = arith.constant 0 : i32
    %c0_i32_8 = arith.constant 0 : i32
    %c0_i32_9 = arith.constant 0 : i32
    return %c0_i32, %select_n3A_7, %c0_i32_8 : i32, i32, i32
  }
  func.func @transform_3(%arg0: i32) -> (i32, i32) {
    %c0_i32 = arith.constant 0 : i32
    %c0_i32_0 = arith.constant 0 : i32
    return %arg0, %c0_i32 : i32, i32
  }
}

module attributes {stable_mosaic.version = 14 : i64} {
  func.func @_fin_body(%arg0: i32, %arg1: memref<2000x48xf32, #tpu.memory_space<vmem>>, %arg2: memref<2000x48xf32, #tpu.memory_space<vmem>>, %arg3: memref<2000x48xf32, #tpu.memory_space<vmem>>, %arg4: memref<2000x48xf32, #tpu.memory_space<vmem>>) attributes {dimension_semantics = [#tpu.dimension_semantics<arbitrary>], iteration_bounds = array<i64: 5>, scalar_prefetch = 0 : i64, scratch_operands = 0 : i64, tpu.core_type = #tpu.core_type<tc>, window_params = [{transform_indices = @transform_0, window_bounds = array<i64: 2000, 48>}, {transform_indices = @transform_1, window_bounds = array<i64: 2000, 48>}, {transform_indices = @transform_2, window_bounds = array<i64: 2000, 48>}, {transform_indices = @transform_3, window_bounds = array<i64: 2000, 48>}]} {
    %get3A = arith.constant 0 : index
    %get3A_0 = arith.constant 0 : index
    %get3A_1 = vector.load %arg1[%get3A, %get3A_0] : memref<2000x48xf32, #tpu.memory_space<vmem>>, vector<2000x48xf32>
    %get3A_2 = arith.constant 0 : index
    %get3A_3 = arith.constant 0 : index
    %get3A_4 = vector.load %arg2[%get3A_2, %get3A_3] : memref<2000x48xf32, #tpu.memory_space<vmem>>, vector<2000x48xf32>
    %add3A = arith.addf %get3A_1, %get3A_4 : vector<2000x48xf32>
    %get3A_5 = arith.constant 0 : index
    %get3A_6 = arith.constant 0 : index
    %get3A_7 = vector.load %arg3[%get3A_5, %get3A_6] : memref<2000x48xf32, #tpu.memory_space<vmem>>, vector<2000x48xf32>
    %add3A_8 = arith.addf %add3A, %get3A_7 : vector<2000x48xf32>
    %swap3A = arith.constant 0 : index
    %swap3A_9 = arith.constant 0 : index
    %swap3A_10 = vector.load %arg4[%swap3A, %swap3A_9] : memref<2000x48xf32, #tpu.memory_space<vmem>>, vector<2000x48xf32>
    tpu.vector_store %arg4[%swap3A, %swap3A_9], %add3A_8 {strides = array<i32>} : memref<2000x48xf32, #tpu.memory_space<vmem>>, vector<2000x48xf32>,
    return
  }
  func.func @transform_0(%arg0: i32) -> (i32, i32) {
    %c0_i32 = arith.constant 0 : i32
    %c0_i32_0 = arith.constant 0 : i32
    return %arg0, %c0_i32 : i32, i32
  }
  func.func @transform_1(%arg0: i32) -> (i32, i32) {
    %c0_i32 = arith.constant 0 : i32
    %c0_i32_0 = arith.constant 0 : i32
    return %arg0, %c0_i32 : i32, i32
  }
  func.func @transform_2(%arg0: i32) -> (i32, i32) {
    %c0_i32 = arith.constant 0 : i32
    %c0_i32_0 = arith.constant 0 : i32
    return %arg0, %c0_i32 : i32, i32
  }
  func.func @transform_3(%arg0: i32) -> (i32, i32) {
    %c0_i32 = arith.constant 0 : i32
    %c0_i32_0 = arith.constant 0 : i32
    return %arg0, %c0_i32 : i32, i32
  }
}

</mosaic_0001>

<sc_bundles>
// kernel: kernel.12.cloned.1.call-start
scs
__scs_entry_jumppad:
0x0: {  	(pc) =	sbr.rel $0x88, $3  }
0x1: {  	(tag) =	ssettag $0x0;
	lr =	simm.s32 $0x1  }
0x2: {  	[smem:$0x3F99] =	sst lr;
	_ =	strace $0xD0000000  }
0x3: {  	_ = 	snop  }
0x4: {  	_ = 	snop  }
0x5: {  	_ = 	snop  }
0x6: {  	_ = 	snop  }
0x7: {  	_ = 	snop  }
__scs_overlays_trampoline_lowered:
0x8: {  	[smem:$0x3FA8] =	sst s0  }
0x9: {  	[smem:$0x3FA9] =	sst s1  }
0xa: {  	[smem:$0x3FAA] =	sst s2  }
0xb: {  	[smem:$0x3FAB] =	sst s3  }
0xc: {  	[smem:$0x3FAC] =	sst s4  }
0xd: {  	[smem:$0x3FAD] =	sst s5  }
0xe: {  	[smem:$0x3FAE] =	sst s6  }
0xf: {  	[smem:$0x3FAF] =	sst s7  }
0x10: {  	[smem:$0x3FB0] =	sst s8  }
0x11: {  	[smem:$0x3FB1] =	sst s9;
	s0 =	simm.s32 @!p0 $0x0  }
0x12: {  	s1 =	sld [smem:$0x3F97];
	s0 =	simm.s32 @p0 $0x1  }
0x13: {  	[smem:$0x3FB2] =	sst s0;
	s0 =	simm.s32 @!p1 $0x0  }
0x14: {  	s2 =	sld [smem:$0x3F96];
	s0 =	simm.s32 @p1 $0x1  }
0x15: {  	[smem:$0x3FB3] =	sst s0;
	s0 =	simm.s32 @!p2 $0x0  }
0x16: {  	s3 =	sld [smem:$0x3FDB];
	s0 =	simm.s32 @p2 $0x1  }
0x17: {  	s4 =	simm.s32 $0x1BF5;
	[smem:$0x3FB5] =	sst s0  }
0x18: {  	s0 =	sld [smem:$0x3F98];
	_ =	swait.ge [sflag:s4], $0x0  }
0x19: {  	s7 =	sld [smem:$0x3F99]  }
0x1a: {  	s8 =	sadd.s32 $0xFFFFE003, lr  }
0x1b: {  	s9 =	sadd.s32 $0xFFFFFEF7, lr;
	s5 =	simm.s32 $0xFFFFFFFF;
	p2 =	slt.u32 s8, $0xFFFFF086  }
0x1c: {  	p1 =	slt.u32 s9, $0xF7A;
	s5 =	simm.s32 @!p2 $0x0  }
0x1d: {  	s5 =	simm.s32 @p1 $0x1;
	p0 =	seq.s32 s7, s2  }
0x1e: {  	s7 =	smul.u32 @!p0 $0xF7A, s2;
	p2 =	seq.s32 @!p0 s5, $0x0  }
0x1f: {  	s9 =	smul.u32 $0xF7A, s1;
	s8 =	simm.s32 @!p0 $0x1BF5;
	p2 =	por !p2, p0  }
0x20: {  	[sflag:s8] =	ssyncset.s32 @!p0 $0xFFFFF086;
	s6 =	sadd.s32 @!p0 s3, s7;
	s7 =	simm.s32 @!p0 $0x108  }
0x21: {  	s3 =	sadd.s32 s3, s9;
	s6 =	sadd.s32 @!p0 $0x88, s6;
	s7 =	simm.s32 @p2 $0x1082  }
0x22: {  	[simem:s7], [sflag:s8] =	dma.local @!p0 [hbm:s6], $0xF7A  }
0x23: {  	s9 =	sor.u32 $0xD0000000, s2;
	s6 =	simm.s32 $0x108;
	_ =	swait.ge @!p0 [sflag:s8], $0x0  }
0x24: {  	s3 =	sadd.s32 $0x88, s3;
	s6 =	simm.s32 @!p1 $0x1082;
	[sflag:s4] =	ssyncset.s32 $0xFFFFF086  }
0x25: {  	[simem:s6], [sflag:s4] =	dma.local [hbm:s3], $0xF7A  }
0x26: {  	[smem:$0x3F99] =	sst s1;
	(tag) =	ssettag s2;
	_ =	strace s9  }
0x27: {  	s1 =	sld [smem:$0x3FA9]  }
0x28: {  	s2 =	sld [smem:$0x3FAA]  }
0x29: {  	s4 =	sld [smem:$0x3FAC]  }
0x2a: {  	p0 =	seq.s32 s5, $0x0;
	s5 =	sld [smem:$0x3FAD]  }
0x2b: {  	s6 =	sld [smem:$0x3FAE]  }
0x2c: {  	s7 =	sld [smem:$0x3FAF]  }
0x2d: {  	s3 =	simm.s32 $0x108;
	s8 =	sld [smem:$0x3FB0]  }
0x2e: {  	s3 =	simm.s32 @!p0 $0x1082;
	s9 =	sld [smem:$0x3FB1]  }
0x2f: {  	lr =	sadd.s32 s0, s3;
	s0 =	sld [smem:$0x3FA8]  }
0x30: {  	s3 =	sld [smem:$0x3FAB]  }
0x31: {  	[smem:$0x3FB4] =	sst s10  }
0x32: {  	s10 =	sld [smem:$0x3FB2];
	_ =	sdelay $0x3  }
0x33: {  	p0 =	seq.s32 s10, $0x1;
	s10 =	sld [smem:$0x3FB4];
	_ =	sdelay $0x3  }
0x34: {  	[smem:$0x3FB4] =	sst s10  }
0x35: {  	s10 =	sld [smem:$0x3FB3];
	_ =	sdelay $0x3  }
0x36: {  	p1 =	seq.s32 s10, $0x1;
	s10 =	sld [smem:$0x3FB4];
	_ =	sdelay $0x3  }
0x37: {  	[smem:$0x3FB4] =	sst s10  }
0x38: {  	s10 =	sld [smem:$0x3FB5]  }
0x39: {  	_ = 	snop;
	(pc) =	sbr.ind lr, $3  }
0x3a: {  	_ = 	snop  }
0x3b: {  	_ = 	snop  }
0x3c: {  	p2 =	seq.s32 s10, $0x1;
	s10 =	sld [smem:$0x3FB4]  }
0x3d: {  	_ =	shalt  }
0x3e: {  	_ =	shalt  }
0x3f: {  	_ =	shalt  }
0x40: {  	_ =	shalt  }
0x41: {  	_ =	shalt  }
0x42: {  	_ =	shalt  }
0x43: {  	_ =	shalt  }
0x44: {  	_ =	shalt  }
0x45: {  	_ =	shalt  }
0x46: {  	_ =	shalt  }
0x47: {  	_ =	shalt  }
0x48: {  	_ =	shalt  }
0x49: {  	_ =	shalt  }
0x4a: {  	_ =	shalt  }
0x4b: {  	_ =	shalt  }
0x4c: {  	_ =	shalt  }
0x4d: {  	_ =	shalt  }
0x4e: {  	_ =	shalt  }
0x4f: {  	_ =	shalt  }
0x50: {  	_ =	shalt  }
0x51: {  	_ =	shalt  }
0x52: {  	_ =	shalt  }
0x53: {  	_ =	shalt  }
0x54: {  	_ =	shalt  }
0x55: {  	_ =	shalt  }
0x56: {  	_ =	shalt  }
0x57: {  	_ =	shalt  }
0x58: {  	_ =	shalt  }
0x59: {  	_ =	shalt  }
0x5a: {  	_ =	shalt  }
0x5b: {  	_ =	shalt  }
0x5c: {  	_ =	shalt  }
0x5d: {  	_ =	shalt  }
0x5e: {  	_ =	shalt  }
0x5f: {  	_ =	shalt  }
0x60: {  	_ =	shalt  }
0x61: {  	_ =	shalt  }
0x62: {  	_ =	shalt  }
0x63: {  	_ =	shalt  }
0x64: {  	_ =	shalt  }
0x65: {  	_ =	shalt  }
0x66: {  	_ =	shalt  }
0x67: {  	_ =	shalt  }
0x68: {  	_ =	shalt  }
0x69: {  	_ =	shalt  }
0x6a: {  	_ =	shalt  }
0x6b: {  	_ =	shalt  }
0x6c: {  	_ =	shalt  }
0x6d: {  	_ =	shalt  }
0x6e: {  	_ =	shalt  }
0x6f: {  	_ =	shalt  }
0x70: {  	_ =	shalt  }
0x71: {  	_ =	shalt  }
0x72: {  	_ =	shalt  }
0x73: {  	_ =	shalt  }
0x74: {  	_ =	shalt  }
0x75: {  	_ =	shalt  }
0x76: {  	_ =	shalt  }
0x77: {  	_ =	shalt  }
0x78: {  	_ =	shalt  }
0x79: {  	_ =	shalt  }
0x7a: {  	_ =	shalt  }
0x7b: {  	_ =	shalt  }
0x7c: {  	_ =	shalt  }
0x7d: {  	_ =	shalt  }
0x7e: {  	_ =	shalt  }
0x7f: {  	_ =	shalt  }
0x80: {  	_ =	shalt  }
0x81: {  	_ =	shalt  }
0x82: {  	_ =	shalt  }
0x83: {  	_ =	shalt  }
0x84: {  	_ =	shalt  }
0x85: {  	_ =	shalt  }
0x86: {  	_ =	shalt  }
0x87: {  	_ =	shalt  }
.Lfunc_end0:
.L_simem_size_0:
called_computation_lowered:
.L_overlay_start_0:
0x88: {  	s2 =	sld [smem:$0x3FD9]  }
0x89: {  	s3 =	sld [smem:$0x3FFE];
	_ =	sdelay $0x1  }
0x8a: {  	s1 =	srdreg.scid  }
0x8b: {  	s0 =	sand.u32 $0x1, s1  }
0x8c: {  	s17 =	sshll.u32 s0, $0xA;
	s2 =	sadd.s32 s3, s2  }
0x8d: {  	s2 =	sadd.s32 s2, s17  }
0x8e: {  	[smem:$0x3FC0] =	sst s2  }
0x8f: {  	_ = 	snop  }
0x90: {  	(tm) =	ssettm $0x1  }
0x91: {  	s18 =	sld [smem:$0x3FFB];
	_ =	sdelay $0x3  }
0x92: {  	_ =	strace s18  }
0x93: {  	s2 =	sld [smem:$0x3FFC];
	_ =	sdelay $0x3  }
0x94: {  	_ =	strace s2  }
0x95: {  	s2 =	sld [smem:$0x3FFD];
	_ =	sdelay $0x3  }
0x96: {  	_ =	strace s2  }
0x97: {  	_ =	strace $0x8FFFFFFF  }
0x98: {  	s19 =	sld [smem:$0x3FDB];
	_ =	sdelay $0x1  }
0x99: {  	s20 =	simm.s32 $_scs_section_size  }
0x9a: {  	s4 =	simm.s32 $_size__tile_overlayer_lowered;
	s5 =	simm.s32 $_tile_overlayer_lowered  }
0x9b: {  	s6 =	simm.s32 $0x1BFF;
	s21 =	sshll.u32 s5, $0x1;
	s3 =	sadd.s32 s20, s19  }
0x9c: {  	s22 =	simm.s32 $0x0;
	s4 =	sshll.u32 s4, $0x1;
	s5 =	sadd.s32 s21, s3  }
0x9d: {  	[timem:s22], [sflag:s6] =	dma.local [hbm:s5], s4  }
0x9e: {  	_ =	swait.ge [sflag:s6], s4  }
0x9f: {  	s4 =	ssub.s32 $0x0, s4;
	[sflag:s6] =	ssyncset.done $0x0  }
0xa0: {  	[sflag:s6] =	ssyncadd.s32 s4;
	_ =	sdelay $0x1  }
0xa1: {  	s23 =	simm.s32 $0x1B8B  }
0xa2: {  	_ =	swait.ge [sflag:s23], $0x1  }
0xa3: {  	[sflag:s23] =	ssyncset.done $0x0  }
0xa4: {  	[sflag:s23] =	ssyncadd.s32 $0xFFFFFFFF  }
0xa5: {  	s4 =	sld [smem:$0x0]  }
0xa6: {  	s5 =	sand.u32 $0xFFFFFFFE, s1  }
0xa7: {  	p0 =	sne.s32 s1, s5  }
0xa8: {  	s5 =	sshll.u32 @p0 s5, $0xE  }
0xa9: {  	s5 =	sadd.s32 @p0 $0x11B8D, s5;
	s6 =	sshll.u32 @p0 s4, $0x11  }
0xaa: {  	s5 =	sor.u32 @p0 s6, s5  }
0xab: {  	[sflag:s5] =	ssyncadd.remote.s32 @p0 $0x1;
	_ =	sdelay $0x1  }
0xac: {  	s5 =	simm.s32 @p0 $0x1B8D  }
0xad: {  	_ =	swait.eq @p0 [sflag:s5], $0x1  }
0xae: {  	[sflag:s5] =	ssyncadd.s32 @p0 $0xFFFFFFFF  }
0xaf: {  	s6 =	sshll.u32 @!p0 s1, $0xE  }
0xb0: {  	s6 =	sor.u32 @!p0 $0x4000, s6;
	s5 =	simm.s32 @!p0 $0x1B8D  }
0xb1: {  	s4 =	sshll.u32 @!p0 s4, $0x11;
	s6 =	sadd.s32 @!p0 $0x11B8D, s6;
	_ =	swait.eq @!p0 [sflag:s5], $0x1  }
0xb2: {  	s4 =	sor.u32 @!p0 s4, s6;
	[sflag:s5] =	ssyncadd.s32 @!p0 $0xFFFFFFFF  }
0xb3: {  	s25 =	simm.s32 $0x1B8E;
	s24 =	sld [smem:$0x3FFE];
	[sflag:s4] =	ssyncadd.remote.s32 @!p0 $0x1  }
0xb4: {  	s26 =	simm.s32 $execute0_lowered;
	[smem:$0x3FD2] =	sst s25  }
0xb5: {  	s5 =	sshll.u32 s26, $0x1;
	_ =	strace $0x80000049;
	[dreg:$0x1] =	wrdreg $0xFFFFFFFF  }
0xb6: {  	s28 =	simm.s32 $_size_execute0_lowered;
	s3 =	sadd.s32 s3, s5;
	[dreg:$0x0] =	wrdreg $0x0  }
0xb7: {  	s5 =	sshll.u32 s28, $0x1;
	[dreg:$0x2] =	wrdreg s3  }
0xb8: {  	[dreg:$0x3] =	wrdreg s5  }
0xb9: {  	[dreg:$0x4] =	wrdreg $0xC0  }
0xba: {  	_ =	task [dreg:s22], $0x5FFFF  }
0xbb: {  	[dreg:$0x1] =	wrdreg $0xFFFFFFFF  }
0xbc: {  	[dreg:$0x0] =	wrdreg $0x60  }
0xbd: {  	[dreg:$0x2] =	wrdreg s24  }
0xbe: {  	[dreg:$0x3] =	wrdreg $0x38000  }
0xbf: {  	[dreg:$0x4] =	wrdreg $0x9  }
0xc0: {  	_ =	task.clear_ibuf [dreg:s22], $0x5FFFF;
	_ =	strace $0x90000049  }
0xc1: {  	s29 =	simm.s32 $0x9;
	_ =	strace $0x8000004B  }
0xc2: {  	_ =	swait.ge [sflag:s29], $0x1  }
0xc3: {  	[sflag:s29] =	ssyncadd.s32 $0xFFFFFFFF  }
0xc4: {  	_ =	strace $0x9000004B  }
0xc5: {  	_ =	sfence  }
0xc6: {  	s30 =	sld [smem:$0x0];
	_ =	sdelay $0x2  }
0xc7: {  	s31 =	sshll.u32 s1, $0xD;
	s1 =	sshrl.u32 s1, $0x2  }
0xc8: {  	s4 =	sand.u32 $0x4000, s31;
	s1 =	sadd.s32 s1, s30  }
0xc9: {  	s0 =	sor.u32 s4, s0;
	s1 =	sshll.u32 s1, $0x11  }
0xca: {  	s0 =	sor.u32 s1, s0  }
0xcb: {  	s0 =	sadd.s32 $0x8F2B, s0  }
0xcc: {  	[sflag:s0] =	ssyncadd.remote.s32 $0x1  }
0xcd: {  	_ =	sfence.sel $0xFFFF  }
0xce: {  	[dreg:$0x0] =	wrdreg $0xFFFFFFFF;
	(pc) =	sbr.abs _section_cstart, $3  }
0xcf: {  	[dreg:$0x1] =	wrdreg $0xFFFFFFFF  }
0xd0: {  	_ =	task.clear_ibuf [dreg:s22], $0x2FFFF;
	_ =	strace $0x9FFFFFFF  }
0xd1: {  	(tm) =	ssettm $0x7FFFFFFF  }
tec
execute0_lowered:
.L_overlay_start_1:
0x0: {  	(tag) =	ssettag $0x1  }
0x1: {  	s1 =	srdreg.scid  }
0x2: {  	s0 =	stileid.u32;
	s5 =	rddreg [dreg:$0x0]  }
0x3: {  	s2 =	rddreg [dreg:$0x1];
	s3 =	simm.s32 $0x0;
	s13 =	simm.s32 $0x1  }
0x4: {  	s14 =	simm.s32 $0x80;
	s15 =	simm.s32 $0x3000;
	s4 =	sand.u32 $0x1, s1  }
0x5: {  	s28 =	sshll.u32 s0, $0x1;
	s7 =	smul.u32 $0x2800, s0;
	[smem:$0x7FF] =	sst s3  }
0x6: {  	s9 =	smul.u32 $0xA000, s0;
	s16 =	sshll.u32 s0, $0x6;
	s1 =	sor.u32 s4, s28  }
0x7: {  	s8 =	smul.u32 $0x28000, s4;
	s4 =	ssub.s32 $0x2, s4;
	s16 =	sor.u32 $0x1C01, s16  }
0x8: {  	s6 =	smul.u32 $0x500, s1;
	s1 =	rddreg [dreg:$0x2];
	_ =	strace $0x8000004A  }
0x9: {  	s30 =	sshrl.u32 s4, $0x1;
	s9 =	sshrl.u32 s9, $0x2;
	s29 =	sadd.s32 s7, s8  }
0xa: {  	s12 =	ssub.s32 s4, s30;
	s31 =	sadd.s32 s9, s2;
	s4 =	sadd.s32 s7, s2  }
0xb: {  	s10 =	sadd.s32 s6, s5;
	s6 =	sshrl.u32 s29, $0x3;
	s7 =	sadd.s32 $0x1800, s31  }
0xc: {  	s8 =	sadd.s32 $0x2000, s31;
	s17 =	sshrl.u32 s4, $0x3;
	s11 =	sadd.s32 s6, s5  }
0xd: {  	s5 =	sadd.s32 $0x800, s31;
	s6 =	sadd.s32 $0x1000, s31;
	s9 =	sadd.s32 $0x34E00, s10  }
0xe: {  	v0 =	vimm.f32 $0.0e+00;
	v1 =	vimm.f32 $1.000000000e+00;
	s10 =	sadd.s32 $0x84E00, s11;
	s11 =	smax.u32 s12, $0x1;
	s12 =	simm.s32 $0x2800  }
.LBB2_1:
0xf: {  	s18 =	simm.s32 $0x40;
	s19 =	simm.s32 $0x0  }
.LBB2_2:
0x10: {  	p0 =	sne.s32 s18, $0x1FC0;
	[tilespmem:s19+$0x2800] =	vst v0;
	s20 =	smov.u32 s18;
	s18 =	sadd.s32 $0x40, s18  }
.Ltmp0:
0x11: {  	[tilespmem:s19+$0x3000] =	vst v1;
	(pc) =	sbr.rel @p0 .LBB2_2-.Ltmp0, $2  }
0x12: {  	_ =	sdelay $0x2  }
0x13: {  	s19 =	sshra.s32 s20, $0x2  }
0x14: {  	[tilespmem:s19+$0x2800] =	vst v0  }
0x15: {  	[tilespmem:s19+$0x3000] =	vst v1  }
0x16: {  	[spmem:s4] =	stream.linear.scatter [tilespmem:s12], [sflag:$0x1], $0x800, $0x38;
	[tilespmem:$0x6000] =	vst v63  }
0x17: {  	_ =	swait.ge [sflag:s13], $0x800  }
0x18: {  	[sflag:s13] =	ssyncset.done $0x0  }
0x19: {  	[sflag:s13] =	ssyncadd.s32 $0xFFFFF800  }
0x1a: {  	[spmem:s5] =	stream.linear.scatter [tilespmem:s12], [sflag:$0x1], $0x800, $0x38;
	[tilespmem:$0x6000] =	vst v63  }
0x1b: {  	_ =	swait.ge [sflag:s13], $0x800  }
0x1c: {  	[sflag:s13] =	ssyncset.done $0x0  }
0x1d: {  	[sflag:s13] =	ssyncadd.s32 $0xFFFFF800  }
0x1e: {  	[spmem:s6] =	stream.linear.scatter [tilespmem:s12], [sflag:$0x1], $0x800, $0x38;
	[tilespmem:$0x6000] =	vst v63  }
0x1f: {  	_ =	swait.ge [sflag:s13], $0x800  }
0x20: {  	[sflag:s13] =	ssyncset.done $0x0  }
0x21: {  	[sflag:s13] =	ssyncadd.s32 $0xFFFFF800  }
0x22: {  	[spmem:s7] =	stream.linear.scatter [tilespmem:s12], [sflag:$0x1], $0x800, $0x38;
	[tilespmem:$0x6000] =	vst v63  }
0x23: {  	_ =	swait.ge [sflag:s13], $0x800  }
0x24: {  	[sflag:s13] =	ssyncset.done $0x0  }
0x25: {  	[sflag:s13] =	ssyncadd.s32 $0xFFFFF800  }
0x26: {  	[spmem:s8] =	stream.linear.scatter [tilespmem:s12], [sflag:$0x1], $0x800, $0x38;
	[tilespmem:$0x6000] =	vst v63  }
0x27: {  	_ =	swait.ge [sflag:s13], $0x800  }
0x28: {  	[sflag:s13] =	ssyncset.done $0x0  }
0x29: {  	s18 =	simm.s32 $0x0;
	[sflag:s13] =	ssyncadd.s32 $0xFFFFF800  }
0x2a: {  	[tilespmem:s18], [sflag:$0x1] =	stream.linear.gather [hbm4b:s9+s18], $0x2800, $0x38;
	[tilespmem:$0x6000] =	vst v63  }
0x2b: {  	_ =	swait.ge [sflag:s13], $0x2800  }
0x2c: {  	[sflag:s13] =	ssyncset.done $0x0  }
0x2d: {  	[sflag:s13] =	ssyncadd.s32 $0xFFFFD800  }
0x2e: {  	s31 =	simm.s32 $0x0;
	[bflag:$0x0] =	sbarrier.arrive $0xFFFF  }
0x2f: {  	[spmem:s2] =	stream.indirect.scatter.add.f32 [tilespmem:s15], [sflag:$0x1], $0x10, s31, s14, $0xb8;
	[tilespmem:$0x6000] =	vst v63  }
0x30: {  	_ =	swait.ge [sflag:s13], $0x800  }
0x31: {  	s18 =	simm.s32 $0x200;
	[sflag:s13] =	ssyncset.done $0x0  }
.LBB2_4:
0x32: {  	s19 =	sshra.s32 s18, $0x2;
	[sflag:s13] =	ssyncadd.s32 $0xFFFFF800;
	p0 =	sne.s32 s18, $0x9E00  }
0x33: {  	[spmem:s2] =	stream.indirect.scatter.add.f32 [tilespmem:s15], [sflag:$0x1], $0x10, s19, s14, $0xb8;
	[tilespmem:$0x6000] =	vst v63  }
.Ltmp1:
0x34: {  	_ = 	snop;
	(pc) =	sbr.rel @p0 .LBB2_4-.Ltmp1, $4  }
0x35: {  	_ = 	snop  }
0x36: {  	s18 =	sadd.s32 $0x200, s18  }
0x37: {  	_ =	swait.ge [sflag:s13], $0x800  }
0x38: {  	[sflag:s13] =	ssyncset.done $0x0  }
0x39: {  	s3 =	sadd.s32 $0x1, s3  }
0x3a: {  	[sflag:s13] =	ssyncadd.s32 $0xFFFFF800;
	p0 =	sne.s32 s3, s11  }
.Ltmp2:
0x3b: {  	[bflag:$0x0] =	sbarrier.arrive $0xFFFF;
	(pc) =	sbr.rel @p0 .LBB2_1-.Ltmp2, $4  }
0x3c: {  	[hbm:s10], [sflag:s16] =	dma.local [spmem:s17], $0x500  }
0x3d: {  	_ =	swait.ge [sflag:s13], $0x500  }
0x3e: {  	[sflag:s13] =	ssyncset.done $0x0  }
0x3f: {  	[sflag:s13] =	ssyncadd.s32 $0xFFFFFB00  }
0x40: {  	_ =	sfence.sel $0x180000  }
0x41: {  	[bflag:$0x0] =	sbarrier.arrive $0xFFFF  }
0x42: {  	p0 =	sne.s32 s0, $0x0;
	_ =	strace $0x9000004A  }
0x43: {  	s0 =	sadd.s32 @!p0 $0x100000, s1;
	[bflag:$0x2] =	sbarrier.arrive $0xFFFF  }
0x44: {  	[sflag:s0] =	ssyncadd.tile.s32 @!p0 $0x1;
	_ =	shalt  }
.Lfunc_end2:
_tile_overlayer_lowered:
.L_overlay_start_2:
0x45: {  	(tag) =	ssettag $0x2  }
0x46: {  	s0 =	rddreg [dreg:$0x0];
	s2 =	stileid.u32  }
0x47: {  	s1 =	rddreg [dreg:$0x1];
	p0 =	sne.s32 s2, $0x0  }
0x48: {  	s3 =	rddreg [dreg:$0x2];
	[bflag:$0x3] =	sbarrier.arrive $0xFFFF;
	s2 =	simm.s32 @!p0 $0x1C01  }
0x49: {  	[timem:s3], [sflag:s2] =	dma.local @!p0 [hbm:s0], s1  }
0x4a: {  	s0 =	simm.s32 @!p0 $0x1  }
0x4b: {  	_ =	swait.ge @!p0 [sflag:s0], s1  }
0x4c: {  	s1 =	ssub.s32 @!p0 $0x0, s1;
	[sflag:s0] =	ssyncset.done @!p0 $0x0  }
0x4d: {  	[sflag:s0] =	ssyncadd.s32 @!p0 s1  }
0x4e: {  	[bflag:$0x3] =	sbarrier.arrive $0xFFFF  }
0x4f: {  	_ =	shalt  }

// kernel: kernel.15.cloned.1.call-start
scs
__scs_entry_jumppad:
0x0: {  	(pc) =	sbr.rel $0x88, $3  }
0x1: {  	(tag) =	ssettag $0x0;
	lr =	simm.s32 $0x1  }
0x2: {  	[smem:$0x3F99] =	sst lr;
	_ =	strace $0xD0000000  }
0x3: {  	_ = 	snop  }
0x4: {  	_ = 	snop  }
0x5: {  	_ = 	snop  }
0x6: {  	_ = 	snop  }
0x7: {  	_ = 	snop  }
__scs_overlays_trampoline_lowered:
0x8: {  	[smem:$0x3FA8] =	sst s0  }
0x9: {  	[smem:$0x3FA9] =	sst s1  }
0xa: {  	[smem:$0x3FAA] =	sst s2  }
0xb: {  	[smem:$0x3FAB] =	sst s3  }
0xc: {  	[smem:$0x3FAC] =	sst s4  }
0xd: {  	[smem:$0x3FAD] =	sst s5  }
0xe: {  	[smem:$0x3FAE] =	sst s6  }
0xf: {  	[smem:$0x3FAF] =	sst s7  }
0x10: {  	[smem:$0x3FB0] =	sst s8  }
0x11: {  	[smem:$0x3FB1] =	sst s9;
	s0 =	simm.s32 @!p0 $0x0  }
0x12: {  	s1 =	sld [smem:$0x3F97];
	s0 =	simm.s32 @p0 $0x1  }
0x13: {  	[smem:$0x3FB2] =	sst s0;
	s0 =	simm.s32 @!p1 $0x0  }
0x14: {  	s2 =	sld [smem:$0x3F96];
	s0 =	simm.s32 @p1 $0x1  }
0x15: {  	[smem:$0x3FB3] =	sst s0;
	s0 =	simm.s32 @!p2 $0x0  }
0x16: {  	s3 =	sld [smem:$0x3FDB];
	s0 =	simm.s32 @p2 $0x1  }
0x17: {  	s4 =	simm.s32 $0x1BF5;
	[smem:$0x3FB5] =	sst s0  }
0x18: {  	s0 =	sld [smem:$0x3F98];
	_ =	swait.ge [sflag:s4], $0x0  }
0x19: {  	s7 =	sld [smem:$0x3F99]  }
0x1a: {  	s8 =	sadd.s32 $0xFFFFE003, lr  }
0x1b: {  	s9 =	sadd.s32 $0xFFFFFEF7, lr;
	s5 =	simm.s32 $0xFFFFFFFF;
	p2 =	slt.u32 s8, $0xFFFFF086  }
0x1c: {  	p1 =	slt.u32 s9, $0xF7A;
	s5 =	simm.s32 @!p2 $0x0  }
0x1d: {  	s5 =	simm.s32 @p1 $0x1;
	p0 =	seq.s32 s7, s2  }
0x1e: {  	s7 =	smul.u32 @!p0 $0xF7A, s2;
	p2 =	seq.s32 @!p0 s5, $0x0  }
0x1f: {  	s9 =	smul.u32 $0xF7A, s1;
	s8 =	simm.s32 @!p0 $0x1BF5;
	p2 =	por !p2, p0  }
0x20: {  	[sflag:s8] =	ssyncset.s32 @!p0 $0xFFFFF086;
	s6 =	sadd.s32 @!p0 s3, s7;
	s7 =	simm.s32 @!p0 $0x108  }
0x21: {  	s3 =	sadd.s32 s3, s9;
	s6 =	sadd.s32 @!p0 $0x88, s6;
	s7 =	simm.s32 @p2 $0x1082  }
0x22: {  	[simem:s7], [sflag:s8] =	dma.local @!p0 [hbm:s6], $0xF7A  }
0x23: {  	s9 =	sor.u32 $0xD0000000, s2;
	s6 =	simm.s32 $0x108;
	_ =	swait.ge @!p0 [sflag:s8], $0x0  }
0x24: {  	s3 =	sadd.s32 $0x88, s3;
	s6 =	simm.s32 @!p1 $0x1082;
	[sflag:s4] =	ssyncset.s32 $0xFFFFF086  }
0x25: {  	[simem:s6], [sflag:s4] =	dma.local [hbm:s3], $0xF7A  }
0x26: {  	[smem:$0x3F99] =	sst s1;
	(tag) =	ssettag s2;
	_ =	strace s9  }
0x27: {  	s1 =	sld [smem:$0x3FA9]  }
0x28: {  	s2 =	sld [smem:$0x3FAA]  }
0x29: {  	s4 =	sld [smem:$0x3FAC]  }
0x2a: {  	p0 =	seq.s32 s5, $0x0;
	s5 =	sld [smem:$0x3FAD]  }
0x2b: {  	s6 =	sld [smem:$0x3FAE]  }
0x2c: {  	s7 =	sld [smem:$0x3FAF]  }
0x2d: {  	s3 =	simm.s32 $0x108;
	s8 =	sld [smem:$0x3FB0]  }
0x2e: {  	s3 =	simm.s32 @!p0 $0x1082;
	s9 =	sld [smem:$0x3FB1]  }
0x2f: {  	lr =	sadd.s32 s0, s3;
	s0 =	sld [smem:$0x3FA8]  }
0x30: {  	s3 =	sld [smem:$0x3FAB]  }
0x31: {  	[smem:$0x3FB4] =	sst s10  }
0x32: {  	s10 =	sld [smem:$0x3FB2];
	_ =	sdelay $0x3  }
0x33: {  	p0 =	seq.s32 s10, $0x1;
	s10 =	sld [smem:$0x3FB4];
	_ =	sdelay $0x3  }
0x34: {  	[smem:$0x3FB4] =	sst s10  }
0x35: {  	s10 =	sld [smem:$0x3FB3];
	_ =	sdelay $0x3  }
0x36: {  	p1 =	seq.s32 s10, $0x1;
	s10 =	sld [smem:$0x3FB4];
	_ =	sdelay $0x3  }
0x37: {  	[smem:$0x3FB4] =	sst s10  }
0x38: {  	s10 =	sld [smem:$0x3FB5]  }
0x39: {  	_ = 	snop;
	(pc) =	sbr.ind lr, $3  }
0x3a: {  	_ = 	snop  }
0x3b: {  	_ = 	snop  }
0x3c: {  	p2 =	seq.s32 s10, $0x1;
	s10 =	sld [smem:$0x3FB4]  }
0x3d: {  	_ =	shalt  }
0x3e: {  	_ =	shalt  }
0x3f: {  	_ =	shalt  }
0x40: {  	_ =	shalt  }
0x41: {  	_ =	shalt  }
0x42: {  	_ =	shalt  }
0x43: {  	_ =	shalt  }
0x44: {  	_ =	shalt  }
0x45: {  	_ =	shalt  }
0x46: {  	_ =	shalt  }
0x47: {  	_ =	shalt  }
0x48: {  	_ =	shalt  }
0x49: {  	_ =	shalt  }
0x4a: {  	_ =	shalt  }
0x4b: {  	_ =	shalt  }
0x4c: {  	_ =	shalt  }
0x4d: {  	_ =	shalt  }
0x4e: {  	_ =	shalt  }
0x4f: {  	_ =	shalt  }
0x50: {  	_ =	shalt  }
0x51: {  	_ =	shalt  }
0x52: {  	_ =	shalt  }
0x53: {  	_ =	shalt  }
0x54: {  	_ =	shalt  }
0x55: {  	_ =	shalt  }
0x56: {  	_ =	shalt  }
0x57: {  	_ =	shalt  }
0x58: {  	_ =	shalt  }
0x59: {  	_ =	shalt  }
0x5a: {  	_ =	shalt  }
0x5b: {  	_ =	shalt  }
0x5c: {  	_ =	shalt  }
0x5d: {  	_ =	shalt  }
0x5e: {  	_ =	shalt  }
0x5f: {  	_ =	shalt  }
0x60: {  	_ =	shalt  }
0x61: {  	_ =	shalt  }
0x62: {  	_ =	shalt  }
0x63: {  	_ =	shalt  }
0x64: {  	_ =	shalt  }
0x65: {  	_ =	shalt  }
0x66: {  	_ =	shalt  }
0x67: {  	_ =	shalt  }
0x68: {  	_ =	shalt  }
0x69: {  	_ =	shalt  }
0x6a: {  	_ =	shalt  }
0x6b: {  	_ =	shalt  }
0x6c: {  	_ =	shalt  }
0x6d: {  	_ =	shalt  }
0x6e: {  	_ =	shalt  }
0x6f: {  	_ =	shalt  }
0x70: {  	_ =	shalt  }
0x71: {  	_ =	shalt  }
0x72: {  	_ =	shalt  }
0x73: {  	_ =	shalt  }
0x74: {  	_ =	shalt  }
0x75: {  	_ =	shalt  }
0x76: {  	_ =	shalt  }
0x77: {  	_ =	shalt  }
0x78: {  	_ =	shalt  }
0x79: {  	_ =	shalt  }
0x7a: {  	_ =	shalt  }
0x7b: {  	_ =	shalt  }
0x7c: {  	_ =	shalt  }
0x7d: {  	_ =	shalt  }
0x7e: {  	_ =	shalt  }
0x7f: {  	_ =	shalt  }
0x80: {  	_ =	shalt  }
0x81: {  	_ =	shalt  }
0x82: {  	_ =	shalt  }
0x83: {  	_ =	shalt  }
0x84: {  	_ =	shalt  }
0x85: {  	_ =	shalt  }
0x86: {  	_ =	shalt  }
0x87: {  	_ =	shalt  }
.Lfunc_end0:
.L_simem_size_0:
called_computation.1_lowered:
.L_overlay_start_0:
0x88: {  	s2 =	sld [smem:$0x3FD9]  }
0x89: {  	s3 =	sld [smem:$0x3FFE];
	_ =	sdelay $0x1  }
0x8a: {  	s1 =	srdreg.scid  }
0x8b: {  	s0 =	sand.u32 $0x1, s1  }
0x8c: {  	s16 =	sshll.u32 s0, $0xA;
	s2 =	sadd.s32 s3, s2  }
0x8d: {  	s2 =	sadd.s32 s2, s16  }
0x8e: {  	[smem:$0x3FC0] =	sst s2  }
0x8f: {  	_ = 	snop  }
0x90: {  	(tm) =	ssettm $0x1  }
0x91: {  	s17 =	sld [smem:$0x3FFB];
	_ =	sdelay $0x3  }
0x92: {  	_ =	strace s17  }
0x93: {  	s2 =	sld [smem:$0x3FFC];
	_ =	sdelay $0x3  }
0x94: {  	_ =	strace s2  }
0x95: {  	s2 =	sld [smem:$0x3FFD];
	_ =	sdelay $0x3  }
0x96: {  	_ =	strace s2  }
0x97: {  	_ =	strace $0x8FFFFFFF  }
0x98: {  	s18 =	sld [smem:$0x3FDB];
	_ =	sdelay $0x1  }
0x99: {  	s19 =	simm.s32 $_scs_section_size  }
0x9a: {  	s4 =	simm.s32 $_size__tile_overlayer_lowered;
	s5 =	simm.s32 $_tile_overlayer_lowered  }
0x9b: {  	s22 =	simm.s32 $0x1BFF;
	s21 =	sshll.u32 s5, $0x1;
	s2 =	sadd.s32 s19, s18  }
0x9c: {  	s6 =	simm.s32 $0x0;
	s20 =	sshll.u32 s4, $0x1;
	s4 =	sadd.s32 s21, s2  }
0x9d: {  	[timem:s6], [sflag:s22] =	dma.local [hbm:s4], s20  }
0x9e: {  	_ =	swait.ge [sflag:s22], s20  }
0x9f: {  	s3 =	ssub.s32 $0x0, s20;
	[sflag:s22] =	ssyncset.done $0x0  }
0xa0: {  	[sflag:s22] =	ssyncadd.s32 s3;
	_ =	sdelay $0x1  }
0xa1: {  	s23 =	simm.s32 $0x1B8B  }
0xa2: {  	_ =	swait.ge [sflag:s23], $0x1  }
0xa3: {  	[sflag:s23] =	ssyncset.done $0x0  }
0xa4: {  	s25 =	simm.s32 $0x1B8E;
	s24 =	sld [smem:$0x3FFE];
	[sflag:s23] =	ssyncadd.s32 $0xFFFFFFFF  }
0xa5: {  	s26 =	simm.s32 $execute0_lowered;
	[smem:$0x3FD2] =	sst s25  }
0xa6: {  	s4 =	sshll.u32 s26, $0x1;
	_ =	strace $0x80000046;
	[dreg:$0x1] =	wrdreg $0xFFFFFFFF  }
0xa7: {  	s28 =	simm.s32 $_size_execute0_lowered;
	s2 =	sadd.s32 s2, s4;
	[dreg:$0x0] =	wrdreg $0x0  }
0xa8: {  	s4 =	sshll.u32 s28, $0x1;
	[dreg:$0x2] =	wrdreg s2  }
0xa9: {  	[dreg:$0x3] =	wrdreg s4  }
0xaa: {  	[dreg:$0x4] =	wrdreg $0xC0  }
0xab: {  	_ =	task [dreg:s6], $0x5FFFF  }
0xac: {  	[dreg:$0x1] =	wrdreg $0xFFFFFFFF  }
0xad: {  	[dreg:$0x0] =	wrdreg $0x60  }
0xae: {  	[dreg:$0x2] =	wrdreg s24  }
0xaf: {  	[dreg:$0x3] =	wrdreg $0x160000  }
0xb0: {  	[dreg:$0x4] =	wrdreg $0xA  }
0xb1: {  	_ =	task.clear_ibuf [dreg:s6], $0x5FFFF;
	_ =	strace $0x90000046  }
0xb2: {  	s29 =	simm.s32 $0xA;
	_ =	strace $0x80000048  }
0xb3: {  	_ =	swait.ge [sflag:s29], $0x1  }
0xb4: {  	[sflag:s29] =	ssyncadd.s32 $0xFFFFFFFF  }
0xb5: {  	_ =	strace $0x90000048  }
0xb6: {  	_ =	sfence  }
0xb7: {  	s30 =	sld [smem:$0x0];
	_ =	sdelay $0x2  }
0xb8: {  	s31 =	sshll.u32 s1, $0xD;
	s1 =	sshrl.u32 s1, $0x2  }
0xb9: {  	s3 =	sand.u32 $0x4000, s31;
	s1 =	sadd.s32 s1, s30  }
0xba: {  	s0 =	sor.u32 s3, s0;
	s1 =	sshll.u32 s1, $0x11  }
0xbb: {  	s0 =	sor.u32 s1, s0  }
0xbc: {  	s0 =	sadd.s32 $0x8F2B, s0  }
0xbd: {  	[sflag:s0] =	ssyncadd.remote.s32 $0x1  }
0xbe: {  	_ =	sfence.sel $0xFFFF  }
0xbf: {  	[dreg:$0x0] =	wrdreg $0xFFFFFFFF;
	(pc) =	sbr.abs _section_cstart, $3  }
0xc0: {  	[dreg:$0x1] =	wrdreg $0xFFFFFFFF  }
0xc1: {  	_ =	task.clear_ibuf [dreg:s6], $0x2FFFF;
	_ =	strace $0x9FFFFFFF  }
0xc2: {  	(tm) =	ssettm $0x7FFFFFFF  }
0xc3: {  	_ =	shalt  }
tec
execute0_lowered:
.L_overlay_start_1:
0x0: {  	(tag) =	ssettag $0x1  }
0x1: {  	s0 =	srdreg.scid;
	s1 =	rddreg [dreg:$0x0]  }
0x2: {  	s9 =	stileid.u32;
	s2 =	rddreg [dreg:$0x1]  }
0x3: {  	s3 =	simm.s32 $0x0;
	s14 =	simm.s32 $0x14000;
	s15 =	simm.s32 $0x3  }
0x4: {  	s17 =	simm.s32 $0x80;
	s18 =	simm.s32 $0xA000;
	s5 =	smul.u32 $0x5000, s9  }
0x5: {  	s19 =	simm.s32 $0xC000;
	s28 =	simm.s32 $0x2;
	s6 =	smul.u32 $0xA000, s9  }
0x6: {  	s29 =	simm.s32 $0x9D80;
	s0 =	sand.u32 $0x1, s0;
	s22 =	smul.u32 $0x28000, s9  }
0x7: {  	s30 =	simm.s32 $0x9E00;
	s31 =	simm.s32 $0x9E80;
	s4 =	smul.u32 $0x50000, s0  }
0x8: {  	[smem:$0x7FF] =	sst s3;
	s8 =	smul.u32 $0xA0000, s0;
	s0 =	ssub.s32 $0x2, s0  }
0x9: {  	_ =	strace $0x80000047;
	s24 =	sshrl.u32 s0, $0x1;
	s25 =	sshrl.u32 s22, $0x2  }
0xa: {  	s4 =	sadd.s32 s5, s4;
	s5 =	sshrl.u32 s5, $0x3;
	s21 =	sadd.s32 s6, s8  }
0xb: {  	s0 =	ssub.s32 s0, s24;
	s26 =	sadd.s32 s25, s2;
	s24 =	simm.s32 $0x200  }
0xc: {  	s25 =	simm.s32 $0x12000;
	s7 =	sshrl.u32 s4, $0x3;
	s4 =	sadd.s32 $0x3C00, s1  }
0xd: {  	s11 =	sadd.s32 s5, s1;
	s23 =	sshrl.u32 s21, $0x3;
	s5 =	sadd.s32 s6, s2  }
0xe: {  	s6 =	sadd.s32 $0x2000, s26;
	s8 =	sadd.s32 $0x6000, s26;
	s9 =	sadd.s32 $0x8000, s26  }
0xf: {  	s13 =	smax.u32 s0, $0x1;
	s21 =	simm.s32 $0xE000;
	s0 =	simm.s32 $0x9F80  }
0x10: {  	s10 =	sadd.s32 s7, s1;
	s1 =	sadd.s32 s23, s1;
	s7 =	sadd.s32 $0x4000, s26  }
0x11: {  	s11 =	sadd.s32 $0x34E00, s11;
	s23 =	simm.s32 $0x10000;
	s26 =	simm.s32 $0x1  }
0x12: {  	v0 =	vimm.f32 $0.0e+00;
	s10 =	sadd.s32 $0x48E00, s10;
	s12 =	sadd.s32 $0x5CE00, s1;
	s1 =	simm.s32 $0x9F00  }
.LBB2_1:
0x13: {  	s20 =	simm.s32 $0x100;
	s16 =	simm.s32 $0x0  }
.LBB2_2:
0x14: {  	p0 =	sne.s32 s20, $0x7F00;
	[tilespmem:s16+$0x14030] =	vst v0;
	s22 =	smov.u32 s20;
	s20 =	sadd.s32 $0x100, s20  }
.Ltmp0:
0x15: {  	[tilespmem:s16+$0x14020] =	vst v0;
	(pc) =	sbr.rel @p0 .LBB2_2-.Ltmp0, $3  }
0x16: {  	[tilespmem:s16+$0x14000] =	vst v0  }
0x17: {  	[tilespmem:s16+$0x14010] =	vst v0;
	_ =	sdelay $0x1  }
0x18: {  	s16 =	sshra.s32 s22, $0x2  }
0x19: {  	[tilespmem:s16+$0x14030] =	vst v0  }
0x1a: {  	[tilespmem:s16+$0x14020] =	vst v0  }
0x1b: {  	[tilespmem:s16+$0x14000] =	vst v0  }
0x1c: {  	[tilespmem:s16+$0x14010] =	vst v0  }
0x1d: {  	[spmem:s5] =	stream.linear.scatter [tilespmem:s14], [sflag:$0x3], $0x2000, $0x38;
	v63 =	vld [tilespmem:$0x0]  }
0x1e: {  	_ =	swait.ge [sflag:s15], $0x2000  }
0x1f: {  	[sflag:s15] =	ssyncset.done $0x0  }
0x20: {  	[sflag:s15] =	ssyncadd.s32 $0xFFFFE000  }
0x21: {  	[spmem:s6] =	stream.linear.scatter [tilespmem:s14], [sflag:$0x3], $0x2000, $0x38;
	v63 =	vld [tilespmem:$0x0]  }
0x22: {  	_ =	swait.ge [sflag:s15], $0x2000  }
0x23: {  	[sflag:s15] =	ssyncset.done $0x0  }
0x24: {  	[sflag:s15] =	ssyncadd.s32 $0xFFFFE000  }
0x25: {  	[spmem:s7] =	stream.linear.scatter [tilespmem:s14], [sflag:$0x3], $0x2000, $0x38;
	v63 =	vld [tilespmem:$0x0]  }
0x26: {  	_ =	swait.ge [sflag:s15], $0x2000  }
0x27: {  	[sflag:s15] =	ssyncset.done $0x0  }
0x28: {  	[sflag:s15] =	ssyncadd.s32 $0xFFFFE000  }
0x29: {  	[spmem:s8] =	stream.linear.scatter [tilespmem:s14], [sflag:$0x3], $0x2000, $0x38;
	v63 =	vld [tilespmem:$0x0]  }
0x2a: {  	_ =	swait.ge [sflag:s15], $0x2000  }
0x2b: {  	[sflag:s15] =	ssyncset.done $0x0  }
0x2c: {  	[sflag:s15] =	ssyncadd.s32 $0xFFFFE000  }
0x2d: {  	[spmem:s9] =	stream.linear.scatter [tilespmem:s14], [sflag:$0x3], $0x2000, $0x38;
	v63 =	vld [tilespmem:$0x0]  }
0x2e: {  	_ =	swait.ge [sflag:s15], $0x2000  }
0x2f: {  	[sflag:s15] =	ssyncset.done $0x0  }
0x30: {  	s22 =	simm.s32 $0x0;
	[sflag:s15] =	ssyncadd.s32 $0xFFFFE000  }
0x31: {  	[tilespmem:s22], [sflag:$0x3] =	stream.linear.gather [hbm4b:s10+s22], $0x5000, $0x38;
	v63 =	vld [tilespmem:$0x0]  }
0x32: {  	_ =	swait.ge [sflag:s15], $0x5000  }
0x33: {  	[sflag:s15] =	ssyncset.done $0x0  }
0x34: {  	s20 =	simm.s32 $0x5000;
	[sflag:s15] =	ssyncadd.s32 $0xFFFFB000  }
0x35: {  	[tilespmem:s20], [sflag:$0x3] =	stream.linear.gather [hbm4b:s11+s22], $0x5000, $0x38;
	v63 =	vld [tilespmem:$0x0]  }
0x36: {  	_ =	swait.ge [sflag:s15], $0x5000  }
0x37: {  	[sflag:s15] =	ssyncset.done $0x0  }
0x38: {  	[sflag:s15] =	ssyncadd.s32 $0xFFFFB000  }
0x39: {  	[bflag:$0x0] =	sbarrier.arrive $0xFFFF  }
0x3a: {  	[tilespmem:s18], [sflag:$0x1] =	stream.indirect.gather [hbm4b:s4+s17], $0x40, s22, s17, $0xb8;
	v63 =	vld [tilespmem:$0x0]  }
0x3b: {  	_ = 	snop  }
0x3c: {  	[tilespmem:s19], [sflag:$0x1] =	stream.indirect.gather [hbm4b:s4+s17], $0x40, s17, s17, $0xb8;
	v63 =	vld [tilespmem:$0x0]  }
0x3d: {  	s22 =	simm.s32 $0x100  }
0x3e: {  	[tilespmem:s21], [sflag:$0x1] =	stream.indirect.gather [hbm4b:s4+s17], $0x40, s22, s17, $0xb8;
	v63 =	vld [tilespmem:$0x0]  }
0x3f: {  	s20 =	simm.s32 $0x180  }
0x40: {  	[tilespmem:s23], [sflag:$0x1] =	stream.indirect.gather [hbm4b:s4+s17], $0x40, s20, s17, $0xb8;
	v63 =	vld [tilespmem:$0x0]  }
0x41: {  	_ = 	snop  }
0x42: {  	[tilespmem:s25], [sflag:$0x1] =	stream.indirect.gather [hbm4b:s4+s17], $0x40, s24, s17, $0xb8;
	v63 =	vld [tilespmem:$0x0]  }
0x43: {  	_ =	swait.ge [sflag:s26], $0x2000  }
0x44: {  	[sflag:s26] =	ssyncset.done $0x0  }
0x45: {  	s22 =	simm.s32 $0x5000;
	[sflag:s26] =	ssyncadd.s32 $0xFFFFE000  }
0x46: {  	[spmem:s2] =	stream.indirect.scatter.add.f32 [tilespmem:s18], [sflag:$0x2], $0x40, s22, s17, $0xb8;
	v63 =	vld [tilespmem:$0x0]  }
0x47: {  	_ =	swait.ge [sflag:s26], $0x2000  }
0x48: {  	[sflag:s26] =	ssyncset.done $0x0  }
0x49: {  	s20 =	simm.s32 $0x5080;
	[sflag:s26] =	ssyncadd.s32 $0xFFFFE000  }
0x4a: {  	[spmem:s2] =	stream.indirect.scatter.add.f32 [tilespmem:s19], [sflag:$0x2], $0x40, s20, s17, $0xb8;
	v63 =	vld [tilespmem:$0x0]  }
0x4b: {  	_ =	swait.ge [sflag:s26], $0x2000  }
0x4c: {  	[sflag:s26] =	ssyncset.done $0x0  }
0x4d: {  	s22 =	simm.s32 $0x5100;
	[sflag:s26] =	ssyncadd.s32 $0xFFFFE000  }
0x4e: {  	[spmem:s2] =	stream.indirect.scatter.add.f32 [tilespmem:s21], [sflag:$0x2], $0x40, s22, s17, $0xb8;
	v63 =	vld [tilespmem:$0x0]  }
0x4f: {  	_ =	swait.ge [sflag:s26], $0x2000  }
0x50: {  	[sflag:s26] =	ssyncset.done $0x0  }
0x51: {  	s20 =	simm.s32 $0x5180;
	[sflag:s26] =	ssyncadd.s32 $0xFFFFE000  }
0x52: {  	[spmem:s2] =	stream.indirect.scatter.add.f32 [tilespmem:s23], [sflag:$0x2], $0x40, s20, s17, $0xb8;
	v63 =	vld [tilespmem:$0x0]  }
0x53: {  	_ =	swait.ge [sflag:s26], $0x2000  }
0x54: {  	[sflag:s26] =	ssyncset.done $0x0  }
0x55: {  	s22 =	simm.s32 $0x5200;
	[sflag:s26] =	ssyncadd.s32 $0xFFFFE000  }
0x56: {  	[spmem:s2] =	stream.indirect.scatter.add.f32 [tilespmem:s25], [sflag:$0x2], $0x40, s22, s17, $0xb8;
	v63 =	vld [tilespmem:$0x0]  }
0x57: {  	_ =	swait.ge [sflag:s28], $0x2000  }
0x58: {  	[sflag:s28] =	ssyncset.done $0x0  }
0x59: {  	[sflag:s28] =	ssyncadd.s32 $0xFFFFE000  }
0x5a: {  	_ =	swait.ge [sflag:s28], $0x2000  }
0x5b: {  	[sflag:s28] =	ssyncset.done $0x0  }
0x5c: {  	[sflag:s28] =	ssyncadd.s32 $0xFFFFE000  }
0x5d: {  	_ =	swait.ge [sflag:s28], $0x2000  }
0x5e: {  	[sflag:s28] =	ssyncset.done $0x0  }
0x5f: {  	[sflag:s28] =	ssyncadd.s32 $0xFFFFE000  }
0x60: {  	_ =	swait.ge [sflag:s28], $0x2000  }
0x61: {  	[sflag:s28] =	ssyncset.done $0x0  }
0x62: {  	[sflag:s28] =	ssyncadd.s32 $0xFFFFE000  }
0x63: {  	_ =	swait.ge [sflag:s28], $0x2000  }
0x64: {  	[sflag:s28] =	ssyncset.done $0x0  }
0x65: {  	s20 =	simm.s32 $0x280;
	[sflag:s28] =	ssyncadd.s32 $0xFFFFE000  }
0x66: {  	[tilespmem:s18], [sflag:$0x1] =	stream.indirect.gather [hbm4b:s4+s17], $0x40, s20, s17, $0xb8;
	v63 =	vld [tilespmem:$0x0]  }
0x67: {  	s22 =	simm.s32 $0x300  }
0x68: {  	[tilespmem:s19], [sflag:$0x1] =	stream.indirect.gather [hbm4b:s4+s17], $0x40, s22, s17, $0xb8;
	v63 =	vld [tilespmem:$0x0]  }
0x69: {  	s20 =	simm.s32 $0x380  }
0x6a: {  	[tilespmem:s21], [sflag:$0x1] =	stream.indirect.gather [hbm4b:s4+s17], $0x40, s20, s17, $0xb8;
	v63 =	vld [tilespmem:$0x0]  }
0x6b: {  	s16 =	simm.s32 $0xA00;
	s22 =	simm.s32 $0x400;
	s20 =	simm.s32 $0x480  }
0x6c: {  	[tilespmem:s23], [sflag:$0x1] =	stream.indirect.gather [hbm4b:s4+s17], $0x40, s22, s17, $0xb8;
	v63 =	vld [tilespmem:$0x0]  }
.LBB2_4:
0x6d: {  	[tilespmem:s25], [sflag:$0x1] =	stream.indirect.gather [hbm4b:s4+s17], $0x40, s20, s17, $0xb8;
	v63 =	vld [tilespmem:$0x0]  }
0x6e: {  	s20 =	smov.u32 s16  }
0x6f: {  	p0 =	sne.s32 s16, $0x12C00;
	s16 =	sadd.s32 $0xA00, s16;
	_ =	swait.ge [sflag:s26], $0x2000  }
0x70: {  	s20 =	sshra.s32 s20, $0x2;
	[sflag:s26] =	ssyncset.done $0x0  }
0x71: {  	s22 =	sadd.s32 $0x5000, s20;
	[sflag:s26] =	ssyncadd.s32 $0xFFFFE000  }
0x72: {  	[spmem:s2] =	stream.indirect.scatter.add.f32 [tilespmem:s18], [sflag:$0x2], $0x40, s22, s17, $0xb8;
	v63 =	vld [tilespmem:$0x0]  }
0x73: {  	_ =	swait.ge [sflag:s26], $0x2000  }
0x74: {  	[sflag:s26] =	ssyncset.done $0x0  }
0x75: {  	s22 =	sadd.s32 $0x5080, s20;
	[sflag:s26] =	ssyncadd.s32 $0xFFFFE000  }
0x76: {  	[spmem:s2] =	stream.indirect.scatter.add.f32 [tilespmem:s19], [sflag:$0x2], $0x40, s22, s17, $0xb8;
	v63 =	vld [tilespmem:$0x0]  }
0x77: {  	_ =	swait.ge [sflag:s26], $0x2000  }
0x78: {  	[sflag:s26] =	ssyncset.done $0x0  }
0x79: {  	s22 =	sadd.s32 $0x5100, s20;
	[sflag:s26] =	ssyncadd.s32 $0xFFFFE000  }
0x7a: {  	[spmem:s2] =	stream.indirect.scatter.add.f32 [tilespmem:s21], [sflag:$0x2], $0x40, s22, s17, $0xb8;
	v63 =	vld [tilespmem:$0x0]  }
0x7b: {  	_ =	swait.ge [sflag:s26], $0x2000  }
0x7c: {  	[sflag:s26] =	ssyncset.done $0x0  }
0x7d: {  	s22 =	sadd.s32 $0x5180, s20;
	[sflag:s26] =	ssyncadd.s32 $0xFFFFE000  }
0x7e: {  	[spmem:s2] =	stream.indirect.scatter.add.f32 [tilespmem:s23], [sflag:$0x2], $0x40, s22, s17, $0xb8;
	v63 =	vld [tilespmem:$0x0]  }
0x7f: {  	_ =	swait.ge [sflag:s26], $0x2000  }
0x80: {  	[sflag:s26] =	ssyncset.done $0x0  }
0x81: {  	s22 =	sadd.s32 $0x5200, s20;
	[sflag:s26] =	ssyncadd.s32 $0xFFFFE000  }
0x82: {  	[spmem:s2] =	stream.indirect.scatter.add.f32 [tilespmem:s25], [sflag:$0x2], $0x40, s22, s17, $0xb8;
	v63 =	vld [tilespmem:$0x0]  }
0x83: {  	_ =	swait.ge [sflag:s28], $0x2000  }
0x84: {  	[sflag:s28] =	ssyncset.done $0x0  }
0x85: {  	[sflag:s28] =	ssyncadd.s32 $0xFFFFE000  }
0x86: {  	_ =	swait.ge [sflag:s28], $0x2000  }
0x87: {  	[sflag:s28] =	ssyncset.done $0x0  }
0x88: {  	[sflag:s28] =	ssyncadd.s32 $0xFFFFE000  }
0x89: {  	_ =	swait.ge [sflag:s28], $0x2000  }
0x8a: {  	[sflag:s28] =	ssyncset.done $0x0  }
0x8b: {  	[sflag:s28] =	ssyncadd.s32 $0xFFFFE000  }
0x8c: {  	_ =	swait.ge [sflag:s28], $0x2000  }
0x8d: {  	[sflag:s28] =	ssyncset.done $0x0  }
0x8e: {  	[sflag:s28] =	ssyncadd.s32 $0xFFFFE000  }
0x8f: {  	_ =	swait.ge [sflag:s28], $0x2000  }
0x90: {  	[sflag:s28] =	ssyncset.done $0x0  }
0x91: {  	s22 =	sadd.s32 $0x280, s20;
	[sflag:s28] =	ssyncadd.s32 $0xFFFFE000  }
0x92: {  	[tilespmem:s18], [sflag:$0x1] =	stream.indirect.gather [hbm4b:s4+s17], $0x40, s22, s17, $0xb8;
	v63 =	vld [tilespmem:$0x0]  }
0x93: {  	s22 =	sadd.s32 $0x300, s20  }
0x94: {  	[tilespmem:s19], [sflag:$0x1] =	stream.indirect.gather [hbm4b:s4+s17], $0x40, s22, s17, $0xb8;
	v63 =	vld [tilespmem:$0x0]  }
.Ltmp1:
0x95: {  	s22 =	sadd.s32 $0x380, s20;
	(pc) =	sbr.rel @p0 .LBB2_4-.Ltmp1, $4  }
0x96: {  	[tilespmem:s21], [sflag:$0x1] =	stream.indirect.gather [hbm4b:s4+s17], $0x40, s22, s17, $0xb8;
	v63 =	vld [tilespmem:$0x0]  }
0x97: {  	s22 =	sadd.s32 $0x400, s20  }
0x98: {  	[tilespmem:s23], [sflag:$0x1] =	stream.indirect.gather [hbm4b:s4+s17], $0x40, s22, s17, $0xb8;
	v63 =	vld [tilespmem:$0x0]  }
0x99: {  	s20 =	sadd.s32 $0x480, s20  }
0x9a: {  	[tilespmem:s25], [sflag:$0x1] =	stream.indirect.gather [hbm4b:s4+s17], $0x40, s20, s17, $0xb8;
	v63 =	vld [tilespmem:$0x0]  }
0x9b: {  	_ =	swait.ge [sflag:s26], $0x2000  }
0x9c: {  	[sflag:s26] =	ssyncset.done $0x0  }
0x9d: {  	[sflag:s26] =	ssyncadd.s32 $0xFFFFE000  }
0x9e: {  	[spmem:s2] =	stream.indirect.scatter.add.f32 [tilespmem:s18], [sflag:$0x2], $0x40, s29, s17, $0xb8;
	v63 =	vld [tilespmem:$0x0]  }
0x9f: {  	_ =	swait.ge [sflag:s26], $0x2000  }
0xa0: {  	[sflag:s26] =	ssyncset.done $0x0  }
0xa1: {  	[sflag:s26] =	ssyncadd.s32 $0xFFFFE000  }
0xa2: {  	[spmem:s2] =	stream.indirect.scatter.add.f32 [tilespmem:s19], [sflag:$0x2], $0x40, s30, s17, $0xb8;
	v63 =	vld [tilespmem:$0x0]  }
0xa3: {  	_ =	swait.ge [sflag:s26], $0x2000  }
0xa4: {  	[sflag:s26] =	ssyncset.done $0x0  }
0xa5: {  	[sflag:s26] =	ssyncadd.s32 $0xFFFFE000  }
0xa6: {  	[spmem:s2] =	stream.indirect.scatter.add.f32 [tilespmem:s21], [sflag:$0x2], $0x40, s31, s17, $0xb8;
	v63 =	vld [tilespmem:$0x0]  }
0xa7: {  	_ =	swait.ge [sflag:s26], $0x2000  }
0xa8: {  	[sflag:s26] =	ssyncset.done $0x0  }
0xa9: {  	[sflag:s26] =	ssyncadd.s32 $0xFFFFE000  }
0xaa: {  	[spmem:s2] =	stream.indirect.scatter.add.f32 [tilespmem:s23], [sflag:$0x2], $0x40, s1, s17, $0xb8;
	v63 =	vld [tilespmem:$0x0]  }
0xab: {  	_ =	swait.ge [sflag:s26], $0x2000  }
0xac: {  	[sflag:s26] =	ssyncset.done $0x0  }
0xad: {  	[sflag:s26] =	ssyncadd.s32 $0xFFFFE000  }
0xae: {  	[spmem:s2] =	stream.indirect.scatter.add.f32 [tilespmem:s25], [sflag:$0x2], $0x40, s0, s17, $0xb8;
	v63 =	vld [tilespmem:$0x0]  }
0xaf: {  	_ =	swait.ge [sflag:s28], $0x2000  }
0xb0: {  	[sflag:s28] =	ssyncset.done $0x0  }
0xb1: {  	[sflag:s28] =	ssyncadd.s32 $0xFFFFE000  }
0xb2: {  	_ =	swait.ge [sflag:s28], $0x2000  }
0xb3: {  	[sflag:s28] =	ssyncset.done $0x0  }
0xb4: {  	[sflag:s28] =	ssyncadd.s32 $0xFFFFE000  }
0xb5: {  	_ =	swait.ge [sflag:s28], $0x2000  }
0xb6: {  	[sflag:s28] =	ssyncset.done $0x0  }
0xb7: {  	[sflag:s28] =	ssyncadd.s32 $0xFFFFE000  }
0xb8: {  	_ =	swait.ge [sflag:s28], $0x2000  }
0xb9: {  	[sflag:s28] =	ssyncset.done $0x0  }
0xba: {  	[sflag:s28] =	ssyncadd.s32 $0xFFFFE000  }
0xbb: {  	s16 =	stileid.u32;
	_ =	swait.ge [sflag:s28], $0x2000  }
0xbc: {  	s22 =	sshrl.u32 s5, $0x3;
	s3 =	sadd.s32 $0x1, s3;
	[sflag:s28] =	ssyncset.done $0x0  }
0xbd: {  	s16 =	sshll.u32 s16, $0x6;
	p0 =	sne.s32 s3, s13;
	[sflag:s28] =	ssyncadd.s32 $0xFFFFE000  }
.Ltmp2:
0xbe: {  	s16 =	sor.u32 $0x1C03, s16;
	[bflag:$0x0] =	sbarrier.arrive $0xFFFF;
	(pc) =	sbr.rel @p0 .LBB2_1-.Ltmp2, $4  }
0xbf: {  	[hbm:s12], [sflag:s16] =	dma.local [spmem:s22], $0x1400  }
0xc0: {  	_ =	swait.ge [sflag:s15], $0x1400  }
0xc1: {  	[sflag:s15] =	ssyncset.done $0x0  }
0xc2: {  	[sflag:s15] =	ssyncadd.s32 $0xFFFFEC00  }
0xc3: {  	_ =	sfence.sel $0x180000  }
0xc4: {  	[bflag:$0x0] =	sbarrier.arrive $0xFFFF  }
0xc5: {  	_ =	strace $0x90000047  }
0xc6: {  	s0 =	stileid.u32;
	[bflag:$0x2] =	sbarrier.arrive $0xFFFF  }
0xc7: {  	p0 =	sne.s32 s0, $0x0;
	s0 =	rddreg [dreg:$0x2]  }
0xc8: {  	s0 =	sadd.s32 @!p0 $0x100000, s0  }
0xc9: {  	[sflag:s0] =	ssyncadd.tile.s32 @!p0 $0x1;
	_ =	shalt  }
.Lfunc_end2:
_tile_overlayer_lowered:
.L_overlay_start_2:
0xca: {  	(tag) =	ssettag $0x2  }
0xcb: {  	s0 =	rddreg [dreg:$0x0];
	s2 =	stileid.u32  }
0xcc: {  	s1 =	rddreg [dreg:$0x1];
	p0 =	sne.s32 s2, $0x0  }
0xcd: {  	s3 =	rddreg [dreg:$0x2];
	[bflag:$0x3] =	sbarrier.arrive $0xFFFF;
	s2 =	simm.s32 @!p0 $0x1C03  }
0xce: {  	[timem:s3], [sflag:s2] =	dma.local @!p0 [hbm:s0], s1  }
0xcf: {  	s0 =	simm.s32 @!p0 $0x3  }
0xd0: {  	_ =	swait.ge @!p0 [sflag:s0], s1  }
0xd1: {  	s1 =	ssub.s32 @!p0 $0x0, s1;
	[sflag:s0] =	ssyncset.done @!p0 $0x0  }
0xd2: {  	[sflag:s0] =	ssyncadd.s32 @!p0 s1  }
0xd3: {  	[bflag:$0x3] =	sbarrier.arrive $0xFFFF  }
0xd4: {  	_ =	shalt  }

// kernel: kernel.18.cloned.1.call-start
scs
__scs_entry_jumppad:
0x0: {  	(pc) =	sbr.rel $0x88, $3  }
0x1: {  	(tag) =	ssettag $0x0;
	lr =	simm.s32 $0x1  }
0x2: {  	[smem:$0x3F99] =	sst lr;
	_ =	strace $0xD0000000  }
0x3: {  	_ = 	snop  }
0x4: {  	_ = 	snop  }
0x5: {  	_ = 	snop  }
0x6: {  	_ = 	snop  }
0x7: {  	_ = 	snop  }
__scs_overlays_trampoline_lowered:
0x8: {  	[smem:$0x3FA8] =	sst s0  }
0x9: {  	[smem:$0x3FA9] =	sst s1  }
0xa: {  	[smem:$0x3FAA] =	sst s2  }
0xb: {  	[smem:$0x3FAB] =	sst s3  }
0xc: {  	[smem:$0x3FAC] =	sst s4  }
0xd: {  	[smem:$0x3FAD] =	sst s5  }
0xe: {  	[smem:$0x3FAE] =	sst s6  }
0xf: {  	[smem:$0x3FAF] =	sst s7  }
0x10: {  	[smem:$0x3FB0] =	sst s8  }
0x11: {  	[smem:$0x3FB1] =	sst s9;
	s0 =	simm.s32 @!p0 $0x0  }
0x12: {  	s1 =	sld [smem:$0x3F97];
	s0 =	simm.s32 @p0 $0x1  }
0x13: {  	[smem:$0x3FB2] =	sst s0;
	s0 =	simm.s32 @!p1 $0x0  }
0x14: {  	s2 =	sld [smem:$0x3F96];
	s0 =	simm.s32 @p1 $0x1  }
0x15: {  	[smem:$0x3FB3] =	sst s0;
	s0 =	simm.s32 @!p2 $0x0  }
0x16: {  	s3 =	sld [smem:$0x3FDB];
	s0 =	simm.s32 @p2 $0x1  }
0x17: {  	s4 =	simm.s32 $0x1BF5;
	[smem:$0x3FB5] =	sst s0  }
0x18: {  	s0 =	sld [smem:$0x3F98];
	_ =	swait.ge [sflag:s4], $0x0  }
0x19: {  	s7 =	sld [smem:$0x3F99]  }
0x1a: {  	s8 =	sadd.s32 $0xFFFFE003, lr  }
0x1b: {  	s9 =	sadd.s32 $0xFFFFFEF7, lr;
	s5 =	simm.s32 $0xFFFFFFFF;
	p2 =	slt.u32 s8, $0xFFFFF086  }
0x1c: {  	p1 =	slt.u32 s9, $0xF7A;
	s5 =	simm.s32 @!p2 $0x0  }
0x1d: {  	s5 =	simm.s32 @p1 $0x1;
	p0 =	seq.s32 s7, s2  }
0x1e: {  	s7 =	smul.u32 @!p0 $0xF7A, s2;
	p2 =	seq.s32 @!p0 s5, $0x0  }
0x1f: {  	s9 =	smul.u32 $0xF7A, s1;
	s8 =	simm.s32 @!p0 $0x1BF5;
	p2 =	por !p2, p0  }
0x20: {  	[sflag:s8] =	ssyncset.s32 @!p0 $0xFFFFF086;
	s6 =	sadd.s32 @!p0 s3, s7;
	s7 =	simm.s32 @!p0 $0x108  }
0x21: {  	s3 =	sadd.s32 s3, s9;
	s6 =	sadd.s32 @!p0 $0x88, s6;
	s7 =	simm.s32 @p2 $0x1082  }
0x22: {  	[simem:s7], [sflag:s8] =	dma.local @!p0 [hbm:s6], $0xF7A  }
0x23: {  	s9 =	sor.u32 $0xD0000000, s2;
	s6 =	simm.s32 $0x108;
	_ =	swait.ge @!p0 [sflag:s8], $0x0  }
0x24: {  	s3 =	sadd.s32 $0x88, s3;
	s6 =	simm.s32 @!p1 $0x1082;
	[sflag:s4] =	ssyncset.s32 $0xFFFFF086  }
0x25: {  	[simem:s6], [sflag:s4] =	dma.local [hbm:s3], $0xF7A  }
0x26: {  	[smem:$0x3F99] =	sst s1;
	(tag) =	ssettag s2;
	_ =	strace s9  }
0x27: {  	s1 =	sld [smem:$0x3FA9]  }
0x28: {  	s2 =	sld [smem:$0x3FAA]  }
0x29: {  	s4 =	sld [smem:$0x3FAC]  }
0x2a: {  	p0 =	seq.s32 s5, $0x0;
	s5 =	sld [smem:$0x3FAD]  }
0x2b: {  	s6 =	sld [smem:$0x3FAE]  }
0x2c: {  	s7 =	sld [smem:$0x3FAF]  }
0x2d: {  	s3 =	simm.s32 $0x108;
	s8 =	sld [smem:$0x3FB0]  }
0x2e: {  	s3 =	simm.s32 @!p0 $0x1082;
	s9 =	sld [smem:$0x3FB1]  }
0x2f: {  	lr =	sadd.s32 s0, s3;
	s0 =	sld [smem:$0x3FA8]  }
0x30: {  	s3 =	sld [smem:$0x3FAB]  }
0x31: {  	[smem:$0x3FB4] =	sst s10  }
0x32: {  	s10 =	sld [smem:$0x3FB2];
	_ =	sdelay $0x3  }
0x33: {  	p0 =	seq.s32 s10, $0x1;
	s10 =	sld [smem:$0x3FB4];
	_ =	sdelay $0x3  }
0x34: {  	[smem:$0x3FB4] =	sst s10  }
0x35: {  	s10 =	sld [smem:$0x3FB3];
	_ =	sdelay $0x3  }
0x36: {  	p1 =	seq.s32 s10, $0x1;
	s10 =	sld [smem:$0x3FB4];
	_ =	sdelay $0x3  }
0x37: {  	[smem:$0x3FB4] =	sst s10  }
0x38: {  	s10 =	sld [smem:$0x3FB5]  }
0x39: {  	_ = 	snop;
	(pc) =	sbr.ind lr, $3  }
0x3a: {  	_ = 	snop  }
0x3b: {  	_ = 	snop  }
0x3c: {  	p2 =	seq.s32 s10, $0x1;
	s10 =	sld [smem:$0x3FB4]  }
0x3d: {  	_ =	shalt  }
0x3e: {  	_ =	shalt  }
0x3f: {  	_ =	shalt  }
0x40: {  	_ =	shalt  }
0x41: {  	_ =	shalt  }
0x42: {  	_ =	shalt  }
0x43: {  	_ =	shalt  }
0x44: {  	_ =	shalt  }
0x45: {  	_ =	shalt  }
0x46: {  	_ =	shalt  }
0x47: {  	_ =	shalt  }
0x48: {  	_ =	shalt  }
0x49: {  	_ =	shalt  }
0x4a: {  	_ =	shalt  }
0x4b: {  	_ =	shalt  }
0x4c: {  	_ =	shalt  }
0x4d: {  	_ =	shalt  }
0x4e: {  	_ =	shalt  }
0x4f: {  	_ =	shalt  }
0x50: {  	_ =	shalt  }
0x51: {  	_ =	shalt  }
0x52: {  	_ =	shalt  }
0x53: {  	_ =	shalt  }
0x54: {  	_ =	shalt  }
0x55: {  	_ =	shalt  }
0x56: {  	_ =	shalt  }
0x57: {  	_ =	shalt  }
0x58: {  	_ =	shalt  }
0x59: {  	_ =	shalt  }
0x5a: {  	_ =	shalt  }
0x5b: {  	_ =	shalt  }
0x5c: {  	_ =	shalt  }
0x5d: {  	_ =	shalt  }
0x5e: {  	_ =	shalt  }
0x5f: {  	_ =	shalt  }
0x60: {  	_ =	shalt  }
0x61: {  	_ =	shalt  }
0x62: {  	_ =	shalt  }
0x63: {  	_ =	shalt  }
0x64: {  	_ =	shalt  }
0x65: {  	_ =	shalt  }
0x66: {  	_ =	shalt  }
0x67: {  	_ =	shalt  }
0x68: {  	_ =	shalt  }
0x69: {  	_ =	shalt  }
0x6a: {  	_ =	shalt  }
0x6b: {  	_ =	shalt  }
0x6c: {  	_ =	shalt  }
0x6d: {  	_ =	shalt  }
0x6e: {  	_ =	shalt  }
0x6f: {  	_ =	shalt  }
0x70: {  	_ =	shalt  }
0x71: {  	_ =	shalt  }
0x72: {  	_ =	shalt  }
0x73: {  	_ =	shalt  }
0x74: {  	_ =	shalt  }
0x75: {  	_ =	shalt  }
0x76: {  	_ =	shalt  }
0x77: {  	_ =	shalt  }
0x78: {  	_ =	shalt  }
0x79: {  	_ =	shalt  }
0x7a: {  	_ =	shalt  }
0x7b: {  	_ =	shalt  }
0x7c: {  	_ =	shalt  }
0x7d: {  	_ =	shalt  }
0x7e: {  	_ =	shalt  }
0x7f: {  	_ =	shalt  }
0x80: {  	_ =	shalt  }
0x81: {  	_ =	shalt  }
0x82: {  	_ =	shalt  }
0x83: {  	_ =	shalt  }
0x84: {  	_ =	shalt  }
0x85: {  	_ =	shalt  }
0x86: {  	_ =	shalt  }
0x87: {  	_ =	shalt  }
.Lfunc_end0:
.L_simem_size_0:
called_computation.2_lowered:
.L_overlay_start_0:
0x88: {  	s2 =	sld [smem:$0x3FD9]  }
0x89: {  	s3 =	sld [smem:$0x3FFE];
	_ =	sdelay $0x1  }
0x8a: {  	s1 =	srdreg.scid  }
0x8b: {  	s0 =	sand.u32 $0x1, s1  }
0x8c: {  	s17 =	sshll.u32 s0, $0xA;
	s2 =	sadd.s32 s3, s2  }
0x8d: {  	s2 =	sadd.s32 s2, s17  }
0x8e: {  	[smem:$0x3FC0] =	sst s2  }
0x8f: {  	_ = 	snop  }
0x90: {  	s2 =	sld [smem:$0x3FD0];
	(tm) =	ssettm $0x1  }
0x91: {  	s18 =	sld [smem:$0x3FFB];
	_ =	sdelay $0x3  }
0x92: {  	_ =	strace s18  }
0x93: {  	s3 =	sld [smem:$0x3FFC];
	_ =	sdelay $0x3  }
0x94: {  	_ =	strace s3  }
0x95: {  	s3 =	sld [smem:$0x3FFD];
	_ =	sdelay $0x3  }
0x96: {  	_ =	strace s3  }
0x97: {  	_ =	strace $0x8FFFFFFF  }
0x98: {  	s19 =	sld [smem:$0x3FDB];
	_ =	sdelay $0x1  }
0x99: {  	s4 =	simm.s32 $_scs_section_size  }
0x9a: {  	s5 =	simm.s32 $_size__tile_overlayer_lowered;
	s6 =	simm.s32 $_tile_overlayer_lowered  }
0x9b: {  	s22 =	simm.s32 $0x1BFF;
	s21 =	sshll.u32 s6, $0x1;
	s3 =	sadd.s32 s4, s19  }
0x9c: {  	s7 =	simm.s32 $0x0;
	s20 =	sshll.u32 s5, $0x1;
	s5 =	sadd.s32 s21, s3  }
0x9d: {  	[timem:s7], [sflag:s22] =	dma.local [hbm:s5], s20  }
0x9e: {  	_ =	swait.ge [sflag:s22], s20  }
0x9f: {  	s4 =	ssub.s32 $0x0, s20;
	[sflag:s22] =	ssyncset.done $0x0  }
0xa0: {  	[sflag:s22] =	ssyncadd.s32 s4;
	_ =	sdelay $0x1  }
0xa1: {  	s23 =	simm.s32 $0x1B8B  }
0xa2: {  	_ =	swait.ge [sflag:s23], $0x1  }
0xa3: {  	[sflag:s23] =	ssyncset.done $0x0  }
0xa4: {  	s25 =	simm.s32 $0x1B8E;
	s24 =	sld [smem:$0x3FFE];
	[sflag:s23] =	ssyncadd.s32 $0xFFFFFFFF  }
0xa5: {  	s26 =	simm.s32 $execute0_lowered;
	[smem:$0x3FD2] =	sst s25  }
0xa6: {  	s5 =	sshll.u32 s26, $0x1;
	_ =	strace $0x8000004C;
	[dreg:$0x1] =	wrdreg $0xFFFFFFFF  }
0xa7: {  	s28 =	simm.s32 $_size_execute0_lowered;
	s3 =	sadd.s32 s3, s5;
	[dreg:$0x0] =	wrdreg $0x0  }
0xa8: {  	s5 =	sshll.u32 s28, $0x1;
	[dreg:$0x2] =	wrdreg s3  }
0xa9: {  	[dreg:$0x3] =	wrdreg s5  }
0xaa: {  	[dreg:$0x4] =	wrdreg $0xC0  }
0xab: {  	_ =	task [dreg:s7], $0x5FFFF  }
0xac: {  	[dreg:$0x1] =	wrdreg $0xFFFFFFFF  }
0xad: {  	[dreg:$0x0] =	wrdreg $0x60  }
0xae: {  	[dreg:$0x2] =	wrdreg s24  }
0xaf: {  	[dreg:$0x3] =	wrdreg s2  }
0xb0: {  	[dreg:$0x4] =	wrdreg $0x160000  }
0xb1: {  	[dreg:$0x5] =	wrdreg $0x9  }
0xb2: {  	_ =	task.clear_ibuf [dreg:s7], $0x6FFFF;
	_ =	strace $0x9000004C  }
0xb3: {  	s29 =	simm.s32 $0x9;
	_ =	strace $0x8000004E  }
0xb4: {  	_ =	swait.ge [sflag:s29], $0x1  }
0xb5: {  	[sflag:s29] =	ssyncadd.s32 $0xFFFFFFFF  }
0xb6: {  	_ =	strace $0x9000004E  }
0xb7: {  	_ =	sfence  }
0xb8: {  	s30 =	sld [smem:$0x0];
	_ =	sdelay $0x2  }
0xb9: {  	s31 =	sshll.u32 s1, $0xD;
	s1 =	sshrl.u32 s1, $0x2  }
0xba: {  	s3 =	sand.u32 $0x4000, s31;
	s1 =	sadd.s32 s1, s30  }
0xbb: {  	s0 =	sor.u32 s3, s0;
	s1 =	sshll.u32 s1, $0x11  }
0xbc: {  	s0 =	sor.u32 s1, s0  }
0xbd: {  	s0 =	sadd.s32 $0x8F2B, s0  }
0xbe: {  	[sflag:s0] =	ssyncadd.remote.s32 $0x1  }
0xbf: {  	_ =	sfence.sel $0xFFFF  }
0xc0: {  	[dreg:$0x0] =	wrdreg $0xFFFFFFFF;
	(pc) =	sbr.abs _section_cstart, $3  }
0xc1: {  	[dreg:$0x1] =	wrdreg $0xFFFFFFFF  }
0xc2: {  	_ =	task.clear_ibuf [dreg:s7], $0x2FFFF;
	_ =	strace $0x9FFFFFFF  }
0xc3: {  	(tm) =	ssettm $0x7FFFFFFF  }
tec
execute0_lowered:
.L_overlay_start_1:
0x0: {  	(tag) =	ssettag $0x1  }
0x1: {  	s0 =	rddreg [dreg:$0x0];
	s1 =	srdreg.scid  }
0x2: {  	s8 =	stileid.u32;
	s11 =	rddreg [dreg:$0x1]  }
0x3: {  	s2 =	rddreg [dreg:$0x2];
	s3 =	simm.s32 $0x0;
	s14 =	simm.s32 $0x14000  }
0x4: {  	s15 =	simm.s32 $0x3;
	s17 =	simm.s32 $0x80;
	s18 =	simm.s32 $0xA000  }
0x5: {  	s19 =	simm.s32 $0xC000;
	s21 =	simm.s32 $0xE000;
	s9 =	smul.u32 $0x5000, s8  }
0x6: {  	s23 =	simm.s32 $0x10000;
	s24 =	simm.s32 $0x200;
	s5 =	smul.u32 $0xA000, s8  }
0x7: {  	s28 =	simm.s32 $0x2;
	s1 =	sand.u32 $0x1, s1;
	s8 =	smul.u32 $0x28000, s8  }
0x8: {  	s29 =	simm.s32 $0x9D80;
	s30 =	simm.s32 $0x9E00;
	s4 =	smul.u32 $0x50000, s1  }
0x9: {  	s31 =	simm.s32 $0x9E80;
	[smem:$0x7FF] =	sst s3;
	s6 =	smul.u32 $0xA0000, s1  }
0xa: {  	_ =	strace $0x8000004D;
	s1 =	ssub.s32 $0x2, s1;
	s25 =	sshrl.u32 s8, $0x2  }
0xb: {  	s26 =	sshrl.u32 s1, $0x1;
	s13 =	sshrl.u32 s9, $0x3;
	s4 =	sadd.s32 s9, s4  }
0xc: {  	s6 =	sadd.s32 s5, s6;
	s12 =	sadd.s32 s25, s2;
	s1 =	ssub.s32 s1, s26  }
0xd: {  	s5 =	sadd.s32 s5, s2;
	s11 =	sadd.s32 s11, s13;
	s25 =	simm.s32 $0x12000  }
0xe: {  	s26 =	simm.s32 $0x1;
	s7 =	sshrl.u32 s4, $0x3;
	s4 =	sadd.s32 $0x1E2E00, s0  }
0xf: {  	s6 =	sshrl.u32 s6, $0x3;
	s8 =	sadd.s32 $0x6000, s12;
	s9 =	sadd.s32 $0x8000, s12  }
0x10: {  	s13 =	smax.u32 s1, $0x1;
	s1 =	simm.s32 $0x9F00;
	s10 =	sadd.s32 s7, s0  }
0x11: {  	s0 =	sadd.s32 s6, s0;
	s6 =	sadd.s32 $0x2000, s12;
	s7 =	sadd.s32 $0x4000, s12  }
0x12: {  	v0 =	vimm.f32 $0.0e+00;
	s10 =	sadd.s32 $0x8EE00, s10;
	s12 =	sadd.s32 $0x48E00, s0;
	s0 =	simm.s32 $0x9F80  }
.LBB2_1:
0x13: {  	s20 =	simm.s32 $0x100;
	s16 =	simm.s32 $0x0  }
.LBB2_2:
0x14: {  	p0 =	sne.s32 s20, $0x7F00;
	[tilespmem:s16+$0x14030] =	vst v0;
	s22 =	smov.u32 s20;
	s20 =	sadd.s32 $0x100, s20  }
.Ltmp0:
0x15: {  	[tilespmem:s16+$0x14020] =	vst v0;
	(pc) =	sbr.rel @p0 .LBB2_2-.Ltmp0, $3  }
0x16: {  	[tilespmem:s16+$0x14000] =	vst v0  }
0x17: {  	[tilespmem:s16+$0x14010] =	vst v0;
	_ =	sdelay $0x1  }
0x18: {  	s16 =	sshra.s32 s22, $0x2  }
0x19: {  	[tilespmem:s16+$0x14030] =	vst v0  }
0x1a: {  	[tilespmem:s16+$0x14020] =	vst v0  }
0x1b: {  	[tilespmem:s16+$0x14000] =	vst v0  }
0x1c: {  	[tilespmem:s16+$0x14010] =	vst v0  }
0x1d: {  	[spmem:s5] =	stream.linear.scatter [tilespmem:s14], [sflag:$0x3], $0x2000, $0x38;
	v63 =	vld [tilespmem:$0x0]  }
0x1e: {  	_ =	swait.ge [sflag:s15], $0x2000  }
0x1f: {  	[sflag:s15] =	ssyncset.done $0x0  }
0x20: {  	[sflag:s15] =	ssyncadd.s32 $0xFFFFE000  }
0x21: {  	[spmem:s6] =	stream.linear.scatter [tilespmem:s14], [sflag:$0x3], $0x2000, $0x38;
	v63 =	vld [tilespmem:$0x0]  }
0x22: {  	_ =	swait.ge [sflag:s15], $0x2000  }
0x23: {  	[sflag:s15] =	ssyncset.done $0x0  }
0x24: {  	[sflag:s15] =	ssyncadd.s32 $0xFFFFE000  }
0x25: {  	[spmem:s7] =	stream.linear.scatter [tilespmem:s14], [sflag:$0x3], $0x2000, $0x38;
	v63 =	vld [tilespmem:$0x0]  }
0x26: {  	_ =	swait.ge [sflag:s15], $0x2000  }
0x27: {  	[sflag:s15] =	ssyncset.done $0x0  }
0x28: {  	[sflag:s15] =	ssyncadd.s32 $0xFFFFE000  }
0x29: {  	[spmem:s8] =	stream.linear.scatter [tilespmem:s14], [sflag:$0x3], $0x2000, $0x38;
	v63 =	vld [tilespmem:$0x0]  }
0x2a: {  	_ =	swait.ge [sflag:s15], $0x2000  }
0x2b: {  	[sflag:s15] =	ssyncset.done $0x0  }
0x2c: {  	[sflag:s15] =	ssyncadd.s32 $0xFFFFE000  }
0x2d: {  	[spmem:s9] =	stream.linear.scatter [tilespmem:s14], [sflag:$0x3], $0x2000, $0x38;
	v63 =	vld [tilespmem:$0x0]  }
0x2e: {  	_ =	swait.ge [sflag:s15], $0x2000  }
0x2f: {  	[sflag:s15] =	ssyncset.done $0x0  }
0x30: {  	s22 =	simm.s32 $0x0;
	[sflag:s15] =	ssyncadd.s32 $0xFFFFE000  }
0x31: {  	[tilespmem:s22], [sflag:$0x3] =	stream.linear.gather [hbm4b:s10+s22], $0x5000, $0x38;
	v63 =	vld [tilespmem:$0x0]  }
0x32: {  	_ =	swait.ge [sflag:s15], $0x5000  }
0x33: {  	[sflag:s15] =	ssyncset.done $0x0  }
0x34: {  	s20 =	simm.s32 $0x5000;
	[sflag:s15] =	ssyncadd.s32 $0xFFFFB000  }
0x35: {  	[tilespmem:s20], [sflag:$0x3] =	stream.linear.gather [hbm4b:s11+s22], $0x5000, $0x38;
	v63 =	vld [tilespmem:$0x0]  }
0x36: {  	_ =	swait.ge [sflag:s15], $0x5000  }
0x37: {  	[sflag:s15] =	ssyncset.done $0x0  }
0x38: {  	[sflag:s15] =	ssyncadd.s32 $0xFFFFB000  }
0x39: {  	[bflag:$0x0] =	sbarrier.arrive $0xFFFF  }
0x3a: {  	[tilespmem:s18], [sflag:$0x1] =	stream.indirect.gather [hbm4b:s4+s17], $0x40, s22, s17, $0xb8;
	v63 =	vld [tilespmem:$0x0]  }
0x3b: {  	_ = 	snop  }
0x3c: {  	[tilespmem:s19], [sflag:$0x1] =	stream.indirect.gather [hbm4b:s4+s17], $0x40, s17, s17, $0xb8;
	v63 =	vld [tilespmem:$0x0]  }
0x3d: {  	s22 =	simm.s32 $0x100  }
0x3e: {  	[tilespmem:s21], [sflag:$0x1] =	stream.indirect.gather [hbm4b:s4+s17], $0x40, s22, s17, $0xb8;
	v63 =	vld [tilespmem:$0x0]  }
0x3f: {  	s20 =	simm.s32 $0x180  }
0x40: {  	[tilespmem:s23], [sflag:$0x1] =	stream.indirect.gather [hbm4b:s4+s17], $0x40, s20, s17, $0xb8;
	v63 =	vld [tilespmem:$0x0]  }
0x41: {  	_ = 	snop  }
0x42: {  	[tilespmem:s25], [sflag:$0x1] =	stream.indirect.gather [hbm4b:s4+s17], $0x40, s24, s17, $0xb8;
	v63 =	vld [tilespmem:$0x0]  }
0x43: {  	_ =	swait.ge [sflag:s26], $0x2000  }
0x44: {  	[sflag:s26] =	ssyncset.done $0x0  }
0x45: {  	s22 =	simm.s32 $0x5000;
	[sflag:s26] =	ssyncadd.s32 $0xFFFFE000  }
0x46: {  	[spmem:s2] =	stream.indirect.scatter.add.f32 [tilespmem:s18], [sflag:$0x2], $0x40, s22, s17, $0xb8;
	v63 =	vld [tilespmem:$0x0]  }
0x47: {  	_ =	swait.ge [sflag:s26], $0x2000  }
0x48: {  	[sflag:s26] =	ssyncset.done $0x0  }
0x49: {  	s20 =	simm.s32 $0x5080;
	[sflag:s26] =	ssyncadd.s32 $0xFFFFE000  }
0x4a: {  	[spmem:s2] =	stream.indirect.scatter.add.f32 [tilespmem:s19], [sflag:$0x2], $0x40, s20, s17, $0xb8;
	v63 =	vld [tilespmem:$0x0]  }
0x4b: {  	_ =	swait.ge [sflag:s26], $0x2000  }
0x4c: {  	[sflag:s26] =	ssyncset.done $0x0  }
0x4d: {  	s22 =	simm.s32 $0x5100;
	[sflag:s26] =	ssyncadd.s32 $0xFFFFE000  }
0x4e: {  	[spmem:s2] =	stream.indirect.scatter.add.f32 [tilespmem:s21], [sflag:$0x2], $0x40, s22, s17, $0xb8;
	v63 =	vld [tilespmem:$0x0]  }
0x4f: {  	_ =	swait.ge [sflag:s26], $0x2000  }
0x50: {  	[sflag:s26] =	ssyncset.done $0x0  }
0x51: {  	s20 =	simm.s32 $0x5180;
	[sflag:s26] =	ssyncadd.s32 $0xFFFFE000  }
0x52: {  	[spmem:s2] =	stream.indirect.scatter.add.f32 [tilespmem:s23], [sflag:$0x2], $0x40, s20, s17, $0xb8;
	v63 =	vld [tilespmem:$0x0]  }
0x53: {  	_ =	swait.ge [sflag:s26], $0x2000  }
0x54: {  	[sflag:s26] =	ssyncset.done $0x0  }
0x55: {  	s22 =	simm.s32 $0x5200;
	[sflag:s26] =	ssyncadd.s32 $0xFFFFE000  }
0x56: {  	[spmem:s2] =	stream.indirect.scatter.add.f32 [tilespmem:s25], [sflag:$0x2], $0x40, s22, s17, $0xb8;
	v63 =	vld [tilespmem:$0x0]  }
0x57: {  	_ =	swait.ge [sflag:s28], $0x2000  }
0x58: {  	[sflag:s28] =	ssyncset.done $0x0  }
0x59: {  	[sflag:s28] =	ssyncadd.s32 $0xFFFFE000  }
0x5a: {  	_ =	swait.ge [sflag:s28], $0x2000  }
0x5b: {  	[sflag:s28] =	ssyncset.done $0x0  }
0x5c: {  	[sflag:s28] =	ssyncadd.s32 $0xFFFFE000  }
0x5d: {  	_ =	swait.ge [sflag:s28], $0x2000  }
0x5e: {  	[sflag:s28] =	ssyncset.done $0x0  }
0x5f: {  	[sflag:s28] =	ssyncadd.s32 $0xFFFFE000  }
0x60: {  	_ =	swait.ge [sflag:s28], $0x2000  }
0x61: {  	[sflag:s28] =	ssyncset.done $0x0  }
0x62: {  	[sflag:s28] =	ssyncadd.s32 $0xFFFFE000  }
0x63: {  	_ =	swait.ge [sflag:s28], $0x2000  }
0x64: {  	[sflag:s28] =	ssyncset.done $0x0  }
0x65: {  	s20 =	simm.s32 $0x280;
	[sflag:s28] =	ssyncadd.s32 $0xFFFFE000  }
0x66: {  	[tilespmem:s18], [sflag:$0x1] =	stream.indirect.gather [hbm4b:s4+s17], $0x40, s20, s17, $0xb8;
	v63 =	vld [tilespmem:$0x0]  }
0x67: {  	s22 =	simm.s32 $0x300  }
0x68: {  	[tilespmem:s19], [sflag:$0x1] =	stream.indirect.gather [hbm4b:s4+s17], $0x40, s22, s17, $0xb8;
	v63 =	vld [tilespmem:$0x0]  }
0x69: {  	s20 =	simm.s32 $0x380  }
0x6a: {  	[tilespmem:s21], [sflag:$0x1] =	stream.indirect.gather [hbm4b:s4+s17], $0x40, s20, s17, $0xb8;
	v63 =	vld [tilespmem:$0x0]  }
0x6b: {  	s16 =	simm.s32 $0xA00;
	s22 =	simm.s32 $0x400;
	s20 =	simm.s32 $0x480  }
0x6c: {  	[tilespmem:s23], [sflag:$0x1] =	stream.indirect.gather [hbm4b:s4+s17], $0x40, s22, s17, $0xb8;
	v63 =	vld [tilespmem:$0x0]  }
.LBB2_4:
0x6d: {  	[tilespmem:s25], [sflag:$0x1] =	stream.indirect.gather [hbm4b:s4+s17], $0x40, s20, s17, $0xb8;
	v63 =	vld [tilespmem:$0x0]  }
0x6e: {  	s20 =	smov.u32 s16  }
0x6f: {  	p0 =	sne.s32 s16, $0x12C00;
	s16 =	sadd.s32 $0xA00, s16;
	_ =	swait.ge [sflag:s26], $0x2000  }
0x70: {  	s20 =	sshra.s32 s20, $0x2;
	[sflag:s26] =	ssyncset.done $0x0  }
0x71: {  	s22 =	sadd.s32 $0x5000, s20;
	[sflag:s26] =	ssyncadd.s32 $0xFFFFE000  }
0x72: {  	[spmem:s2] =	stream.indirect.scatter.add.f32 [tilespmem:s18], [sflag:$0x2], $0x40, s22, s17, $0xb8;
	v63 =	vld [tilespmem:$0x0]  }
0x73: {  	_ =	swait.ge [sflag:s26], $0x2000  }
0x74: {  	[sflag:s26] =	ssyncset.done $0x0  }
0x75: {  	s22 =	sadd.s32 $0x5080, s20;
	[sflag:s26] =	ssyncadd.s32 $0xFFFFE000  }
0x76: {  	[spmem:s2] =	stream.indirect.scatter.add.f32 [tilespmem:s19], [sflag:$0x2], $0x40, s22, s17, $0xb8;
	v63 =	vld [tilespmem:$0x0]  }
0x77: {  	_ =	swait.ge [sflag:s26], $0x2000  }
0x78: {  	[sflag:s26] =	ssyncset.done $0x0  }
0x79: {  	s22 =	sadd.s32 $0x5100, s20;
	[sflag:s26] =	ssyncadd.s32 $0xFFFFE000  }
0x7a: {  	[spmem:s2] =	stream.indirect.scatter.add.f32 [tilespmem:s21], [sflag:$0x2], $0x40, s22, s17, $0xb8;
	v63 =	vld [tilespmem:$0x0]  }
0x7b: {  	_ =	swait.ge [sflag:s26], $0x2000  }
0x7c: {  	[sflag:s26] =	ssyncset.done $0x0  }
0x7d: {  	s22 =	sadd.s32 $0x5180, s20;
	[sflag:s26] =	ssyncadd.s32 $0xFFFFE000  }
0x7e: {  	[spmem:s2] =	stream.indirect.scatter.add.f32 [tilespmem:s23], [sflag:$0x2], $0x40, s22, s17, $0xb8;
	v63 =	vld [tilespmem:$0x0]  }
0x7f: {  	_ =	swait.ge [sflag:s26], $0x2000  }
0x80: {  	[sflag:s26] =	ssyncset.done $0x0  }
0x81: {  	s22 =	sadd.s32 $0x5200, s20;
	[sflag:s26] =	ssyncadd.s32 $0xFFFFE000  }
0x82: {  	[spmem:s2] =	stream.indirect.scatter.add.f32 [tilespmem:s25], [sflag:$0x2], $0x40, s22, s17, $0xb8;
	v63 =	vld [tilespmem:$0x0]  }
0x83: {  	_ =	swait.ge [sflag:s28], $0x2000  }
0x84: {  	[sflag:s28] =	ssyncset.done $0x0  }
0x85: {  	[sflag:s28] =	ssyncadd.s32 $0xFFFFE000  }
0x86: {  	_ =	swait.ge [sflag:s28], $0x2000  }
0x87: {  	[sflag:s28] =	ssyncset.done $0x0  }
0x88: {  	[sflag:s28] =	ssyncadd.s32 $0xFFFFE000  }
0x89: {  	_ =	swait.ge [sflag:s28], $0x2000  }
0x8a: {  	[sflag:s28] =	ssyncset.done $0x0  }
0x8b: {  	[sflag:s28] =	ssyncadd.s32 $0xFFFFE000  }
0x8c: {  	_ =	swait.ge [sflag:s28], $0x2000  }
0x8d: {  	[sflag:s28] =	ssyncset.done $0x0  }
0x8e: {  	[sflag:s28] =	ssyncadd.s32 $0xFFFFE000  }
0x8f: {  	_ =	swait.ge [sflag:s28], $0x2000  }
0x90: {  	[sflag:s28] =	ssyncset.done $0x0  }
0x91: {  	s22 =	sadd.s32 $0x280, s20;
	[sflag:s28] =	ssyncadd.s32 $0xFFFFE000  }
0x92: {  	[tilespmem:s18], [sflag:$0x1] =	stream.indirect.gather [hbm4b:s4+s17], $0x40, s22, s17, $0xb8;
	v63 =	vld [tilespmem:$0x0]  }
0x93: {  	s22 =	sadd.s32 $0x300, s20  }
0x94: {  	[tilespmem:s19], [sflag:$0x1] =	stream.indirect.gather [hbm4b:s4+s17], $0x40, s22, s17, $0xb8;
	v63 =	vld [tilespmem:$0x0]  }
.Ltmp1:
0x95: {  	s22 =	sadd.s32 $0x380, s20;
	(pc) =	sbr.rel @p0 .LBB2_4-.Ltmp1, $4  }
0x96: {  	[tilespmem:s21], [sflag:$0x1] =	stream.indirect.gather [hbm4b:s4+s17], $0x40, s22, s17, $0xb8;
	v63 =	vld [tilespmem:$0x0]  }
0x97: {  	s22 =	sadd.s32 $0x400, s20  }
0x98: {  	[tilespmem:s23], [sflag:$0x1] =	stream.indirect.gather [hbm4b:s4+s17], $0x40, s22, s17, $0xb8;
	v63 =	vld [tilespmem:$0x0]  }
0x99: {  	s20 =	sadd.s32 $0x480, s20  }
0x9a: {  	[tilespmem:s25], [sflag:$0x1] =	stream.indirect.gather [hbm4b:s4+s17], $0x40, s20, s17, $0xb8;
	v63 =	vld [tilespmem:$0x0]  }
0x9b: {  	_ =	swait.ge [sflag:s26], $0x2000  }
0x9c: {  	[sflag:s26] =	ssyncset.done $0x0  }
0x9d: {  	[sflag:s26] =	ssyncadd.s32 $0xFFFFE000  }
0x9e: {  	[spmem:s2] =	stream.indirect.scatter.add.f32 [tilespmem:s18], [sflag:$0x2], $0x40, s29, s17, $0xb8;
	v63 =	vld [tilespmem:$0x0]  }
0x9f: {  	_ =	swait.ge [sflag:s26], $0x2000  }
0xa0: {  	[sflag:s26] =	ssyncset.done $0x0  }
0xa1: {  	[sflag:s26] =	ssyncadd.s32 $0xFFFFE000  }
0xa2: {  	[spmem:s2] =	stream.indirect.scatter.add.f32 [tilespmem:s19], [sflag:$0x2], $0x40, s30, s17, $0xb8;
	v63 =	vld [tilespmem:$0x0]  }
0xa3: {  	_ =	swait.ge [sflag:s26], $0x2000  }
0xa4: {  	[sflag:s26] =	ssyncset.done $0x0  }
0xa5: {  	[sflag:s26] =	ssyncadd.s32 $0xFFFFE000  }
0xa6: {  	[spmem:s2] =	stream.indirect.scatter.add.f32 [tilespmem:s21], [sflag:$0x2], $0x40, s31, s17, $0xb8;
	v63 =	vld [tilespmem:$0x0]  }
0xa7: {  	_ =	swait.ge [sflag:s26], $0x2000  }
0xa8: {  	[sflag:s26] =	ssyncset.done $0x0  }
0xa9: {  	[sflag:s26] =	ssyncadd.s32 $0xFFFFE000  }
0xaa: {  	[spmem:s2] =	stream.indirect.scatter.add.f32 [tilespmem:s23], [sflag:$0x2], $0x40, s1, s17, $0xb8;
	v63 =	vld [tilespmem:$0x0]  }
0xab: {  	_ =	swait.ge [sflag:s26], $0x2000  }
0xac: {  	[sflag:s26] =	ssyncset.done $0x0  }
0xad: {  	[sflag:s26] =	ssyncadd.s32 $0xFFFFE000  }
0xae: {  	[spmem:s2] =	stream.indirect.scatter.add.f32 [tilespmem:s25], [sflag:$0x2], $0x40, s0, s17, $0xb8;
	v63 =	vld [tilespmem:$0x0]  }
0xaf: {  	_ =	swait.ge [sflag:s28], $0x2000  }
0xb0: {  	[sflag:s28] =	ssyncset.done $0x0  }
0xb1: {  	[sflag:s28] =	ssyncadd.s32 $0xFFFFE000  }
0xb2: {  	_ =	swait.ge [sflag:s28], $0x2000  }
0xb3: {  	[sflag:s28] =	ssyncset.done $0x0  }
0xb4: {  	[sflag:s28] =	ssyncadd.s32 $0xFFFFE000  }
0xb5: {  	_ =	swait.ge [sflag:s28], $0x2000  }
0xb6: {  	[sflag:s28] =	ssyncset.done $0x0  }
0xb7: {  	[sflag:s28] =	ssyncadd.s32 $0xFFFFE000  }
0xb8: {  	_ =	swait.ge [sflag:s28], $0x2000  }
0xb9: {  	[sflag:s28] =	ssyncset.done $0x0  }
0xba: {  	[sflag:s28] =	ssyncadd.s32 $0xFFFFE000  }
0xbb: {  	s16 =	stileid.u32;
	_ =	swait.ge [sflag:s28], $0x2000  }
0xbc: {  	s22 =	sshrl.u32 s5, $0x3;
	s3 =	sadd.s32 $0x1, s3;
	[sflag:s28] =	ssyncset.done $0x0  }
0xbd: {  	s16 =	sshll.u32 s16, $0x6;
	p0 =	sne.s32 s3, s13;
	[sflag:s28] =	ssyncadd.s32 $0xFFFFE000  }
.Ltmp2:
0xbe: {  	s16 =	sor.u32 $0x1C03, s16;
	[bflag:$0x0] =	sbarrier.arrive $0xFFFF;
	(pc) =	sbr.rel @p0 .LBB2_1-.Ltmp2, $4  }
0xbf: {  	[hbm:s12], [sflag:s16] =	dma.local [spmem:s22], $0x1400  }
0xc0: {  	_ =	swait.ge [sflag:s15], $0x1400  }
0xc1: {  	[sflag:s15] =	ssyncset.done $0x0  }
0xc2: {  	[sflag:s15] =	ssyncadd.s32 $0xFFFFEC00  }
0xc3: {  	_ =	sfence.sel $0x180000  }
0xc4: {  	[bflag:$0x0] =	sbarrier.arrive $0xFFFF  }
0xc5: {  	_ =	strace $0x9000004D  }
0xc6: {  	s0 =	stileid.u32;
	[bflag:$0x2] =	sbarrier.arrive $0xFFFF  }
0xc7: {  	p0 =	sne.s32 s0, $0x0;
	s0 =	rddreg [dreg:$0x3]  }
0xc8: {  	s0 =	sadd.s32 @!p0 $0x100000, s0  }
0xc9: {  	[sflag:s0] =	ssyncadd.tile.s32 @!p0 $0x1;
	_ =	shalt  }
.Lfunc_end2:
_tile_overlayer_lowered:
.L_overlay_start_2:
0xca: {  	(tag) =	ssettag $0x2  }
0xcb: {  	s0 =	rddreg [dreg:$0x0];
	s2 =	stileid.u32  }
0xcc: {  	s1 =	rddreg [dreg:$0x1];
	p0 =	sne.s32 s2, $0x0  }
0xcd: {  	s3 =	rddreg [dreg:$0x2];
	[bflag:$0x3] =	sbarrier.arrive $0xFFFF;
	s2 =	simm.s32 @!p0 $0x1C03  }
0xce: {  	[timem:s3], [sflag:s2] =	dma.local @!p0 [hbm:s0], s1  }
0xcf: {  	s0 =	simm.s32 @!p0 $0x3  }
0xd0: {  	_ =	swait.ge @!p0 [sflag:s0], s1  }
0xd1: {  	s1 =	ssub.s32 @!p0 $0x0, s1;
	[sflag:s0] =	ssyncset.done @!p0 $0x0  }
0xd2: {  	[sflag:s0] =	ssyncadd.s32 @!p0 s1  }
0xd3: {  	[bflag:$0x3] =	sbarrier.arrive $0xFFFF  }
0xd4: {  	_ =	shalt  }

// kernel: kernel.21.cloned.1.call-start
scs
__scs_entry_jumppad:
0x0: {  	(pc) =	sbr.rel $0x88, $3  }
0x1: {  	(tag) =	ssettag $0x0;
	lr =	simm.s32 $0x1  }
0x2: {  	[smem:$0x3F99] =	sst lr;
	_ =	strace $0xD0000000  }
0x3: {  	_ = 	snop  }
0x4: {  	_ = 	snop  }
0x5: {  	_ = 	snop  }
0x6: {  	_ = 	snop  }
0x7: {  	_ = 	snop  }
__scs_overlays_trampoline_lowered:
0x8: {  	[smem:$0x3FA8] =	sst s0  }
0x9: {  	[smem:$0x3FA9] =	sst s1  }
0xa: {  	[smem:$0x3FAA] =	sst s2  }
0xb: {  	[smem:$0x3FAB] =	sst s3  }
0xc: {  	[smem:$0x3FAC] =	sst s4  }
0xd: {  	[smem:$0x3FAD] =	sst s5  }
0xe: {  	[smem:$0x3FAE] =	sst s6  }
0xf: {  	[smem:$0x3FAF] =	sst s7  }
0x10: {  	[smem:$0x3FB0] =	sst s8  }
0x11: {  	[smem:$0x3FB1] =	sst s9;
	s0 =	simm.s32 @!p0 $0x0  }
0x12: {  	s1 =	sld [smem:$0x3F97];
	s0 =	simm.s32 @p0 $0x1  }
0x13: {  	[smem:$0x3FB2] =	sst s0;
	s0 =	simm.s32 @!p1 $0x0  }
0x14: {  	s2 =	sld [smem:$0x3F96];
	s0 =	simm.s32 @p1 $0x1  }
0x15: {  	[smem:$0x3FB3] =	sst s0;
	s0 =	simm.s32 @!p2 $0x0  }
0x16: {  	s3 =	sld [smem:$0x3FDB];
	s0 =	simm.s32 @p2 $0x1  }
0x17: {  	s4 =	simm.s32 $0x1BF5;
	[smem:$0x3FB5] =	sst s0  }
0x18: {  	s0 =	sld [smem:$0x3F98];
	_ =	swait.ge [sflag:s4], $0x0  }
0x19: {  	s7 =	sld [smem:$0x3F99]  }
0x1a: {  	s8 =	sadd.s32 $0xFFFFE003, lr  }
0x1b: {  	s9 =	sadd.s32 $0xFFFFFEF7, lr;
	s5 =	simm.s32 $0xFFFFFFFF;
	p2 =	slt.u32 s8, $0xFFFFF086  }
0x1c: {  	p1 =	slt.u32 s9, $0xF7A;
	s5 =	simm.s32 @!p2 $0x0  }
0x1d: {  	s5 =	simm.s32 @p1 $0x1;
	p0 =	seq.s32 s7, s2  }
0x1e: {  	s7 =	smul.u32 @!p0 $0xF7A, s2;
	p2 =	seq.s32 @!p0 s5, $0x0  }
0x1f: {  	s9 =	smul.u32 $0xF7A, s1;
	s8 =	simm.s32 @!p0 $0x1BF5;
	p2 =	por !p2, p0  }
0x20: {  	[sflag:s8] =	ssyncset.s32 @!p0 $0xFFFFF086;
	s6 =	sadd.s32 @!p0 s3, s7;
	s7 =	simm.s32 @!p0 $0x108  }
0x21: {  	s3 =	sadd.s32 s3, s9;
	s6 =	sadd.s32 @!p0 $0x88, s6;
	s7 =	simm.s32 @p2 $0x1082  }
0x22: {  	[simem:s7], [sflag:s8] =	dma.local @!p0 [hbm:s6], $0xF7A  }
0x23: {  	s9 =	sor.u32 $0xD0000000, s2;
	s6 =	simm.s32 $0x108;
	_ =	swait.ge @!p0 [sflag:s8], $0x0  }
0x24: {  	s3 =	sadd.s32 $0x88, s3;
	s6 =	simm.s32 @!p1 $0x1082;
	[sflag:s4] =	ssyncset.s32 $0xFFFFF086  }
0x25: {  	[simem:s6], [sflag:s4] =	dma.local [hbm:s3], $0xF7A  }
0x26: {  	[smem:$0x3F99] =	sst s1;
	(tag) =	ssettag s2;
	_ =	strace s9  }
0x27: {  	s1 =	sld [smem:$0x3FA9]  }
0x28: {  	s2 =	sld [smem:$0x3FAA]  }
0x29: {  	s4 =	sld [smem:$0x3FAC]  }
0x2a: {  	p0 =	seq.s32 s5, $0x0;
	s5 =	sld [smem:$0x3FAD]  }
0x2b: {  	s6 =	sld [smem:$0x3FAE]  }
0x2c: {  	s7 =	sld [smem:$0x3FAF]  }
0x2d: {  	s3 =	simm.s32 $0x108;
	s8 =	sld [smem:$0x3FB0]  }
0x2e: {  	s3 =	simm.s32 @!p0 $0x1082;
	s9 =	sld [smem:$0x3FB1]  }
0x2f: {  	lr =	sadd.s32 s0, s3;
	s0 =	sld [smem:$0x3FA8]  }
0x30: {  	s3 =	sld [smem:$0x3FAB]  }
0x31: {  	[smem:$0x3FB4] =	sst s10  }
0x32: {  	s10 =	sld [smem:$0x3FB2];
	_ =	sdelay $0x3  }
0x33: {  	p0 =	seq.s32 s10, $0x1;
	s10 =	sld [smem:$0x3FB4];
	_ =	sdelay $0x3  }
0x34: {  	[smem:$0x3FB4] =	sst s10  }
0x35: {  	s10 =	sld [smem:$0x3FB3];
	_ =	sdelay $0x3  }
0x36: {  	p1 =	seq.s32 s10, $0x1;
	s10 =	sld [smem:$0x3FB4];
	_ =	sdelay $0x3  }
0x37: {  	[smem:$0x3FB4] =	sst s10  }
0x38: {  	s10 =	sld [smem:$0x3FB5]  }
0x39: {  	_ = 	snop;
	(pc) =	sbr.ind lr, $3  }
0x3a: {  	_ = 	snop  }
0x3b: {  	_ = 	snop  }
0x3c: {  	p2 =	seq.s32 s10, $0x1;
	s10 =	sld [smem:$0x3FB4]  }
0x3d: {  	_ =	shalt  }
0x3e: {  	_ =	shalt  }
0x3f: {  	_ =	shalt  }
0x40: {  	_ =	shalt  }
0x41: {  	_ =	shalt  }
0x42: {  	_ =	shalt  }
0x43: {  	_ =	shalt  }
0x44: {  	_ =	shalt  }
0x45: {  	_ =	shalt  }
0x46: {  	_ =	shalt  }
0x47: {  	_ =	shalt  }
0x48: {  	_ =	shalt  }
0x49: {  	_ =	shalt  }
0x4a: {  	_ =	shalt  }
0x4b: {  	_ =	shalt  }
0x4c: {  	_ =	shalt  }
0x4d: {  	_ =	shalt  }
0x4e: {  	_ =	shalt  }
0x4f: {  	_ =	shalt  }
0x50: {  	_ =	shalt  }
0x51: {  	_ =	shalt  }
0x52: {  	_ =	shalt  }
0x53: {  	_ =	shalt  }
0x54: {  	_ =	shalt  }
0x55: {  	_ =	shalt  }
0x56: {  	_ =	shalt  }
0x57: {  	_ =	shalt  }
0x58: {  	_ =	shalt  }
0x59: {  	_ =	shalt  }
0x5a: {  	_ =	shalt  }
0x5b: {  	_ =	shalt  }
0x5c: {  	_ =	shalt  }
0x5d: {  	_ =	shalt  }
0x5e: {  	_ =	shalt  }
0x5f: {  	_ =	shalt  }
0x60: {  	_ =	shalt  }
0x61: {  	_ =	shalt  }
0x62: {  	_ =	shalt  }
0x63: {  	_ =	shalt  }
0x64: {  	_ =	shalt  }
0x65: {  	_ =	shalt  }
0x66: {  	_ =	shalt  }
0x67: {  	_ =	shalt  }
0x68: {  	_ =	shalt  }
0x69: {  	_ =	shalt  }
0x6a: {  	_ =	shalt  }
0x6b: {  	_ =	shalt  }
0x6c: {  	_ =	shalt  }
0x6d: {  	_ =	shalt  }
0x6e: {  	_ =	shalt  }
0x6f: {  	_ =	shalt  }
0x70: {  	_ =	shalt  }
0x71: {  	_ =	shalt  }
0x72: {  	_ =	shalt  }
0x73: {  	_ =	shalt  }
0x74: {  	_ =	shalt  }
0x75: {  	_ =	shalt  }
0x76: {  	_ =	shalt  }
0x77: {  	_ =	shalt  }
0x78: {  	_ =	shalt  }
0x79: {  	_ =	shalt  }
0x7a: {  	_ =	shalt  }
0x7b: {  	_ =	shalt  }
0x7c: {  	_ =	shalt  }
0x7d: {  	_ =	shalt  }
0x7e: {  	_ =	shalt  }
0x7f: {  	_ =	shalt  }
0x80: {  	_ =	shalt  }
0x81: {  	_ =	shalt  }
0x82: {  	_ =	shalt  }
0x83: {  	_ =	shalt  }
0x84: {  	_ =	shalt  }
0x85: {  	_ =	shalt  }
0x86: {  	_ =	shalt  }
0x87: {  	_ =	shalt  }
.Lfunc_end0:
.L_simem_size_0:
called_computation.3_lowered:
.L_overlay_start_0:
0x88: {  	s2 =	sld [smem:$0x3FD9]  }
0x89: {  	s3 =	sld [smem:$0x3FFE];
	_ =	sdelay $0x1  }
0x8a: {  	s1 =	srdreg.scid  }
0x8b: {  	s0 =	sand.u32 $0x1, s1  }
0x8c: {  	s16 =	sshll.u32 s0, $0xA;
	s2 =	sadd.s32 s3, s2  }
0x8d: {  	s2 =	sadd.s32 s2, s16  }
0x8e: {  	[smem:$0x3FC0] =	sst s2  }
0x8f: {  	_ = 	snop  }
0x90: {  	(tm) =	ssettm $0x1  }
0x91: {  	s17 =	sld [smem:$0x3FFB];
	_ =	sdelay $0x3  }
0x92: {  	_ =	strace s17  }
0x93: {  	s2 =	sld [smem:$0x3FFC];
	_ =	sdelay $0x3  }
0x94: {  	_ =	strace s2  }
0x95: {  	s2 =	sld [smem:$0x3FFD];
	_ =	sdelay $0x3  }
0x96: {  	_ =	strace s2  }
0x97: {  	_ =	strace $0x8FFFFFFF  }
0x98: {  	s18 =	sld [smem:$0x3FDB];
	_ =	sdelay $0x1  }
0x99: {  	s19 =	simm.s32 $_scs_section_size  }
0x9a: {  	s4 =	simm.s32 $_size__tile_overlayer_lowered;
	s5 =	simm.s32 $_tile_overlayer_lowered  }
0x9b: {  	s22 =	simm.s32 $0x1BFF;
	s21 =	sshll.u32 s5, $0x1;
	s2 =	sadd.s32 s19, s18  }
0x9c: {  	s6 =	simm.s32 $0x0;
	s20 =	sshll.u32 s4, $0x1;
	s4 =	sadd.s32 s21, s2  }
0x9d: {  	[timem:s6], [sflag:s22] =	dma.local [hbm:s4], s20  }
0x9e: {  	_ =	swait.ge [sflag:s22], s20  }
0x9f: {  	s3 =	ssub.s32 $0x0, s20;
	[sflag:s22] =	ssyncset.done $0x0  }
0xa0: {  	[sflag:s22] =	ssyncadd.s32 s3;
	_ =	sdelay $0x1  }
0xa1: {  	s23 =	simm.s32 $0x1B8B  }
0xa2: {  	_ =	swait.ge [sflag:s23], $0x1  }
0xa3: {  	[sflag:s23] =	ssyncset.done $0x0  }
0xa4: {  	s25 =	simm.s32 $0x1B8E;
	s24 =	sld [smem:$0x3FFE];
	[sflag:s23] =	ssyncadd.s32 $0xFFFFFFFF  }
0xa5: {  	s26 =	simm.s32 $execute0_lowered;
	[smem:$0x3FD2] =	sst s25  }
0xa6: {  	s4 =	sshll.u32 s26, $0x1;
	_ =	strace $0x8000004F;
	[dreg:$0x1] =	wrdreg $0xFFFFFFFF  }
0xa7: {  	s28 =	simm.s32 $_size_execute0_lowered;
	s2 =	sadd.s32 s2, s4;
	[dreg:$0x0] =	wrdreg $0x0  }
0xa8: {  	s4 =	sshll.u32 s28, $0x1;
	[dreg:$0x2] =	wrdreg s2  }
0xa9: {  	[dreg:$0x3] =	wrdreg s4  }
0xaa: {  	[dreg:$0x4] =	wrdreg $0xC0  }
0xab: {  	_ =	task [dreg:s6], $0x5FFFF  }
0xac: {  	[dreg:$0x1] =	wrdreg $0xFFFFFFFF  }
0xad: {  	[dreg:$0x0] =	wrdreg $0x60  }
0xae: {  	[dreg:$0x2] =	wrdreg s24  }
0xaf: {  	[dreg:$0x3] =	wrdreg $0xE0000  }
0xb0: {  	[dreg:$0x4] =	wrdreg $0x9  }
0xb1: {  	_ =	task.clear_ibuf [dreg:s6], $0x5FFFF;
	_ =	strace $0x9000004F  }
0xb2: {  	s29 =	simm.s32 $0x9;
	_ =	strace $0x80000051  }
0xb3: {  	_ =	swait.ge [sflag:s29], $0x1  }
0xb4: {  	[sflag:s29] =	ssyncadd.s32 $0xFFFFFFFF  }
0xb5: {  	_ =	strace $0x90000051  }
0xb6: {  	_ =	sfence  }
0xb7: {  	s30 =	sld [smem:$0x0];
	_ =	sdelay $0x2  }
0xb8: {  	s31 =	sshll.u32 s1, $0xD;
	s1 =	sshrl.u32 s1, $0x2  }
0xb9: {  	s3 =	sand.u32 $0x4000, s31;
	s1 =	sadd.s32 s1, s30  }
0xba: {  	s0 =	sor.u32 s3, s0;
	s1 =	sshll.u32 s1, $0x11  }
0xbb: {  	s0 =	sor.u32 s1, s0  }
0xbc: {  	s0 =	sadd.s32 $0x8F2B, s0  }
0xbd: {  	[sflag:s0] =	ssyncadd.remote.s32 $0x1  }
0xbe: {  	_ =	sfence.sel $0xFFFF  }
0xbf: {  	[dreg:$0x0] =	wrdreg $0xFFFFFFFF;
	(pc) =	sbr.abs _section_cstart, $3  }
0xc0: {  	[dreg:$0x1] =	wrdreg $0xFFFFFFFF  }
0xc1: {  	_ =	task.clear_ibuf [dreg:s6], $0x2FFFF;
	_ =	strace $0x9FFFFFFF  }
0xc2: {  	(tm) =	ssettm $0x7FFFFFFF  }
0xc3: {  	_ =	shalt  }
tec
execute0_lowered:
.L_overlay_start_1:
0x0: {  	(tag) =	ssettag $0x1  }
0x1: {  	s0 =	rddreg [dreg:$0x0]  }
0x2: {  	s2 =	rddreg [dreg:$0x1];
	s3 =	simm.s32 $0x0;
	s1 =	srdreg.scid  }
0x3: {  	s8 =	stileid.u32;
	s14 =	simm.s32 $0xC800;
	s15 =	simm.s32 $0x3  }
0x4: {  	s17 =	simm.s32 $0x80;
	s18 =	simm.s32 $0x5000;
	s19 =	simm.s32 $0x6800  }
0x5: {  	s21 =	simm.s32 $0x8000;
	s23 =	simm.s32 $0x9800;
	s24 =	simm.s32 $0x200  }
0x6: {  	s28 =	simm.s32 $0x2;
	s29 =	simm.s32 $0x4D80;
	s30 =	simm.s32 $0x4E00  }
0x7: {  	s31 =	simm.s32 $0x4E80;
	s16 =	simm.s32 $0x4F80;
	s5 =	smul.u32 $0x7800, s8  }
0x8: {  	s1 =	sand.u32 $0x1, s1;
	s4 =	sshll.u32 s8, $0x1;
	s8 =	smul.u32 $0x1E000, s8  }
0x9: {  	[smem:$0x7FF] =	sst s3;
	s4 =	sor.u32 s1, s4;
	s6 =	smul.u32 $0x78000, s1  }
0xa: {  	_ =	strace $0x80000050;
	s1 =	ssub.s32 $0x2, s1;
	s7 =	smul.u32 $0x500, s4  }
0xb: {  	s4 =	sadd.s32 $0x48E00, s0;
	s25 =	sshrl.u32 s1, $0x1;
	s26 =	sshrl.u32 s8, $0x2  }
0xc: {  	s6 =	sadd.s32 s5, s6;
	s1 =	ssub.s32 s1, s25;
	s5 =	sadd.s32 s5, s2  }
0xd: {  	s9 =	sadd.s32 s26, s2;
	s25 =	simm.s32 $0xB000;
	s26 =	simm.s32 $0x1  }
0xe: {  	s11 =	sadd.s32 s7, s0;
	s6 =	sshrl.u32 s6, $0x3;
	s7 =	sadd.s32 $0x3000, s9  }
0xf: {  	s8 =	sadd.s32 $0x4800, s9;
	s13 =	smax.u32 s1, $0x1;
	s0 =	sadd.s32 s6, s0  }
0x10: {  	s6 =	sadd.s32 $0x1800, s9;
	s9 =	sadd.s32 $0x6000, s9;
	s10 =	sadd.s32 $0x3EE00, s11  }
0x11: {  	v0 =	vimm.f32 $0.0e+00;
	s11 =	sadd.s32 $0x34E00, s11;
	s12 =	sadd.s32 $0x57A00, s0;
	s0 =	simm.s32 $0x4F00  }
.LBB2_1:
0x12: {  	s1 =	simm.s32 $0xC0;
	s20 =	simm.s32 $0x0  }
.LBB2_2:
0x13: {  	p0 =	sne.s32 s1, $0x5F40;
	[tilespmem:s20+$0xC820] =	vst v0;
	s22 =	smov.u32 s1;
	s1 =	sadd.s32 $0xC0, s1  }
.Ltmp0:
0x14: {  	[tilespmem:s20+$0xC800] =	vst v0;
	(pc) =	sbr.rel @p0 .LBB2_2-.Ltmp0, $2  }
0x15: {  	[tilespmem:s20+$0xC810] =	vst v0;
	_ =	sdelay $0x2  }
0x16: {  	s20 =	sshra.s32 s22, $0x2  }
0x17: {  	[tilespmem:s20+$0xC820] =	vst v0  }
0x18: {  	[tilespmem:s20+$0xC800] =	vst v0  }
0x19: {  	[tilespmem:s20+$0xC810] =	vst v0  }
0x1a: {  	[spmem:s5] =	stream.linear.scatter [tilespmem:s14], [sflag:$0x3], $0x1800, $0x38;
	[tilespmem:$0x15800] =	vst v63  }
0x1b: {  	_ =	swait.ge [sflag:s15], $0x1800  }
0x1c: {  	[sflag:s15] =	ssyncset.done $0x0  }
0x1d: {  	[sflag:s15] =	ssyncadd.s32 $0xFFFFE800  }
0x1e: {  	[spmem:s6] =	stream.linear.scatter [tilespmem:s14], [sflag:$0x3], $0x1800, $0x38;
	[tilespmem:$0x15800] =	vst v63  }
0x1f: {  	_ =	swait.ge [sflag:s15], $0x1800  }
0x20: {  	[sflag:s15] =	ssyncset.done $0x0  }
0x21: {  	[sflag:s15] =	ssyncadd.s32 $0xFFFFE800  }
0x22: {  	[spmem:s7] =	stream.linear.scatter [tilespmem:s14], [sflag:$0x3], $0x1800, $0x38;
	[tilespmem:$0x15800] =	vst v63  }
0x23: {  	_ =	swait.ge [sflag:s15], $0x1800  }
0x24: {  	[sflag:s15] =	ssyncset.done $0x0  }
0x25: {  	[sflag:s15] =	ssyncadd.s32 $0xFFFFE800  }
0x26: {  	[spmem:s8] =	stream.linear.scatter [tilespmem:s14], [sflag:$0x3], $0x1800, $0x38;
	[tilespmem:$0x15800] =	vst v63  }
0x27: {  	_ =	swait.ge [sflag:s15], $0x1800  }
0x28: {  	[sflag:s15] =	ssyncset.done $0x0  }
0x29: {  	[sflag:s15] =	ssyncadd.s32 $0xFFFFE800  }
0x2a: {  	[spmem:s9] =	stream.linear.scatter [tilespmem:s14], [sflag:$0x3], $0x1800, $0x38;
	[tilespmem:$0x15800] =	vst v63  }
0x2b: {  	_ =	swait.ge [sflag:s15], $0x1800  }
0x2c: {  	[sflag:s15] =	ssyncset.done $0x0  }
0x2d: {  	s1 =	simm.s32 $0x0;
	[sflag:s15] =	ssyncadd.s32 $0xFFFFE800  }
0x2e: {  	[tilespmem:s1], [sflag:$0x3] =	stream.linear.gather [hbm4b:s10+s1], $0x2800, $0x38;
	[tilespmem:$0x15800] =	vst v63  }
0x2f: {  	_ =	swait.ge [sflag:s15], $0x2800  }
0x30: {  	[sflag:s15] =	ssyncset.done $0x0  }
0x31: {  	s22 =	simm.s32 $0x2800;
	[sflag:s15] =	ssyncadd.s32 $0xFFFFD800  }
0x32: {  	[tilespmem:s22], [sflag:$0x3] =	stream.linear.gather [hbm4b:s11+s1], $0x2800, $0x38;
	[tilespmem:$0x15800] =	vst v63  }
0x33: {  	_ =	swait.ge [sflag:s15], $0x2800  }
0x34: {  	[sflag:s15] =	ssyncset.done $0x0  }
0x35: {  	[sflag:s15] =	ssyncadd.s32 $0xFFFFD800  }
0x36: {  	[bflag:$0x0] =	sbarrier.arrive $0xFFFF  }
0x37: {  	[tilespmem:s18], [sflag:$0x1] =	stream.indirect.gather [hbm4b:s4+s17], $0x30, s1, s17, $0xb8;
	[tilespmem:$0x15800] =	vst v63  }
0x38: {  	_ = 	snop  }
0x39: {  	[tilespmem:s19], [sflag:$0x1] =	stream.indirect.gather [hbm4b:s4+s17], $0x30, s17, s17, $0xb8;
	[tilespmem:$0x15800] =	vst v63  }
0x3a: {  	s22 =	simm.s32 $0x100  }
0x3b: {  	[tilespmem:s21], [sflag:$0x1] =	stream.indirect.gather [hbm4b:s4+s17], $0x30, s22, s17, $0xb8;
	[tilespmem:$0x15800] =	vst v63  }
0x3c: {  	s20 =	simm.s32 $0x180  }
0x3d: {  	[tilespmem:s23], [sflag:$0x1] =	stream.indirect.gather [hbm4b:s4+s17], $0x30, s20, s17, $0xb8;
	[tilespmem:$0x15800] =	vst v63  }
0x3e: {  	_ = 	snop  }
0x3f: {  	[tilespmem:s25], [sflag:$0x1] =	stream.indirect.gather [hbm4b:s4+s17], $0x30, s24, s17, $0xb8;
	[tilespmem:$0x15800] =	vst v63  }
0x40: {  	_ =	swait.ge [sflag:s26], $0x1800  }
0x41: {  	[sflag:s26] =	ssyncset.done $0x0  }
0x42: {  	s22 =	simm.s32 $0x2800;
	[sflag:s26] =	ssyncadd.s32 $0xFFFFE800  }
0x43: {  	[spmem:s2] =	stream.indirect.scatter.add.f32 [tilespmem:s18], [sflag:$0x2], $0x30, s22, s17, $0xb8;
	[tilespmem:$0x15800] =	vst v63  }
0x44: {  	_ =	swait.ge [sflag:s26], $0x1800  }
0x45: {  	[sflag:s26] =	ssyncset.done $0x0  }
0x46: {  	s20 =	simm.s32 $0x2880;
	[sflag:s26] =	ssyncadd.s32 $0xFFFFE800  }
0x47: {  	[spmem:s2] =	stream.indirect.scatter.add.f32 [tilespmem:s19], [sflag:$0x2], $0x30, s20, s17, $0xb8;
	[tilespmem:$0x15800] =	vst v63  }
0x48: {  	_ =	swait.ge [sflag:s26], $0x1800  }
0x49: {  	[sflag:s26] =	ssyncset.done $0x0  }
0x4a: {  	s22 =	simm.s32 $0x2900;
	[sflag:s26] =	ssyncadd.s32 $0xFFFFE800  }
0x4b: {  	[spmem:s2] =	stream.indirect.scatter.add.f32 [tilespmem:s21], [sflag:$0x2], $0x30, s22, s17, $0xb8;
	[tilespmem:$0x15800] =	vst v63  }
0x4c: {  	_ =	swait.ge [sflag:s26], $0x1800  }
0x4d: {  	[sflag:s26] =	ssyncset.done $0x0  }
0x4e: {  	s20 =	simm.s32 $0x2980;
	[sflag:s26] =	ssyncadd.s32 $0xFFFFE800  }
0x4f: {  	[spmem:s2] =	stream.indirect.scatter.add.f32 [tilespmem:s23], [sflag:$0x2], $0x30, s20, s17, $0xb8;
	[tilespmem:$0x15800] =	vst v63  }
0x50: {  	_ =	swait.ge [sflag:s26], $0x1800  }
0x51: {  	[sflag:s26] =	ssyncset.done $0x0  }
0x52: {  	s22 =	simm.s32 $0x2A00;
	[sflag:s26] =	ssyncadd.s32 $0xFFFFE800  }
0x53: {  	[spmem:s2] =	stream.indirect.scatter.add.f32 [tilespmem:s25], [sflag:$0x2], $0x30, s22, s17, $0xb8;
	[tilespmem:$0x15800] =	vst v63  }
0x54: {  	_ =	swait.ge [sflag:s28], $0x1800  }
0x55: {  	[sflag:s28] =	ssyncset.done $0x0  }
0x56: {  	[sflag:s28] =	ssyncadd.s32 $0xFFFFE800  }
0x57: {  	_ =	swait.ge [sflag:s28], $0x1800  }
0x58: {  	[sflag:s28] =	ssyncset.done $0x0  }
0x59: {  	[sflag:s28] =	ssyncadd.s32 $0xFFFFE800  }
0x5a: {  	_ =	swait.ge [sflag:s28], $0x1800  }
0x5b: {  	[sflag:s28] =	ssyncset.done $0x0  }
0x5c: {  	[sflag:s28] =	ssyncadd.s32 $0xFFFFE800  }
0x5d: {  	_ =	swait.ge [sflag:s28], $0x1800  }
0x5e: {  	[sflag:s28] =	ssyncset.done $0x0  }
0x5f: {  	[sflag:s28] =	ssyncadd.s32 $0xFFFFE800  }
0x60: {  	_ =	swait.ge [sflag:s28], $0x1800  }
0x61: {  	[sflag:s28] =	ssyncset.done $0x0  }
0x62: {  	s20 =	simm.s32 $0x280;
	[sflag:s28] =	ssyncadd.s32 $0xFFFFE800  }
0x63: {  	[tilespmem:s18], [sflag:$0x1] =	stream.indirect.gather [hbm4b:s4+s17], $0x30, s20, s17, $0xb8;
	[tilespmem:$0x15800] =	vst v63  }
0x64: {  	s22 =	simm.s32 $0x300  }
0x65: {  	[tilespmem:s19], [sflag:$0x1] =	stream.indirect.gather [hbm4b:s4+s17], $0x30, s22, s17, $0xb8;
	[tilespmem:$0x15800] =	vst v63  }
0x66: {  	s20 =	simm.s32 $0x380  }
0x67: {  	[tilespmem:s21], [sflag:$0x1] =	stream.indirect.gather [hbm4b:s4+s17], $0x30, s20, s17, $0xb8;
	[tilespmem:$0x15800] =	vst v63  }
0x68: {  	s1 =	simm.s32 $0xA00;
	s22 =	simm.s32 $0x400;
	s20 =	simm.s32 $0x480  }
0x69: {  	[tilespmem:s23], [sflag:$0x1] =	stream.indirect.gather [hbm4b:s4+s17], $0x30, s22, s17, $0xb8;
	[tilespmem:$0x15800] =	vst v63  }
.LBB2_4:
0x6a: {  	[tilespmem:s25], [sflag:$0x1] =	stream.indirect.gather [hbm4b:s4+s17], $0x30, s20, s17, $0xb8;
	[tilespmem:$0x15800] =	vst v63  }
0x6b: {  	s20 =	smov.u32 s1  }
0x6c: {  	p0 =	sne.s32 s1, $0x8C00;
	s1 =	sadd.s32 $0xA00, s1;
	_ =	swait.ge [sflag:s26], $0x1800  }
0x6d: {  	s20 =	sshra.s32 s20, $0x2;
	[sflag:s26] =	ssyncset.done $0x0  }
0x6e: {  	s22 =	sadd.s32 $0x2800, s20;
	[sflag:s26] =	ssyncadd.s32 $0xFFFFE800  }
0x6f: {  	[spmem:s2] =	stream.indirect.scatter.add.f32 [tilespmem:s18], [sflag:$0x2], $0x30, s22, s17, $0xb8;
	[tilespmem:$0x15800] =	vst v63  }
0x70: {  	_ =	swait.ge [sflag:s26], $0x1800  }
0x71: {  	[sflag:s26] =	ssyncset.done $0x0  }
0x72: {  	s22 =	sadd.s32 $0x2880, s20;
	[sflag:s26] =	ssyncadd.s32 $0xFFFFE800  }
0x73: {  	[spmem:s2] =	stream.indirect.scatter.add.f32 [tilespmem:s19], [sflag:$0x2], $0x30, s22, s17, $0xb8;
	[tilespmem:$0x15800] =	vst v63  }
0x74: {  	_ =	swait.ge [sflag:s26], $0x1800  }
0x75: {  	[sflag:s26] =	ssyncset.done $0x0  }
0x76: {  	s22 =	sadd.s32 $0x2900, s20;
	[sflag:s26] =	ssyncadd.s32 $0xFFFFE800  }
0x77: {  	[spmem:s2] =	stream.indirect.scatter.add.f32 [tilespmem:s21], [sflag:$0x2], $0x30, s22, s17, $0xb8;
	[tilespmem:$0x15800] =	vst v63  }
0x78: {  	_ =	swait.ge [sflag:s26], $0x1800  }
0x79: {  	[sflag:s26] =	ssyncset.done $0x0  }
0x7a: {  	s22 =	sadd.s32 $0x2980, s20;
	[sflag:s26] =	ssyncadd.s32 $0xFFFFE800  }
0x7b: {  	[spmem:s2] =	stream.indirect.scatter.add.f32 [tilespmem:s23], [sflag:$0x2], $0x30, s22, s17, $0xb8;
	[tilespmem:$0x15800] =	vst v63  }
0x7c: {  	_ =	swait.ge [sflag:s26], $0x1800  }
0x7d: {  	[sflag:s26] =	ssyncset.done $0x0  }
0x7e: {  	s22 =	sadd.s32 $0x2A00, s20;
	[sflag:s26] =	ssyncadd.s32 $0xFFFFE800  }
0x7f: {  	[spmem:s2] =	stream.indirect.scatter.add.f32 [tilespmem:s25], [sflag:$0x2], $0x30, s22, s17, $0xb8;
	[tilespmem:$0x15800] =	vst v63  }
0x80: {  	_ =	swait.ge [sflag:s28], $0x1800  }
0x81: {  	[sflag:s28] =	ssyncset.done $0x0  }
0x82: {  	[sflag:s28] =	ssyncadd.s32 $0xFFFFE800  }
0x83: {  	_ =	swait.ge [sflag:s28], $0x1800  }
0x84: {  	[sflag:s28] =	ssyncset.done $0x0  }
0x85: {  	[sflag:s28] =	ssyncadd.s32 $0xFFFFE800  }
0x86: {  	_ =	swait.ge [sflag:s28], $0x1800  }
0x87: {  	[sflag:s28] =	ssyncset.done $0x0  }
0x88: {  	[sflag:s28] =	ssyncadd.s32 $0xFFFFE800  }
0x89: {  	_ =	swait.ge [sflag:s28], $0x1800  }
0x8a: {  	[sflag:s28] =	ssyncset.done $0x0  }
0x8b: {  	[sflag:s28] =	ssyncadd.s32 $0xFFFFE800  }
0x8c: {  	_ =	swait.ge [sflag:s28], $0x1800  }
0x8d: {  	[sflag:s28] =	ssyncset.done $0x0  }
0x8e: {  	s22 =	sadd.s32 $0x280, s20;
	[sflag:s28] =	ssyncadd.s32 $0xFFFFE800  }
0x8f: {  	[tilespmem:s18], [sflag:$0x1] =	stream.indirect.gather [hbm4b:s4+s17], $0x30, s22, s17, $0xb8;
	[tilespmem:$0x15800] =	vst v63  }
0x90: {  	s22 =	sadd.s32 $0x300, s20  }
0x91: {  	[tilespmem:s19], [sflag:$0x1] =	stream.indirect.gather [hbm4b:s4+s17], $0x30, s22, s17, $0xb8;
	[tilespmem:$0x15800] =	vst v63  }
.Ltmp1:
0x92: {  	s22 =	sadd.s32 $0x380, s20;
	(pc) =	sbr.rel @p0 .LBB2_4-.Ltmp1, $4  }
0x93: {  	[tilespmem:s21], [sflag:$0x1] =	stream.indirect.gather [hbm4b:s4+s17], $0x30, s22, s17, $0xb8;
	[tilespmem:$0x15800] =	vst v63  }
0x94: {  	s22 =	sadd.s32 $0x400, s20  }
0x95: {  	[tilespmem:s23], [sflag:$0x1] =	stream.indirect.gather [hbm4b:s4+s17], $0x30, s22, s17, $0xb8;
	[tilespmem:$0x15800] =	vst v63  }
0x96: {  	s20 =	sadd.s32 $0x480, s20  }
0x97: {  	[tilespmem:s25], [sflag:$0x1] =	stream.indirect.gather [hbm4b:s4+s17], $0x30, s20, s17, $0xb8;
	[tilespmem:$0x15800] =	vst v63  }
0x98: {  	_ =	swait.ge [sflag:s26], $0x1800  }
0x99: {  	[sflag:s26] =	ssyncset.done $0x0  }
0x9a: {  	[sflag:s26] =	ssyncadd.s32 $0xFFFFE800  }
0x9b: {  	[spmem:s2] =	stream.indirect.scatter.add.f32 [tilespmem:s18], [sflag:$0x2], $0x30, s29, s17, $0xb8;
	[tilespmem:$0x15800] =	vst v63  }
0x9c: {  	_ =	swait.ge [sflag:s26], $0x1800  }
0x9d: {  	[sflag:s26] =	ssyncset.done $0x0  }
0x9e: {  	[sflag:s26] =	ssyncadd.s32 $0xFFFFE800  }
0x9f: {  	[spmem:s2] =	stream.indirect.scatter.add.f32 [tilespmem:s19], [sflag:$0x2], $0x30, s30, s17, $0xb8;
	[tilespmem:$0x15800] =	vst v63  }
0xa0: {  	_ =	swait.ge [sflag:s26], $0x1800  }
0xa1: {  	[sflag:s26] =	ssyncset.done $0x0  }
0xa2: {  	[sflag:s26] =	ssyncadd.s32 $0xFFFFE800  }
0xa3: {  	[spmem:s2] =	stream.indirect.scatter.add.f32 [tilespmem:s21], [sflag:$0x2], $0x30, s31, s17, $0xb8;
	[tilespmem:$0x15800] =	vst v63  }
0xa4: {  	_ =	swait.ge [sflag:s26], $0x1800  }
0xa5: {  	[sflag:s26] =	ssyncset.done $0x0  }
0xa6: {  	[sflag:s26] =	ssyncadd.s32 $0xFFFFE800  }
0xa7: {  	[spmem:s2] =	stream.indirect.scatter.add.f32 [tilespmem:s23], [sflag:$0x2], $0x30, s0, s17, $0xb8;
	[tilespmem:$0x15800] =	vst v63  }
0xa8: {  	_ =	swait.ge [sflag:s26], $0x1800  }
0xa9: {  	[sflag:s26] =	ssyncset.done $0x0  }
0xaa: {  	[sflag:s26] =	ssyncadd.s32 $0xFFFFE800  }
0xab: {  	[spmem:s2] =	stream.indirect.scatter.add.f32 [tilespmem:s25], [sflag:$0x2], $0x30, s16, s17, $0xb8;
	[tilespmem:$0x15800] =	vst v63  }
0xac: {  	_ =	swait.ge [sflag:s28], $0x1800  }
0xad: {  	[sflag:s28] =	ssyncset.done $0x0  }
0xae: {  	[sflag:s28] =	ssyncadd.s32 $0xFFFFE800  }
0xaf: {  	_ =	swait.ge [sflag:s28], $0x1800  }
0xb0: {  	[sflag:s28] =	ssyncset.done $0x0  }
0xb1: {  	[sflag:s28] =	ssyncadd.s32 $0xFFFFE800  }
0xb2: {  	_ =	swait.ge [sflag:s28], $0x1800  }
0xb3: {  	[sflag:s28] =	ssyncset.done $0x0  }
0xb4: {  	[sflag:s28] =	ssyncadd.s32 $0xFFFFE800  }
0xb5: {  	_ =	swait.ge [sflag:s28], $0x1800  }
0xb6: {  	[sflag:s28] =	ssyncset.done $0x0  }
0xb7: {  	[sflag:s28] =	ssyncadd.s32 $0xFFFFE800  }
0xb8: {  	s1 =	stileid.u32;
	_ =	swait.ge [sflag:s28], $0x1800  }
0xb9: {  	s22 =	sshrl.u32 s5, $0x3;
	s3 =	sadd.s32 $0x1, s3;
	[sflag:s28] =	ssyncset.done $0x0  }
0xba: {  	s1 =	sshll.u32 s1, $0x6;
	p0 =	sne.s32 s3, s13;
	[sflag:s28] =	ssyncadd.s32 $0xFFFFE800  }
.Ltmp2:
0xbb: {  	s1 =	sor.u32 $0x1C03, s1;
	[bflag:$0x0] =	sbarrier.arrive $0xFFFF;
	(pc) =	sbr.rel @p0 .LBB2_1-.Ltmp2, $4  }
0xbc: {  	[hbm:s12], [sflag:s1] =	dma.local [spmem:s22], $0xF00  }
0xbd: {  	_ =	swait.ge [sflag:s15], $0xF00  }
0xbe: {  	[sflag:s15] =	ssyncset.done $0x0  }
0xbf: {  	[sflag:s15] =	ssyncadd.s32 $0xFFFFF100  }
0xc0: {  	_ =	sfence.sel $0x180000  }
0xc1: {  	[bflag:$0x0] =	sbarrier.arrive $0xFFFF  }
0xc2: {  	_ =	strace $0x90000050  }
0xc3: {  	s0 =	stileid.u32;
	[bflag:$0x2] =	sbarrier.arrive $0xFFFF  }
0xc4: {  	p0 =	sne.s32 s0, $0x0;
	s0 =	rddreg [dreg:$0x2]  }
0xc5: {  	s0 =	sadd.s32 @!p0 $0x100000, s0  }
0xc6: {  	[sflag:s0] =	ssyncadd.tile.s32 @!p0 $0x1;
	_ =	shalt  }
.Lfunc_end2:
_tile_overlayer_lowered:
.L_overlay_start_2:
0xc7: {  	(tag) =	ssettag $0x2  }
0xc8: {  	s0 =	rddreg [dreg:$0x0];
	s2 =	stileid.u32  }
0xc9: {  	s1 =	rddreg [dreg:$0x1];
	p0 =	sne.s32 s2, $0x0  }
0xca: {  	s3 =	rddreg [dreg:$0x2];
	[bflag:$0x3] =	sbarrier.arrive $0xFFFF;
	s2 =	simm.s32 @!p0 $0x1C03  }
0xcb: {  	[timem:s3], [sflag:s2] =	dma.local @!p0 [hbm:s0], s1  }
0xcc: {  	s0 =	simm.s32 @!p0 $0x3  }
0xcd: {  	_ =	swait.ge @!p0 [sflag:s0], s1  }
0xce: {  	s1 =	ssub.s32 @!p0 $0x0, s1;
	[sflag:s0] =	ssyncset.done @!p0 $0x0  }
0xcf: {  	[sflag:s0] =	ssyncadd.s32 @!p0 s1  }
0xd0: {  	[bflag:$0x3] =	sbarrier.arrive $0xFFFF  }
0xd1: {  	_ =	shalt  }

// kernel: kernel.24.cloned.1.call-start
scs
__scs_entry_jumppad:
0x0: {  	(pc) =	sbr.rel $0x88, $3  }
0x1: {  	(tag) =	ssettag $0x0;
	lr =	simm.s32 $0x1  }
0x2: {  	[smem:$0x3F99] =	sst lr;
	_ =	strace $0xD0000000  }
0x3: {  	_ = 	snop  }
0x4: {  	_ = 	snop  }
0x5: {  	_ = 	snop  }
0x6: {  	_ = 	snop  }
0x7: {  	_ = 	snop  }
__scs_overlays_trampoline_lowered:
0x8: {  	[smem:$0x3FA8] =	sst s0  }
0x9: {  	[smem:$0x3FA9] =	sst s1  }
0xa: {  	[smem:$0x3FAA] =	sst s2  }
0xb: {  	[smem:$0x3FAB] =	sst s3  }
0xc: {  	[smem:$0x3FAC] =	sst s4  }
0xd: {  	[smem:$0x3FAD] =	sst s5  }
0xe: {  	[smem:$0x3FAE] =	sst s6  }
0xf: {  	[smem:$0x3FAF] =	sst s7  }
0x10: {  	[smem:$0x3FB0] =	sst s8  }
0x11: {  	[smem:$0x3FB1] =	sst s9;
	s0 =	simm.s32 @!p0 $0x0  }
0x12: {  	s1 =	sld [smem:$0x3F97];
	s0 =	simm.s32 @p0 $0x1  }
0x13: {  	[smem:$0x3FB2] =	sst s0;
	s0 =	simm.s32 @!p1 $0x0  }
0x14: {  	s2 =	sld [smem:$0x3F96];
	s0 =	simm.s32 @p1 $0x1  }
0x15: {  	[smem:$0x3FB3] =	sst s0;
	s0 =	simm.s32 @!p2 $0x0  }
0x16: {  	s3 =	sld [smem:$0x3FDB];
	s0 =	simm.s32 @p2 $0x1  }
0x17: {  	s4 =	simm.s32 $0x1BF5;
	[smem:$0x3FB5] =	sst s0  }
0x18: {  	s0 =	sld [smem:$0x3F98];
	_ =	swait.ge [sflag:s4], $0x0  }
0x19: {  	s7 =	sld [smem:$0x3F99]  }
0x1a: {  	s8 =	sadd.s32 $0xFFFFE003, lr  }
0x1b: {  	s9 =	sadd.s32 $0xFFFFFEF7, lr;
	s5 =	simm.s32 $0xFFFFFFFF;
	p2 =	slt.u32 s8, $0xFFFFF086  }
0x1c: {  	p1 =	slt.u32 s9, $0xF7A;
	s5 =	simm.s32 @!p2 $0x0  }
0x1d: {  	s5 =	simm.s32 @p1 $0x1;
	p0 =	seq.s32 s7, s2  }
0x1e: {  	s7 =	smul.u32 @!p0 $0xF7A, s2;
	p2 =	seq.s32 @!p0 s5, $0x0  }
0x1f: {  	s9 =	smul.u32 $0xF7A, s1;
	s8 =	simm.s32 @!p0 $0x1BF5;
	p2 =	por !p2, p0  }
0x20: {  	[sflag:s8] =	ssyncset.s32 @!p0 $0xFFFFF086;
	s6 =	sadd.s32 @!p0 s3, s7;
	s7 =	simm.s32 @!p0 $0x108  }
0x21: {  	s3 =	sadd.s32 s3, s9;
	s6 =	sadd.s32 @!p0 $0x88, s6;
	s7 =	simm.s32 @p2 $0x1082  }
0x22: {  	[simem:s7], [sflag:s8] =	dma.local @!p0 [hbm:s6], $0xF7A  }
0x23: {  	s9 =	sor.u32 $0xD0000000, s2;
	s6 =	simm.s32 $0x108;
	_ =	swait.ge @!p0 [sflag:s8], $0x0  }
0x24: {  	s3 =	sadd.s32 $0x88, s3;
	s6 =	simm.s32 @!p1 $0x1082;
	[sflag:s4] =	ssyncset.s32 $0xFFFFF086  }
0x25: {  	[simem:s6], [sflag:s4] =	dma.local [hbm:s3], $0xF7A  }
0x26: {  	[smem:$0x3F99] =	sst s1;
	(tag) =	ssettag s2;
	_ =	strace s9  }
0x27: {  	s1 =	sld [smem:$0x3FA9]  }
0x28: {  	s2 =	sld [smem:$0x3FAA]  }
0x29: {  	s4 =	sld [smem:$0x3FAC]  }
0x2a: {  	p0 =	seq.s32 s5, $0x0;
	s5 =	sld [smem:$0x3FAD]  }
0x2b: {  	s6 =	sld [smem:$0x3FAE]  }
0x2c: {  	s7 =	sld [smem:$0x3FAF]  }
0x2d: {  	s3 =	simm.s32 $0x108;
	s8 =	sld [smem:$0x3FB0]  }
0x2e: {  	s3 =	simm.s32 @!p0 $0x1082;
	s9 =	sld [smem:$0x3FB1]  }
0x2f: {  	lr =	sadd.s32 s0, s3;
	s0 =	sld [smem:$0x3FA8]  }
0x30: {  	s3 =	sld [smem:$0x3FAB]  }
0x31: {  	[smem:$0x3FB4] =	sst s10  }
0x32: {  	s10 =	sld [smem:$0x3FB2];
	_ =	sdelay $0x3  }
0x33: {  	p0 =	seq.s32 s10, $0x1;
	s10 =	sld [smem:$0x3FB4];
	_ =	sdelay $0x3  }
0x34: {  	[smem:$0x3FB4] =	sst s10  }
0x35: {  	s10 =	sld [smem:$0x3FB3];
	_ =	sdelay $0x3  }
0x36: {  	p1 =	seq.s32 s10, $0x1;
	s10 =	sld [smem:$0x3FB4];
	_ =	sdelay $0x3  }
0x37: {  	[smem:$0x3FB4] =	sst s10  }
0x38: {  	s10 =	sld [smem:$0x3FB5]  }
0x39: {  	_ = 	snop;
	(pc) =	sbr.ind lr, $3  }
0x3a: {  	_ = 	snop  }
0x3b: {  	_ = 	snop  }
0x3c: {  	p2 =	seq.s32 s10, $0x1;
	s10 =	sld [smem:$0x3FB4]  }
0x3d: {  	_ =	shalt  }
0x3e: {  	_ =	shalt  }
0x3f: {  	_ =	shalt  }
0x40: {  	_ =	shalt  }
0x41: {  	_ =	shalt  }
0x42: {  	_ =	shalt  }
0x43: {  	_ =	shalt  }
0x44: {  	_ =	shalt  }
0x45: {  	_ =	shalt  }
0x46: {  	_ =	shalt  }
0x47: {  	_ =	shalt  }
0x48: {  	_ =	shalt  }
0x49: {  	_ =	shalt  }
0x4a: {  	_ =	shalt  }
0x4b: {  	_ =	shalt  }
0x4c: {  	_ =	shalt  }
0x4d: {  	_ =	shalt  }
0x4e: {  	_ =	shalt  }
0x4f: {  	_ =	shalt  }
0x50: {  	_ =	shalt  }
0x51: {  	_ =	shalt  }
0x52: {  	_ =	shalt  }
0x53: {  	_ =	shalt  }
0x54: {  	_ =	shalt  }
0x55: {  	_ =	shalt  }
0x56: {  	_ =	shalt  }
0x57: {  	_ =	shalt  }
0x58: {  	_ =	shalt  }
0x59: {  	_ =	shalt  }
0x5a: {  	_ =	shalt  }
0x5b: {  	_ =	shalt  }
0x5c: {  	_ =	shalt  }
0x5d: {  	_ =	shalt  }
0x5e: {  	_ =	shalt  }
0x5f: {  	_ =	shalt  }
0x60: {  	_ =	shalt  }
0x61: {  	_ =	shalt  }
0x62: {  	_ =	shalt  }
0x63: {  	_ =	shalt  }
0x64: {  	_ =	shalt  }
0x65: {  	_ =	shalt  }
0x66: {  	_ =	shalt  }
0x67: {  	_ =	shalt  }
0x68: {  	_ =	shalt  }
0x69: {  	_ =	shalt  }
0x6a: {  	_ =	shalt  }
0x6b: {  	_ =	shalt  }
0x6c: {  	_ =	shalt  }
0x6d: {  	_ =	shalt  }
0x6e: {  	_ =	shalt  }
0x6f: {  	_ =	shalt  }
0x70: {  	_ =	shalt  }
0x71: {  	_ =	shalt  }
0x72: {  	_ =	shalt  }
0x73: {  	_ =	shalt  }
0x74: {  	_ =	shalt  }
0x75: {  	_ =	shalt  }
0x76: {  	_ =	shalt  }
0x77: {  	_ =	shalt  }
0x78: {  	_ =	shalt  }
0x79: {  	_ =	shalt  }
0x7a: {  	_ =	shalt  }
0x7b: {  	_ =	shalt  }
0x7c: {  	_ =	shalt  }
0x7d: {  	_ =	shalt  }
0x7e: {  	_ =	shalt  }
0x7f: {  	_ =	shalt  }
0x80: {  	_ =	shalt  }
0x81: {  	_ =	shalt  }
0x82: {  	_ =	shalt  }
0x83: {  	_ =	shalt  }
0x84: {  	_ =	shalt  }
0x85: {  	_ =	shalt  }
0x86: {  	_ =	shalt  }
0x87: {  	_ =	shalt  }
.Lfunc_end0:
.L_simem_size_0:
called_computation.4_lowered:
.L_overlay_start_0:
0x88: {  	s2 =	sld [smem:$0x3FD9]  }
0x89: {  	s3 =	sld [smem:$0x3FFE];
	_ =	sdelay $0x1  }
0x8a: {  	s1 =	srdreg.scid  }
0x8b: {  	s0 =	sand.u32 $0x1, s1  }
0x8c: {  	s17 =	sshll.u32 s0, $0xA;
	s2 =	sadd.s32 s3, s2  }
0x8d: {  	s2 =	sadd.s32 s2, s17  }
0x8e: {  	[smem:$0x3FC0] =	sst s2  }
0x8f: {  	_ = 	snop  }
0x90: {  	s2 =	sld [smem:$0x3FD0];
	(tm) =	ssettm $0x1  }
0x91: {  	s18 =	sld [smem:$0x3FFB];
	_ =	sdelay $0x3  }
0x92: {  	_ =	strace s18  }
0x93: {  	s3 =	sld [smem:$0x3FFC];
	_ =	sdelay $0x3  }
0x94: {  	_ =	strace s3  }
0x95: {  	s3 =	sld [smem:$0x3FFD];
	_ =	sdelay $0x3  }
0x96: {  	_ =	strace s3  }
0x97: {  	_ =	strace $0x8FFFFFFF  }
0x98: {  	s19 =	sld [smem:$0x3FDB];
	_ =	sdelay $0x1  }
0x99: {  	s4 =	simm.s32 $_scs_section_size  }
0x9a: {  	s5 =	simm.s32 $_size__tile_overlayer_lowered;
	s6 =	simm.s32 $_tile_overlayer_lowered  }
0x9b: {  	s22 =	simm.s32 $0x1BFF;
	s21 =	sshll.u32 s6, $0x1;
	s3 =	sadd.s32 s4, s19  }
0x9c: {  	s7 =	simm.s32 $0x0;
	s20 =	sshll.u32 s5, $0x1;
	s5 =	sadd.s32 s21, s3  }
0x9d: {  	[timem:s7], [sflag:s22] =	dma.local [hbm:s5], s20  }
0x9e: {  	_ =	swait.ge [sflag:s22], s20  }
0x9f: {  	s4 =	ssub.s32 $0x0, s20;
	[sflag:s22] =	ssyncset.done $0x0  }
0xa0: {  	[sflag:s22] =	ssyncadd.s32 s4;
	_ =	sdelay $0x1  }
0xa1: {  	s23 =	simm.s32 $0x1B8B  }
0xa2: {  	_ =	swait.ge [sflag:s23], $0x1  }
0xa3: {  	[sflag:s23] =	ssyncset.done $0x0  }
0xa4: {  	s25 =	simm.s32 $0x1B8E;
	s24 =	sld [smem:$0x3FFE];
	[sflag:s23] =	ssyncadd.s32 $0xFFFFFFFF  }
0xa5: {  	s26 =	simm.s32 $execute0_lowered;
	[smem:$0x3FD2] =	sst s25  }
0xa6: {  	s5 =	sshll.u32 s26, $0x1;
	_ =	strace $0x80000052;
	[dreg:$0x1] =	wrdreg $0xFFFFFFFF  }
0xa7: {  	s28 =	simm.s32 $_size_execute0_lowered;
	s3 =	sadd.s32 s3, s5;
	[dreg:$0x0] =	wrdreg $0x0  }
0xa8: {  	s5 =	sshll.u32 s28, $0x1;
	[dreg:$0x2] =	wrdreg s3  }
0xa9: {  	[dreg:$0x3] =	wrdreg s5  }
0xaa: {  	[dreg:$0x4] =	wrdreg $0xC0  }
0xab: {  	_ =	task [dreg:s7], $0x5FFFF  }
0xac: {  	[dreg:$0x1] =	wrdreg $0xFFFFFFFF  }
0xad: {  	[dreg:$0x0] =	wrdreg $0x60  }
0xae: {  	[dreg:$0x2] =	wrdreg s24  }
0xaf: {  	[dreg:$0x3] =	wrdreg s2  }
0xb0: {  	[dreg:$0x4] =	wrdreg $0xE0000  }
0xb1: {  	[dreg:$0x5] =	wrdreg $0x9  }
0xb2: {  	_ =	task.clear_ibuf [dreg:s7], $0x6FFFF;
	_ =	strace $0x90000052  }
0xb3: {  	s29 =	simm.s32 $0x9;
	_ =	strace $0x80000054  }
0xb4: {  	_ =	swait.ge [sflag:s29], $0x1  }
0xb5: {  	[sflag:s29] =	ssyncadd.s32 $0xFFFFFFFF  }
0xb6: {  	_ =	strace $0x90000054  }
0xb7: {  	_ =	sfence  }
0xb8: {  	s30 =	sld [smem:$0x0];
	_ =	sdelay $0x2  }
0xb9: {  	s31 =	sshll.u32 s1, $0xD;
	s1 =	sshrl.u32 s1, $0x2  }
0xba: {  	s3 =	sand.u32 $0x4000, s31;
	s1 =	sadd.s32 s1, s30  }
0xbb: {  	s0 =	sor.u32 s3, s0;
	s1 =	sshll.u32 s1, $0x11  }
0xbc: {  	s0 =	sor.u32 s1, s0  }
0xbd: {  	s0 =	sadd.s32 $0x8F2B, s0  }
0xbe: {  	[sflag:s0] =	ssyncadd.remote.s32 $0x1  }
0xbf: {  	_ =	sfence.sel $0xFFFF  }
0xc0: {  	[dreg:$0x0] =	wrdreg $0xFFFFFFFF;
	(pc) =	sbr.abs _section_cstart, $3  }
0xc1: {  	[dreg:$0x1] =	wrdreg $0xFFFFFFFF  }
0xc2: {  	_ =	task.clear_ibuf [dreg:s7], $0x2FFFF;
	_ =	strace $0x9FFFFFFF  }
0xc3: {  	(tm) =	ssettm $0x7FFFFFFF  }
tec
execute0_lowered:
.L_overlay_start_1:
0x0: {  	(tag) =	ssettag $0x1  }
0x1: {  	s0 =	rddreg [dreg:$0x0]  }
0x2: {  	s1 =	rddreg [dreg:$0x1]  }
0x3: {  	s2 =	rddreg [dreg:$0x2];
	s3 =	simm.s32 $0x0;
	s4 =	srdreg.scid  }
0x4: {  	s8 =	stileid.u32;
	s14 =	simm.s32 $0xC800;
	s15 =	simm.s32 $0x3  }
0x5: {  	s17 =	simm.s32 $0x80;
	s18 =	simm.s32 $0x5000;
	s19 =	simm.s32 $0x6800  }
0x6: {  	s21 =	simm.s32 $0x8000;
	s23 =	simm.s32 $0x9800;
	s24 =	simm.s32 $0x200  }
0x7: {  	s28 =	simm.s32 $0x2;
	s29 =	simm.s32 $0x4D80;
	s30 =	simm.s32 $0x4E00  }
0x8: {  	s31 =	simm.s32 $0x4E80;
	s16 =	simm.s32 $0x4F80;
	s6 =	smul.u32 $0x7800, s8  }
0x9: {  	s5 =	sand.u32 $0x1, s4;
	s25 =	sshll.u32 s8, $0x1;
	s8 =	smul.u32 $0x1E000, s8  }
0xa: {  	[smem:$0x7FF] =	sst s3;
	s4 =	sor.u32 s5, s25;
	s7 =	smul.u32 $0x78000, s5  }
0xb: {  	_ =	strace $0x80000053;
	s5 =	ssub.s32 $0x2, s5;
	s25 =	simm.s32 $0xB000  }
0xc: {  	s11 =	smul.u32 $0x500, s4;
	s4 =	sadd.s32 $0xD4E00, s0;
	s26 =	sshrl.u32 s5, $0x1  }
0xd: {  	s8 =	sshrl.u32 s8, $0x2;
	s7 =	sadd.s32 s6, s7;
	s13 =	ssub.s32 s5, s26  }
0xe: {  	s5 =	sadd.s32 s6, s2;
	s9 =	sadd.s32 s8, s2;
	s26 =	simm.s32 $0x1  }
0xf: {  	s10 =	sadd.s32 s11, s0;
	s7 =	sshrl.u32 s7, $0x3;
	s6 =	sadd.s32 $0x1800, s9  }
0x10: {  	s8 =	sadd.s32 $0x4800, s9;
	s11 =	sadd.s32 s1, s11;
	s13 =	smax.u32 s13, $0x1  }
0x11: {  	s0 =	sadd.s32 s7, s0;
	s7 =	sadd.s32 $0x3000, s9;
	s9 =	sadd.s32 $0x6000, s9  }
0x12: {  	v0 =	vimm.f32 $0.0e+00;
	s10 =	sadd.s32 $0x2AE00, s10;
	s12 =	sadd.s32 $0x34E00, s0;
	s0 =	simm.s32 $0x4F00  }
.LBB2_1:
0x13: {  	s1 =	simm.s32 $0xC0;
	s20 =	simm.s32 $0x0  }
.LBB2_2:
0x14: {  	p0 =	sne.s32 s1, $0x5F40;
	[tilespmem:s20+$0xC820] =	vst v0;
	s22 =	smov.u32 s1;
	s1 =	sadd.s32 $0xC0, s1  }
.Ltmp0:
0x15: {  	[tilespmem:s20+$0xC800] =	vst v0;
	(pc) =	sbr.rel @p0 .LBB2_2-.Ltmp0, $2  }
0x16: {  	[tilespmem:s20+$0xC810] =	vst v0;
	_ =	sdelay $0x2  }
0x17: {  	s20 =	sshra.s32 s22, $0x2  }
0x18: {  	[tilespmem:s20+$0xC820] =	vst v0  }
0x19: {  	[tilespmem:s20+$0xC800] =	vst v0  }
0x1a: {  	[tilespmem:s20+$0xC810] =	vst v0  }
0x1b: {  	[spmem:s5] =	stream.linear.scatter [tilespmem:s14], [sflag:$0x3], $0x1800, $0x38;
	[tilespmem:$0x15800] =	vst v63  }
0x1c: {  	_ =	swait.ge [sflag:s15], $0x1800  }
0x1d: {  	[sflag:s15] =	ssyncset.done $0x0  }
0x1e: {  	[sflag:s15] =	ssyncadd.s32 $0xFFFFE800  }
0x1f: {  	[spmem:s6] =	stream.linear.scatter [tilespmem:s14], [sflag:$0x3], $0x1800, $0x38;
	[tilespmem:$0x15800] =	vst v63  }
0x20: {  	_ =	swait.ge [sflag:s15], $0x1800  }
0x21: {  	[sflag:s15] =	ssyncset.done $0x0  }
0x22: {  	[sflag:s15] =	ssyncadd.s32 $0xFFFFE800  }
0x23: {  	[spmem:s7] =	stream.linear.scatter [tilespmem:s14], [sflag:$0x3], $0x1800, $0x38;
	[tilespmem:$0x15800] =	vst v63  }
0x24: {  	_ =	swait.ge [sflag:s15], $0x1800  }
0x25: {  	[sflag:s15] =	ssyncset.done $0x0  }
0x26: {  	[sflag:s15] =	ssyncadd.s32 $0xFFFFE800  }
0x27: {  	[spmem:s8] =	stream.linear.scatter [tilespmem:s14], [sflag:$0x3], $0x1800, $0x38;
	[tilespmem:$0x15800] =	vst v63  }
0x28: {  	_ =	swait.ge [sflag:s15], $0x1800  }
0x29: {  	[sflag:s15] =	ssyncset.done $0x0  }
0x2a: {  	[sflag:s15] =	ssyncadd.s32 $0xFFFFE800  }
0x2b: {  	[spmem:s9] =	stream.linear.scatter [tilespmem:s14], [sflag:$0x3], $0x1800, $0x38;
	[tilespmem:$0x15800] =	vst v63  }
0x2c: {  	_ =	swait.ge [sflag:s15], $0x1800  }
0x2d: {  	[sflag:s15] =	ssyncset.done $0x0  }
0x2e: {  	s1 =	simm.s32 $0x0;
	[sflag:s15] =	ssyncadd.s32 $0xFFFFE800  }
0x2f: {  	[tilespmem:s1], [sflag:$0x3] =	stream.linear.gather [hbm4b:s10+s1], $0x2800, $0x38;
	[tilespmem:$0x15800] =	vst v63  }
0x30: {  	_ =	swait.ge [sflag:s15], $0x2800  }
0x31: {  	[sflag:s15] =	ssyncset.done $0x0  }
0x32: {  	s22 =	simm.s32 $0x2800;
	[sflag:s15] =	ssyncadd.s32 $0xFFFFD800  }
0x33: {  	[tilespmem:s22], [sflag:$0x3] =	stream.linear.gather [hbm4b:s11+s1], $0x2800, $0x38;
	[tilespmem:$0x15800] =	vst v63  }
0x34: {  	_ =	swait.ge [sflag:s15], $0x2800  }
0x35: {  	[sflag:s15] =	ssyncset.done $0x0  }
0x36: {  	[sflag:s15] =	ssyncadd.s32 $0xFFFFD800  }
0x37: {  	[bflag:$0x0] =	sbarrier.arrive $0xFFFF  }
0x38: {  	[tilespmem:s18], [sflag:$0x1] =	stream.indirect.gather [hbm4b:s4+s17], $0x30, s1, s17, $0xb8;
	[tilespmem:$0x15800] =	vst v63  }
0x39: {  	_ = 	snop  }
0x3a: {  	[tilespmem:s19], [sflag:$0x1] =	stream.indirect.gather [hbm4b:s4+s17], $0x30, s17, s17, $0xb8;
	[tilespmem:$0x15800] =	vst v63  }
0x3b: {  	s22 =	simm.s32 $0x100  }
0x3c: {  	[tilespmem:s21], [sflag:$0x1] =	stream.indirect.gather [hbm4b:s4+s17], $0x30, s22, s17, $0xb8;
	[tilespmem:$0x15800] =	vst v63  }
0x3d: {  	s20 =	simm.s32 $0x180  }
0x3e: {  	[tilespmem:s23], [sflag:$0x1] =	stream.indirect.gather [hbm4b:s4+s17], $0x30, s20, s17, $0xb8;
	[tilespmem:$0x15800] =	vst v63  }
0x3f: {  	_ = 	snop  }
0x40: {  	[tilespmem:s25], [sflag:$0x1] =	stream.indirect.gather [hbm4b:s4+s17], $0x30, s24, s17, $0xb8;
	[tilespmem:$0x15800] =	vst v63  }
0x41: {  	_ =	swait.ge [sflag:s26], $0x1800  }
0x42: {  	[sflag:s26] =	ssyncset.done $0x0  }
0x43: {  	s22 =	simm.s32 $0x2800;
	[sflag:s26] =	ssyncadd.s32 $0xFFFFE800  }
0x44: {  	[spmem:s2] =	stream.indirect.scatter.add.f32 [tilespmem:s18], [sflag:$0x2], $0x30, s22, s17, $0xb8;
	[tilespmem:$0x15800] =	vst v63  }
0x45: {  	_ =	swait.ge [sflag:s26], $0x1800  }
0x46: {  	[sflag:s26] =	ssyncset.done $0x0  }
0x47: {  	s20 =	simm.s32 $0x2880;
	[sflag:s26] =	ssyncadd.s32 $0xFFFFE800  }
0x48: {  	[spmem:s2] =	stream.indirect.scatter.add.f32 [tilespmem:s19], [sflag:$0x2], $0x30, s20, s17, $0xb8;
	[tilespmem:$0x15800] =	vst v63  }
0x49: {  	_ =	swait.ge [sflag:s26], $0x1800  }
0x4a: {  	[sflag:s26] =	ssyncset.done $0x0  }
0x4b: {  	s22 =	simm.s32 $0x2900;
	[sflag:s26] =	ssyncadd.s32 $0xFFFFE800  }
0x4c: {  	[spmem:s2] =	stream.indirect.scatter.add.f32 [tilespmem:s21], [sflag:$0x2], $0x30, s22, s17, $0xb8;
	[tilespmem:$0x15800] =	vst v63  }
0x4d: {  	_ =	swait.ge [sflag:s26], $0x1800  }
0x4e: {  	[sflag:s26] =	ssyncset.done $0x0  }
0x4f: {  	s20 =	simm.s32 $0x2980;
	[sflag:s26] =	ssyncadd.s32 $0xFFFFE800  }
0x50: {  	[spmem:s2] =	stream.indirect.scatter.add.f32 [tilespmem:s23], [sflag:$0x2], $0x30, s20, s17, $0xb8;
	[tilespmem:$0x15800] =	vst v63  }
0x51: {  	_ =	swait.ge [sflag:s26], $0x1800  }
0x52: {  	[sflag:s26] =	ssyncset.done $0x0  }
0x53: {  	s22 =	simm.s32 $0x2A00;
	[sflag:s26] =	ssyncadd.s32 $0xFFFFE800  }
0x54: {  	[spmem:s2] =	stream.indirect.scatter.add.f32 [tilespmem:s25], [sflag:$0x2], $0x30, s22, s17, $0xb8;
	[tilespmem:$0x15800] =	vst v63  }
0x55: {  	_ =	swait.ge [sflag:s28], $0x1800  }
0x56: {  	[sflag:s28] =	ssyncset.done $0x0  }
0x57: {  	[sflag:s28] =	ssyncadd.s32 $0xFFFFE800  }
0x58: {  	_ =	swait.ge [sflag:s28], $0x1800  }
0x59: {  	[sflag:s28] =	ssyncset.done $0x0  }
0x5a: {  	[sflag:s28] =	ssyncadd.s32 $0xFFFFE800  }
0x5b: {  	_ =	swait.ge [sflag:s28], $0x1800  }
0x5c: {  	[sflag:s28] =	ssyncset.done $0x0  }
0x5d: {  	[sflag:s28] =	ssyncadd.s32 $0xFFFFE800  }
0x5e: {  	_ =	swait.ge [sflag:s28], $0x1800  }
0x5f: {  	[sflag:s28] =	ssyncset.done $0x0  }
0x60: {  	[sflag:s28] =	ssyncadd.s32 $0xFFFFE800  }
0x61: {  	_ =	swait.ge [sflag:s28], $0x1800  }
0x62: {  	[sflag:s28] =	ssyncset.done $0x0  }
0x63: {  	s20 =	simm.s32 $0x280;
	[sflag:s28] =	ssyncadd.s32 $0xFFFFE800  }
0x64: {  	[tilespmem:s18], [sflag:$0x1] =	stream.indirect.gather [hbm4b:s4+s17], $0x30, s20, s17, $0xb8;
	[tilespmem:$0x15800] =	vst v63  }
0x65: {  	s22 =	simm.s32 $0x300  }
0x66: {  	[tilespmem:s19], [sflag:$0x1] =	stream.indirect.gather [hbm4b:s4+s17], $0x30, s22, s17, $0xb8;
	[tilespmem:$0x15800] =	vst v63  }
0x67: {  	s20 =	simm.s32 $0x380  }
0x68: {  	[tilespmem:s21], [sflag:$0x1] =	stream.indirect.gather [hbm4b:s4+s17], $0x30, s20, s17, $0xb8;
	[tilespmem:$0x15800] =	vst v63  }
0x69: {  	s1 =	simm.s32 $0xA00;
	s22 =	simm.s32 $0x400;
	s20 =	simm.s32 $0x480  }
0x6a: {  	[tilespmem:s23], [sflag:$0x1] =	stream.indirect.gather [hbm4b:s4+s17], $0x30, s22, s17, $0xb8;
	[tilespmem:$0x15800] =	vst v63  }
.LBB2_4:
0x6b: {  	[tilespmem:s25], [sflag:$0x1] =	stream.indirect.gather [hbm4b:s4+s17], $0x30, s20, s17, $0xb8;
	[tilespmem:$0x15800] =	vst v63  }
0x6c: {  	s20 =	smov.u32 s1  }
0x6d: {  	p0 =	sne.s32 s1, $0x8C00;
	s1 =	sadd.s32 $0xA00, s1;
	_ =	swait.ge [sflag:s26], $0x1800  }
0x6e: {  	s20 =	sshra.s32 s20, $0x2;
	[sflag:s26] =	ssyncset.done $0x0  }
0x6f: {  	s22 =	sadd.s32 $0x2800, s20;
	[sflag:s26] =	ssyncadd.s32 $0xFFFFE800  }
0x70: {  	[spmem:s2] =	stream.indirect.scatter.add.f32 [tilespmem:s18], [sflag:$0x2], $0x30, s22, s17, $0xb8;
	[tilespmem:$0x15800] =	vst v63  }
0x71: {  	_ =	swait.ge [sflag:s26], $0x1800  }
0x72: {  	[sflag:s26] =	ssyncset.done $0x0  }
0x73: {  	s22 =	sadd.s32 $0x2880, s20;
	[sflag:s26] =	ssyncadd.s32 $0xFFFFE800  }
0x74: {  	[spmem:s2] =	stream.indirect.scatter.add.f32 [tilespmem:s19], [sflag:$0x2], $0x30, s22, s17, $0xb8;
	[tilespmem:$0x15800] =	vst v63  }
0x75: {  	_ =	swait.ge [sflag:s26], $0x1800  }
0x76: {  	[sflag:s26] =	ssyncset.done $0x0  }
0x77: {  	s22 =	sadd.s32 $0x2900, s20;
	[sflag:s26] =	ssyncadd.s32 $0xFFFFE800  }
0x78: {  	[spmem:s2] =	stream.indirect.scatter.add.f32 [tilespmem:s21], [sflag:$0x2], $0x30, s22, s17, $0xb8;
	[tilespmem:$0x15800] =	vst v63  }
0x79: {  	_ =	swait.ge [sflag:s26], $0x1800  }
0x7a: {  	[sflag:s26] =	ssyncset.done $0x0  }
0x7b: {  	s22 =	sadd.s32 $0x2980, s20;
	[sflag:s26] =	ssyncadd.s32 $0xFFFFE800  }
0x7c: {  	[spmem:s2] =	stream.indirect.scatter.add.f32 [tilespmem:s23], [sflag:$0x2], $0x30, s22, s17, $0xb8;
	[tilespmem:$0x15800] =	vst v63  }
0x7d: {  	_ =	swait.ge [sflag:s26], $0x1800  }
0x7e: {  	[sflag:s26] =	ssyncset.done $0x0  }
0x7f: {  	s22 =	sadd.s32 $0x2A00, s20;
	[sflag:s26] =	ssyncadd.s32 $0xFFFFE800  }
0x80: {  	[spmem:s2] =	stream.indirect.scatter.add.f32 [tilespmem:s25], [sflag:$0x2], $0x30, s22, s17, $0xb8;
	[tilespmem:$0x15800] =	vst v63  }
0x81: {  	_ =	swait.ge [sflag:s28], $0x1800  }
0x82: {  	[sflag:s28] =	ssyncset.done $0x0  }
0x83: {  	[sflag:s28] =	ssyncadd.s32 $0xFFFFE800  }
0x84: {  	_ =	swait.ge [sflag:s28], $0x1800  }
0x85: {  	[sflag:s28] =	ssyncset.done $0x0  }
0x86: {  	[sflag:s28] =	ssyncadd.s32 $0xFFFFE800  }
0x87: {  	_ =	swait.ge [sflag:s28], $0x1800  }
0x88: {  	[sflag:s28] =	ssyncset.done $0x0  }
0x89: {  	[sflag:s28] =	ssyncadd.s32 $0xFFFFE800  }
0x8a: {  	_ =	swait.ge [sflag:s28], $0x1800  }
0x8b: {  	[sflag:s28] =	ssyncset.done $0x0  }
0x8c: {  	[sflag:s28] =	ssyncadd.s32 $0xFFFFE800  }
0x8d: {  	_ =	swait.ge [sflag:s28], $0x1800  }
0x8e: {  	[sflag:s28] =	ssyncset.done $0x0  }
0x8f: {  	s22 =	sadd.s32 $0x280, s20;
	[sflag:s28] =	ssyncadd.s32 $0xFFFFE800  }
0x90: {  	[tilespmem:s18], [sflag:$0x1] =	stream.indirect.gather [hbm4b:s4+s17], $0x30, s22, s17, $0xb8;
	[tilespmem:$0x15800] =	vst v63  }
0x91: {  	s22 =	sadd.s32 $0x300, s20  }
0x92: {  	[tilespmem:s19], [sflag:$0x1] =	stream.indirect.gather [hbm4b:s4+s17], $0x30, s22, s17, $0xb8;
	[tilespmem:$0x15800] =	vst v63  }
.Ltmp1:
0x93: {  	s22 =	sadd.s32 $0x380, s20;
	(pc) =	sbr.rel @p0 .LBB2_4-.Ltmp1, $4  }
0x94: {  	[tilespmem:s21], [sflag:$0x1] =	stream.indirect.gather [hbm4b:s4+s17], $0x30, s22, s17, $0xb8;
	[tilespmem:$0x15800] =	vst v63  }
0x95: {  	s22 =	sadd.s32 $0x400, s20  }
0x96: {  	[tilespmem:s23], [sflag:$0x1] =	stream.indirect.gather [hbm4b:s4+s17], $0x30, s22, s17, $0xb8;
	[tilespmem:$0x15800] =	vst v63  }
0x97: {  	s20 =	sadd.s32 $0x480, s20  }
0x98: {  	[tilespmem:s25], [sflag:$0x1] =	stream.indirect.gather [hbm4b:s4+s17], $0x30, s20, s17, $0xb8;
	[tilespmem:$0x15800] =	vst v63  }
0x99: {  	_ =	swait.ge [sflag:s26], $0x1800  }
0x9a: {  	[sflag:s26] =	ssyncset.done $0x0  }
0x9b: {  	[sflag:s26] =	ssyncadd.s32 $0xFFFFE800  }
0x9c: {  	[spmem:s2] =	stream.indirect.scatter.add.f32 [tilespmem:s18], [sflag:$0x2], $0x30, s29, s17, $0xb8;
	[tilespmem:$0x15800] =	vst v63  }
0x9d: {  	_ =	swait.ge [sflag:s26], $0x1800  }
0x9e: {  	[sflag:s26] =	ssyncset.done $0x0  }
0x9f: {  	[sflag:s26] =	ssyncadd.s32 $0xFFFFE800  }
0xa0: {  	[spmem:s2] =	stream.indirect.scatter.add.f32 [tilespmem:s19], [sflag:$0x2], $0x30, s30, s17, $0xb8;
	[tilespmem:$0x15800] =	vst v63  }
0xa1: {  	_ =	swait.ge [sflag:s26], $0x1800  }
0xa2: {  	[sflag:s26] =	ssyncset.done $0x0  }
0xa3: {  	[sflag:s26] =	ssyncadd.s32 $0xFFFFE800  }
0xa4: {  	[spmem:s2] =	stream.indirect.scatter.add.f32 [tilespmem:s21], [sflag:$0x2], $0x30, s31, s17, $0xb8;
	[tilespmem:$0x15800] =	vst v63  }
0xa5: {  	_ =	swait.ge [sflag:s26], $0x1800  }
0xa6: {  	[sflag:s26] =	ssyncset.done $0x0  }
0xa7: {  	[sflag:s26] =	ssyncadd.s32 $0xFFFFE800  }
0xa8: {  	[spmem:s2] =	stream.indirect.scatter.add.f32 [tilespmem:s23], [sflag:$0x2], $0x30, s0, s17, $0xb8;
	[tilespmem:$0x15800] =	vst v63  }
0xa9: {  	_ =	swait.ge [sflag:s26], $0x1800  }
0xaa: {  	[sflag:s26] =	ssyncset.done $0x0  }
0xab: {  	[sflag:s26] =	ssyncadd.s32 $0xFFFFE800  }
0xac: {  	[spmem:s2] =	stream.indirect.scatter.add.f32 [tilespmem:s25], [sflag:$0x2], $0x30, s16, s17, $0xb8;
	[tilespmem:$0x15800] =	vst v63  }
0xad: {  	_ =	swait.ge [sflag:s28], $0x1800  }
0xae: {  	[sflag:s28] =	ssyncset.done $0x0  }
0xaf: {  	[sflag:s28] =	ssyncadd.s32 $0xFFFFE800  }
0xb0: {  	_ =	swait.ge [sflag:s28], $0x1800  }
0xb1: {  	[sflag:s28] =	ssyncset.done $0x0  }
0xb2: {  	[sflag:s28] =	ssyncadd.s32 $0xFFFFE800  }
0xb3: {  	_ =	swait.ge [sflag:s28], $0x1800  }
0xb4: {  	[sflag:s28] =	ssyncset.done $0x0  }
0xb5: {  	[sflag:s28] =	ssyncadd.s32 $0xFFFFE800  }
0xb6: {  	_ =	swait.ge [sflag:s28], $0x1800  }
0xb7: {  	[sflag:s28] =	ssyncset.done $0x0  }
0xb8: {  	[sflag:s28] =	ssyncadd.s32 $0xFFFFE800  }
0xb9: {  	s1 =	stileid.u32;
	_ =	swait.ge [sflag:s28], $0x1800  }
0xba: {  	s22 =	sshrl.u32 s5, $0x3;
	s3 =	sadd.s32 $0x1, s3;
	[sflag:s28] =	ssyncset.done $0x0  }
0xbb: {  	s1 =	sshll.u32 s1, $0x6;
	p0 =	sne.s32 s3, s13;
	[sflag:s28] =	ssyncadd.s32 $0xFFFFE800  }
.Ltmp2:
0xbc: {  	s1 =	sor.u32 $0x1C03, s1;
	[bflag:$0x0] =	sbarrier.arrive $0xFFFF;
	(pc) =	sbr.rel @p0 .LBB2_1-.Ltmp2, $4  }
0xbd: {  	[hbm:s12], [sflag:s1] =	dma.local [spmem:s22], $0xF00  }
0xbe: {  	_ =	swait.ge [sflag:s15], $0xF00  }
0xbf: {  	[sflag:s15] =	ssyncset.done $0x0  }
0xc0: {  	[sflag:s15] =	ssyncadd.s32 $0xFFFFF100  }
0xc1: {  	_ =	sfence.sel $0x180000  }
0xc2: {  	[bflag:$0x0] =	sbarrier.arrive $0xFFFF  }
0xc3: {  	_ =	strace $0x90000053  }
0xc4: {  	s0 =	stileid.u32;
	[bflag:$0x2] =	sbarrier.arrive $0xFFFF  }
0xc5: {  	p0 =	sne.s32 s0, $0x0;
	s0 =	rddreg [dreg:$0x3]  }
0xc6: {  	s0 =	sadd.s32 @!p0 $0x100000, s0  }
0xc7: {  	[sflag:s0] =	ssyncadd.tile.s32 @!p0 $0x1;
	_ =	shalt  }
.Lfunc_end2:
_tile_overlayer_lowered:
.L_overlay_start_2:
0xc8: {  	(tag) =	ssettag $0x2  }
0xc9: {  	s0 =	rddreg [dreg:$0x0];
	s2 =	stileid.u32  }
0xca: {  	s1 =	rddreg [dreg:$0x1];
	p0 =	sne.s32 s2, $0x0  }
0xcb: {  	s3 =	rddreg [dreg:$0x2];
	[bflag:$0x3] =	sbarrier.arrive $0xFFFF;
	s2 =	simm.s32 @!p0 $0x1C03  }
0xcc: {  	[timem:s3], [sflag:s2] =	dma.local @!p0 [hbm:s0], s1  }
0xcd: {  	s0 =	simm.s32 @!p0 $0x3  }
0xce: {  	_ =	swait.ge @!p0 [sflag:s0], s1  }
0xcf: {  	s1 =	ssub.s32 @!p0 $0x0, s1;
	[sflag:s0] =	ssyncset.done @!p0 $0x0  }
0xd0: {  	[sflag:s0] =	ssyncadd.s32 @!p0 s1  }
0xd1: {  	[bflag:$0x3] =	sbarrier.arrive $0xFFFF  }
0xd2: {  	_ =	shalt  }

</sc_bundles>
